<compile_context>
chip_gen: v7x
topology: tpu7x:2x2x1
jax: 0.10.2.dev20260603
libtpu: 0.0.44.dev20260713+nightly
codegen_flags: <defaults>
</compile_context>

<pallas_src>
import functools

import jax
import jax.numpy as jnp
from jax import lax
from jax.experimental import pallas as pl
from jax.experimental.pallas import tpu as pltpu
from jax.experimental.pallas import tpu_sc as plsc

N = 10000
E = 160000
D_IN = 128
D_H = 128
D_OUT = 64

NC = 2
NS = 16
NW = NC * NS

N_PAD = 10240
E_PAD = 163840
CHUNK = 128
CHUNKG = 64
CHUNKS = E_PAD // CHUNKG
CPT = CHUNKS // NW
ROWS_PT = N_PAD // NS
NBUF = 3

BM = 512


def _sc_mesh():
    return plsc.VectorSubcoreMesh(core_axis_name="c", subcore_axis_name="s")



def _make_agg():
    D = D_H

    @functools.partial(
        pl.kernel,
        out_type=jax.ShapeDtypeStruct((NC * N_PAD, D), jnp.float32),
        mesh=_sc_mesh(),
        scratch_types=(
            [pltpu.VMEM((CPT, CHUNKG), jnp.int32)] * 2
            + [pltpu.VMEM((CHUNKG, D), jnp.float32)] * NBUF
            + [pltpu.VMEM_SHARED((N_PAD, D), jnp.float32)]
            + [pltpu.SemaphoreType.DMA] * (2 * NBUF)
        ),
    )
    def agg_kernel(src2d, dst2d, y, zeros, out, idx_s, idx_d, *rest):
        rows = rest[:NBUF]
        acc = rest[NBUF]
        sem_g = rest[NBUF + 1:2 * NBUF + 1]
        sem_s = rest[2 * NBUF + 1:]
        c = lax.axis_index("c")
        s = lax.axis_index("s")
        wid = s * NC + c
        base = s * ROWS_PT
        pltpu.sync_copy(src2d.at[pl.ds(wid * CPT, CPT)], idx_s)
        pltpu.sync_copy(dst2d.at[pl.ds(wid * CPT, CPT)], idx_d)
        pltpu.sync_copy(zeros, rows[0])
        for k in range(ROWS_PT // CHUNKG):
            pltpu.sync_copy(rows[0], acc.at[pl.ds(base + k * CHUNKG, CHUNKG)])
        plsc.subcore_barrier()

        for b in range(2):
            pltpu.async_copy(y.at[idx_s.at[b]], rows[b], sem_g[b])

        def body(i, _):
            for b in range(NBUF):
                g = NBUF * i + b
                pltpu.make_async_copy(y.at[idx_s.at[0]], rows[b],
                                      sem_g[b]).wait()
                pltpu.async_copy(rows[b], acc.at[idx_d.at[g]], sem_s[b],
                                 add=True)
                nb = (b + 2) % NBUF

                @pl.when(g >= 1)
                def _drain():
                    pltpu.make_async_copy(
                        rows[nb], acc.at[idx_d.at[0]], sem_s[nb]).wait()

                pltpu.async_copy(y.at[idx_s.at[g + 2]], rows[nb], sem_g[nb])
            return 0

        lax.fori_loop(0, (CPT - 2) // NBUF, body, 0)
        for g, b in ((CPT - 2, 0), (CPT - 1, 1)):
            pltpu.make_async_copy(y.at[idx_s.at[0]], rows[b], sem_g[b]).wait()
            pltpu.async_copy(rows[b], acc.at[idx_d.at[g]], sem_s[b], add=True)
        for b in range(NBUF):
            pltpu.make_async_copy(rows[b], acc.at[idx_d.at[0]],
                                  sem_s[b]).wait()
        plsc.subcore_barrier()
        buf = rows[0]
        for k in range(ROWS_PT // CHUNKG):
            pltpu.sync_copy(acc.at[pl.ds(base + k * CHUNKG, CHUNKG)], buf)
            pltpu.sync_copy(
                buf, out.at[pl.ds(c * N_PAD + base + k * CHUNKG, CHUNKG)])

    return agg_kernel


_agg128 = _make_agg()



def _scale_of(degp_ref):
    d = degp_ref[0, :, 0:1] + degp_ref[1, :, 0:1] + 1.0
    return lax.rsqrt(d)


def _y1_body(x_ref, w_ref, degp_ref, o_ref):
    sc = _scale_of(degp_ref)
    o_ref[...] = sc * jnp.dot(x_ref[...], w_ref[...],
                              preferred_element_type=jnp.float32)


def _y2_body(p_ref, y1_ref, degp_ref, w_ref, b_ref, o_ref):
    sc = _scale_of(degp_ref)
    t = sc * (p_ref[0] + p_ref[1] + y1_ref[...]) + b_ref[...]
    h = jnp.maximum(t, 0.0)
    o_ref[...] = sc * jnp.dot(h, w_ref[...],
                              preferred_element_type=jnp.float32)


def _z_body(p_ref, y2_ref, degp_ref, b_ref, o_ref):
    sc = _scale_of(degp_ref)
    o_ref[...] = sc * (p_ref[0] + p_ref[1] + y2_ref[...]) + b_ref[...]


def _zzt_body(a_ref, b_ref, o_ref):
    o_ref[...] = lax.dot_general(
        a_ref[...], b_ref[...], (((1,), (1,)), ((), ())),
        preferred_element_type=jnp.float32)


_G = N_PAD // BM


def _row_spec(d):
    return pl.BlockSpec((BM, d), lambda i: (i, 0))


def _pair_spec(d):
    return pl.BlockSpec((2, BM, d), lambda i: (0, i, 0))


def _full_spec(shape):
    nd = len(shape)
    return pl.BlockSpec(shape, lambda i: (0,) * nd)


def _compute_y1(x_pad, W1, degp):
    return pl.pallas_call(
        _y1_body,
        grid=(_G,),
        in_specs=[_row_spec(D_IN), _full_spec((D_IN, D_H)), _pair_spec(16)],
        out_specs=_row_spec(D_H),
        out_shape=jax.ShapeDtypeStruct((N_PAD, D_H), jnp.float32),
    )(x_pad, W1, degp)


def _compute_y2(p1, y1, degp, W2p, b1):
    return pl.pallas_call(
        _y2_body,
        grid=(_G,),
        in_specs=[_pair_spec(D_H), _row_spec(D_H), _pair_spec(16),
                  _full_spec((D_H, D_H)), _full_spec((1, D_H))],
        out_specs=_row_spec(D_H),
        out_shape=jax.ShapeDtypeStruct((N_PAD, D_H), jnp.float32),
    )(p1, y1, degp, W2p, b1)


def _compute_z(p2, y2, degp, b2p):
    return pl.pallas_call(
        _z_body,
        grid=(_G,),
        in_specs=[_pair_spec(D_H), _row_spec(D_H), _pair_spec(16),
                  _full_spec((1, D_H))],
        out_specs=_row_spec(D_H),
        out_shape=jax.ShapeDtypeStruct((N_PAD, D_H), jnp.float32),
    )(p2, y2, degp, b2p)


def _zzt(z_pad):
    g_out = pl.cdiv(N, BM)
    return pl.pallas_call(
        _zzt_body,
        grid=(g_out, g_out),
        in_specs=[
            pl.BlockSpec((BM, D_H), lambda i, j: (i, 0)),
            pl.BlockSpec((BM, D_H), lambda i, j: (j, 0)),
        ],
        out_specs=pl.BlockSpec((BM, BM), lambda i, j: (i, j)),
        out_shape=jax.ShapeDtypeStruct((N, N), jnp.float32),
    )(z_pad, z_pad)



def kernel(x, edge_index, W1, b1, W2, b2):
    pad = jnp.full((E_PAD - E,), N, jnp.int32)
    src2d = jnp.concatenate([edge_index[0], pad]).reshape(CHUNKS, CHUNKG)
    dst2d = jnp.concatenate([edge_index[1], pad]).reshape(CHUNKS, CHUNKG)
    x_pad = jnp.pad(x, ((0, N_PAD - N), (0, 0)))

    zeros128 = jnp.zeros((CHUNKG, D_H), jnp.float32)
    ones_mat = jnp.ones((N_PAD, D_H), jnp.float32)
    W2p = jnp.pad(W2, ((0, 0), (0, D_H - D_OUT)))
    b2p = jnp.pad(b2, ((0, D_H - D_OUT),)).reshape(1, D_H)

    degp = (_agg128(src2d, dst2d, ones_mat, zeros128)
            .reshape(NC, N_PAD, D_H)[:, :, :16])
    y1 = _compute_y1(x_pad, W1, degp)
    p1 = _agg128(src2d, dst2d, y1, zeros128).reshape(NC, N_PAD, D_H)
    y2 = _compute_y2(p1, y1, degp, W2p, b1.reshape(1, D_H))
    p2 = _agg128(src2d, dst2d, y2, zeros128).reshape(NC, N_PAD, D_H)
    z_pad = _compute_z(p2, y2, degp, b2p)
    return _zzt(z_pad)

# --- scband reference (transcript-rebuilt; emitter-appended) ---
"""Pipeline reference for scband-graph-to-graph-1236950581835 (READ-ONLY COPY).

The authoritative reference and input builder live on the scoring server;
editing this copy changes nothing except your own understanding.
"""

import jax, jax.numpy as jnp
import numpy as np

N = 10000
E = 160000
D_IN = 128
D_H = 128
D_OUT = 64


def glorot(key, shape):
    fan_in, fan_out = shape[0], shape[1]
    limit = np.sqrt(6.0 / (fan_in + fan_out))
    return jax.random.uniform(key, shape, dtype=jnp.float32, minval=-limit, maxval=limit)


def setup_inputs(seed: int = 0) -> dict:
    key = jax.random.key(seed)
    k0, k1, k2, k3 = jax.random.split(key, 4)
    x = jax.random.normal(k0, (N, D_IN), dtype=jnp.float32)
    edge_index = jax.random.randint(k1, (2, E), 0, N, dtype=jnp.int32)
    W1 = glorot(k2, (D_IN, D_H))
    b1 = jnp.zeros((D_H,), dtype=jnp.float32)
    W2 = glorot(k3, (D_H, D_OUT))
    b2 = jnp.zeros((D_OUT,), dtype=jnp.float32)
    return {"x": x, "edge_index": edge_index, "W1": W1, "b1": b1, "W2": W2, "b2": b2}


def gcn_conv(x, edge_index, W, b, num_nodes):
    # PyG GCNConv: add self-loops, symmetric normalization D^-1/2 A D^-1/2, then aggregate
    src = edge_index[0]
    dst = edge_index[1]
    loop = jnp.arange(num_nodes, dtype=src.dtype)
    src = jnp.concatenate([src, loop])
    dst = jnp.concatenate([dst, loop])
    deg = jnp.zeros((num_nodes,), dtype=jnp.float32).at[dst].add(1.0)
    deg_inv_sqrt = jnp.where(deg > 0, 1.0 / jnp.sqrt(deg), 0.0)
    norm = deg_inv_sqrt[src] * deg_inv_sqrt[dst]
    xw = x @ W
    msg = xw[src] * norm[:, None]
    out = jax.ops.segment_sum(msg, dst, num_segments=num_nodes)
    return out + b


def reference(x, edge_index, W1, b1, W2, b2):
    h = jax.nn.relu(gcn_conv(x, edge_index, W1, b1, N))
    z = gcn_conv(h, edge_index, W2, b2, N)
    # GraphDecoder: inner-product decoder z @ z.T -> [N, N]
    return z @ z.T

if __name__ == "__main__":
    import jax
    _d = setup_inputs()
    print(jax.jit(kernel)(*tuple(_d.values())))

</pallas_src>

<mosaic_0001>
#map = affine_map<(d0, d1) -> (0, 0)>
module attributes {stable_mosaic.version = 14 : i64} {
  func.func @agg_kernel(%arg0: i32, %arg1: i32, %arg2: memref<2560x64xi32, #tpu.memory_space<hbm>>, %arg3: memref<2560x64xi32, #tpu.memory_space<hbm>>, %arg4: memref<10240x128xf32, #tpu.memory_space<hbm>>, %arg5: memref<64x128xf32, #tpu.memory_space<hbm>>, %arg6: memref<20480x128xf32, #tpu.memory_space<hbm>>, %arg7: memref<80x64xi32, #tpu.memory_space<vmem>>, %arg8: memref<80x64xi32, #tpu.memory_space<vmem>>, %arg9: memref<64x128xf32, #tpu.memory_space<vmem>>, %arg10: memref<64x128xf32, #tpu.memory_space<vmem>>, %arg11: memref<64x128xf32, #tpu.memory_space<vmem>>, %arg12: memref<10240x128xf32, #tpu.memory_space<vmem_shared>>, %arg13: memref<!tpu.dma_semaphore, #tpu.memory_space<semaphore_mem>>, %arg14: memref<!tpu.dma_semaphore, #tpu.memory_space<semaphore_mem>>, %arg15: memref<!tpu.dma_semaphore, #tpu.memory_space<semaphore_mem>>, %arg16: memref<!tpu.dma_semaphore, #tpu.memory_space<semaphore_mem>>, %arg17: memref<!tpu.dma_semaphore, #tpu.memory_space<semaphore_mem>>, %arg18: memref<!tpu.dma_semaphore, #tpu.memory_space<semaphore_mem>>) attributes {dimension_semantics = [#tpu.dimension_semantics<core_parallel>, #tpu.dimension_semantics<subcore_parallel>], iteration_bounds = array<i64: 2, 16>, scalar_prefetch = 0 : i64, scratch_operands = 12 : i64, tpu.core_type = #tpu.core_type<sc_vector_subcore>, window_params = [{transform_indices = #map}, {transform_indices = #map}, {transform_indices = #map}, {transform_indices = #map}, {transform_indices = #map}]} {
    %mul3A = arith.constant 2 : i32
    %mul3A_0 = arith.muli %arg1, %mul3A : i32
    %add3A = arith.addi %mul3A_0, %arg0 : i32
    %mul3A_1 = arith.constant 640 : i32
    %mul3A_2 = arith.muli %arg1, %mul3A_1 : i32
    %mul3A_3 = arith.constant 80 : i32
    %mul3A_4 = arith.muli %add3A, %mul3A_3 : i32
    "tpu.region"() ({
      %run_scoped3A = tpu.sem_alloc : memref<!tpu.dma_semaphore, #tpu.memory_space<semaphore_mem>>
      %dma_start3A_165 = arith.constant 0 : i32
      %dma_start3A_166 = tpu.memref_slice %arg2[%mul3A_4, %dma_start3A_165] : memref<2560x64xi32, #tpu.memory_space<hbm>> -> memref<80x64xi32, #tpu.memory_space<hbm>>
      %dma_start3A_167 = arith.constant 0 : i32
      %dma_start3A_168 = tpu.memref_slice %arg2[%mul3A_4, %dma_start3A_167] : memref<2560x64xi32, #tpu.memory_space<hbm>> -> memref<80x64xi32, #tpu.memory_space<hbm>>
      tpu.enqueue_dma source(%dma_start3A_168 : memref<80x64xi32, #tpu.memory_space<hbm>>) target(%arg7 : memref<80x64xi32, #tpu.memory_space<vmem>>) target_semaphore(%run_scoped3A : memref<!tpu.dma_semaphore, #tpu.memory_space<semaphore_mem>>)
      %dma_wait3A_169 = arith.constant 0 : i32
      %dma_wait3A_170 = tpu.memref_slice %arg2[%mul3A_4, %dma_wait3A_169] : memref<2560x64xi32, #tpu.memory_space<hbm>> -> memref<80x64xi32, #tpu.memory_space<hbm>>
      %dma_wait3A_171 = arith.constant 0 : i32
      %dma_wait3A_172 = tpu.memref_slice %arg2[%mul3A_4, %dma_wait3A_171] : memref<2560x64xi32, #tpu.memory_space<hbm>> -> memref<80x64xi32, #tpu.memory_space<hbm>>
      tpu.wait_dma2 semaphore(%run_scoped3A : memref<!tpu.dma_semaphore, #tpu.memory_space<semaphore_mem>>) src(%dma_wait3A_172 : memref<80x64xi32, #tpu.memory_space<hbm>>) dst(%arg7 : memref<80x64xi32, #tpu.memory_space<vmem>>)
      tpu.yield
    }) : () -> ()
    %mul3A_5 = arith.constant 80 : i32
    %mul3A_6 = arith.muli %add3A, %mul3A_5 : i32
    "tpu.region"() ({
      %run_scoped3A = tpu.sem_alloc : memref<!tpu.dma_semaphore, #tpu.memory_space<semaphore_mem>>
      %dma_start3A_165 = arith.constant 0 : i32
      %dma_start3A_166 = tpu.memref_slice %arg3[%mul3A_6, %dma_start3A_165] : memref<2560x64xi32, #tpu.memory_space<hbm>> -> memref<80x64xi32, #tpu.memory_space<hbm>>
      %dma_start3A_167 = arith.constant 0 : i32
      %dma_start3A_168 = tpu.memref_slice %arg3[%mul3A_6, %dma_start3A_167] : memref<2560x64xi32, #tpu.memory_space<hbm>> -> memref<80x64xi32, #tpu.memory_space<hbm>>
      tpu.enqueue_dma source(%dma_start3A_168 : memref<80x64xi32, #tpu.memory_space<hbm>>) target(%arg8 : memref<80x64xi32, #tpu.memory_space<vmem>>) target_semaphore(%run_scoped3A : memref<!tpu.dma_semaphore, #tpu.memory_space<semaphore_mem>>)
      %dma_wait3A_169 = arith.constant 0 : i32
      %dma_wait3A_170 = tpu.memref_slice %arg3[%mul3A_6, %dma_wait3A_169] : memref<2560x64xi32, #tpu.memory_space<hbm>> -> memref<80x64xi32, #tpu.memory_space<hbm>>
      %dma_wait3A_171 = arith.constant 0 : i32
      %dma_wait3A_172 = tpu.memref_slice %arg3[%mul3A_6, %dma_wait3A_171] : memref<2560x64xi32, #tpu.memory_space<hbm>> -> memref<80x64xi32, #tpu.memory_space<hbm>>
      tpu.wait_dma2 semaphore(%run_scoped3A : memref<!tpu.dma_semaphore, #tpu.memory_space<semaphore_mem>>) src(%dma_wait3A_172 : memref<80x64xi32, #tpu.memory_space<hbm>>) dst(%arg8 : memref<80x64xi32, #tpu.memory_space<vmem>>)
      tpu.yield
    }) : () -> ()
    "tpu.region"() ({
      %run_scoped3A = tpu.sem_alloc : memref<!tpu.dma_semaphore, #tpu.memory_space<semaphore_mem>>
      tpu.enqueue_dma source(%arg5 : memref<64x128xf32, #tpu.memory_space<hbm>>) target(%arg9 : memref<64x128xf32, #tpu.memory_space<vmem>>) target_semaphore(%run_scoped3A : memref<!tpu.dma_semaphore, #tpu.memory_space<semaphore_mem>>)
      tpu.wait_dma2 semaphore(%run_scoped3A : memref<!tpu.dma_semaphore, #tpu.memory_space<semaphore_mem>>) src(%arg5 : memref<64x128xf32, #tpu.memory_space<hbm>>) dst(%arg9 : memref<64x128xf32, #tpu.memory_space<vmem>>)
      tpu.yield
    }) : () -> ()
    %add3A_7 = arith.constant 0 : i32
    %add3A_8 = arith.addi %mul3A_2, %add3A_7 : i32
    "tpu.region"() ({
      %run_scoped3A = tpu.sem_alloc : memref<!tpu.dma_semaphore, #tpu.memory_space<semaphore_mem>>
      %dma_start3A_165 = arith.constant 0 : i32
      %dma_start3A_166 = tpu.memref_slice %arg12[%add3A_8, %dma_start3A_165] : memref<10240x128xf32, #tpu.memory_space<vmem_shared>> -> memref<64x128xf32, #tpu.memory_space<vmem_shared>>
      %dma_start3A_167 = arith.constant 0 : i32
      %dma_start3A_168 = tpu.memref_slice %arg12[%add3A_8, %dma_start3A_167] : memref<10240x128xf32, #tpu.memory_space<vmem_shared>> -> memref<64x128xf32, #tpu.memory_space<vmem_shared>>
      tpu.enqueue_dma source(%arg9 : memref<64x128xf32, #tpu.memory_space<vmem>>) target(%dma_start3A_168 : memref<64x128xf32, #tpu.memory_space<vmem_shared>>) target_semaphore(%run_scoped3A : memref<!tpu.dma_semaphore, #tpu.memory_space<semaphore_mem>>)
      %dma_wait3A_169 = arith.constant 0 : i32
      %dma_wait3A_170 = tpu.memref_slice %arg12[%add3A_8, %dma_wait3A_169] : memref<10240x128xf32, #tpu.memory_space<vmem_shared>> -> memref<64x128xf32, #tpu.memory_space<vmem_shared>>
      %dma_wait3A_171 = arith.constant 0 : i32
      %dma_wait3A_172 = tpu.memref_slice %arg12[%add3A_8, %dma_wait3A_171] : memref<10240x128xf32, #tpu.memory_space<vmem_shared>> -> memref<64x128xf32, #tpu.memory_space<vmem_shared>>
      tpu.wait_dma2 semaphore(%run_scoped3A : memref<!tpu.dma_semaphore, #tpu.memory_space<semaphore_mem>>) src(%arg9 : memref<64x128xf32, #tpu.memory_space<vmem>>) dst(%dma_wait3A_172 : memref<64x128xf32, #tpu.memory_space<vmem_shared>>)
      tpu.yield
    }) : () -> ()
    %add3A_9 = arith.constant 64 : i32
    %add3A_10 = arith.addi %mul3A_2, %add3A_9 : i32
    "tpu.region"() ({
      %run_scoped3A = tpu.sem_alloc : memref<!tpu.dma_semaphore, #tpu.memory_space<semaphore_mem>>
      %dma_start3A_165 = arith.constant 0 : i32
      %dma_start3A_166 = tpu.memref_slice %arg12[%add3A_10, %dma_start3A_165] : memref<10240x128xf32, #tpu.memory_space<vmem_shared>> -> memref<64x128xf32, #tpu.memory_space<vmem_shared>>
      %dma_start3A_167 = arith.constant 0 : i32
      %dma_start3A_168 = tpu.memref_slice %arg12[%add3A_10, %dma_start3A_167] : memref<10240x128xf32, #tpu.memory_space<vmem_shared>> -> memref<64x128xf32, #tpu.memory_space<vmem_shared>>
      tpu.enqueue_dma source(%arg9 : memref<64x128xf32, #tpu.memory_space<vmem>>) target(%dma_start3A_168 : memref<64x128xf32, #tpu.memory_space<vmem_shared>>) target_semaphore(%run_scoped3A : memref<!tpu.dma_semaphore, #tpu.memory_space<semaphore_mem>>)
      %dma_wait3A_169 = arith.constant 0 : i32
      %dma_wait3A_170 = tpu.memref_slice %arg12[%add3A_10, %dma_wait3A_169] : memref<10240x128xf32, #tpu.memory_space<vmem_shared>> -> memref<64x128xf32, #tpu.memory_space<vmem_shared>>
      %dma_wait3A_171 = arith.constant 0 : i32
      %dma_wait3A_172 = tpu.memref_slice %arg12[%add3A_10, %dma_wait3A_171] : memref<10240x128xf32, #tpu.memory_space<vmem_shared>> -> memref<64x128xf32, #tpu.memory_space<vmem_shared>>
      tpu.wait_dma2 semaphore(%run_scoped3A : memref<!tpu.dma_semaphore, #tpu.memory_space<semaphore_mem>>) src(%arg9 : memref<64x128xf32, #tpu.memory_space<vmem>>) dst(%dma_wait3A_172 : memref<64x128xf32, #tpu.memory_space<vmem_shared>>)
      tpu.yield
    }) : () -> ()
    %add3A_11 = arith.constant 128 : i32
    %add3A_12 = arith.addi %mul3A_2, %add3A_11 : i32
    "tpu.region"() ({
      %run_scoped3A = tpu.sem_alloc : memref<!tpu.dma_semaphore, #tpu.memory_space<semaphore_mem>>
      %dma_start3A_165 = arith.constant 0 : i32
      %dma_start3A_166 = tpu.memref_slice %arg12[%add3A_12, %dma_start3A_165] : memref<10240x128xf32, #tpu.memory_space<vmem_shared>> -> memref<64x128xf32, #tpu.memory_space<vmem_shared>>
      %dma_start3A_167 = arith.constant 0 : i32
      %dma_start3A_168 = tpu.memref_slice %arg12[%add3A_12, %dma_start3A_167] : memref<10240x128xf32, #tpu.memory_space<vmem_shared>> -> memref<64x128xf32, #tpu.memory_space<vmem_shared>>
      tpu.enqueue_dma source(%arg9 : memref<64x128xf32, #tpu.memory_space<vmem>>) target(%dma_start3A_168 : memref<64x128xf32, #tpu.memory_space<vmem_shared>>) target_semaphore(%run_scoped3A : memref<!tpu.dma_semaphore, #tpu.memory_space<semaphore_mem>>)
      %dma_wait3A_169 = arith.constant 0 : i32
      %dma_wait3A_170 = tpu.memref_slice %arg12[%add3A_12, %dma_wait3A_169] : memref<10240x128xf32, #tpu.memory_space<vmem_shared>> -> memref<64x128xf32, #tpu.memory_space<vmem_shared>>
      %dma_wait3A_171 = arith.constant 0 : i32
      %dma_wait3A_172 = tpu.memref_slice %arg12[%add3A_12, %dma_wait3A_171] : memref<10240x128xf32, #tpu.memory_space<vmem_shared>> -> memref<64x128xf32, #tpu.memory_space<vmem_shared>>
      tpu.wait_dma2 semaphore(%run_scoped3A : memref<!tpu.dma_semaphore, #tpu.memory_space<semaphore_mem>>) src(%arg9 : memref<64x128xf32, #tpu.memory_space<vmem>>) dst(%dma_wait3A_172 : memref<64x128xf32, #tpu.memory_space<vmem_shared>>)
      tpu.yield
    }) : () -> ()
    %add3A_13 = arith.constant 192 : i32
    %add3A_14 = arith.addi %mul3A_2, %add3A_13 : i32
    "tpu.region"() ({
      %run_scoped3A = tpu.sem_alloc : memref<!tpu.dma_semaphore, #tpu.memory_space<semaphore_mem>>
      %dma_start3A_165 = arith.constant 0 : i32
      %dma_start3A_166 = tpu.memref_slice %arg12[%add3A_14, %dma_start3A_165] : memref<10240x128xf32, #tpu.memory_space<vmem_shared>> -> memref<64x128xf32, #tpu.memory_space<vmem_shared>>
      %dma_start3A_167 = arith.constant 0 : i32
      %dma_start3A_168 = tpu.memref_slice %arg12[%add3A_14, %dma_start3A_167] : memref<10240x128xf32, #tpu.memory_space<vmem_shared>> -> memref<64x128xf32, #tpu.memory_space<vmem_shared>>
      tpu.enqueue_dma source(%arg9 : memref<64x128xf32, #tpu.memory_space<vmem>>) target(%dma_start3A_168 : memref<64x128xf32, #tpu.memory_space<vmem_shared>>) target_semaphore(%run_scoped3A : memref<!tpu.dma_semaphore, #tpu.memory_space<semaphore_mem>>)
      %dma_wait3A_169 = arith.constant 0 : i32
      %dma_wait3A_170 = tpu.memref_slice %arg12[%add3A_14, %dma_wait3A_169] : memref<10240x128xf32, #tpu.memory_space<vmem_shared>> -> memref<64x128xf32, #tpu.memory_space<vmem_shared>>
      %dma_wait3A_171 = arith.constant 0 : i32
      %dma_wait3A_172 = tpu.memref_slice %arg12[%add3A_14, %dma_wait3A_171] : memref<10240x128xf32, #tpu.memory_space<vmem_shared>> -> memref<64x128xf32, #tpu.memory_space<vmem_shared>>
      tpu.wait_dma2 semaphore(%run_scoped3A : memref<!tpu.dma_semaphore, #tpu.memory_space<semaphore_mem>>) src(%arg9 : memref<64x128xf32, #tpu.memory_space<vmem>>) dst(%dma_wait3A_172 : memref<64x128xf32, #tpu.memory_space<vmem_shared>>)
      tpu.yield
    }) : () -> ()
    %add3A_15 = arith.constant 256 : i32
    %add3A_16 = arith.addi %mul3A_2, %add3A_15 : i32
    "tpu.region"() ({
      %run_scoped3A = tpu.sem_alloc : memref<!tpu.dma_semaphore, #tpu.memory_space<semaphore_mem>>
      %dma_start3A_165 = arith.constant 0 : i32
      %dma_start3A_166 = tpu.memref_slice %arg12[%add3A_16, %dma_start3A_165] : memref<10240x128xf32, #tpu.memory_space<vmem_shared>> -> memref<64x128xf32, #tpu.memory_space<vmem_shared>>
      %dma_start3A_167 = arith.constant 0 : i32
      %dma_start3A_168 = tpu.memref_slice %arg12[%add3A_16, %dma_start3A_167] : memref<10240x128xf32, #tpu.memory_space<vmem_shared>> -> memref<64x128xf32, #tpu.memory_space<vmem_shared>>
      tpu.enqueue_dma source(%arg9 : memref<64x128xf32, #tpu.memory_space<vmem>>) target(%dma_start3A_168 : memref<64x128xf32, #tpu.memory_space<vmem_shared>>) target_semaphore(%run_scoped3A : memref<!tpu.dma_semaphore, #tpu.memory_space<semaphore_mem>>)
      %dma_wait3A_169 = arith.constant 0 : i32
      %dma_wait3A_170 = tpu.memref_slice %arg12[%add3A_16, %dma_wait3A_169] : memref<10240x128xf32, #tpu.memory_space<vmem_shared>> -> memref<64x128xf32, #tpu.memory_space<vmem_shared>>
      %dma_wait3A_171 = arith.constant 0 : i32
      %dma_wait3A_172 = tpu.memref_slice %arg12[%add3A_16, %dma_wait3A_171] : memref<10240x128xf32, #tpu.memory_space<vmem_shared>> -> memref<64x128xf32, #tpu.memory_space<vmem_shared>>
      tpu.wait_dma2 semaphore(%run_scoped3A : memref<!tpu.dma_semaphore, #tpu.memory_space<semaphore_mem>>) src(%arg9 : memref<64x128xf32, #tpu.memory_space<vmem>>) dst(%dma_wait3A_172 : memref<64x128xf32, #tpu.memory_space<vmem_shared>>)
      tpu.yield
    }) : () -> ()
    %add3A_17 = arith.constant 320 : i32
    %add3A_18 = arith.addi %mul3A_2, %add3A_17 : i32
    "tpu.region"() ({
      %run_scoped3A = tpu.sem_alloc : memref<!tpu.dma_semaphore, #tpu.memory_space<semaphore_mem>>
      %dma_start3A_165 = arith.constant 0 : i32
      %dma_start3A_166 = tpu.memref_slice %arg12[%add3A_18, %dma_start3A_165] : memref<10240x128xf32, #tpu.memory_space<vmem_shared>> -> memref<64x128xf32, #tpu.memory_space<vmem_shared>>
      %dma_start3A_167 = arith.constant 0 : i32
      %dma_start3A_168 = tpu.memref_slice %arg12[%add3A_18, %dma_start3A_167] : memref<10240x128xf32, #tpu.memory_space<vmem_shared>> -> memref<64x128xf32, #tpu.memory_space<vmem_shared>>
      tpu.enqueue_dma source(%arg9 : memref<64x128xf32, #tpu.memory_space<vmem>>) target(%dma_start3A_168 : memref<64x128xf32, #tpu.memory_space<vmem_shared>>) target_semaphore(%run_scoped3A : memref<!tpu.dma_semaphore, #tpu.memory_space<semaphore_mem>>)
      %dma_wait3A_169 = arith.constant 0 : i32
      %dma_wait3A_170 = tpu.memref_slice %arg12[%add3A_18, %dma_wait3A_169] : memref<10240x128xf32, #tpu.memory_space<vmem_shared>> -> memref<64x128xf32, #tpu.memory_space<vmem_shared>>
      %dma_wait3A_171 = arith.constant 0 : i32
      %dma_wait3A_172 = tpu.memref_slice %arg12[%add3A_18, %dma_wait3A_171] : memref<10240x128xf32, #tpu.memory_space<vmem_shared>> -> memref<64x128xf32, #tpu.memory_space<vmem_shared>>
      tpu.wait_dma2 semaphore(%run_scoped3A : memref<!tpu.dma_semaphore, #tpu.memory_space<semaphore_mem>>) src(%arg9 : memref<64x128xf32, #tpu.memory_space<vmem>>) dst(%dma_wait3A_172 : memref<64x128xf32, #tpu.memory_space<vmem_shared>>)
      tpu.yield
    }) : () -> ()
    %add3A_19 = arith.constant 384 : i32
    %add3A_20 = arith.addi %mul3A_2, %add3A_19 : i32
    "tpu.region"() ({
      %run_scoped3A = tpu.sem_alloc : memref<!tpu.dma_semaphore, #tpu.memory_space<semaphore_mem>>
      %dma_start3A_165 = arith.constant 0 : i32
      %dma_start3A_166 = tpu.memref_slice %arg12[%add3A_20, %dma_start3A_165] : memref<10240x128xf32, #tpu.memory_space<vmem_shared>> -> memref<64x128xf32, #tpu.memory_space<vmem_shared>>
      %dma_start3A_167 = arith.constant 0 : i32
      %dma_start3A_168 = tpu.memref_slice %arg12[%add3A_20, %dma_start3A_167] : memref<10240x128xf32, #tpu.memory_space<vmem_shared>> -> memref<64x128xf32, #tpu.memory_space<vmem_shared>>
      tpu.enqueue_dma source(%arg9 : memref<64x128xf32, #tpu.memory_space<vmem>>) target(%dma_start3A_168 : memref<64x128xf32, #tpu.memory_space<vmem_shared>>) target_semaphore(%run_scoped3A : memref<!tpu.dma_semaphore, #tpu.memory_space<semaphore_mem>>)
      %dma_wait3A_169 = arith.constant 0 : i32
      %dma_wait3A_170 = tpu.memref_slice %arg12[%add3A_20, %dma_wait3A_169] : memref<10240x128xf32, #tpu.memory_space<vmem_shared>> -> memref<64x128xf32, #tpu.memory_space<vmem_shared>>
      %dma_wait3A_171 = arith.constant 0 : i32
      %dma_wait3A_172 = tpu.memref_slice %arg12[%add3A_20, %dma_wait3A_171] : memref<10240x128xf32, #tpu.memory_space<vmem_shared>> -> memref<64x128xf32, #tpu.memory_space<vmem_shared>>
      tpu.wait_dma2 semaphore(%run_scoped3A : memref<!tpu.dma_semaphore, #tpu.memory_space<semaphore_mem>>) src(%arg9 : memref<64x128xf32, #tpu.memory_space<vmem>>) dst(%dma_wait3A_172 : memref<64x128xf32, #tpu.memory_space<vmem_shared>>)
      tpu.yield
    }) : () -> ()
    %add3A_21 = arith.constant 448 : i32
    %add3A_22 = arith.addi %mul3A_2, %add3A_21 : i32
    "tpu.region"() ({
      %run_scoped3A = tpu.sem_alloc : memref<!tpu.dma_semaphore, #tpu.memory_space<semaphore_mem>>
      %dma_start3A_165 = arith.constant 0 : i32
      %dma_start3A_166 = tpu.memref_slice %arg12[%add3A_22, %dma_start3A_165] : memref<10240x128xf32, #tpu.memory_space<vmem_shared>> -> memref<64x128xf32, #tpu.memory_space<vmem_shared>>
      %dma_start3A_167 = arith.constant 0 : i32
      %dma_start3A_168 = tpu.memref_slice %arg12[%add3A_22, %dma_start3A_167] : memref<10240x128xf32, #tpu.memory_space<vmem_shared>> -> memref<64x128xf32, #tpu.memory_space<vmem_shared>>
      tpu.enqueue_dma source(%arg9 : memref<64x128xf32, #tpu.memory_space<vmem>>) target(%dma_start3A_168 : memref<64x128xf32, #tpu.memory_space<vmem_shared>>) target_semaphore(%run_scoped3A : memref<!tpu.dma_semaphore, #tpu.memory_space<semaphore_mem>>)
      %dma_wait3A_169 = arith.constant 0 : i32
      %dma_wait3A_170 = tpu.memref_slice %arg12[%add3A_22, %dma_wait3A_169] : memref<10240x128xf32, #tpu.memory_space<vmem_shared>> -> memref<64x128xf32, #tpu.memory_space<vmem_shared>>
      %dma_wait3A_171 = arith.constant 0 : i32
      %dma_wait3A_172 = tpu.memref_slice %arg12[%add3A_22, %dma_wait3A_171] : memref<10240x128xf32, #tpu.memory_space<vmem_shared>> -> memref<64x128xf32, #tpu.memory_space<vmem_shared>>
      tpu.wait_dma2 semaphore(%run_scoped3A : memref<!tpu.dma_semaphore, #tpu.memory_space<semaphore_mem>>) src(%arg9 : memref<64x128xf32, #tpu.memory_space<vmem>>) dst(%dma_wait3A_172 : memref<64x128xf32, #tpu.memory_space<vmem_shared>>)
      tpu.yield
    }) : () -> ()
    %add3A_23 = arith.constant 512 : i32
    %add3A_24 = arith.addi %mul3A_2, %add3A_23 : i32
    "tpu.region"() ({
      %run_scoped3A = tpu.sem_alloc : memref<!tpu.dma_semaphore, #tpu.memory_space<semaphore_mem>>
      %dma_start3A_165 = arith.constant 0 : i32
      %dma_start3A_166 = tpu.memref_slice %arg12[%add3A_24, %dma_start3A_165] : memref<10240x128xf32, #tpu.memory_space<vmem_shared>> -> memref<64x128xf32, #tpu.memory_space<vmem_shared>>
      %dma_start3A_167 = arith.constant 0 : i32
      %dma_start3A_168 = tpu.memref_slice %arg12[%add3A_24, %dma_start3A_167] : memref<10240x128xf32, #tpu.memory_space<vmem_shared>> -> memref<64x128xf32, #tpu.memory_space<vmem_shared>>
      tpu.enqueue_dma source(%arg9 : memref<64x128xf32, #tpu.memory_space<vmem>>) target(%dma_start3A_168 : memref<64x128xf32, #tpu.memory_space<vmem_shared>>) target_semaphore(%run_scoped3A : memref<!tpu.dma_semaphore, #tpu.memory_space<semaphore_mem>>)
      %dma_wait3A_169 = arith.constant 0 : i32
      %dma_wait3A_170 = tpu.memref_slice %arg12[%add3A_24, %dma_wait3A_169] : memref<10240x128xf32, #tpu.memory_space<vmem_shared>> -> memref<64x128xf32, #tpu.memory_space<vmem_shared>>
      %dma_wait3A_171 = arith.constant 0 : i32
      %dma_wait3A_172 = tpu.memref_slice %arg12[%add3A_24, %dma_wait3A_171] : memref<10240x128xf32, #tpu.memory_space<vmem_shared>> -> memref<64x128xf32, #tpu.memory_space<vmem_shared>>
      tpu.wait_dma2 semaphore(%run_scoped3A : memref<!tpu.dma_semaphore, #tpu.memory_space<semaphore_mem>>) src(%arg9 : memref<64x128xf32, #tpu.memory_space<vmem>>) dst(%dma_wait3A_172 : memref<64x128xf32, #tpu.memory_space<vmem_shared>>)
      tpu.yield
    }) : () -> ()
    %add3A_25 = arith.constant 576 : i32
    %add3A_26 = arith.addi %mul3A_2, %add3A_25 : i32
    "tpu.region"() ({
      %run_scoped3A = tpu.sem_alloc : memref<!tpu.dma_semaphore, #tpu.memory_space<semaphore_mem>>
      %dma_start3A_165 = arith.constant 0 : i32
      %dma_start3A_166 = tpu.memref_slice %arg12[%add3A_26, %dma_start3A_165] : memref<10240x128xf32, #tpu.memory_space<vmem_shared>> -> memref<64x128xf32, #tpu.memory_space<vmem_shared>>
      %dma_start3A_167 = arith.constant 0 : i32
      %dma_start3A_168 = tpu.memref_slice %arg12[%add3A_26, %dma_start3A_167] : memref<10240x128xf32, #tpu.memory_space<vmem_shared>> -> memref<64x128xf32, #tpu.memory_space<vmem_shared>>
      tpu.enqueue_dma source(%arg9 : memref<64x128xf32, #tpu.memory_space<vmem>>) target(%dma_start3A_168 : memref<64x128xf32, #tpu.memory_space<vmem_shared>>) target_semaphore(%run_scoped3A : memref<!tpu.dma_semaphore, #tpu.memory_space<semaphore_mem>>)
      %dma_wait3A_169 = arith.constant 0 : i32
      %dma_wait3A_170 = tpu.memref_slice %arg12[%add3A_26, %dma_wait3A_169] : memref<10240x128xf32, #tpu.memory_space<vmem_shared>> -> memref<64x128xf32, #tpu.memory_space<vmem_shared>>
      %dma_wait3A_171 = arith.constant 0 : i32
      %dma_wait3A_172 = tpu.memref_slice %arg12[%add3A_26, %dma_wait3A_171] : memref<10240x128xf32, #tpu.memory_space<vmem_shared>> -> memref<64x128xf32, #tpu.memory_space<vmem_shared>>
      tpu.wait_dma2 semaphore(%run_scoped3A : memref<!tpu.dma_semaphore, #tpu.memory_space<semaphore_mem>>) src(%arg9 : memref<64x128xf32, #tpu.memory_space<vmem>>) dst(%dma_wait3A_172 : memref<64x128xf32, #tpu.memory_space<vmem_shared>>)
      tpu.yield
    }) : () -> ()
    %barrier3A = arith.constant 0 : index
    tpu.barrier barrier_id(%barrier3A)
    %dma_start3A = arith.constant 0 : i32
    %dma_start3A_27 = arith.constant 0 : i32
    %dma_start3A_28 = tpu.memref_slice %arg7[%dma_start3A, %dma_start3A_27] : memref<80x64xi32, #tpu.memory_space<vmem>> -> memref<1x64xi32, #tpu.memory_space<vmem>>
    %dma_start3A_29 = tpu.memref_squeeze %dma_start3A_28 : memref<1x64xi32, #tpu.memory_space<vmem>> -> memref<64xi32, #tpu.memory_space<vmem>>
    %dma_start3A_30 = arith.constant 0 : i32
    %dma_start3A_31 = arith.constant 0 : i32
    %dma_start3A_32 = tpu.memref_slice %arg4[%dma_start3A_30, %dma_start3A_31] : memref<10240x128xf32, #tpu.memory_space<hbm>> -> memref<10240x128xf32, #tpu.memory_space<hbm>>
    tpu.enqueue_indirect_dma source(%dma_start3A_32 : memref<10240x128xf32, #tpu.memory_space<hbm>>) target(%arg9 : memref<64x128xf32, #tpu.memory_space<vmem>>) offsets(%dma_start3A_29 : memref<64xi32, #tpu.memory_space<vmem>>) semaphore(%arg13 : memref<!tpu.dma_semaphore, #tpu.memory_space<semaphore_mem>>)
    %dma_start3A_33 = arith.constant 1 : i32
    %dma_start3A_34 = arith.constant 0 : i32
    %dma_start3A_35 = tpu.memref_slice %arg7[%dma_start3A_33, %dma_start3A_34] : memref<80x64xi32, #tpu.memory_space<vmem>> -> memref<1x64xi32, #tpu.memory_space<vmem>>
    %dma_start3A_36 = tpu.memref_squeeze %dma_start3A_35 : memref<1x64xi32, #tpu.memory_space<vmem>> -> memref<64xi32, #tpu.memory_space<vmem>>
    %dma_start3A_37 = arith.constant 0 : i32
    %dma_start3A_38 = arith.constant 0 : i32
    %dma_start3A_39 = tpu.memref_slice %arg4[%dma_start3A_37, %dma_start3A_38] : memref<10240x128xf32, #tpu.memory_space<hbm>> -> memref<10240x128xf32, #tpu.memory_space<hbm>>
    tpu.enqueue_indirect_dma source(%dma_start3A_39 : memref<10240x128xf32, #tpu.memory_space<hbm>>) target(%arg10 : memref<64x128xf32, #tpu.memory_space<vmem>>) offsets(%dma_start3A_36 : memref<64xi32, #tpu.memory_space<vmem>>) semaphore(%arg14 : memref<!tpu.dma_semaphore, #tpu.memory_space<semaphore_mem>>)
    %scan3A = arith.constant 0 : i32
    %scan3A_40 = arith.constant 0 : i32
    %scan3A_41 = arith.constant 26 : i32
    %scan3A_42 = arith.addi %scan3A_40, %scan3A_41 : i32
    %scan3A_43 = arith.constant 1 : i32
    %scan3A_44 = scf.for %scan3A_165 = %scan3A_40 to %scan3A_42 step %scan3A_43 iter_args(%scan3A_166 = %scan3A) -> (i32)  : i32 {
      %mul3A_167 = arith.constant 3 : i32
      %mul3A_168 = arith.muli %mul3A_167, %scan3A_165 : i32
      %add3A_169 = arith.constant 0 : i32
      %add3A_170 = arith.addi %mul3A_168, %add3A_169 : i32
      %dma_wait3A_171 = arith.constant 0 : i32
      %dma_wait3A_172 = arith.constant 0 : i32
      %dma_wait3A_173 = tpu.memref_slice %arg7[%dma_wait3A_171, %dma_wait3A_172] : memref<80x64xi32, #tpu.memory_space<vmem>> -> memref<1x64xi32, #tpu.memory_space<vmem>>
      %dma_wait3A_174 = tpu.memref_squeeze %dma_wait3A_173 : memref<1x64xi32, #tpu.memory_space<vmem>> -> memref<64xi32, #tpu.memory_space<vmem>>
      %dma_wait3A_175 = arith.constant 0 : i32
      %dma_wait3A_176 = arith.constant 0 : i32
      %dma_wait3A_177 = tpu.memref_slice %arg4[%dma_wait3A_175, %dma_wait3A_176] : memref<10240x128xf32, #tpu.memory_space<hbm>> -> memref<10240x128xf32, #tpu.memory_space<hbm>>
      tpu.wait_indirect_dma semaphore(%arg13 : memref<!tpu.dma_semaphore, #tpu.memory_space<semaphore_mem>>) src(%dma_wait3A_177 : memref<10240x128xf32, #tpu.memory_space<hbm>>) dst(%arg9 : memref<64x128xf32, #tpu.memory_space<vmem>>)
      %dma_start3A_178 = arith.constant 0 : i32
      %dma_start3A_179 = tpu.memref_slice %arg8[%add3A_170, %dma_start3A_178] : memref<80x64xi32, #tpu.memory_space<vmem>> -> memref<1x64xi32, #tpu.memory_space<vmem>>
      %dma_start3A_180 = tpu.memref_squeeze %dma_start3A_179 : memref<1x64xi32, #tpu.memory_space<vmem>> -> memref<64xi32, #tpu.memory_space<vmem>>
      %dma_start3A_181 = arith.constant 0 : i32
      %dma_start3A_182 = arith.constant 0 : i32
      %dma_start3A_183 = tpu.memref_slice %arg12[%dma_start3A_181, %dma_start3A_182] : memref<10240x128xf32, #tpu.memory_space<vmem_shared>> -> memref<10240x128xf32, #tpu.memory_space<vmem_shared>>
      tpu.enqueue_indirect_dma source(%arg9 : memref<64x128xf32, #tpu.memory_space<vmem>>) target(%dma_start3A_183 : memref<10240x128xf32, #tpu.memory_space<vmem_shared>>) offsets(%dma_start3A_180 : memref<64xi32, #tpu.memory_space<vmem>>) semaphore(%arg16 : memref<!tpu.dma_semaphore, #tpu.memory_space<semaphore_mem>>) {add = true}
      %ge3A = arith.constant 1 : i32
      %ge3A_184 = arith.cmpi sge, %add3A_170, %ge3A : i32
      %convert_element_type3A = arith.extui %ge3A_184 : i1 to i32
      %cond3A = arith.constant 0 : i32
      %cond3A_185 = arith.cmpi ne, %convert_element_type3A, %cond3A : i32
      scf.if %cond3A_185 {
        %dma_wait3A_255 = arith.constant 0 : i32
        %dma_wait3A_256 = arith.constant 0 : i32
        %dma_wait3A_257 = tpu.memref_slice %arg8[%dma_wait3A_255, %dma_wait3A_256] : memref<80x64xi32, #tpu.memory_space<vmem>> -> memref<1x64xi32, #tpu.memory_space<vmem>>
        %dma_wait3A_258 = tpu.memref_squeeze %dma_wait3A_257 : memref<1x64xi32, #tpu.memory_space<vmem>> -> memref<64xi32, #tpu.memory_space<vmem>>
        %dma_wait3A_259 = arith.constant 0 : i32
        %dma_wait3A_260 = arith.constant 0 : i32
        %dma_wait3A_261 = tpu.memref_slice %arg12[%dma_wait3A_259, %dma_wait3A_260] : memref<10240x128xf32, #tpu.memory_space<vmem_shared>> -> memref<10240x128xf32, #tpu.memory_space<vmem_shared>>
        tpu.wait_indirect_dma semaphore(%arg18 : memref<!tpu.dma_semaphore, #tpu.memory_space<semaphore_mem>>) src(%arg11 : memref<64x128xf32, #tpu.memory_space<vmem>>) dst(%dma_wait3A_261 : memref<10240x128xf32, #tpu.memory_space<vmem_shared>>)
      } else {
      }
      %add3A_186 = arith.constant 2 : i32
      %add3A_187 = arith.addi %add3A_170, %add3A_186 : i32
      %dma_start3A_188 = arith.constant 0 : i32
      %dma_start3A_189 = tpu.memref_slice %arg7[%add3A_187, %dma_start3A_188] : memref<80x64xi32, #tpu.memory_space<vmem>> -> memref<1x64xi32, #tpu.memory_space<vmem>>
      %dma_start3A_190 = tpu.memref_squeeze %dma_start3A_189 : memref<1x64xi32, #tpu.memory_space<vmem>> -> memref<64xi32, #tpu.memory_space<vmem>>
      %dma_start3A_191 = arith.constant 0 : i32
      %dma_start3A_192 = arith.constant 0 : i32
      %dma_start3A_193 = tpu.memref_slice %arg4[%dma_start3A_191, %dma_start3A_192] : memref<10240x128xf32, #tpu.memory_space<hbm>> -> memref<10240x128xf32, #tpu.memory_space<hbm>>
      tpu.enqueue_indirect_dma source(%dma_start3A_193 : memref<10240x128xf32, #tpu.memory_space<hbm>>) target(%arg11 : memref<64x128xf32, #tpu.memory_space<vmem>>) offsets(%dma_start3A_190 : memref<64xi32, #tpu.memory_space<vmem>>) semaphore(%arg15 : memref<!tpu.dma_semaphore, #tpu.memory_space<semaphore_mem>>)
      %mul3A_194 = arith.constant 3 : i32
      %mul3A_195 = arith.muli %mul3A_194, %scan3A_165 : i32
      %add3A_196 = arith.constant 1 : i32
      %add3A_197 = arith.addi %mul3A_195, %add3A_196 : i32
      %dma_wait3A_198 = arith.constant 0 : i32
      %dma_wait3A_199 = arith.constant 0 : i32
      %dma_wait3A_200 = tpu.memref_slice %arg7[%dma_wait3A_198, %dma_wait3A_199] : memref<80x64xi32, #tpu.memory_space<vmem>> -> memref<1x64xi32, #tpu.memory_space<vmem>>
      %dma_wait3A_201 = tpu.memref_squeeze %dma_wait3A_200 : memref<1x64xi32, #tpu.memory_space<vmem>> -> memref<64xi32, #tpu.memory_space<vmem>>
      %dma_wait3A_202 = arith.constant 0 : i32
      %dma_wait3A_203 = arith.constant 0 : i32
      %dma_wait3A_204 = tpu.memref_slice %arg4[%dma_wait3A_202, %dma_wait3A_203] : memref<10240x128xf32, #tpu.memory_space<hbm>> -> memref<10240x128xf32, #tpu.memory_space<hbm>>
      tpu.wait_indirect_dma semaphore(%arg14 : memref<!tpu.dma_semaphore, #tpu.memory_space<semaphore_mem>>) src(%dma_wait3A_204 : memref<10240x128xf32, #tpu.memory_space<hbm>>) dst(%arg10 : memref<64x128xf32, #tpu.memory_space<vmem>>)
      %dma_start3A_205 = arith.constant 0 : i32
      %dma_start3A_206 = tpu.memref_slice %arg8[%add3A_197, %dma_start3A_205] : memref<80x64xi32, #tpu.memory_space<vmem>> -> memref<1x64xi32, #tpu.memory_space<vmem>>
      %dma_start3A_207 = tpu.memref_squeeze %dma_start3A_206 : memref<1x64xi32, #tpu.memory_space<vmem>> -> memref<64xi32, #tpu.memory_space<vmem>>
      %dma_start3A_208 = arith.constant 0 : i32
      %dma_start3A_209 = arith.constant 0 : i32
      %dma_start3A_210 = tpu.memref_slice %arg12[%dma_start3A_208, %dma_start3A_209] : memref<10240x128xf32, #tpu.memory_space<vmem_shared>> -> memref<10240x128xf32, #tpu.memory_space<vmem_shared>>
      tpu.enqueue_indirect_dma source(%arg10 : memref<64x128xf32, #tpu.memory_space<vmem>>) target(%dma_start3A_210 : memref<10240x128xf32, #tpu.memory_space<vmem_shared>>) offsets(%dma_start3A_207 : memref<64xi32, #tpu.memory_space<vmem>>) semaphore(%arg17 : memref<!tpu.dma_semaphore, #tpu.memory_space<semaphore_mem>>) {add = true}
      %ge3A_211 = arith.constant 1 : i32
      %ge3A_212 = arith.cmpi sge, %add3A_197, %ge3A_211 : i32
      %convert_element_type3A_213 = arith.extui %ge3A_212 : i1 to i32
      %cond3A_214 = arith.constant 0 : i32
      %cond3A_215 = arith.cmpi ne, %convert_element_type3A_213, %cond3A_214 : i32
      scf.if %cond3A_215 {
        %dma_wait3A_255 = arith.constant 0 : i32
        %dma_wait3A_256 = arith.constant 0 : i32
        %dma_wait3A_257 = tpu.memref_slice %arg8[%dma_wait3A_255, %dma_wait3A_256] : memref<80x64xi32, #tpu.memory_space<vmem>> -> memref<1x64xi32, #tpu.memory_space<vmem>>
        %dma_wait3A_258 = tpu.memref_squeeze %dma_wait3A_257 : memref<1x64xi32, #tpu.memory_space<vmem>> -> memref<64xi32, #tpu.memory_space<vmem>>
        %dma_wait3A_259 = arith.constant 0 : i32
        %dma_wait3A_260 = arith.constant 0 : i32
        %dma_wait3A_261 = tpu.memref_slice %arg12[%dma_wait3A_259, %dma_wait3A_260] : memref<10240x128xf32, #tpu.memory_space<vmem_shared>> -> memref<10240x128xf32, #tpu.memory_space<vmem_shared>>
        tpu.wait_indirect_dma semaphore(%arg16 : memref<!tpu.dma_semaphore, #tpu.memory_space<semaphore_mem>>) src(%arg9 : memref<64x128xf32, #tpu.memory_space<vmem>>) dst(%dma_wait3A_261 : memref<10240x128xf32, #tpu.memory_space<vmem_shared>>)
      } else {
      }
      %add3A_216 = arith.constant 2 : i32
      %add3A_217 = arith.addi %add3A_197, %add3A_216 : i32
      %dma_start3A_218 = arith.constant 0 : i32
      %dma_start3A_219 = tpu.memref_slice %arg7[%add3A_217, %dma_start3A_218] : memref<80x64xi32, #tpu.memory_space<vmem>> -> memref<1x64xi32, #tpu.memory_space<vmem>>
      %dma_start3A_220 = tpu.memref_squeeze %dma_start3A_219 : memref<1x64xi32, #tpu.memory_space<vmem>> -> memref<64xi32, #tpu.memory_space<vmem>>
      %dma_start3A_221 = arith.constant 0 : i32
      %dma_start3A_222 = arith.constant 0 : i32
      %dma_start3A_223 = tpu.memref_slice %arg4[%dma_start3A_221, %dma_start3A_222] : memref<10240x128xf32, #tpu.memory_space<hbm>> -> memref<10240x128xf32, #tpu.memory_space<hbm>>
      tpu.enqueue_indirect_dma source(%dma_start3A_223 : memref<10240x128xf32, #tpu.memory_space<hbm>>) target(%arg9 : memref<64x128xf32, #tpu.memory_space<vmem>>) offsets(%dma_start3A_220 : memref<64xi32, #tpu.memory_space<vmem>>) semaphore(%arg13 : memref<!tpu.dma_semaphore, #tpu.memory_space<semaphore_mem>>)
      %mul3A_224 = arith.constant 3 : i32
      %mul3A_225 = arith.muli %mul3A_224, %scan3A_165 : i32
      %add3A_226 = arith.constant 2 : i32
      %add3A_227 = arith.addi %mul3A_225, %add3A_226 : i32
      %dma_wait3A_228 = arith.constant 0 : i32
      %dma_wait3A_229 = arith.constant 0 : i32
      %dma_wait3A_230 = tpu.memref_slice %arg7[%dma_wait3A_228, %dma_wait3A_229] : memref<80x64xi32, #tpu.memory_space<vmem>> -> memref<1x64xi32, #tpu.memory_space<vmem>>
      %dma_wait3A_231 = tpu.memref_squeeze %dma_wait3A_230 : memref<1x64xi32, #tpu.memory_space<vmem>> -> memref<64xi32, #tpu.memory_space<vmem>>
      %dma_wait3A_232 = arith.constant 0 : i32
      %dma_wait3A_233 = arith.constant 0 : i32
      %dma_wait3A_234 = tpu.memref_slice %arg4[%dma_wait3A_232, %dma_wait3A_233] : memref<10240x128xf32, #tpu.memory_space<hbm>> -> memref<10240x128xf32, #tpu.memory_space<hbm>>
      tpu.wait_indirect_dma semaphore(%arg15 : memref<!tpu.dma_semaphore, #tpu.memory_space<semaphore_mem>>) src(%dma_wait3A_234 : memref<10240x128xf32, #tpu.memory_space<hbm>>) dst(%arg11 : memref<64x128xf32, #tpu.memory_space<vmem>>)
      %dma_start3A_235 = arith.constant 0 : i32
      %dma_start3A_236 = tpu.memref_slice %arg8[%add3A_227, %dma_start3A_235] : memref<80x64xi32, #tpu.memory_space<vmem>> -> memref<1x64xi32, #tpu.memory_space<vmem>>
      %dma_start3A_237 = tpu.memref_squeeze %dma_start3A_236 : memref<1x64xi32, #tpu.memory_space<vmem>> -> memref<64xi32, #tpu.memory_space<vmem>>
      %dma_start3A_238 = arith.constant 0 : i32
      %dma_start3A_239 = arith.constant 0 : i32
      %dma_start3A_240 = tpu.memref_slice %arg12[%dma_start3A_238, %dma_start3A_239] : memref<10240x128xf32, #tpu.memory_space<vmem_shared>> -> memref<10240x128xf32, #tpu.memory_space<vmem_shared>>
      tpu.enqueue_indirect_dma source(%arg11 : memref<64x128xf32, #tpu.memory_space<vmem>>) target(%dma_start3A_240 : memref<10240x128xf32, #tpu.memory_space<vmem_shared>>) offsets(%dma_start3A_237 : memref<64xi32, #tpu.memory_space<vmem>>) semaphore(%arg18 : memref<!tpu.dma_semaphore, #tpu.memory_space<semaphore_mem>>) {add = true}
      %ge3A_241 = arith.constant 1 : i32
      %ge3A_242 = arith.cmpi sge, %add3A_227, %ge3A_241 : i32
      %convert_element_type3A_243 = arith.extui %ge3A_242 : i1 to i32
      %cond3A_244 = arith.constant 0 : i32
      %cond3A_245 = arith.cmpi ne, %convert_element_type3A_243, %cond3A_244 : i32
      scf.if %cond3A_245 {
        %dma_wait3A_255 = arith.constant 0 : i32
        %dma_wait3A_256 = arith.constant 0 : i32
        %dma_wait3A_257 = tpu.memref_slice %arg8[%dma_wait3A_255, %dma_wait3A_256] : memref<80x64xi32, #tpu.memory_space<vmem>> -> memref<1x64xi32, #tpu.memory_space<vmem>>
        %dma_wait3A_258 = tpu.memref_squeeze %dma_wait3A_257 : memref<1x64xi32, #tpu.memory_space<vmem>> -> memref<64xi32, #tpu.memory_space<vmem>>
        %dma_wait3A_259 = arith.constant 0 : i32
        %dma_wait3A_260 = arith.constant 0 : i32
        %dma_wait3A_261 = tpu.memref_slice %arg12[%dma_wait3A_259, %dma_wait3A_260] : memref<10240x128xf32, #tpu.memory_space<vmem_shared>> -> memref<10240x128xf32, #tpu.memory_space<vmem_shared>>
        tpu.wait_indirect_dma semaphore(%arg17 : memref<!tpu.dma_semaphore, #tpu.memory_space<semaphore_mem>>) src(%arg10 : memref<64x128xf32, #tpu.memory_space<vmem>>) dst(%dma_wait3A_261 : memref<10240x128xf32, #tpu.memory_space<vmem_shared>>)
      } else {
      }
      %add3A_246 = arith.constant 2 : i32
      %add3A_247 = arith.addi %add3A_227, %add3A_246 : i32
      %dma_start3A_248 = arith.constant 0 : i32
      %dma_start3A_249 = tpu.memref_slice %arg7[%add3A_247, %dma_start3A_248] : memref<80x64xi32, #tpu.memory_space<vmem>> -> memref<1x64xi32, #tpu.memory_space<vmem>>
      %dma_start3A_250 = tpu.memref_squeeze %dma_start3A_249 : memref<1x64xi32, #tpu.memory_space<vmem>> -> memref<64xi32, #tpu.memory_space<vmem>>
      %dma_start3A_251 = arith.constant 0 : i32
      %dma_start3A_252 = arith.constant 0 : i32
      %dma_start3A_253 = tpu.memref_slice %arg4[%dma_start3A_251, %dma_start3A_252] : memref<10240x128xf32, #tpu.memory_space<hbm>> -> memref<10240x128xf32, #tpu.memory_space<hbm>>
      tpu.enqueue_indirect_dma source(%dma_start3A_253 : memref<10240x128xf32, #tpu.memory_space<hbm>>) target(%arg10 : memref<64x128xf32, #tpu.memory_space<vmem>>) offsets(%dma_start3A_250 : memref<64xi32, #tpu.memory_space<vmem>>) semaphore(%arg14 : memref<!tpu.dma_semaphore, #tpu.memory_space<semaphore_mem>>)
      %scan3A_254 = arith.constant 0 : i32
      scf.yield %scan3A_254 : i32
    }
    %scan3A_45 = arith.constant 26 : i32
    %dma_wait3A = arith.constant 0 : i32
    %dma_wait3A_46 = arith.constant 0 : i32
    %dma_wait3A_47 = tpu.memref_slice %arg7[%dma_wait3A, %dma_wait3A_46] : memref<80x64xi32, #tpu.memory_space<vmem>> -> memref<1x64xi32, #tpu.memory_space<vmem>>
    %dma_wait3A_48 = tpu.memref_squeeze %dma_wait3A_47 : memref<1x64xi32, #tpu.memory_space<vmem>> -> memref<64xi32, #tpu.memory_space<vmem>>
    %dma_wait3A_49 = arith.constant 0 : i32
    %dma_wait3A_50 = arith.constant 0 : i32
    %dma_wait3A_51 = tpu.memref_slice %arg4[%dma_wait3A_49, %dma_wait3A_50] : memref<10240x128xf32, #tpu.memory_space<hbm>> -> memref<10240x128xf32, #tpu.memory_space<hbm>>
    tpu.wait_indirect_dma semaphore(%arg13 : memref<!tpu.dma_semaphore, #tpu.memory_space<semaphore_mem>>) src(%dma_wait3A_51 : memref<10240x128xf32, #tpu.memory_space<hbm>>) dst(%arg9 : memref<64x128xf32, #tpu.memory_space<vmem>>)
    %dma_start3A_52 = arith.constant 78 : i32
    %dma_start3A_53 = arith.constant 0 : i32
    %dma_start3A_54 = tpu.memref_slice %arg8[%dma_start3A_52, %dma_start3A_53] : memref<80x64xi32, #tpu.memory_space<vmem>> -> memref<1x64xi32, #tpu.memory_space<vmem>>
    %dma_start3A_55 = tpu.memref_squeeze %dma_start3A_54 : memref<1x64xi32, #tpu.memory_space<vmem>> -> memref<64xi32, #tpu.memory_space<vmem>>
    %dma_start3A_56 = arith.constant 0 : i32
    %dma_start3A_57 = arith.constant 0 : i32
    %dma_start3A_58 = tpu.memref_slice %arg12[%dma_start3A_56, %dma_start3A_57] : memref<10240x128xf32, #tpu.memory_space<vmem_shared>> -> memref<10240x128xf32, #tpu.memory_space<vmem_shared>>
    tpu.enqueue_indirect_dma source(%arg9 : memref<64x128xf32, #tpu.memory_space<vmem>>) target(%dma_start3A_58 : memref<10240x128xf32, #tpu.memory_space<vmem_shared>>) offsets(%dma_start3A_55 : memref<64xi32, #tpu.memory_space<vmem>>) semaphore(%arg16 : memref<!tpu.dma_semaphore, #tpu.memory_space<semaphore_mem>>) {add = true}
    %dma_wait3A_59 = arith.constant 0 : i32
    %dma_wait3A_60 = arith.constant 0 : i32
    %dma_wait3A_61 = tpu.memref_slice %arg7[%dma_wait3A_59, %dma_wait3A_60] : memref<80x64xi32, #tpu.memory_space<vmem>> -> memref<1x64xi32, #tpu.memory_space<vmem>>
    %dma_wait3A_62 = tpu.memref_squeeze %dma_wait3A_61 : memref<1x64xi32, #tpu.memory_space<vmem>> -> memref<64xi32, #tpu.memory_space<vmem>>
    %dma_wait3A_63 = arith.constant 0 : i32
    %dma_wait3A_64 = arith.constant 0 : i32
    %dma_wait3A_65 = tpu.memref_slice %arg4[%dma_wait3A_63, %dma_wait3A_64] : memref<10240x128xf32, #tpu.memory_space<hbm>> -> memref<10240x128xf32, #tpu.memory_space<hbm>>
    tpu.wait_indirect_dma semaphore(%arg14 : memref<!tpu.dma_semaphore, #tpu.memory_space<semaphore_mem>>) src(%dma_wait3A_65 : memref<10240x128xf32, #tpu.memory_space<hbm>>) dst(%arg10 : memref<64x128xf32, #tpu.memory_space<vmem>>)
    %dma_start3A_66 = arith.constant 79 : i32
    %dma_start3A_67 = arith.constant 0 : i32
    %dma_start3A_68 = tpu.memref_slice %arg8[%dma_start3A_66, %dma_start3A_67] : memref<80x64xi32, #tpu.memory_space<vmem>> -> memref<1x64xi32, #tpu.memory_space<vmem>>
    %dma_start3A_69 = tpu.memref_squeeze %dma_start3A_68 : memref<1x64xi32, #tpu.memory_space<vmem>> -> memref<64xi32, #tpu.memory_space<vmem>>
    %dma_start3A_70 = arith.constant 0 : i32
    %dma_start3A_71 = arith.constant 0 : i32
    %dma_start3A_72 = tpu.memref_slice %arg12[%dma_start3A_70, %dma_start3A_71] : memref<10240x128xf32, #tpu.memory_space<vmem_shared>> -> memref<10240x128xf32, #tpu.memory_space<vmem_shared>>
    tpu.enqueue_indirect_dma source(%arg10 : memref<64x128xf32, #tpu.memory_space<vmem>>) target(%dma_start3A_72 : memref<10240x128xf32, #tpu.memory_space<vmem_shared>>) offsets(%dma_start3A_69 : memref<64xi32, #tpu.memory_space<vmem>>) semaphore(%arg17 : memref<!tpu.dma_semaphore, #tpu.memory_space<semaphore_mem>>) {add = true}
    %dma_wait3A_73 = arith.constant 0 : i32
    %dma_wait3A_74 = arith.constant 0 : i32
    %dma_wait3A_75 = tpu.memref_slice %arg8[%dma_wait3A_73, %dma_wait3A_74] : memref<80x64xi32, #tpu.memory_space<vmem>> -> memref<1x64xi32, #tpu.memory_space<vmem>>
    %dma_wait3A_76 = tpu.memref_squeeze %dma_wait3A_75 : memref<1x64xi32, #tpu.memory_space<vmem>> -> memref<64xi32, #tpu.memory_space<vmem>>
    %dma_wait3A_77 = arith.constant 0 : i32
    %dma_wait3A_78 = arith.constant 0 : i32
    %dma_wait3A_79 = tpu.memref_slice %arg12[%dma_wait3A_77, %dma_wait3A_78] : memref<10240x128xf32, #tpu.memory_space<vmem_shared>> -> memref<10240x128xf32, #tpu.memory_space<vmem_shared>>
    tpu.wait_indirect_dma semaphore(%arg16 : memref<!tpu.dma_semaphore, #tpu.memory_space<semaphore_mem>>) src(%arg9 : memref<64x128xf32, #tpu.memory_space<vmem>>) dst(%dma_wait3A_79 : memref<10240x128xf32, #tpu.memory_space<vmem_shared>>)
    %dma_wait3A_80 = arith.constant 0 : i32
    %dma_wait3A_81 = arith.constant 0 : i32
    %dma_wait3A_82 = tpu.memref_slice %arg8[%dma_wait3A_80, %dma_wait3A_81] : memref<80x64xi32, #tpu.memory_space<vmem>> -> memref<1x64xi32, #tpu.memory_space<vmem>>
    %dma_wait3A_83 = tpu.memref_squeeze %dma_wait3A_82 : memref<1x64xi32, #tpu.memory_space<vmem>> -> memref<64xi32, #tpu.memory_space<vmem>>
    %dma_wait3A_84 = arith.constant 0 : i32
    %dma_wait3A_85 = arith.constant 0 : i32
    %dma_wait3A_86 = tpu.memref_slice %arg12[%dma_wait3A_84, %dma_wait3A_85] : memref<10240x128xf32, #tpu.memory_space<vmem_shared>> -> memref<10240x128xf32, #tpu.memory_space<vmem_shared>>
    tpu.wait_indirect_dma semaphore(%arg17 : memref<!tpu.dma_semaphore, #tpu.memory_space<semaphore_mem>>) src(%arg10 : memref<64x128xf32, #tpu.memory_space<vmem>>) dst(%dma_wait3A_86 : memref<10240x128xf32, #tpu.memory_space<vmem_shared>>)
    %dma_wait3A_87 = arith.constant 0 : i32
    %dma_wait3A_88 = arith.constant 0 : i32
    %dma_wait3A_89 = tpu.memref_slice %arg8[%dma_wait3A_87, %dma_wait3A_88] : memref<80x64xi32, #tpu.memory_space<vmem>> -> memref<1x64xi32, #tpu.memory_space<vmem>>
    %dma_wait3A_90 = tpu.memref_squeeze %dma_wait3A_89 : memref<1x64xi32, #tpu.memory_space<vmem>> -> memref<64xi32, #tpu.memory_space<vmem>>
    %dma_wait3A_91 = arith.constant 0 : i32
    %dma_wait3A_92 = arith.constant 0 : i32
    %dma_wait3A_93 = tpu.memref_slice %arg12[%dma_wait3A_91, %dma_wait3A_92] : memref<10240x128xf32, #tpu.memory_space<vmem_shared>> -> memref<10240x128xf32, #tpu.memory_space<vmem_shared>>
    tpu.wait_indirect_dma semaphore(%arg18 : memref<!tpu.dma_semaphore, #tpu.memory_space<semaphore_mem>>) src(%arg11 : memref<64x128xf32, #tpu.memory_space<vmem>>) dst(%dma_wait3A_93 : memref<10240x128xf32, #tpu.memory_space<vmem_shared>>)
    %barrier3A_94 = arith.constant 0 : index
    tpu.barrier barrier_id(%barrier3A_94)
    %add3A_95 = arith.constant 0 : i32
    %add3A_96 = arith.addi %mul3A_2, %add3A_95 : i32
    "tpu.region"() ({
      %run_scoped3A = tpu.sem_alloc : memref<!tpu.dma_semaphore, #tpu.memory_space<semaphore_mem>>
      %dma_start3A_165 = arith.constant 0 : i32
      %dma_start3A_166 = tpu.memref_slice %arg12[%add3A_96, %dma_start3A_165] : memref<10240x128xf32, #tpu.memory_space<vmem_shared>> -> memref<64x128xf32, #tpu.memory_space<vmem_shared>>
      %dma_start3A_167 = arith.constant 0 : i32
      %dma_start3A_168 = tpu.memref_slice %arg12[%add3A_96, %dma_start3A_167] : memref<10240x128xf32, #tpu.memory_space<vmem_shared>> -> memref<64x128xf32, #tpu.memory_space<vmem_shared>>
      tpu.enqueue_dma source(%dma_start3A_168 : memref<64x128xf32, #tpu.memory_space<vmem_shared>>) target(%arg9 : memref<64x128xf32, #tpu.memory_space<vmem>>) target_semaphore(%run_scoped3A : memref<!tpu.dma_semaphore, #tpu.memory_space<semaphore_mem>>)
      %dma_wait3A_169 = arith.constant 0 : i32
      %dma_wait3A_170 = tpu.memref_slice %arg12[%add3A_96, %dma_wait3A_169] : memref<10240x128xf32, #tpu.memory_space<vmem_shared>> -> memref<64x128xf32, #tpu.memory_space<vmem_shared>>
      %dma_wait3A_171 = arith.constant 0 : i32
      %dma_wait3A_172 = tpu.memref_slice %arg12[%add3A_96, %dma_wait3A_171] : memref<10240x128xf32, #tpu.memory_space<vmem_shared>> -> memref<64x128xf32, #tpu.memory_space<vmem_shared>>
      tpu.wait_dma2 semaphore(%run_scoped3A : memref<!tpu.dma_semaphore, #tpu.memory_space<semaphore_mem>>) src(%dma_wait3A_172 : memref<64x128xf32, #tpu.memory_space<vmem_shared>>) dst(%arg9 : memref<64x128xf32, #tpu.memory_space<vmem>>)
      tpu.yield
    }) : () -> ()
    %mul3A_97 = arith.constant 10240 : i32
    %mul3A_98 = arith.muli %arg0, %mul3A_97 : i32
    %add3A_99 = arith.addi %mul3A_98, %mul3A_2 : i32
    %add3A_100 = arith.constant 0 : i32
    %add3A_101 = arith.addi %add3A_99, %add3A_100 : i32
    "tpu.region"() ({
      %run_scoped3A = tpu.sem_alloc : memref<!tpu.dma_semaphore, #tpu.memory_space<semaphore_mem>>
      %dma_start3A_165 = arith.constant 0 : i32
      %dma_start3A_166 = tpu.memref_slice %arg6[%add3A_101, %dma_start3A_165] : memref<20480x128xf32, #tpu.memory_space<hbm>> -> memref<64x128xf32, #tpu.memory_space<hbm>>
      %dma_start3A_167 = arith.constant 0 : i32
      %dma_start3A_168 = tpu.memref_slice %arg6[%add3A_101, %dma_start3A_167] : memref<20480x128xf32, #tpu.memory_space<hbm>> -> memref<64x128xf32, #tpu.memory_space<hbm>>
      tpu.enqueue_dma source(%arg9 : memref<64x128xf32, #tpu.memory_space<vmem>>) target(%dma_start3A_168 : memref<64x128xf32, #tpu.memory_space<hbm>>) target_semaphore(%run_scoped3A : memref<!tpu.dma_semaphore, #tpu.memory_space<semaphore_mem>>)
      %dma_wait3A_169 = arith.constant 0 : i32
      %dma_wait3A_170 = tpu.memref_slice %arg6[%add3A_101, %dma_wait3A_169] : memref<20480x128xf32, #tpu.memory_space<hbm>> -> memref<64x128xf32, #tpu.memory_space<hbm>>
      %dma_wait3A_171 = arith.constant 0 : i32
      %dma_wait3A_172 = tpu.memref_slice %arg6[%add3A_101, %dma_wait3A_171] : memref<20480x128xf32, #tpu.memory_space<hbm>> -> memref<64x128xf32, #tpu.memory_space<hbm>>
      tpu.wait_dma2 semaphore(%run_scoped3A : memref<!tpu.dma_semaphore, #tpu.memory_space<semaphore_mem>>) src(%arg9 : memref<64x128xf32, #tpu.memory_space<vmem>>) dst(%dma_wait3A_172 : memref<64x128xf32, #tpu.memory_space<hbm>>)
      tpu.yield
    }) : () -> ()
    %add3A_102 = arith.constant 64 : i32
    %add3A_103 = arith.addi %mul3A_2, %add3A_102 : i32
    "tpu.region"() ({
      %run_scoped3A = tpu.sem_alloc : memref<!tpu.dma_semaphore, #tpu.memory_space<semaphore_mem>>
      %dma_start3A_165 = arith.constant 0 : i32
      %dma_start3A_166 = tpu.memref_slice %arg12[%add3A_103, %dma_start3A_165] : memref<10240x128xf32, #tpu.memory_space<vmem_shared>> -> memref<64x128xf32, #tpu.memory_space<vmem_shared>>
      %dma_start3A_167 = arith.constant 0 : i32
      %dma_start3A_168 = tpu.memref_slice %arg12[%add3A_103, %dma_start3A_167] : memref<10240x128xf32, #tpu.memory_space<vmem_shared>> -> memref<64x128xf32, #tpu.memory_space<vmem_shared>>
      tpu.enqueue_dma source(%dma_start3A_168 : memref<64x128xf32, #tpu.memory_space<vmem_shared>>) target(%arg9 : memref<64x128xf32, #tpu.memory_space<vmem>>) target_semaphore(%run_scoped3A : memref<!tpu.dma_semaphore, #tpu.memory_space<semaphore_mem>>)
      %dma_wait3A_169 = arith.constant 0 : i32
      %dma_wait3A_170 = tpu.memref_slice %arg12[%add3A_103, %dma_wait3A_169] : memref<10240x128xf32, #tpu.memory_space<vmem_shared>> -> memref<64x128xf32, #tpu.memory_space<vmem_shared>>
      %dma_wait3A_171 = arith.constant 0 : i32
      %dma_wait3A_172 = tpu.memref_slice %arg12[%add3A_103, %dma_wait3A_171] : memref<10240x128xf32, #tpu.memory_space<vmem_shared>> -> memref<64x128xf32, #tpu.memory_space<vmem_shared>>
      tpu.wait_dma2 semaphore(%run_scoped3A : memref<!tpu.dma_semaphore, #tpu.memory_space<semaphore_mem>>) src(%dma_wait3A_172 : memref<64x128xf32, #tpu.memory_space<vmem_shared>>) dst(%arg9 : memref<64x128xf32, #tpu.memory_space<vmem>>)
      tpu.yield
    }) : () -> ()
    %mul3A_104 = arith.constant 10240 : i32
    %mul3A_105 = arith.muli %arg0, %mul3A_104 : i32
    %add3A_106 = arith.addi %mul3A_105, %mul3A_2 : i32
    %add3A_107 = arith.constant 64 : i32
    %add3A_108 = arith.addi %add3A_106, %add3A_107 : i32
    "tpu.region"() ({
      %run_scoped3A = tpu.sem_alloc : memref<!tpu.dma_semaphore, #tpu.memory_space<semaphore_mem>>
      %dma_start3A_165 = arith.constant 0 : i32
      %dma_start3A_166 = tpu.memref_slice %arg6[%add3A_108, %dma_start3A_165] : memref<20480x128xf32, #tpu.memory_space<hbm>> -> memref<64x128xf32, #tpu.memory_space<hbm>>
      %dma_start3A_167 = arith.constant 0 : i32
      %dma_start3A_168 = tpu.memref_slice %arg6[%add3A_108, %dma_start3A_167] : memref<20480x128xf32, #tpu.memory_space<hbm>> -> memref<64x128xf32, #tpu.memory_space<hbm>>
      tpu.enqueue_dma source(%arg9 : memref<64x128xf32, #tpu.memory_space<vmem>>) target(%dma_start3A_168 : memref<64x128xf32, #tpu.memory_space<hbm>>) target_semaphore(%run_scoped3A : memref<!tpu.dma_semaphore, #tpu.memory_space<semaphore_mem>>)
      %dma_wait3A_169 = arith.constant 0 : i32
      %dma_wait3A_170 = tpu.memref_slice %arg6[%add3A_108, %dma_wait3A_169] : memref<20480x128xf32, #tpu.memory_space<hbm>> -> memref<64x128xf32, #tpu.memory_space<hbm>>
      %dma_wait3A_171 = arith.constant 0 : i32
      %dma_wait3A_172 = tpu.memref_slice %arg6[%add3A_108, %dma_wait3A_171] : memref<20480x128xf32, #tpu.memory_space<hbm>> -> memref<64x128xf32, #tpu.memory_space<hbm>>
      tpu.wait_dma2 semaphore(%run_scoped3A : memref<!tpu.dma_semaphore, #tpu.memory_space<semaphore_mem>>) src(%arg9 : memref<64x128xf32, #tpu.memory_space<vmem>>) dst(%dma_wait3A_172 : memref<64x128xf32, #tpu.memory_space<hbm>>)
      tpu.yield
    }) : () -> ()
    %add3A_109 = arith.constant 128 : i32
    %add3A_110 = arith.addi %mul3A_2, %add3A_109 : i32
    "tpu.region"() ({
      %run_scoped3A = tpu.sem_alloc : memref<!tpu.dma_semaphore, #tpu.memory_space<semaphore_mem>>
      %dma_start3A_165 = arith.constant 0 : i32
      %dma_start3A_166 = tpu.memref_slice %arg12[%add3A_110, %dma_start3A_165] : memref<10240x128xf32, #tpu.memory_space<vmem_shared>> -> memref<64x128xf32, #tpu.memory_space<vmem_shared>>
      %dma_start3A_167 = arith.constant 0 : i32
      %dma_start3A_168 = tpu.memref_slice %arg12[%add3A_110, %dma_start3A_167] : memref<10240x128xf32, #tpu.memory_space<vmem_shared>> -> memref<64x128xf32, #tpu.memory_space<vmem_shared>>
      tpu.enqueue_dma source(%dma_start3A_168 : memref<64x128xf32, #tpu.memory_space<vmem_shared>>) target(%arg9 : memref<64x128xf32, #tpu.memory_space<vmem>>) target_semaphore(%run_scoped3A : memref<!tpu.dma_semaphore, #tpu.memory_space<semaphore_mem>>)
      %dma_wait3A_169 = arith.constant 0 : i32
      %dma_wait3A_170 = tpu.memref_slice %arg12[%add3A_110, %dma_wait3A_169] : memref<10240x128xf32, #tpu.memory_space<vmem_shared>> -> memref<64x128xf32, #tpu.memory_space<vmem_shared>>
      %dma_wait3A_171 = arith.constant 0 : i32
      %dma_wait3A_172 = tpu.memref_slice %arg12[%add3A_110, %dma_wait3A_171] : memref<10240x128xf32, #tpu.memory_space<vmem_shared>> -> memref<64x128xf32, #tpu.memory_space<vmem_shared>>
      tpu.wait_dma2 semaphore(%run_scoped3A : memref<!tpu.dma_semaphore, #tpu.memory_space<semaphore_mem>>) src(%dma_wait3A_172 : memref<64x128xf32, #tpu.memory_space<vmem_shared>>) dst(%arg9 : memref<64x128xf32, #tpu.memory_space<vmem>>)
      tpu.yield
    }) : () -> ()
    %mul3A_111 = arith.constant 10240 : i32
    %mul3A_112 = arith.muli %arg0, %mul3A_111 : i32
    %add3A_113 = arith.addi %mul3A_112, %mul3A_2 : i32
    %add3A_114 = arith.constant 128 : i32
    %add3A_115 = arith.addi %add3A_113, %add3A_114 : i32
    "tpu.region"() ({
      %run_scoped3A = tpu.sem_alloc : memref<!tpu.dma_semaphore, #tpu.memory_space<semaphore_mem>>
      %dma_start3A_165 = arith.constant 0 : i32
      %dma_start3A_166 = tpu.memref_slice %arg6[%add3A_115, %dma_start3A_165] : memref<20480x128xf32, #tpu.memory_space<hbm>> -> memref<64x128xf32, #tpu.memory_space<hbm>>
      %dma_start3A_167 = arith.constant 0 : i32
      %dma_start3A_168 = tpu.memref_slice %arg6[%add3A_115, %dma_start3A_167] : memref<20480x128xf32, #tpu.memory_space<hbm>> -> memref<64x128xf32, #tpu.memory_space<hbm>>
      tpu.enqueue_dma source(%arg9 : memref<64x128xf32, #tpu.memory_space<vmem>>) target(%dma_start3A_168 : memref<64x128xf32, #tpu.memory_space<hbm>>) target_semaphore(%run_scoped3A : memref<!tpu.dma_semaphore, #tpu.memory_space<semaphore_mem>>)
      %dma_wait3A_169 = arith.constant 0 : i32
      %dma_wait3A_170 = tpu.memref_slice %arg6[%add3A_115, %dma_wait3A_169] : memref<20480x128xf32, #tpu.memory_space<hbm>> -> memref<64x128xf32, #tpu.memory_space<hbm>>
      %dma_wait3A_171 = arith.constant 0 : i32
      %dma_wait3A_172 = tpu.memref_slice %arg6[%add3A_115, %dma_wait3A_171] : memref<20480x128xf32, #tpu.memory_space<hbm>> -> memref<64x128xf32, #tpu.memory_space<hbm>>
      tpu.wait_dma2 semaphore(%run_scoped3A : memref<!tpu.dma_semaphore, #tpu.memory_space<semaphore_mem>>) src(%arg9 : memref<64x128xf32, #tpu.memory_space<vmem>>) dst(%dma_wait3A_172 : memref<64x128xf32, #tpu.memory_space<hbm>>)
      tpu.yield
    }) : () -> ()
    %add3A_116 = arith.constant 192 : i32
    %add3A_117 = arith.addi %mul3A_2, %add3A_116 : i32
    "tpu.region"() ({
      %run_scoped3A = tpu.sem_alloc : memref<!tpu.dma_semaphore, #tpu.memory_space<semaphore_mem>>
      %dma_start3A_165 = arith.constant 0 : i32
      %dma_start3A_166 = tpu.memref_slice %arg12[%add3A_117, %dma_start3A_165] : memref<10240x128xf32, #tpu.memory_space<vmem_shared>> -> memref<64x128xf32, #tpu.memory_space<vmem_shared>>
      %dma_start3A_167 = arith.constant 0 : i32
      %dma_start3A_168 = tpu.memref_slice %arg12[%add3A_117, %dma_start3A_167] : memref<10240x128xf32, #tpu.memory_space<vmem_shared>> -> memref<64x128xf32, #tpu.memory_space<vmem_shared>>
      tpu.enqueue_dma source(%dma_start3A_168 : memref<64x128xf32, #tpu.memory_space<vmem_shared>>) target(%arg9 : memref<64x128xf32, #tpu.memory_space<vmem>>) target_semaphore(%run_scoped3A : memref<!tpu.dma_semaphore, #tpu.memory_space<semaphore_mem>>)
      %dma_wait3A_169 = arith.constant 0 : i32
      %dma_wait3A_170 = tpu.memref_slice %arg12[%add3A_117, %dma_wait3A_169] : memref<10240x128xf32, #tpu.memory_space<vmem_shared>> -> memref<64x128xf32, #tpu.memory_space<vmem_shared>>
      %dma_wait3A_171 = arith.constant 0 : i32
      %dma_wait3A_172 = tpu.memref_slice %arg12[%add3A_117, %dma_wait3A_171] : memref<10240x128xf32, #tpu.memory_space<vmem_shared>> -> memref<64x128xf32, #tpu.memory_space<vmem_shared>>
      tpu.wait_dma2 semaphore(%run_scoped3A : memref<!tpu.dma_semaphore, #tpu.memory_space<semaphore_mem>>) src(%dma_wait3A_172 : memref<64x128xf32, #tpu.memory_space<vmem_shared>>) dst(%arg9 : memref<64x128xf32, #tpu.memory_space<vmem>>)
      tpu.yield
    }) : () -> ()
    %mul3A_118 = arith.constant 10240 : i32
    %mul3A_119 = arith.muli %arg0, %mul3A_118 : i32
    %add3A_120 = arith.addi %mul3A_119, %mul3A_2 : i32
    %add3A_121 = arith.constant 192 : i32
    %add3A_122 = arith.addi %add3A_120, %add3A_121 : i32
    "tpu.region"() ({
      %run_scoped3A = tpu.sem_alloc : memref<!tpu.dma_semaphore, #tpu.memory_space<semaphore_mem>>
      %dma_start3A_165 = arith.constant 0 : i32
      %dma_start3A_166 = tpu.memref_slice %arg6[%add3A_122, %dma_start3A_165] : memref<20480x128xf32, #tpu.memory_space<hbm>> -> memref<64x128xf32, #tpu.memory_space<hbm>>
      %dma_start3A_167 = arith.constant 0 : i32
      %dma_start3A_168 = tpu.memref_slice %arg6[%add3A_122, %dma_start3A_167] : memref<20480x128xf32, #tpu.memory_space<hbm>> -> memref<64x128xf32, #tpu.memory_space<hbm>>
      tpu.enqueue_dma source(%arg9 : memref<64x128xf32, #tpu.memory_space<vmem>>) target(%dma_start3A_168 : memref<64x128xf32, #tpu.memory_space<hbm>>) target_semaphore(%run_scoped3A : memref<!tpu.dma_semaphore, #tpu.memory_space<semaphore_mem>>)
      %dma_wait3A_169 = arith.constant 0 : i32
      %dma_wait3A_170 = tpu.memref_slice %arg6[%add3A_122, %dma_wait3A_169] : memref<20480x128xf32, #tpu.memory_space<hbm>> -> memref<64x128xf32, #tpu.memory_space<hbm>>
      %dma_wait3A_171 = arith.constant 0 : i32
      %dma_wait3A_172 = tpu.memref_slice %arg6[%add3A_122, %dma_wait3A_171] : memref<20480x128xf32, #tpu.memory_space<hbm>> -> memref<64x128xf32, #tpu.memory_space<hbm>>
      tpu.wait_dma2 semaphore(%run_scoped3A : memref<!tpu.dma_semaphore, #tpu.memory_space<semaphore_mem>>) src(%arg9 : memref<64x128xf32, #tpu.memory_space<vmem>>) dst(%dma_wait3A_172 : memref<64x128xf32, #tpu.memory_space<hbm>>)
      tpu.yield
    }) : () -> ()
    %add3A_123 = arith.constant 256 : i32
    %add3A_124 = arith.addi %mul3A_2, %add3A_123 : i32
    "tpu.region"() ({
      %run_scoped3A = tpu.sem_alloc : memref<!tpu.dma_semaphore, #tpu.memory_space<semaphore_mem>>
      %dma_start3A_165 = arith.constant 0 : i32
      %dma_start3A_166 = tpu.memref_slice %arg12[%add3A_124, %dma_start3A_165] : memref<10240x128xf32, #tpu.memory_space<vmem_shared>> -> memref<64x128xf32, #tpu.memory_space<vmem_shared>>
      %dma_start3A_167 = arith.constant 0 : i32
      %dma_start3A_168 = tpu.memref_slice %arg12[%add3A_124, %dma_start3A_167] : memref<10240x128xf32, #tpu.memory_space<vmem_shared>> -> memref<64x128xf32, #tpu.memory_space<vmem_shared>>
      tpu.enqueue_dma source(%dma_start3A_168 : memref<64x128xf32, #tpu.memory_space<vmem_shared>>) target(%arg9 : memref<64x128xf32, #tpu.memory_space<vmem>>) target_semaphore(%run_scoped3A : memref<!tpu.dma_semaphore, #tpu.memory_space<semaphore_mem>>)
      %dma_wait3A_169 = arith.constant 0 : i32
      %dma_wait3A_170 = tpu.memref_slice %arg12[%add3A_124, %dma_wait3A_169] : memref<10240x128xf32, #tpu.memory_space<vmem_shared>> -> memref<64x128xf32, #tpu.memory_space<vmem_shared>>
      %dma_wait3A_171 = arith.constant 0 : i32
      %dma_wait3A_172 = tpu.memref_slice %arg12[%add3A_124, %dma_wait3A_171] : memref<10240x128xf32, #tpu.memory_space<vmem_shared>> -> memref<64x128xf32, #tpu.memory_space<vmem_shared>>
      tpu.wait_dma2 semaphore(%run_scoped3A : memref<!tpu.dma_semaphore, #tpu.memory_space<semaphore_mem>>) src(%dma_wait3A_172 : memref<64x128xf32, #tpu.memory_space<vmem_shared>>) dst(%arg9 : memref<64x128xf32, #tpu.memory_space<vmem>>)
      tpu.yield
    }) : () -> ()
    %mul3A_125 = arith.constant 10240 : i32
    %mul3A_126 = arith.muli %arg0, %mul3A_125 : i32
    %add3A_127 = arith.addi %mul3A_126, %mul3A_2 : i32
    %add3A_128 = arith.constant 256 : i32
    %add3A_129 = arith.addi %add3A_127, %add3A_128 : i32
    "tpu.region"() ({
      %run_scoped3A = tpu.sem_alloc : memref<!tpu.dma_semaphore, #tpu.memory_space<semaphore_mem>>
      %dma_start3A_165 = arith.constant 0 : i32
      %dma_start3A_166 = tpu.memref_slice %arg6[%add3A_129, %dma_start3A_165] : memref<20480x128xf32, #tpu.memory_space<hbm>> -> memref<64x128xf32, #tpu.memory_space<hbm>>
      %dma_start3A_167 = arith.constant 0 : i32
      %dma_start3A_168 = tpu.memref_slice %arg6[%add3A_129, %dma_start3A_167] : memref<20480x128xf32, #tpu.memory_space<hbm>> -> memref<64x128xf32, #tpu.memory_space<hbm>>
      tpu.enqueue_dma source(%arg9 : memref<64x128xf32, #tpu.memory_space<vmem>>) target(%dma_start3A_168 : memref<64x128xf32, #tpu.memory_space<hbm>>) target_semaphore(%run_scoped3A : memref<!tpu.dma_semaphore, #tpu.memory_space<semaphore_mem>>)
      %dma_wait3A_169 = arith.constant 0 : i32
      %dma_wait3A_170 = tpu.memref_slice %arg6[%add3A_129, %dma_wait3A_169] : memref<20480x128xf32, #tpu.memory_space<hbm>> -> memref<64x128xf32, #tpu.memory_space<hbm>>
      %dma_wait3A_171 = arith.constant 0 : i32
      %dma_wait3A_172 = tpu.memref_slice %arg6[%add3A_129, %dma_wait3A_171] : memref<20480x128xf32, #tpu.memory_space<hbm>> -> memref<64x128xf32, #tpu.memory_space<hbm>>
      tpu.wait_dma2 semaphore(%run_scoped3A : memref<!tpu.dma_semaphore, #tpu.memory_space<semaphore_mem>>) src(%arg9 : memref<64x128xf32, #tpu.memory_space<vmem>>) dst(%dma_wait3A_172 : memref<64x128xf32, #tpu.memory_space<hbm>>)
      tpu.yield
    }) : () -> ()
    %add3A_130 = arith.constant 320 : i32
    %add3A_131 = arith.addi %mul3A_2, %add3A_130 : i32
    "tpu.region"() ({
      %run_scoped3A = tpu.sem_alloc : memref<!tpu.dma_semaphore, #tpu.memory_space<semaphore_mem>>
      %dma_start3A_165 = arith.constant 0 : i32
      %dma_start3A_166 = tpu.memref_slice %arg12[%add3A_131, %dma_start3A_165] : memref<10240x128xf32, #tpu.memory_space<vmem_shared>> -> memref<64x128xf32, #tpu.memory_space<vmem_shared>>
      %dma_start3A_167 = arith.constant 0 : i32
      %dma_start3A_168 = tpu.memref_slice %arg12[%add3A_131, %dma_start3A_167] : memref<10240x128xf32, #tpu.memory_space<vmem_shared>> -> memref<64x128xf32, #tpu.memory_space<vmem_shared>>
      tpu.enqueue_dma source(%dma_start3A_168 : memref<64x128xf32, #tpu.memory_space<vmem_shared>>) target(%arg9 : memref<64x128xf32, #tpu.memory_space<vmem>>) target_semaphore(%run_scoped3A : memref<!tpu.dma_semaphore, #tpu.memory_space<semaphore_mem>>)
      %dma_wait3A_169 = arith.constant 0 : i32
      %dma_wait3A_170 = tpu.memref_slice %arg12[%add3A_131, %dma_wait3A_169] : memref<10240x128xf32, #tpu.memory_space<vmem_shared>> -> memref<64x128xf32, #tpu.memory_space<vmem_shared>>
      %dma_wait3A_171 = arith.constant 0 : i32
      %dma_wait3A_172 = tpu.memref_slice %arg12[%add3A_131, %dma_wait3A_171] : memref<10240x128xf32, #tpu.memory_space<vmem_shared>> -> memref<64x128xf32, #tpu.memory_space<vmem_shared>>
      tpu.wait_dma2 semaphore(%run_scoped3A : memref<!tpu.dma_semaphore, #tpu.memory_space<semaphore_mem>>) src(%dma_wait3A_172 : memref<64x128xf32, #tpu.memory_space<vmem_shared>>) dst(%arg9 : memref<64x128xf32, #tpu.memory_space<vmem>>)
      tpu.yield
    }) : () -> ()
    %mul3A_132 = arith.constant 10240 : i32
    %mul3A_133 = arith.muli %arg0, %mul3A_132 : i32
    %add3A_134 = arith.addi %mul3A_133, %mul3A_2 : i32
    %add3A_135 = arith.constant 320 : i32
    %add3A_136 = arith.addi %add3A_134, %add3A_135 : i32
    "tpu.region"() ({
      %run_scoped3A = tpu.sem_alloc : memref<!tpu.dma_semaphore, #tpu.memory_space<semaphore_mem>>
      %dma_start3A_165 = arith.constant 0 : i32
      %dma_start3A_166 = tpu.memref_slice %arg6[%add3A_136, %dma_start3A_165] : memref<20480x128xf32, #tpu.memory_space<hbm>> -> memref<64x128xf32, #tpu.memory_space<hbm>>
      %dma_start3A_167 = arith.constant 0 : i32
      %dma_start3A_168 = tpu.memref_slice %arg6[%add3A_136, %dma_start3A_167] : memref<20480x128xf32, #tpu.memory_space<hbm>> -> memref<64x128xf32, #tpu.memory_space<hbm>>
      tpu.enqueue_dma source(%arg9 : memref<64x128xf32, #tpu.memory_space<vmem>>) target(%dma_start3A_168 : memref<64x128xf32, #tpu.memory_space<hbm>>) target_semaphore(%run_scoped3A : memref<!tpu.dma_semaphore, #tpu.memory_space<semaphore_mem>>)
      %dma_wait3A_169 = arith.constant 0 : i32
      %dma_wait3A_170 = tpu.memref_slice %arg6[%add3A_136, %dma_wait3A_169] : memref<20480x128xf32, #tpu.memory_space<hbm>> -> memref<64x128xf32, #tpu.memory_space<hbm>>
      %dma_wait3A_171 = arith.constant 0 : i32
      %dma_wait3A_172 = tpu.memref_slice %arg6[%add3A_136, %dma_wait3A_171] : memref<20480x128xf32, #tpu.memory_space<hbm>> -> memref<64x128xf32, #tpu.memory_space<hbm>>
      tpu.wait_dma2 semaphore(%run_scoped3A : memref<!tpu.dma_semaphore, #tpu.memory_space<semaphore_mem>>) src(%arg9 : memref<64x128xf32, #tpu.memory_space<vmem>>) dst(%dma_wait3A_172 : memref<64x128xf32, #tpu.memory_space<hbm>>)
      tpu.yield
    }) : () -> ()
    %add3A_137 = arith.constant 384 : i32
    %add3A_138 = arith.addi %mul3A_2, %add3A_137 : i32
    "tpu.region"() ({
      %run_scoped3A = tpu.sem_alloc : memref<!tpu.dma_semaphore, #tpu.memory_space<semaphore_mem>>
      %dma_start3A_165 = arith.constant 0 : i32
      %dma_start3A_166 = tpu.memref_slice %arg12[%add3A_138, %dma_start3A_165] : memref<10240x128xf32, #tpu.memory_space<vmem_shared>> -> memref<64x128xf32, #tpu.memory_space<vmem_shared>>
      %dma_start3A_167 = arith.constant 0 : i32
      %dma_start3A_168 = tpu.memref_slice %arg12[%add3A_138, %dma_start3A_167] : memref<10240x128xf32, #tpu.memory_space<vmem_shared>> -> memref<64x128xf32, #tpu.memory_space<vmem_shared>>
      tpu.enqueue_dma source(%dma_start3A_168 : memref<64x128xf32, #tpu.memory_space<vmem_shared>>) target(%arg9 : memref<64x128xf32, #tpu.memory_space<vmem>>) target_semaphore(%run_scoped3A : memref<!tpu.dma_semaphore, #tpu.memory_space<semaphore_mem>>)
      %dma_wait3A_169 = arith.constant 0 : i32
      %dma_wait3A_170 = tpu.memref_slice %arg12[%add3A_138, %dma_wait3A_169] : memref<10240x128xf32, #tpu.memory_space<vmem_shared>> -> memref<64x128xf32, #tpu.memory_space<vmem_shared>>
      %dma_wait3A_171 = arith.constant 0 : i32
      %dma_wait3A_172 = tpu.memref_slice %arg12[%add3A_138, %dma_wait3A_171] : memref<10240x128xf32, #tpu.memory_space<vmem_shared>> -> memref<64x128xf32, #tpu.memory_space<vmem_shared>>
      tpu.wait_dma2 semaphore(%run_scoped3A : memref<!tpu.dma_semaphore, #tpu.memory_space<semaphore_mem>>) src(%dma_wait3A_172 : memref<64x128xf32, #tpu.memory_space<vmem_shared>>) dst(%arg9 : memref<64x128xf32, #tpu.memory_space<vmem>>)
      tpu.yield
    }) : () -> ()
    %mul3A_139 = arith.constant 10240 : i32
    %mul3A_140 = arith.muli %arg0, %mul3A_139 : i32
    %add3A_141 = arith.addi %mul3A_140, %mul3A_2 : i32
    %add3A_142 = arith.constant 384 : i32
    %add3A_143 = arith.addi %add3A_141, %add3A_142 : i32
    "tpu.region"() ({
      %run_scoped3A = tpu.sem_alloc : memref<!tpu.dma_semaphore, #tpu.memory_space<semaphore_mem>>
      %dma_start3A_165 = arith.constant 0 : i32
      %dma_start3A_166 = tpu.memref_slice %arg6[%add3A_143, %dma_start3A_165] : memref<20480x128xf32, #tpu.memory_space<hbm>> -> memref<64x128xf32, #tpu.memory_space<hbm>>
      %dma_start3A_167 = arith.constant 0 : i32
      %dma_start3A_168 = tpu.memref_slice %arg6[%add3A_143, %dma_start3A_167] : memref<20480x128xf32, #tpu.memory_space<hbm>> -> memref<64x128xf32, #tpu.memory_space<hbm>>
      tpu.enqueue_dma source(%arg9 : memref<64x128xf32, #tpu.memory_space<vmem>>) target(%dma_start3A_168 : memref<64x128xf32, #tpu.memory_space<hbm>>) target_semaphore(%run_scoped3A : memref<!tpu.dma_semaphore, #tpu.memory_space<semaphore_mem>>)
      %dma_wait3A_169 = arith.constant 0 : i32
      %dma_wait3A_170 = tpu.memref_slice %arg6[%add3A_143, %dma_wait3A_169] : memref<20480x128xf32, #tpu.memory_space<hbm>> -> memref<64x128xf32, #tpu.memory_space<hbm>>
      %dma_wait3A_171 = arith.constant 0 : i32
      %dma_wait3A_172 = tpu.memref_slice %arg6[%add3A_143, %dma_wait3A_171] : memref<20480x128xf32, #tpu.memory_space<hbm>> -> memref<64x128xf32, #tpu.memory_space<hbm>>
      tpu.wait_dma2 semaphore(%run_scoped3A : memref<!tpu.dma_semaphore, #tpu.memory_space<semaphore_mem>>) src(%arg9 : memref<64x128xf32, #tpu.memory_space<vmem>>) dst(%dma_wait3A_172 : memref<64x128xf32, #tpu.memory_space<hbm>>)
      tpu.yield
    }) : () -> ()
    %add3A_144 = arith.constant 448 : i32
    %add3A_145 = arith.addi %mul3A_2, %add3A_144 : i32
    "tpu.region"() ({
      %run_scoped3A = tpu.sem_alloc : memref<!tpu.dma_semaphore, #tpu.memory_space<semaphore_mem>>
      %dma_start3A_165 = arith.constant 0 : i32
      %dma_start3A_166 = tpu.memref_slice %arg12[%add3A_145, %dma_start3A_165] : memref<10240x128xf32, #tpu.memory_space<vmem_shared>> -> memref<64x128xf32, #tpu.memory_space<vmem_shared>>
      %dma_start3A_167 = arith.constant 0 : i32
      %dma_start3A_168 = tpu.memref_slice %arg12[%add3A_145, %dma_start3A_167] : memref<10240x128xf32, #tpu.memory_space<vmem_shared>> -> memref<64x128xf32, #tpu.memory_space<vmem_shared>>
      tpu.enqueue_dma source(%dma_start3A_168 : memref<64x128xf32, #tpu.memory_space<vmem_shared>>) target(%arg9 : memref<64x128xf32, #tpu.memory_space<vmem>>) target_semaphore(%run_scoped3A : memref<!tpu.dma_semaphore, #tpu.memory_space<semaphore_mem>>)
      %dma_wait3A_169 = arith.constant 0 : i32
      %dma_wait3A_170 = tpu.memref_slice %arg12[%add3A_145, %dma_wait3A_169] : memref<10240x128xf32, #tpu.memory_space<vmem_shared>> -> memref<64x128xf32, #tpu.memory_space<vmem_shared>>
      %dma_wait3A_171 = arith.constant 0 : i32
      %dma_wait3A_172 = tpu.memref_slice %arg12[%add3A_145, %dma_wait3A_171] : memref<10240x128xf32, #tpu.memory_space<vmem_shared>> -> memref<64x128xf32, #tpu.memory_space<vmem_shared>>
      tpu.wait_dma2 semaphore(%run_scoped3A : memref<!tpu.dma_semaphore, #tpu.memory_space<semaphore_mem>>) src(%dma_wait3A_172 : memref<64x128xf32, #tpu.memory_space<vmem_shared>>) dst(%arg9 : memref<64x128xf32, #tpu.memory_space<vmem>>)
      tpu.yield
    }) : () -> ()
    %mul3A_146 = arith.constant 10240 : i32
    %mul3A_147 = arith.muli %arg0, %mul3A_146 : i32
    %add3A_148 = arith.addi %mul3A_147, %mul3A_2 : i32
    %add3A_149 = arith.constant 448 : i32
    %add3A_150 = arith.addi %add3A_148, %add3A_149 : i32
    "tpu.region"() ({
      %run_scoped3A = tpu.sem_alloc : memref<!tpu.dma_semaphore, #tpu.memory_space<semaphore_mem>>
      %dma_start3A_165 = arith.constant 0 : i32
      %dma_start3A_166 = tpu.memref_slice %arg6[%add3A_150, %dma_start3A_165] : memref<20480x128xf32, #tpu.memory_space<hbm>> -> memref<64x128xf32, #tpu.memory_space<hbm>>
      %dma_start3A_167 = arith.constant 0 : i32
      %dma_start3A_168 = tpu.memref_slice %arg6[%add3A_150, %dma_start3A_167] : memref<20480x128xf32, #tpu.memory_space<hbm>> -> memref<64x128xf32, #tpu.memory_space<hbm>>
      tpu.enqueue_dma source(%arg9 : memref<64x128xf32, #tpu.memory_space<vmem>>) target(%dma_start3A_168 : memref<64x128xf32, #tpu.memory_space<hbm>>) target_semaphore(%run_scoped3A : memref<!tpu.dma_semaphore, #tpu.memory_space<semaphore_mem>>)
      %dma_wait3A_169 = arith.constant 0 : i32
      %dma_wait3A_170 = tpu.memref_slice %arg6[%add3A_150, %dma_wait3A_169] : memref<20480x128xf32, #tpu.memory_space<hbm>> -> memref<64x128xf32, #tpu.memory_space<hbm>>
      %dma_wait3A_171 = arith.constant 0 : i32
      %dma_wait3A_172 = tpu.memref_slice %arg6[%add3A_150, %dma_wait3A_171] : memref<20480x128xf32, #tpu.memory_space<hbm>> -> memref<64x128xf32, #tpu.memory_space<hbm>>
      tpu.wait_dma2 semaphore(%run_scoped3A : memref<!tpu.dma_semaphore, #tpu.memory_space<semaphore_mem>>) src(%arg9 : memref<64x128xf32, #tpu.memory_space<vmem>>) dst(%dma_wait3A_172 : memref<64x128xf32, #tpu.memory_space<hbm>>)
      tpu.yield
    }) : () -> ()
    %add3A_151 = arith.constant 512 : i32
    %add3A_152 = arith.addi %mul3A_2, %add3A_151 : i32
    "tpu.region"() ({
      %run_scoped3A = tpu.sem_alloc : memref<!tpu.dma_semaphore, #tpu.memory_space<semaphore_mem>>
      %dma_start3A_165 = arith.constant 0 : i32
      %dma_start3A_166 = tpu.memref_slice %arg12[%add3A_152, %dma_start3A_165] : memref<10240x128xf32, #tpu.memory_space<vmem_shared>> -> memref<64x128xf32, #tpu.memory_space<vmem_shared>>
      %dma_start3A_167 = arith.constant 0 : i32
      %dma_start3A_168 = tpu.memref_slice %arg12[%add3A_152, %dma_start3A_167] : memref<10240x128xf32, #tpu.memory_space<vmem_shared>> -> memref<64x128xf32, #tpu.memory_space<vmem_shared>>
      tpu.enqueue_dma source(%dma_start3A_168 : memref<64x128xf32, #tpu.memory_space<vmem_shared>>) target(%arg9 : memref<64x128xf32, #tpu.memory_space<vmem>>) target_semaphore(%run_scoped3A : memref<!tpu.dma_semaphore, #tpu.memory_space<semaphore_mem>>)
      %dma_wait3A_169 = arith.constant 0 : i32
      %dma_wait3A_170 = tpu.memref_slice %arg12[%add3A_152, %dma_wait3A_169] : memref<10240x128xf32, #tpu.memory_space<vmem_shared>> -> memref<64x128xf32, #tpu.memory_space<vmem_shared>>
      %dma_wait3A_171 = arith.constant 0 : i32
      %dma_wait3A_172 = tpu.memref_slice %arg12[%add3A_152, %dma_wait3A_171] : memref<10240x128xf32, #tpu.memory_space<vmem_shared>> -> memref<64x128xf32, #tpu.memory_space<vmem_shared>>
      tpu.wait_dma2 semaphore(%run_scoped3A : memref<!tpu.dma_semaphore, #tpu.memory_space<semaphore_mem>>) src(%dma_wait3A_172 : memref<64x128xf32, #tpu.memory_space<vmem_shared>>) dst(%arg9 : memref<64x128xf32, #tpu.memory_space<vmem>>)
      tpu.yield
    }) : () -> ()
    %mul3A_153 = arith.constant 10240 : i32
    %mul3A_154 = arith.muli %arg0, %mul3A_153 : i32
    %add3A_155 = arith.addi %mul3A_154, %mul3A_2 : i32
    %add3A_156 = arith.constant 512 : i32
    %add3A_157 = arith.addi %add3A_155, %add3A_156 : i32
    "tpu.region"() ({
      %run_scoped3A = tpu.sem_alloc : memref<!tpu.dma_semaphore, #tpu.memory_space<semaphore_mem>>
      %dma_start3A_165 = arith.constant 0 : i32
      %dma_start3A_166 = tpu.memref_slice %arg6[%add3A_157, %dma_start3A_165] : memref<20480x128xf32, #tpu.memory_space<hbm>> -> memref<64x128xf32, #tpu.memory_space<hbm>>
      %dma_start3A_167 = arith.constant 0 : i32
      %dma_start3A_168 = tpu.memref_slice %arg6[%add3A_157, %dma_start3A_167] : memref<20480x128xf32, #tpu.memory_space<hbm>> -> memref<64x128xf32, #tpu.memory_space<hbm>>
      tpu.enqueue_dma source(%arg9 : memref<64x128xf32, #tpu.memory_space<vmem>>) target(%dma_start3A_168 : memref<64x128xf32, #tpu.memory_space<hbm>>) target_semaphore(%run_scoped3A : memref<!tpu.dma_semaphore, #tpu.memory_space<semaphore_mem>>)
      %dma_wait3A_169 = arith.constant 0 : i32
      %dma_wait3A_170 = tpu.memref_slice %arg6[%add3A_157, %dma_wait3A_169] : memref<20480x128xf32, #tpu.memory_space<hbm>> -> memref<64x128xf32, #tpu.memory_space<hbm>>
      %dma_wait3A_171 = arith.constant 0 : i32
      %dma_wait3A_172 = tpu.memref_slice %arg6[%add3A_157, %dma_wait3A_171] : memref<20480x128xf32, #tpu.memory_space<hbm>> -> memref<64x128xf32, #tpu.memory_space<hbm>>
      tpu.wait_dma2 semaphore(%run_scoped3A : memref<!tpu.dma_semaphore, #tpu.memory_space<semaphore_mem>>) src(%arg9 : memref<64x128xf32, #tpu.memory_space<vmem>>) dst(%dma_wait3A_172 : memref<64x128xf32, #tpu.memory_space<hbm>>)
      tpu.yield
    }) : () -> ()
    %add3A_158 = arith.constant 576 : i32
    %add3A_159 = arith.addi %mul3A_2, %add3A_158 : i32
    "tpu.region"() ({
      %run_scoped3A = tpu.sem_alloc : memref<!tpu.dma_semaphore, #tpu.memory_space<semaphore_mem>>
      %dma_start3A_165 = arith.constant 0 : i32
      %dma_start3A_166 = tpu.memref_slice %arg12[%add3A_159, %dma_start3A_165] : memref<10240x128xf32, #tpu.memory_space<vmem_shared>> -> memref<64x128xf32, #tpu.memory_space<vmem_shared>>
      %dma_start3A_167 = arith.constant 0 : i32
      %dma_start3A_168 = tpu.memref_slice %arg12[%add3A_159, %dma_start3A_167] : memref<10240x128xf32, #tpu.memory_space<vmem_shared>> -> memref<64x128xf32, #tpu.memory_space<vmem_shared>>
      tpu.enqueue_dma source(%dma_start3A_168 : memref<64x128xf32, #tpu.memory_space<vmem_shared>>) target(%arg9 : memref<64x128xf32, #tpu.memory_space<vmem>>) target_semaphore(%run_scoped3A : memref<!tpu.dma_semaphore, #tpu.memory_space<semaphore_mem>>)
      %dma_wait3A_169 = arith.constant 0 : i32
      %dma_wait3A_170 = tpu.memref_slice %arg12[%add3A_159, %dma_wait3A_169] : memref<10240x128xf32, #tpu.memory_space<vmem_shared>> -> memref<64x128xf32, #tpu.memory_space<vmem_shared>>
      %dma_wait3A_171 = arith.constant 0 : i32
      %dma_wait3A_172 = tpu.memref_slice %arg12[%add3A_159, %dma_wait3A_171] : memref<10240x128xf32, #tpu.memory_space<vmem_shared>> -> memref<64x128xf32, #tpu.memory_space<vmem_shared>>
      tpu.wait_dma2 semaphore(%run_scoped3A : memref<!tpu.dma_semaphore, #tpu.memory_space<semaphore_mem>>) src(%dma_wait3A_172 : memref<64x128xf32, #tpu.memory_space<vmem_shared>>) dst(%arg9 : memref<64x128xf32, #tpu.memory_space<vmem>>)
      tpu.yield
    }) : () -> ()
    %mul3A_160 = arith.constant 10240 : i32
    %mul3A_161 = arith.muli %arg0, %mul3A_160 : i32
    %add3A_162 = arith.addi %mul3A_161, %mul3A_2 : i32
    %add3A_163 = arith.constant 576 : i32
    %add3A_164 = arith.addi %add3A_162, %add3A_163 : i32
    "tpu.region"() ({
      %run_scoped3A = tpu.sem_alloc : memref<!tpu.dma_semaphore, #tpu.memory_space<semaphore_mem>>
      %dma_start3A_165 = arith.constant 0 : i32
      %dma_start3A_166 = tpu.memref_slice %arg6[%add3A_164, %dma_start3A_165] : memref<20480x128xf32, #tpu.memory_space<hbm>> -> memref<64x128xf32, #tpu.memory_space<hbm>>
      %dma_start3A_167 = arith.constant 0 : i32
      %dma_start3A_168 = tpu.memref_slice %arg6[%add3A_164, %dma_start3A_167] : memref<20480x128xf32, #tpu.memory_space<hbm>> -> memref<64x128xf32, #tpu.memory_space<hbm>>
      tpu.enqueue_dma source(%arg9 : memref<64x128xf32, #tpu.memory_space<vmem>>) target(%dma_start3A_168 : memref<64x128xf32, #tpu.memory_space<hbm>>) target_semaphore(%run_scoped3A : memref<!tpu.dma_semaphore, #tpu.memory_space<semaphore_mem>>)
      %dma_wait3A_169 = arith.constant 0 : i32
      %dma_wait3A_170 = tpu.memref_slice %arg6[%add3A_164, %dma_wait3A_169] : memref<20480x128xf32, #tpu.memory_space<hbm>> -> memref<64x128xf32, #tpu.memory_space<hbm>>
      %dma_wait3A_171 = arith.constant 0 : i32
      %dma_wait3A_172 = tpu.memref_slice %arg6[%add3A_164, %dma_wait3A_171] : memref<20480x128xf32, #tpu.memory_space<hbm>> -> memref<64x128xf32, #tpu.memory_space<hbm>>
      tpu.wait_dma2 semaphore(%run_scoped3A : memref<!tpu.dma_semaphore, #tpu.memory_space<semaphore_mem>>) src(%arg9 : memref<64x128xf32, #tpu.memory_space<vmem>>) dst(%dma_wait3A_172 : memref<64x128xf32, #tpu.memory_space<hbm>>)
      tpu.yield
    }) : () -> ()
    return
  }
}

#map = affine_map<(d0, d1) -> (0, 0)>
module attributes {stable_mosaic.version = 14 : i64} {
  func.func @agg_kernel(%arg0: i32, %arg1: i32, %arg2: memref<2560x64xi32, #tpu.memory_space<hbm>>, %arg3: memref<2560x64xi32, #tpu.memory_space<hbm>>, %arg4: memref<10240x128xf32, #tpu.memory_space<hbm>>, %arg5: memref<64x128xf32, #tpu.memory_space<hbm>>, %arg6: memref<20480x128xf32, #tpu.memory_space<hbm>>, %arg7: memref<80x64xi32, #tpu.memory_space<vmem>>, %arg8: memref<80x64xi32, #tpu.memory_space<vmem>>, %arg9: memref<64x128xf32, #tpu.memory_space<vmem>>, %arg10: memref<64x128xf32, #tpu.memory_space<vmem>>, %arg11: memref<64x128xf32, #tpu.memory_space<vmem>>, %arg12: memref<10240x128xf32, #tpu.memory_space<vmem_shared>>, %arg13: memref<!tpu.dma_semaphore, #tpu.memory_space<semaphore_mem>>, %arg14: memref<!tpu.dma_semaphore, #tpu.memory_space<semaphore_mem>>, %arg15: memref<!tpu.dma_semaphore, #tpu.memory_space<semaphore_mem>>, %arg16: memref<!tpu.dma_semaphore, #tpu.memory_space<semaphore_mem>>, %arg17: memref<!tpu.dma_semaphore, #tpu.memory_space<semaphore_mem>>, %arg18: memref<!tpu.dma_semaphore, #tpu.memory_space<semaphore_mem>>) attributes {dimension_semantics = [#tpu.dimension_semantics<core_parallel>, #tpu.dimension_semantics<subcore_parallel>], iteration_bounds = array<i64: 2, 16>, scalar_prefetch = 0 : i64, scratch_operands = 12 : i64, tpu.core_type = #tpu.core_type<sc_vector_subcore>, window_params = [{transform_indices = #map}, {transform_indices = #map}, {transform_indices = #map}, {transform_indices = #map}, {transform_indices = #map}]} {
    %mul3A = arith.constant 2 : i32
    %mul3A_0 = arith.muli %arg1, %mul3A : i32
    %add3A = arith.addi %mul3A_0, %arg0 : i32
    %mul3A_1 = arith.constant 640 : i32
    %mul3A_2 = arith.muli %arg1, %mul3A_1 : i32
    %mul3A_3 = arith.constant 80 : i32
    %mul3A_4 = arith.muli %add3A, %mul3A_3 : i32
    "tpu.region"() ({
      %run_scoped3A = tpu.sem_alloc : memref<!tpu.dma_semaphore, #tpu.memory_space<semaphore_mem>>
      %dma_start3A_165 = arith.constant 0 : i32
      %dma_start3A_166 = tpu.memref_slice %arg2[%mul3A_4, %dma_start3A_165] : memref<2560x64xi32, #tpu.memory_space<hbm>> -> memref<80x64xi32, #tpu.memory_space<hbm>>
      %dma_start3A_167 = arith.constant 0 : i32
      %dma_start3A_168 = tpu.memref_slice %arg2[%mul3A_4, %dma_start3A_167] : memref<2560x64xi32, #tpu.memory_space<hbm>> -> memref<80x64xi32, #tpu.memory_space<hbm>>
      tpu.enqueue_dma source(%dma_start3A_168 : memref<80x64xi32, #tpu.memory_space<hbm>>) target(%arg7 : memref<80x64xi32, #tpu.memory_space<vmem>>) target_semaphore(%run_scoped3A : memref<!tpu.dma_semaphore, #tpu.memory_space<semaphore_mem>>)
      %dma_wait3A_169 = arith.constant 0 : i32
      %dma_wait3A_170 = tpu.memref_slice %arg2[%mul3A_4, %dma_wait3A_169] : memref<2560x64xi32, #tpu.memory_space<hbm>> -> memref<80x64xi32, #tpu.memory_space<hbm>>
      %dma_wait3A_171 = arith.constant 0 : i32
      %dma_wait3A_172 = tpu.memref_slice %arg2[%mul3A_4, %dma_wait3A_171] : memref<2560x64xi32, #tpu.memory_space<hbm>> -> memref<80x64xi32, #tpu.memory_space<hbm>>
      tpu.wait_dma2 semaphore(%run_scoped3A : memref<!tpu.dma_semaphore, #tpu.memory_space<semaphore_mem>>) src(%dma_wait3A_172 : memref<80x64xi32, #tpu.memory_space<hbm>>) dst(%arg7 : memref<80x64xi32, #tpu.memory_space<vmem>>)
      tpu.yield
    }) : () -> ()
    %mul3A_5 = arith.constant 80 : i32
    %mul3A_6 = arith.muli %add3A, %mul3A_5 : i32
    "tpu.region"() ({
      %run_scoped3A = tpu.sem_alloc : memref<!tpu.dma_semaphore, #tpu.memory_space<semaphore_mem>>
      %dma_start3A_165 = arith.constant 0 : i32
      %dma_start3A_166 = tpu.memref_slice %arg3[%mul3A_6, %dma_start3A_165] : memref<2560x64xi32, #tpu.memory_space<hbm>> -> memref<80x64xi32, #tpu.memory_space<hbm>>
      %dma_start3A_167 = arith.constant 0 : i32
      %dma_start3A_168 = tpu.memref_slice %arg3[%mul3A_6, %dma_start3A_167] : memref<2560x64xi32, #tpu.memory_space<hbm>> -> memref<80x64xi32, #tpu.memory_space<hbm>>
      tpu.enqueue_dma source(%dma_start3A_168 : memref<80x64xi32, #tpu.memory_space<hbm>>) target(%arg8 : memref<80x64xi32, #tpu.memory_space<vmem>>) target_semaphore(%run_scoped3A : memref<!tpu.dma_semaphore, #tpu.memory_space<semaphore_mem>>)
      %dma_wait3A_169 = arith.constant 0 : i32
      %dma_wait3A_170 = tpu.memref_slice %arg3[%mul3A_6, %dma_wait3A_169] : memref<2560x64xi32, #tpu.memory_space<hbm>> -> memref<80x64xi32, #tpu.memory_space<hbm>>
      %dma_wait3A_171 = arith.constant 0 : i32
      %dma_wait3A_172 = tpu.memref_slice %arg3[%mul3A_6, %dma_wait3A_171] : memref<2560x64xi32, #tpu.memory_space<hbm>> -> memref<80x64xi32, #tpu.memory_space<hbm>>
      tpu.wait_dma2 semaphore(%run_scoped3A : memref<!tpu.dma_semaphore, #tpu.memory_space<semaphore_mem>>) src(%dma_wait3A_172 : memref<80x64xi32, #tpu.memory_space<hbm>>) dst(%arg8 : memref<80x64xi32, #tpu.memory_space<vmem>>)
      tpu.yield
    }) : () -> ()
    "tpu.region"() ({
      %run_scoped3A = tpu.sem_alloc : memref<!tpu.dma_semaphore, #tpu.memory_space<semaphore_mem>>
      tpu.enqueue_dma source(%arg5 : memref<64x128xf32, #tpu.memory_space<hbm>>) target(%arg9 : memref<64x128xf32, #tpu.memory_space<vmem>>) target_semaphore(%run_scoped3A : memref<!tpu.dma_semaphore, #tpu.memory_space<semaphore_mem>>)
      tpu.wait_dma2 semaphore(%run_scoped3A : memref<!tpu.dma_semaphore, #tpu.memory_space<semaphore_mem>>) src(%arg5 : memref<64x128xf32, #tpu.memory_space<hbm>>) dst(%arg9 : memref<64x128xf32, #tpu.memory_space<vmem>>)
      tpu.yield
    }) : () -> ()
    %add3A_7 = arith.constant 0 : i32
    %add3A_8 = arith.addi %mul3A_2, %add3A_7 : i32
    "tpu.region"() ({
      %run_scoped3A = tpu.sem_alloc : memref<!tpu.dma_semaphore, #tpu.memory_space<semaphore_mem>>
      %dma_start3A_165 = arith.constant 0 : i32
      %dma_start3A_166 = tpu.memref_slice %arg12[%add3A_8, %dma_start3A_165] : memref<10240x128xf32, #tpu.memory_space<vmem_shared>> -> memref<64x128xf32, #tpu.memory_space<vmem_shared>>
      %dma_start3A_167 = arith.constant 0 : i32
      %dma_start3A_168 = tpu.memref_slice %arg12[%add3A_8, %dma_start3A_167] : memref<10240x128xf32, #tpu.memory_space<vmem_shared>> -> memref<64x128xf32, #tpu.memory_space<vmem_shared>>
      tpu.enqueue_dma source(%arg9 : memref<64x128xf32, #tpu.memory_space<vmem>>) target(%dma_start3A_168 : memref<64x128xf32, #tpu.memory_space<vmem_shared>>) target_semaphore(%run_scoped3A : memref<!tpu.dma_semaphore, #tpu.memory_space<semaphore_mem>>)
      %dma_wait3A_169 = arith.constant 0 : i32
      %dma_wait3A_170 = tpu.memref_slice %arg12[%add3A_8, %dma_wait3A_169] : memref<10240x128xf32, #tpu.memory_space<vmem_shared>> -> memref<64x128xf32, #tpu.memory_space<vmem_shared>>
      %dma_wait3A_171 = arith.constant 0 : i32
      %dma_wait3A_172 = tpu.memref_slice %arg12[%add3A_8, %dma_wait3A_171] : memref<10240x128xf32, #tpu.memory_space<vmem_shared>> -> memref<64x128xf32, #tpu.memory_space<vmem_shared>>
      tpu.wait_dma2 semaphore(%run_scoped3A : memref<!tpu.dma_semaphore, #tpu.memory_space<semaphore_mem>>) src(%arg9 : memref<64x128xf32, #tpu.memory_space<vmem>>) dst(%dma_wait3A_172 : memref<64x128xf32, #tpu.memory_space<vmem_shared>>)
      tpu.yield
    }) : () -> ()
    %add3A_9 = arith.constant 64 : i32
    %add3A_10 = arith.addi %mul3A_2, %add3A_9 : i32
    "tpu.region"() ({
      %run_scoped3A = tpu.sem_alloc : memref<!tpu.dma_semaphore, #tpu.memory_space<semaphore_mem>>
      %dma_start3A_165 = arith.constant 0 : i32
      %dma_start3A_166 = tpu.memref_slice %arg12[%add3A_10, %dma_start3A_165] : memref<10240x128xf32, #tpu.memory_space<vmem_shared>> -> memref<64x128xf32, #tpu.memory_space<vmem_shared>>
      %dma_start3A_167 = arith.constant 0 : i32
      %dma_start3A_168 = tpu.memref_slice %arg12[%add3A_10, %dma_start3A_167] : memref<10240x128xf32, #tpu.memory_space<vmem_shared>> -> memref<64x128xf32, #tpu.memory_space<vmem_shared>>
      tpu.enqueue_dma source(%arg9 : memref<64x128xf32, #tpu.memory_space<vmem>>) target(%dma_start3A_168 : memref<64x128xf32, #tpu.memory_space<vmem_shared>>) target_semaphore(%run_scoped3A : memref<!tpu.dma_semaphore, #tpu.memory_space<semaphore_mem>>)
      %dma_wait3A_169 = arith.constant 0 : i32
      %dma_wait3A_170 = tpu.memref_slice %arg12[%add3A_10, %dma_wait3A_169] : memref<10240x128xf32, #tpu.memory_space<vmem_shared>> -> memref<64x128xf32, #tpu.memory_space<vmem_shared>>
      %dma_wait3A_171 = arith.constant 0 : i32
      %dma_wait3A_172 = tpu.memref_slice %arg12[%add3A_10, %dma_wait3A_171] : memref<10240x128xf32, #tpu.memory_space<vmem_shared>> -> memref<64x128xf32, #tpu.memory_space<vmem_shared>>
      tpu.wait_dma2 semaphore(%run_scoped3A : memref<!tpu.dma_semaphore, #tpu.memory_space<semaphore_mem>>) src(%arg9 : memref<64x128xf32, #tpu.memory_space<vmem>>) dst(%dma_wait3A_172 : memref<64x128xf32, #tpu.memory_space<vmem_shared>>)
      tpu.yield
    }) : () -> ()
    %add3A_11 = arith.constant 128 : i32
    %add3A_12 = arith.addi %mul3A_2, %add3A_11 : i32
    "tpu.region"() ({
      %run_scoped3A = tpu.sem_alloc : memref<!tpu.dma_semaphore, #tpu.memory_space<semaphore_mem>>
      %dma_start3A_165 = arith.constant 0 : i32
      %dma_start3A_166 = tpu.memref_slice %arg12[%add3A_12, %dma_start3A_165] : memref<10240x128xf32, #tpu.memory_space<vmem_shared>> -> memref<64x128xf32, #tpu.memory_space<vmem_shared>>
      %dma_start3A_167 = arith.constant 0 : i32
      %dma_start3A_168 = tpu.memref_slice %arg12[%add3A_12, %dma_start3A_167] : memref<10240x128xf32, #tpu.memory_space<vmem_shared>> -> memref<64x128xf32, #tpu.memory_space<vmem_shared>>
      tpu.enqueue_dma source(%arg9 : memref<64x128xf32, #tpu.memory_space<vmem>>) target(%dma_start3A_168 : memref<64x128xf32, #tpu.memory_space<vmem_shared>>) target_semaphore(%run_scoped3A : memref<!tpu.dma_semaphore, #tpu.memory_space<semaphore_mem>>)
      %dma_wait3A_169 = arith.constant 0 : i32
      %dma_wait3A_170 = tpu.memref_slice %arg12[%add3A_12, %dma_wait3A_169] : memref<10240x128xf32, #tpu.memory_space<vmem_shared>> -> memref<64x128xf32, #tpu.memory_space<vmem_shared>>
      %dma_wait3A_171 = arith.constant 0 : i32
      %dma_wait3A_172 = tpu.memref_slice %arg12[%add3A_12, %dma_wait3A_171] : memref<10240x128xf32, #tpu.memory_space<vmem_shared>> -> memref<64x128xf32, #tpu.memory_space<vmem_shared>>
      tpu.wait_dma2 semaphore(%run_scoped3A : memref<!tpu.dma_semaphore, #tpu.memory_space<semaphore_mem>>) src(%arg9 : memref<64x128xf32, #tpu.memory_space<vmem>>) dst(%dma_wait3A_172 : memref<64x128xf32, #tpu.memory_space<vmem_shared>>)
      tpu.yield
    }) : () -> ()
    %add3A_13 = arith.constant 192 : i32
    %add3A_14 = arith.addi %mul3A_2, %add3A_13 : i32
    "tpu.region"() ({
      %run_scoped3A = tpu.sem_alloc : memref<!tpu.dma_semaphore, #tpu.memory_space<semaphore_mem>>
      %dma_start3A_165 = arith.constant 0 : i32
      %dma_start3A_166 = tpu.memref_slice %arg12[%add3A_14, %dma_start3A_165] : memref<10240x128xf32, #tpu.memory_space<vmem_shared>> -> memref<64x128xf32, #tpu.memory_space<vmem_shared>>
      %dma_start3A_167 = arith.constant 0 : i32
      %dma_start3A_168 = tpu.memref_slice %arg12[%add3A_14, %dma_start3A_167] : memref<10240x128xf32, #tpu.memory_space<vmem_shared>> -> memref<64x128xf32, #tpu.memory_space<vmem_shared>>
      tpu.enqueue_dma source(%arg9 : memref<64x128xf32, #tpu.memory_space<vmem>>) target(%dma_start3A_168 : memref<64x128xf32, #tpu.memory_space<vmem_shared>>) target_semaphore(%run_scoped3A : memref<!tpu.dma_semaphore, #tpu.memory_space<semaphore_mem>>)
      %dma_wait3A_169 = arith.constant 0 : i32
      %dma_wait3A_170 = tpu.memref_slice %arg12[%add3A_14, %dma_wait3A_169] : memref<10240x128xf32, #tpu.memory_space<vmem_shared>> -> memref<64x128xf32, #tpu.memory_space<vmem_shared>>
      %dma_wait3A_171 = arith.constant 0 : i32
      %dma_wait3A_172 = tpu.memref_slice %arg12[%add3A_14, %dma_wait3A_171] : memref<10240x128xf32, #tpu.memory_space<vmem_shared>> -> memref<64x128xf32, #tpu.memory_space<vmem_shared>>
      tpu.wait_dma2 semaphore(%run_scoped3A : memref<!tpu.dma_semaphore, #tpu.memory_space<semaphore_mem>>) src(%arg9 : memref<64x128xf32, #tpu.memory_space<vmem>>) dst(%dma_wait3A_172 : memref<64x128xf32, #tpu.memory_space<vmem_shared>>)
      tpu.yield
    }) : () -> ()
    %add3A_15 = arith.constant 256 : i32
    %add3A_16 = arith.addi %mul3A_2, %add3A_15 : i32
    "tpu.region"() ({
      %run_scoped3A = tpu.sem_alloc : memref<!tpu.dma_semaphore, #tpu.memory_space<semaphore_mem>>
      %dma_start3A_165 = arith.constant 0 : i32
      %dma_start3A_166 = tpu.memref_slice %arg12[%add3A_16, %dma_start3A_165] : memref<10240x128xf32, #tpu.memory_space<vmem_shared>> -> memref<64x128xf32, #tpu.memory_space<vmem_shared>>
      %dma_start3A_167 = arith.constant 0 : i32
      %dma_start3A_168 = tpu.memref_slice %arg12[%add3A_16, %dma_start3A_167] : memref<10240x128xf32, #tpu.memory_space<vmem_shared>> -> memref<64x128xf32, #tpu.memory_space<vmem_shared>>
      tpu.enqueue_dma source(%arg9 : memref<64x128xf32, #tpu.memory_space<vmem>>) target(%dma_start3A_168 : memref<64x128xf32, #tpu.memory_space<vmem_shared>>) target_semaphore(%run_scoped3A : memref<!tpu.dma_semaphore, #tpu.memory_space<semaphore_mem>>)
      %dma_wait3A_169 = arith.constant 0 : i32
      %dma_wait3A_170 = tpu.memref_slice %arg12[%add3A_16, %dma_wait3A_169] : memref<10240x128xf32, #tpu.memory_space<vmem_shared>> -> memref<64x128xf32, #tpu.memory_space<vmem_shared>>
      %dma_wait3A_171 = arith.constant 0 : i32
      %dma_wait3A_172 = tpu.memref_slice %arg12[%add3A_16, %dma_wait3A_171] : memref<10240x128xf32, #tpu.memory_space<vmem_shared>> -> memref<64x128xf32, #tpu.memory_space<vmem_shared>>
      tpu.wait_dma2 semaphore(%run_scoped3A : memref<!tpu.dma_semaphore, #tpu.memory_space<semaphore_mem>>) src(%arg9 : memref<64x128xf32, #tpu.memory_space<vmem>>) dst(%dma_wait3A_172 : memref<64x128xf32, #tpu.memory_space<vmem_shared>>)
      tpu.yield
    }) : () -> ()
    %add3A_17 = arith.constant 320 : i32
    %add3A_18 = arith.addi %mul3A_2, %add3A_17 : i32
    "tpu.region"() ({
      %run_scoped3A = tpu.sem_alloc : memref<!tpu.dma_semaphore, #tpu.memory_space<semaphore_mem>>
      %dma_start3A_165 = arith.constant 0 : i32
      %dma_start3A_166 = tpu.memref_slice %arg12[%add3A_18, %dma_start3A_165] : memref<10240x128xf32, #tpu.memory_space<vmem_shared>> -> memref<64x128xf32, #tpu.memory_space<vmem_shared>>
      %dma_start3A_167 = arith.constant 0 : i32
      %dma_start3A_168 = tpu.memref_slice %arg12[%add3A_18, %dma_start3A_167] : memref<10240x128xf32, #tpu.memory_space<vmem_shared>> -> memref<64x128xf32, #tpu.memory_space<vmem_shared>>
      tpu.enqueue_dma source(%arg9 : memref<64x128xf32, #tpu.memory_space<vmem>>) target(%dma_start3A_168 : memref<64x128xf32, #tpu.memory_space<vmem_shared>>) target_semaphore(%run_scoped3A : memref<!tpu.dma_semaphore, #tpu.memory_space<semaphore_mem>>)
      %dma_wait3A_169 = arith.constant 0 : i32
      %dma_wait3A_170 = tpu.memref_slice %arg12[%add3A_18, %dma_wait3A_169] : memref<10240x128xf32, #tpu.memory_space<vmem_shared>> -> memref<64x128xf32, #tpu.memory_space<vmem_shared>>
      %dma_wait3A_171 = arith.constant 0 : i32
      %dma_wait3A_172 = tpu.memref_slice %arg12[%add3A_18, %dma_wait3A_171] : memref<10240x128xf32, #tpu.memory_space<vmem_shared>> -> memref<64x128xf32, #tpu.memory_space<vmem_shared>>
      tpu.wait_dma2 semaphore(%run_scoped3A : memref<!tpu.dma_semaphore, #tpu.memory_space<semaphore_mem>>) src(%arg9 : memref<64x128xf32, #tpu.memory_space<vmem>>) dst(%dma_wait3A_172 : memref<64x128xf32, #tpu.memory_space<vmem_shared>>)
      tpu.yield
    }) : () -> ()
    %add3A_19 = arith.constant 384 : i32
    %add3A_20 = arith.addi %mul3A_2, %add3A_19 : i32
    "tpu.region"() ({
      %run_scoped3A = tpu.sem_alloc : memref<!tpu.dma_semaphore, #tpu.memory_space<semaphore_mem>>
      %dma_start3A_165 = arith.constant 0 : i32
      %dma_start3A_166 = tpu.memref_slice %arg12[%add3A_20, %dma_start3A_165] : memref<10240x128xf32, #tpu.memory_space<vmem_shared>> -> memref<64x128xf32, #tpu.memory_space<vmem_shared>>
      %dma_start3A_167 = arith.constant 0 : i32
      %dma_start3A_168 = tpu.memref_slice %arg12[%add3A_20, %dma_start3A_167] : memref<10240x128xf32, #tpu.memory_space<vmem_shared>> -> memref<64x128xf32, #tpu.memory_space<vmem_shared>>
      tpu.enqueue_dma source(%arg9 : memref<64x128xf32, #tpu.memory_space<vmem>>) target(%dma_start3A_168 : memref<64x128xf32, #tpu.memory_space<vmem_shared>>) target_semaphore(%run_scoped3A : memref<!tpu.dma_semaphore, #tpu.memory_space<semaphore_mem>>)
      %dma_wait3A_169 = arith.constant 0 : i32
      %dma_wait3A_170 = tpu.memref_slice %arg12[%add3A_20, %dma_wait3A_169] : memref<10240x128xf32, #tpu.memory_space<vmem_shared>> -> memref<64x128xf32, #tpu.memory_space<vmem_shared>>
      %dma_wait3A_171 = arith.constant 0 : i32
      %dma_wait3A_172 = tpu.memref_slice %arg12[%add3A_20, %dma_wait3A_171] : memref<10240x128xf32, #tpu.memory_space<vmem_shared>> -> memref<64x128xf32, #tpu.memory_space<vmem_shared>>
      tpu.wait_dma2 semaphore(%run_scoped3A : memref<!tpu.dma_semaphore, #tpu.memory_space<semaphore_mem>>) src(%arg9 : memref<64x128xf32, #tpu.memory_space<vmem>>) dst(%dma_wait3A_172 : memref<64x128xf32, #tpu.memory_space<vmem_shared>>)
      tpu.yield
    }) : () -> ()
    %add3A_21 = arith.constant 448 : i32
    %add3A_22 = arith.addi %mul3A_2, %add3A_21 : i32
    "tpu.region"() ({
      %run_scoped3A = tpu.sem_alloc : memref<!tpu.dma_semaphore, #tpu.memory_space<semaphore_mem>>
      %dma_start3A_165 = arith.constant 0 : i32
      %dma_start3A_166 = tpu.memref_slice %arg12[%add3A_22, %dma_start3A_165] : memref<10240x128xf32, #tpu.memory_space<vmem_shared>> -> memref<64x128xf32, #tpu.memory_space<vmem_shared>>
      %dma_start3A_167 = arith.constant 0 : i32
      %dma_start3A_168 = tpu.memref_slice %arg12[%add3A_22, %dma_start3A_167] : memref<10240x128xf32, #tpu.memory_space<vmem_shared>> -> memref<64x128xf32, #tpu.memory_space<vmem_shared>>
      tpu.enqueue_dma source(%arg9 : memref<64x128xf32, #tpu.memory_space<vmem>>) target(%dma_start3A_168 : memref<64x128xf32, #tpu.memory_space<vmem_shared>>) target_semaphore(%run_scoped3A : memref<!tpu.dma_semaphore, #tpu.memory_space<semaphore_mem>>)
      %dma_wait3A_169 = arith.constant 0 : i32
      %dma_wait3A_170 = tpu.memref_slice %arg12[%add3A_22, %dma_wait3A_169] : memref<10240x128xf32, #tpu.memory_space<vmem_shared>> -> memref<64x128xf32, #tpu.memory_space<vmem_shared>>
      %dma_wait3A_171 = arith.constant 0 : i32
      %dma_wait3A_172 = tpu.memref_slice %arg12[%add3A_22, %dma_wait3A_171] : memref<10240x128xf32, #tpu.memory_space<vmem_shared>> -> memref<64x128xf32, #tpu.memory_space<vmem_shared>>
      tpu.wait_dma2 semaphore(%run_scoped3A : memref<!tpu.dma_semaphore, #tpu.memory_space<semaphore_mem>>) src(%arg9 : memref<64x128xf32, #tpu.memory_space<vmem>>) dst(%dma_wait3A_172 : memref<64x128xf32, #tpu.memory_space<vmem_shared>>)
      tpu.yield
    }) : () -> ()
    %add3A_23 = arith.constant 512 : i32
    %add3A_24 = arith.addi %mul3A_2, %add3A_23 : i32
    "tpu.region"() ({
      %run_scoped3A = tpu.sem_alloc : memref<!tpu.dma_semaphore, #tpu.memory_space<semaphore_mem>>
      %dma_start3A_165 = arith.constant 0 : i32
      %dma_start3A_166 = tpu.memref_slice %arg12[%add3A_24, %dma_start3A_165] : memref<10240x128xf32, #tpu.memory_space<vmem_shared>> -> memref<64x128xf32, #tpu.memory_space<vmem_shared>>
      %dma_start3A_167 = arith.constant 0 : i32
      %dma_start3A_168 = tpu.memref_slice %arg12[%add3A_24, %dma_start3A_167] : memref<10240x128xf32, #tpu.memory_space<vmem_shared>> -> memref<64x128xf32, #tpu.memory_space<vmem_shared>>
      tpu.enqueue_dma source(%arg9 : memref<64x128xf32, #tpu.memory_space<vmem>>) target(%dma_start3A_168 : memref<64x128xf32, #tpu.memory_space<vmem_shared>>) target_semaphore(%run_scoped3A : memref<!tpu.dma_semaphore, #tpu.memory_space<semaphore_mem>>)
      %dma_wait3A_169 = arith.constant 0 : i32
      %dma_wait3A_170 = tpu.memref_slice %arg12[%add3A_24, %dma_wait3A_169] : memref<10240x128xf32, #tpu.memory_space<vmem_shared>> -> memref<64x128xf32, #tpu.memory_space<vmem_shared>>
      %dma_wait3A_171 = arith.constant 0 : i32
      %dma_wait3A_172 = tpu.memref_slice %arg12[%add3A_24, %dma_wait3A_171] : memref<10240x128xf32, #tpu.memory_space<vmem_shared>> -> memref<64x128xf32, #tpu.memory_space<vmem_shared>>
      tpu.wait_dma2 semaphore(%run_scoped3A : memref<!tpu.dma_semaphore, #tpu.memory_space<semaphore_mem>>) src(%arg9 : memref<64x128xf32, #tpu.memory_space<vmem>>) dst(%dma_wait3A_172 : memref<64x128xf32, #tpu.memory_space<vmem_shared>>)
      tpu.yield
    }) : () -> ()
    %add3A_25 = arith.constant 576 : i32
    %add3A_26 = arith.addi %mul3A_2, %add3A_25 : i32
    "tpu.region"() ({
      %run_scoped3A = tpu.sem_alloc : memref<!tpu.dma_semaphore, #tpu.memory_space<semaphore_mem>>
      %dma_start3A_165 = arith.constant 0 : i32
      %dma_start3A_166 = tpu.memref_slice %arg12[%add3A_26, %dma_start3A_165] : memref<10240x128xf32, #tpu.memory_space<vmem_shared>> -> memref<64x128xf32, #tpu.memory_space<vmem_shared>>
      %dma_start3A_167 = arith.constant 0 : i32
      %dma_start3A_168 = tpu.memref_slice %arg12[%add3A_26, %dma_start3A_167] : memref<10240x128xf32, #tpu.memory_space<vmem_shared>> -> memref<64x128xf32, #tpu.memory_space<vmem_shared>>
      tpu.enqueue_dma source(%arg9 : memref<64x128xf32, #tpu.memory_space<vmem>>) target(%dma_start3A_168 : memref<64x128xf32, #tpu.memory_space<vmem_shared>>) target_semaphore(%run_scoped3A : memref<!tpu.dma_semaphore, #tpu.memory_space<semaphore_mem>>)
      %dma_wait3A_169 = arith.constant 0 : i32
      %dma_wait3A_170 = tpu.memref_slice %arg12[%add3A_26, %dma_wait3A_169] : memref<10240x128xf32, #tpu.memory_space<vmem_shared>> -> memref<64x128xf32, #tpu.memory_space<vmem_shared>>
      %dma_wait3A_171 = arith.constant 0 : i32
      %dma_wait3A_172 = tpu.memref_slice %arg12[%add3A_26, %dma_wait3A_171] : memref<10240x128xf32, #tpu.memory_space<vmem_shared>> -> memref<64x128xf32, #tpu.memory_space<vmem_shared>>
      tpu.wait_dma2 semaphore(%run_scoped3A : memref<!tpu.dma_semaphore, #tpu.memory_space<semaphore_mem>>) src(%arg9 : memref<64x128xf32, #tpu.memory_space<vmem>>) dst(%dma_wait3A_172 : memref<64x128xf32, #tpu.memory_space<vmem_shared>>)
      tpu.yield
    }) : () -> ()
    %barrier3A = arith.constant 0 : index
    tpu.barrier barrier_id(%barrier3A)
    %dma_start3A = arith.constant 0 : i32
    %dma_start3A_27 = arith.constant 0 : i32
    %dma_start3A_28 = tpu.memref_slice %arg7[%dma_start3A, %dma_start3A_27] : memref<80x64xi32, #tpu.memory_space<vmem>> -> memref<1x64xi32, #tpu.memory_space<vmem>>
    %dma_start3A_29 = tpu.memref_squeeze %dma_start3A_28 : memref<1x64xi32, #tpu.memory_space<vmem>> -> memref<64xi32, #tpu.memory_space<vmem>>
    %dma_start3A_30 = arith.constant 0 : i32
    %dma_start3A_31 = arith.constant 0 : i32
    %dma_start3A_32 = tpu.memref_slice %arg4[%dma_start3A_30, %dma_start3A_31] : memref<10240x128xf32, #tpu.memory_space<hbm>> -> memref<10240x128xf32, #tpu.memory_space<hbm>>
    tpu.enqueue_indirect_dma source(%dma_start3A_32 : memref<10240x128xf32, #tpu.memory_space<hbm>>) target(%arg9 : memref<64x128xf32, #tpu.memory_space<vmem>>) offsets(%dma_start3A_29 : memref<64xi32, #tpu.memory_space<vmem>>) semaphore(%arg13 : memref<!tpu.dma_semaphore, #tpu.memory_space<semaphore_mem>>)
    %dma_start3A_33 = arith.constant 1 : i32
    %dma_start3A_34 = arith.constant 0 : i32
    %dma_start3A_35 = tpu.memref_slice %arg7[%dma_start3A_33, %dma_start3A_34] : memref<80x64xi32, #tpu.memory_space<vmem>> -> memref<1x64xi32, #tpu.memory_space<vmem>>
    %dma_start3A_36 = tpu.memref_squeeze %dma_start3A_35 : memref<1x64xi32, #tpu.memory_space<vmem>> -> memref<64xi32, #tpu.memory_space<vmem>>
    %dma_start3A_37 = arith.constant 0 : i32
    %dma_start3A_38 = arith.constant 0 : i32
    %dma_start3A_39 = tpu.memref_slice %arg4[%dma_start3A_37, %dma_start3A_38] : memref<10240x128xf32, #tpu.memory_space<hbm>> -> memref<10240x128xf32, #tpu.memory_space<hbm>>
    tpu.enqueue_indirect_dma source(%dma_start3A_39 : memref<10240x128xf32, #tpu.memory_space<hbm>>) target(%arg10 : memref<64x128xf32, #tpu.memory_space<vmem>>) offsets(%dma_start3A_36 : memref<64xi32, #tpu.memory_space<vmem>>) semaphore(%arg14 : memref<!tpu.dma_semaphore, #tpu.memory_space<semaphore_mem>>)
    %scan3A = arith.constant 0 : i32
    %scan3A_40 = arith.constant 0 : i32
    %scan3A_41 = arith.constant 26 : i32
    %scan3A_42 = arith.addi %scan3A_40, %scan3A_41 : i32
    %scan3A_43 = arith.constant 1 : i32
    %scan3A_44 = scf.for %scan3A_165 = %scan3A_40 to %scan3A_42 step %scan3A_43 iter_args(%scan3A_166 = %scan3A) -> (i32)  : i32 {
      %mul3A_167 = arith.constant 3 : i32
      %mul3A_168 = arith.muli %mul3A_167, %scan3A_165 : i32
      %add3A_169 = arith.constant 0 : i32
      %add3A_170 = arith.addi %mul3A_168, %add3A_169 : i32
      %dma_wait3A_171 = arith.constant 0 : i32
      %dma_wait3A_172 = arith.constant 0 : i32
      %dma_wait3A_173 = tpu.memref_slice %arg7[%dma_wait3A_171, %dma_wait3A_172] : memref<80x64xi32, #tpu.memory_space<vmem>> -> memref<1x64xi32, #tpu.memory_space<vmem>>
      %dma_wait3A_174 = tpu.memref_squeeze %dma_wait3A_173 : memref<1x64xi32, #tpu.memory_space<vmem>> -> memref<64xi32, #tpu.memory_space<vmem>>
      %dma_wait3A_175 = arith.constant 0 : i32
      %dma_wait3A_176 = arith.constant 0 : i32
      %dma_wait3A_177 = tpu.memref_slice %arg4[%dma_wait3A_175, %dma_wait3A_176] : memref<10240x128xf32, #tpu.memory_space<hbm>> -> memref<10240x128xf32, #tpu.memory_space<hbm>>
      tpu.wait_indirect_dma semaphore(%arg13 : memref<!tpu.dma_semaphore, #tpu.memory_space<semaphore_mem>>) src(%dma_wait3A_177 : memref<10240x128xf32, #tpu.memory_space<hbm>>) dst(%arg9 : memref<64x128xf32, #tpu.memory_space<vmem>>)
      %dma_start3A_178 = arith.constant 0 : i32
      %dma_start3A_179 = tpu.memref_slice %arg8[%add3A_170, %dma_start3A_178] : memref<80x64xi32, #tpu.memory_space<vmem>> -> memref<1x64xi32, #tpu.memory_space<vmem>>
      %dma_start3A_180 = tpu.memref_squeeze %dma_start3A_179 : memref<1x64xi32, #tpu.memory_space<vmem>> -> memref<64xi32, #tpu.memory_space<vmem>>
      %dma_start3A_181 = arith.constant 0 : i32
      %dma_start3A_182 = arith.constant 0 : i32
      %dma_start3A_183 = tpu.memref_slice %arg12[%dma_start3A_181, %dma_start3A_182] : memref<10240x128xf32, #tpu.memory_space<vmem_shared>> -> memref<10240x128xf32, #tpu.memory_space<vmem_shared>>
      tpu.enqueue_indirect_dma source(%arg9 : memref<64x128xf32, #tpu.memory_space<vmem>>) target(%dma_start3A_183 : memref<10240x128xf32, #tpu.memory_space<vmem_shared>>) offsets(%dma_start3A_180 : memref<64xi32, #tpu.memory_space<vmem>>) semaphore(%arg16 : memref<!tpu.dma_semaphore, #tpu.memory_space<semaphore_mem>>) {add = true}
      %ge3A = arith.constant 1 : i32
      %ge3A_184 = arith.cmpi sge, %add3A_170, %ge3A : i32
      %convert_element_type3A = arith.extui %ge3A_184 : i1 to i32
      %cond3A = arith.constant 0 : i32
      %cond3A_185 = arith.cmpi ne, %convert_element_type3A, %cond3A : i32
      scf.if %cond3A_185 {
        %dma_wait3A_255 = arith.constant 0 : i32
        %dma_wait3A_256 = arith.constant 0 : i32
        %dma_wait3A_257 = tpu.memref_slice %arg8[%dma_wait3A_255, %dma_wait3A_256] : memref<80x64xi32, #tpu.memory_space<vmem>> -> memref<1x64xi32, #tpu.memory_space<vmem>>
        %dma_wait3A_258 = tpu.memref_squeeze %dma_wait3A_257 : memref<1x64xi32, #tpu.memory_space<vmem>> -> memref<64xi32, #tpu.memory_space<vmem>>
        %dma_wait3A_259 = arith.constant 0 : i32
        %dma_wait3A_260 = arith.constant 0 : i32
        %dma_wait3A_261 = tpu.memref_slice %arg12[%dma_wait3A_259, %dma_wait3A_260] : memref<10240x128xf32, #tpu.memory_space<vmem_shared>> -> memref<10240x128xf32, #tpu.memory_space<vmem_shared>>
        tpu.wait_indirect_dma semaphore(%arg18 : memref<!tpu.dma_semaphore, #tpu.memory_space<semaphore_mem>>) src(%arg11 : memref<64x128xf32, #tpu.memory_space<vmem>>) dst(%dma_wait3A_261 : memref<10240x128xf32, #tpu.memory_space<vmem_shared>>)
      } else {
      }
      %add3A_186 = arith.constant 2 : i32
      %add3A_187 = arith.addi %add3A_170, %add3A_186 : i32
      %dma_start3A_188 = arith.constant 0 : i32
      %dma_start3A_189 = tpu.memref_slice %arg7[%add3A_187, %dma_start3A_188] : memref<80x64xi32, #tpu.memory_space<vmem>> -> memref<1x64xi32, #tpu.memory_space<vmem>>
      %dma_start3A_190 = tpu.memref_squeeze %dma_start3A_189 : memref<1x64xi32, #tpu.memory_space<vmem>> -> memref<64xi32, #tpu.memory_space<vmem>>
      %dma_start3A_191 = arith.constant 0 : i32
      %dma_start3A_192 = arith.constant 0 : i32
      %dma_start3A_193 = tpu.memref_slice %arg4[%dma_start3A_191, %dma_start3A_192] : memref<10240x128xf32, #tpu.memory_space<hbm>> -> memref<10240x128xf32, #tpu.memory_space<hbm>>
      tpu.enqueue_indirect_dma source(%dma_start3A_193 : memref<10240x128xf32, #tpu.memory_space<hbm>>) target(%arg11 : memref<64x128xf32, #tpu.memory_space<vmem>>) offsets(%dma_start3A_190 : memref<64xi32, #tpu.memory_space<vmem>>) semaphore(%arg15 : memref<!tpu.dma_semaphore, #tpu.memory_space<semaphore_mem>>)
      %mul3A_194 = arith.constant 3 : i32
      %mul3A_195 = arith.muli %mul3A_194, %scan3A_165 : i32
      %add3A_196 = arith.constant 1 : i32
      %add3A_197 = arith.addi %mul3A_195, %add3A_196 : i32
      %dma_wait3A_198 = arith.constant 0 : i32
      %dma_wait3A_199 = arith.constant 0 : i32
      %dma_wait3A_200 = tpu.memref_slice %arg7[%dma_wait3A_198, %dma_wait3A_199] : memref<80x64xi32, #tpu.memory_space<vmem>> -> memref<1x64xi32, #tpu.memory_space<vmem>>
      %dma_wait3A_201 = tpu.memref_squeeze %dma_wait3A_200 : memref<1x64xi32, #tpu.memory_space<vmem>> -> memref<64xi32, #tpu.memory_space<vmem>>
      %dma_wait3A_202 = arith.constant 0 : i32
      %dma_wait3A_203 = arith.constant 0 : i32
      %dma_wait3A_204 = tpu.memref_slice %arg4[%dma_wait3A_202, %dma_wait3A_203] : memref<10240x128xf32, #tpu.memory_space<hbm>> -> memref<10240x128xf32, #tpu.memory_space<hbm>>
      tpu.wait_indirect_dma semaphore(%arg14 : memref<!tpu.dma_semaphore, #tpu.memory_space<semaphore_mem>>) src(%dma_wait3A_204 : memref<10240x128xf32, #tpu.memory_space<hbm>>) dst(%arg10 : memref<64x128xf32, #tpu.memory_space<vmem>>)
      %dma_start3A_205 = arith.constant 0 : i32
      %dma_start3A_206 = tpu.memref_slice %arg8[%add3A_197, %dma_start3A_205] : memref<80x64xi32, #tpu.memory_space<vmem>> -> memref<1x64xi32, #tpu.memory_space<vmem>>
      %dma_start3A_207 = tpu.memref_squeeze %dma_start3A_206 : memref<1x64xi32, #tpu.memory_space<vmem>> -> memref<64xi32, #tpu.memory_space<vmem>>
      %dma_start3A_208 = arith.constant 0 : i32
      %dma_start3A_209 = arith.constant 0 : i32
      %dma_start3A_210 = tpu.memref_slice %arg12[%dma_start3A_208, %dma_start3A_209] : memref<10240x128xf32, #tpu.memory_space<vmem_shared>> -> memref<10240x128xf32, #tpu.memory_space<vmem_shared>>
      tpu.enqueue_indirect_dma source(%arg10 : memref<64x128xf32, #tpu.memory_space<vmem>>) target(%dma_start3A_210 : memref<10240x128xf32, #tpu.memory_space<vmem_shared>>) offsets(%dma_start3A_207 : memref<64xi32, #tpu.memory_space<vmem>>) semaphore(%arg17 : memref<!tpu.dma_semaphore, #tpu.memory_space<semaphore_mem>>) {add = true}
      %ge3A_211 = arith.constant 1 : i32
      %ge3A_212 = arith.cmpi sge, %add3A_197, %ge3A_211 : i32
      %convert_element_type3A_213 = arith.extui %ge3A_212 : i1 to i32
      %cond3A_214 = arith.constant 0 : i32
      %cond3A_215 = arith.cmpi ne, %convert_element_type3A_213, %cond3A_214 : i32
      scf.if %cond3A_215 {
        %dma_wait3A_255 = arith.constant 0 : i32
        %dma_wait3A_256 = arith.constant 0 : i32
        %dma_wait3A_257 = tpu.memref_slice %arg8[%dma_wait3A_255, %dma_wait3A_256] : memref<80x64xi32, #tpu.memory_space<vmem>> -> memref<1x64xi32, #tpu.memory_space<vmem>>
        %dma_wait3A_258 = tpu.memref_squeeze %dma_wait3A_257 : memref<1x64xi32, #tpu.memory_space<vmem>> -> memref<64xi32, #tpu.memory_space<vmem>>
        %dma_wait3A_259 = arith.constant 0 : i32
        %dma_wait3A_260 = arith.constant 0 : i32
        %dma_wait3A_261 = tpu.memref_slice %arg12[%dma_wait3A_259, %dma_wait3A_260] : memref<10240x128xf32, #tpu.memory_space<vmem_shared>> -> memref<10240x128xf32, #tpu.memory_space<vmem_shared>>
        tpu.wait_indirect_dma semaphore(%arg16 : memref<!tpu.dma_semaphore, #tpu.memory_space<semaphore_mem>>) src(%arg9 : memref<64x128xf32, #tpu.memory_space<vmem>>) dst(%dma_wait3A_261 : memref<10240x128xf32, #tpu.memory_space<vmem_shared>>)
      } else {
      }
      %add3A_216 = arith.constant 2 : i32
      %add3A_217 = arith.addi %add3A_197, %add3A_216 : i32
      %dma_start3A_218 = arith.constant 0 : i32
      %dma_start3A_219 = tpu.memref_slice %arg7[%add3A_217, %dma_start3A_218] : memref<80x64xi32, #tpu.memory_space<vmem>> -> memref<1x64xi32, #tpu.memory_space<vmem>>
      %dma_start3A_220 = tpu.memref_squeeze %dma_start3A_219 : memref<1x64xi32, #tpu.memory_space<vmem>> -> memref<64xi32, #tpu.memory_space<vmem>>
      %dma_start3A_221 = arith.constant 0 : i32
      %dma_start3A_222 = arith.constant 0 : i32
      %dma_start3A_223 = tpu.memref_slice %arg4[%dma_start3A_221, %dma_start3A_222] : memref<10240x128xf32, #tpu.memory_space<hbm>> -> memref<10240x128xf32, #tpu.memory_space<hbm>>
      tpu.enqueue_indirect_dma source(%dma_start3A_223 : memref<10240x128xf32, #tpu.memory_space<hbm>>) target(%arg9 : memref<64x128xf32, #tpu.memory_space<vmem>>) offsets(%dma_start3A_220 : memref<64xi32, #tpu.memory_space<vmem>>) semaphore(%arg13 : memref<!tpu.dma_semaphore, #tpu.memory_space<semaphore_mem>>)
      %mul3A_224 = arith.constant 3 : i32
      %mul3A_225 = arith.muli %mul3A_224, %scan3A_165 : i32
      %add3A_226 = arith.constant 2 : i32
      %add3A_227 = arith.addi %mul3A_225, %add3A_226 : i32
      %dma_wait3A_228 = arith.constant 0 : i32
      %dma_wait3A_229 = arith.constant 0 : i32
      %dma_wait3A_230 = tpu.memref_slice %arg7[%dma_wait3A_228, %dma_wait3A_229] : memref<80x64xi32, #tpu.memory_space<vmem>> -> memref<1x64xi32, #tpu.memory_space<vmem>>
      %dma_wait3A_231 = tpu.memref_squeeze %dma_wait3A_230 : memref<1x64xi32, #tpu.memory_space<vmem>> -> memref<64xi32, #tpu.memory_space<vmem>>
      %dma_wait3A_232 = arith.constant 0 : i32
      %dma_wait3A_233 = arith.constant 0 : i32
      %dma_wait3A_234 = tpu.memref_slice %arg4[%dma_wait3A_232, %dma_wait3A_233] : memref<10240x128xf32, #tpu.memory_space<hbm>> -> memref<10240x128xf32, #tpu.memory_space<hbm>>
      tpu.wait_indirect_dma semaphore(%arg15 : memref<!tpu.dma_semaphore, #tpu.memory_space<semaphore_mem>>) src(%dma_wait3A_234 : memref<10240x128xf32, #tpu.memory_space<hbm>>) dst(%arg11 : memref<64x128xf32, #tpu.memory_space<vmem>>)
      %dma_start3A_235 = arith.constant 0 : i32
      %dma_start3A_236 = tpu.memref_slice %arg8[%add3A_227, %dma_start3A_235] : memref<80x64xi32, #tpu.memory_space<vmem>> -> memref<1x64xi32, #tpu.memory_space<vmem>>
      %dma_start3A_237 = tpu.memref_squeeze %dma_start3A_236 : memref<1x64xi32, #tpu.memory_space<vmem>> -> memref<64xi32, #tpu.memory_space<vmem>>
      %dma_start3A_238 = arith.constant 0 : i32
      %dma_start3A_239 = arith.constant 0 : i32
      %dma_start3A_240 = tpu.memref_slice %arg12[%dma_start3A_238, %dma_start3A_239] : memref<10240x128xf32, #tpu.memory_space<vmem_shared>> -> memref<10240x128xf32, #tpu.memory_space<vmem_shared>>
      tpu.enqueue_indirect_dma source(%arg11 : memref<64x128xf32, #tpu.memory_space<vmem>>) target(%dma_start3A_240 : memref<10240x128xf32, #tpu.memory_space<vmem_shared>>) offsets(%dma_start3A_237 : memref<64xi32, #tpu.memory_space<vmem>>) semaphore(%arg18 : memref<!tpu.dma_semaphore, #tpu.memory_space<semaphore_mem>>) {add = true}
      %ge3A_241 = arith.constant 1 : i32
      %ge3A_242 = arith.cmpi sge, %add3A_227, %ge3A_241 : i32
      %convert_element_type3A_243 = arith.extui %ge3A_242 : i1 to i32
      %cond3A_244 = arith.constant 0 : i32
      %cond3A_245 = arith.cmpi ne, %convert_element_type3A_243, %cond3A_244 : i32
      scf.if %cond3A_245 {
        %dma_wait3A_255 = arith.constant 0 : i32
        %dma_wait3A_256 = arith.constant 0 : i32
        %dma_wait3A_257 = tpu.memref_slice %arg8[%dma_wait3A_255, %dma_wait3A_256] : memref<80x64xi32, #tpu.memory_space<vmem>> -> memref<1x64xi32, #tpu.memory_space<vmem>>
        %dma_wait3A_258 = tpu.memref_squeeze %dma_wait3A_257 : memref<1x64xi32, #tpu.memory_space<vmem>> -> memref<64xi32, #tpu.memory_space<vmem>>
        %dma_wait3A_259 = arith.constant 0 : i32
        %dma_wait3A_260 = arith.constant 0 : i32
        %dma_wait3A_261 = tpu.memref_slice %arg12[%dma_wait3A_259, %dma_wait3A_260] : memref<10240x128xf32, #tpu.memory_space<vmem_shared>> -> memref<10240x128xf32, #tpu.memory_space<vmem_shared>>
        tpu.wait_indirect_dma semaphore(%arg17 : memref<!tpu.dma_semaphore, #tpu.memory_space<semaphore_mem>>) src(%arg10 : memref<64x128xf32, #tpu.memory_space<vmem>>) dst(%dma_wait3A_261 : memref<10240x128xf32, #tpu.memory_space<vmem_shared>>)
      } else {
      }
      %add3A_246 = arith.constant 2 : i32
      %add3A_247 = arith.addi %add3A_227, %add3A_246 : i32
      %dma_start3A_248 = arith.constant 0 : i32
      %dma_start3A_249 = tpu.memref_slice %arg7[%add3A_247, %dma_start3A_248] : memref<80x64xi32, #tpu.memory_space<vmem>> -> memref<1x64xi32, #tpu.memory_space<vmem>>
      %dma_start3A_250 = tpu.memref_squeeze %dma_start3A_249 : memref<1x64xi32, #tpu.memory_space<vmem>> -> memref<64xi32, #tpu.memory_space<vmem>>
      %dma_start3A_251 = arith.constant 0 : i32
      %dma_start3A_252 = arith.constant 0 : i32
      %dma_start3A_253 = tpu.memref_slice %arg4[%dma_start3A_251, %dma_start3A_252] : memref<10240x128xf32, #tpu.memory_space<hbm>> -> memref<10240x128xf32, #tpu.memory_space<hbm>>
      tpu.enqueue_indirect_dma source(%dma_start3A_253 : memref<10240x128xf32, #tpu.memory_space<hbm>>) target(%arg10 : memref<64x128xf32, #tpu.memory_space<vmem>>) offsets(%dma_start3A_250 : memref<64xi32, #tpu.memory_space<vmem>>) semaphore(%arg14 : memref<!tpu.dma_semaphore, #tpu.memory_space<semaphore_mem>>)
      %scan3A_254 = arith.constant 0 : i32
      scf.yield %scan3A_254 : i32
    }
    %scan3A_45 = arith.constant 26 : i32
    %dma_wait3A = arith.constant 0 : i32
    %dma_wait3A_46 = arith.constant 0 : i32
    %dma_wait3A_47 = tpu.memref_slice %arg7[%dma_wait3A, %dma_wait3A_46] : memref<80x64xi32, #tpu.memory_space<vmem>> -> memref<1x64xi32, #tpu.memory_space<vmem>>
    %dma_wait3A_48 = tpu.memref_squeeze %dma_wait3A_47 : memref<1x64xi32, #tpu.memory_space<vmem>> -> memref<64xi32, #tpu.memory_space<vmem>>
    %dma_wait3A_49 = arith.constant 0 : i32
    %dma_wait3A_50 = arith.constant 0 : i32
    %dma_wait3A_51 = tpu.memref_slice %arg4[%dma_wait3A_49, %dma_wait3A_50] : memref<10240x128xf32, #tpu.memory_space<hbm>> -> memref<10240x128xf32, #tpu.memory_space<hbm>>
    tpu.wait_indirect_dma semaphore(%arg13 : memref<!tpu.dma_semaphore, #tpu.memory_space<semaphore_mem>>) src(%dma_wait3A_51 : memref<10240x128xf32, #tpu.memory_space<hbm>>) dst(%arg9 : memref<64x128xf32, #tpu.memory_space<vmem>>)
    %dma_start3A_52 = arith.constant 78 : i32
    %dma_start3A_53 = arith.constant 0 : i32
    %dma_start3A_54 = tpu.memref_slice %arg8[%dma_start3A_52, %dma_start3A_53] : memref<80x64xi32, #tpu.memory_space<vmem>> -> memref<1x64xi32, #tpu.memory_space<vmem>>
    %dma_start3A_55 = tpu.memref_squeeze %dma_start3A_54 : memref<1x64xi32, #tpu.memory_space<vmem>> -> memref<64xi32, #tpu.memory_space<vmem>>
    %dma_start3A_56 = arith.constant 0 : i32
    %dma_start3A_57 = arith.constant 0 : i32
    %dma_start3A_58 = tpu.memref_slice %arg12[%dma_start3A_56, %dma_start3A_57] : memref<10240x128xf32, #tpu.memory_space<vmem_shared>> -> memref<10240x128xf32, #tpu.memory_space<vmem_shared>>
    tpu.enqueue_indirect_dma source(%arg9 : memref<64x128xf32, #tpu.memory_space<vmem>>) target(%dma_start3A_58 : memref<10240x128xf32, #tpu.memory_space<vmem_shared>>) offsets(%dma_start3A_55 : memref<64xi32, #tpu.memory_space<vmem>>) semaphore(%arg16 : memref<!tpu.dma_semaphore, #tpu.memory_space<semaphore_mem>>) {add = true}
    %dma_wait3A_59 = arith.constant 0 : i32
    %dma_wait3A_60 = arith.constant 0 : i32
    %dma_wait3A_61 = tpu.memref_slice %arg7[%dma_wait3A_59, %dma_wait3A_60] : memref<80x64xi32, #tpu.memory_space<vmem>> -> memref<1x64xi32, #tpu.memory_space<vmem>>
    %dma_wait3A_62 = tpu.memref_squeeze %dma_wait3A_61 : memref<1x64xi32, #tpu.memory_space<vmem>> -> memref<64xi32, #tpu.memory_space<vmem>>
    %dma_wait3A_63 = arith.constant 0 : i32
    %dma_wait3A_64 = arith.constant 0 : i32
    %dma_wait3A_65 = tpu.memref_slice %arg4[%dma_wait3A_63, %dma_wait3A_64] : memref<10240x128xf32, #tpu.memory_space<hbm>> -> memref<10240x128xf32, #tpu.memory_space<hbm>>
    tpu.wait_indirect_dma semaphore(%arg14 : memref<!tpu.dma_semaphore, #tpu.memory_space<semaphore_mem>>) src(%dma_wait3A_65 : memref<10240x128xf32, #tpu.memory_space<hbm>>) dst(%arg10 : memref<64x128xf32, #tpu.memory_space<vmem>>)
    %dma_start3A_66 = arith.constant 79 : i32
    %dma_start3A_67 = arith.constant 0 : i32
    %dma_start3A_68 = tpu.memref_slice %arg8[%dma_start3A_66, %dma_start3A_67] : memref<80x64xi32, #tpu.memory_space<vmem>> -> memref<1x64xi32, #tpu.memory_space<vmem>>
    %dma_start3A_69 = tpu.memref_squeeze %dma_start3A_68 : memref<1x64xi32, #tpu.memory_space<vmem>> -> memref<64xi32, #tpu.memory_space<vmem>>
    %dma_start3A_70 = arith.constant 0 : i32
    %dma_start3A_71 = arith.constant 0 : i32
    %dma_start3A_72 = tpu.memref_slice %arg12[%dma_start3A_70, %dma_start3A_71] : memref<10240x128xf32, #tpu.memory_space<vmem_shared>> -> memref<10240x128xf32, #tpu.memory_space<vmem_shared>>
    tpu.enqueue_indirect_dma source(%arg10 : memref<64x128xf32, #tpu.memory_space<vmem>>) target(%dma_start3A_72 : memref<10240x128xf32, #tpu.memory_space<vmem_shared>>) offsets(%dma_start3A_69 : memref<64xi32, #tpu.memory_space<vmem>>) semaphore(%arg17 : memref<!tpu.dma_semaphore, #tpu.memory_space<semaphore_mem>>) {add = true}
    %dma_wait3A_73 = arith.constant 0 : i32
    %dma_wait3A_74 = arith.constant 0 : i32
    %dma_wait3A_75 = tpu.memref_slice %arg8[%dma_wait3A_73, %dma_wait3A_74] : memref<80x64xi32, #tpu.memory_space<vmem>> -> memref<1x64xi32, #tpu.memory_space<vmem>>
    %dma_wait3A_76 = tpu.memref_squeeze %dma_wait3A_75 : memref<1x64xi32, #tpu.memory_space<vmem>> -> memref<64xi32, #tpu.memory_space<vmem>>
    %dma_wait3A_77 = arith.constant 0 : i32
    %dma_wait3A_78 = arith.constant 0 : i32
    %dma_wait3A_79 = tpu.memref_slice %arg12[%dma_wait3A_77, %dma_wait3A_78] : memref<10240x128xf32, #tpu.memory_space<vmem_shared>> -> memref<10240x128xf32, #tpu.memory_space<vmem_shared>>
    tpu.wait_indirect_dma semaphore(%arg16 : memref<!tpu.dma_semaphore, #tpu.memory_space<semaphore_mem>>) src(%arg9 : memref<64x128xf32, #tpu.memory_space<vmem>>) dst(%dma_wait3A_79 : memref<10240x128xf32, #tpu.memory_space<vmem_shared>>)
    %dma_wait3A_80 = arith.constant 0 : i32
    %dma_wait3A_81 = arith.constant 0 : i32
    %dma_wait3A_82 = tpu.memref_slice %arg8[%dma_wait3A_80, %dma_wait3A_81] : memref<80x64xi32, #tpu.memory_space<vmem>> -> memref<1x64xi32, #tpu.memory_space<vmem>>
    %dma_wait3A_83 = tpu.memref_squeeze %dma_wait3A_82 : memref<1x64xi32, #tpu.memory_space<vmem>> -> memref<64xi32, #tpu.memory_space<vmem>>
    %dma_wait3A_84 = arith.constant 0 : i32
    %dma_wait3A_85 = arith.constant 0 : i32
    %dma_wait3A_86 = tpu.memref_slice %arg12[%dma_wait3A_84, %dma_wait3A_85] : memref<10240x128xf32, #tpu.memory_space<vmem_shared>> -> memref<10240x128xf32, #tpu.memory_space<vmem_shared>>
    tpu.wait_indirect_dma semaphore(%arg17 : memref<!tpu.dma_semaphore, #tpu.memory_space<semaphore_mem>>) src(%arg10 : memref<64x128xf32, #tpu.memory_space<vmem>>) dst(%dma_wait3A_86 : memref<10240x128xf32, #tpu.memory_space<vmem_shared>>)
    %dma_wait3A_87 = arith.constant 0 : i32
    %dma_wait3A_88 = arith.constant 0 : i32
    %dma_wait3A_89 = tpu.memref_slice %arg8[%dma_wait3A_87, %dma_wait3A_88] : memref<80x64xi32, #tpu.memory_space<vmem>> -> memref<1x64xi32, #tpu.memory_space<vmem>>
    %dma_wait3A_90 = tpu.memref_squeeze %dma_wait3A_89 : memref<1x64xi32, #tpu.memory_space<vmem>> -> memref<64xi32, #tpu.memory_space<vmem>>
    %dma_wait3A_91 = arith.constant 0 : i32
    %dma_wait3A_92 = arith.constant 0 : i32
    %dma_wait3A_93 = tpu.memref_slice %arg12[%dma_wait3A_91, %dma_wait3A_92] : memref<10240x128xf32, #tpu.memory_space<vmem_shared>> -> memref<10240x128xf32, #tpu.memory_space<vmem_shared>>
    tpu.wait_indirect_dma semaphore(%arg18 : memref<!tpu.dma_semaphore, #tpu.memory_space<semaphore_mem>>) src(%arg11 : memref<64x128xf32, #tpu.memory_space<vmem>>) dst(%dma_wait3A_93 : memref<10240x128xf32, #tpu.memory_space<vmem_shared>>)
    %barrier3A_94 = arith.constant 0 : index
    tpu.barrier barrier_id(%barrier3A_94)
    %add3A_95 = arith.constant 0 : i32
    %add3A_96 = arith.addi %mul3A_2, %add3A_95 : i32
    "tpu.region"() ({
      %run_scoped3A = tpu.sem_alloc : memref<!tpu.dma_semaphore, #tpu.memory_space<semaphore_mem>>
      %dma_start3A_165 = arith.constant 0 : i32
      %dma_start3A_166 = tpu.memref_slice %arg12[%add3A_96, %dma_start3A_165] : memref<10240x128xf32, #tpu.memory_space<vmem_shared>> -> memref<64x128xf32, #tpu.memory_space<vmem_shared>>
      %dma_start3A_167 = arith.constant 0 : i32
      %dma_start3A_168 = tpu.memref_slice %arg12[%add3A_96, %dma_start3A_167] : memref<10240x128xf32, #tpu.memory_space<vmem_shared>> -> memref<64x128xf32, #tpu.memory_space<vmem_shared>>
      tpu.enqueue_dma source(%dma_start3A_168 : memref<64x128xf32, #tpu.memory_space<vmem_shared>>) target(%arg9 : memref<64x128xf32, #tpu.memory_space<vmem>>) target_semaphore(%run_scoped3A : memref<!tpu.dma_semaphore, #tpu.memory_space<semaphore_mem>>)
      %dma_wait3A_169 = arith.constant 0 : i32
      %dma_wait3A_170 = tpu.memref_slice %arg12[%add3A_96, %dma_wait3A_169] : memref<10240x128xf32, #tpu.memory_space<vmem_shared>> -> memref<64x128xf32, #tpu.memory_space<vmem_shared>>
      %dma_wait3A_171 = arith.constant 0 : i32
      %dma_wait3A_172 = tpu.memref_slice %arg12[%add3A_96, %dma_wait3A_171] : memref<10240x128xf32, #tpu.memory_space<vmem_shared>> -> memref<64x128xf32, #tpu.memory_space<vmem_shared>>
      tpu.wait_dma2 semaphore(%run_scoped3A : memref<!tpu.dma_semaphore, #tpu.memory_space<semaphore_mem>>) src(%dma_wait3A_172 : memref<64x128xf32, #tpu.memory_space<vmem_shared>>) dst(%arg9 : memref<64x128xf32, #tpu.memory_space<vmem>>)
      tpu.yield
    }) : () -> ()
    %mul3A_97 = arith.constant 10240 : i32
    %mul3A_98 = arith.muli %arg0, %mul3A_97 : i32
    %add3A_99 = arith.addi %mul3A_98, %mul3A_2 : i32
    %add3A_100 = arith.constant 0 : i32
    %add3A_101 = arith.addi %add3A_99, %add3A_100 : i32
    "tpu.region"() ({
      %run_scoped3A = tpu.sem_alloc : memref<!tpu.dma_semaphore, #tpu.memory_space<semaphore_mem>>
      %dma_start3A_165 = arith.constant 0 : i32
      %dma_start3A_166 = tpu.memref_slice %arg6[%add3A_101, %dma_start3A_165] : memref<20480x128xf32, #tpu.memory_space<hbm>> -> memref<64x128xf32, #tpu.memory_space<hbm>>
      %dma_start3A_167 = arith.constant 0 : i32
      %dma_start3A_168 = tpu.memref_slice %arg6[%add3A_101, %dma_start3A_167] : memref<20480x128xf32, #tpu.memory_space<hbm>> -> memref<64x128xf32, #tpu.memory_space<hbm>>
      tpu.enqueue_dma source(%arg9 : memref<64x128xf32, #tpu.memory_space<vmem>>) target(%dma_start3A_168 : memref<64x128xf32, #tpu.memory_space<hbm>>) target_semaphore(%run_scoped3A : memref<!tpu.dma_semaphore, #tpu.memory_space<semaphore_mem>>)
      %dma_wait3A_169 = arith.constant 0 : i32
      %dma_wait3A_170 = tpu.memref_slice %arg6[%add3A_101, %dma_wait3A_169] : memref<20480x128xf32, #tpu.memory_space<hbm>> -> memref<64x128xf32, #tpu.memory_space<hbm>>
      %dma_wait3A_171 = arith.constant 0 : i32
      %dma_wait3A_172 = tpu.memref_slice %arg6[%add3A_101, %dma_wait3A_171] : memref<20480x128xf32, #tpu.memory_space<hbm>> -> memref<64x128xf32, #tpu.memory_space<hbm>>
      tpu.wait_dma2 semaphore(%run_scoped3A : memref<!tpu.dma_semaphore, #tpu.memory_space<semaphore_mem>>) src(%arg9 : memref<64x128xf32, #tpu.memory_space<vmem>>) dst(%dma_wait3A_172 : memref<64x128xf32, #tpu.memory_space<hbm>>)
      tpu.yield
    }) : () -> ()
    %add3A_102 = arith.constant 64 : i32
    %add3A_103 = arith.addi %mul3A_2, %add3A_102 : i32
    "tpu.region"() ({
      %run_scoped3A = tpu.sem_alloc : memref<!tpu.dma_semaphore, #tpu.memory_space<semaphore_mem>>
      %dma_start3A_165 = arith.constant 0 : i32
      %dma_start3A_166 = tpu.memref_slice %arg12[%add3A_103, %dma_start3A_165] : memref<10240x128xf32, #tpu.memory_space<vmem_shared>> -> memref<64x128xf32, #tpu.memory_space<vmem_shared>>
      %dma_start3A_167 = arith.constant 0 : i32
      %dma_start3A_168 = tpu.memref_slice %arg12[%add3A_103, %dma_start3A_167] : memref<10240x128xf32, #tpu.memory_space<vmem_shared>> -> memref<64x128xf32, #tpu.memory_space<vmem_shared>>
      tpu.enqueue_dma source(%dma_start3A_168 : memref<64x128xf32, #tpu.memory_space<vmem_shared>>) target(%arg9 : memref<64x128xf32, #tpu.memory_space<vmem>>) target_semaphore(%run_scoped3A : memref<!tpu.dma_semaphore, #tpu.memory_space<semaphore_mem>>)
      %dma_wait3A_169 = arith.constant 0 : i32
      %dma_wait3A_170 = tpu.memref_slice %arg12[%add3A_103, %dma_wait3A_169] : memref<10240x128xf32, #tpu.memory_space<vmem_shared>> -> memref<64x128xf32, #tpu.memory_space<vmem_shared>>
      %dma_wait3A_171 = arith.constant 0 : i32
      %dma_wait3A_172 = tpu.memref_slice %arg12[%add3A_103, %dma_wait3A_171] : memref<10240x128xf32, #tpu.memory_space<vmem_shared>> -> memref<64x128xf32, #tpu.memory_space<vmem_shared>>
      tpu.wait_dma2 semaphore(%run_scoped3A : memref<!tpu.dma_semaphore, #tpu.memory_space<semaphore_mem>>) src(%dma_wait3A_172 : memref<64x128xf32, #tpu.memory_space<vmem_shared>>) dst(%arg9 : memref<64x128xf32, #tpu.memory_space<vmem>>)
      tpu.yield
    }) : () -> ()
    %mul3A_104 = arith.constant 10240 : i32
    %mul3A_105 = arith.muli %arg0, %mul3A_104 : i32
    %add3A_106 = arith.addi %mul3A_105, %mul3A_2 : i32
    %add3A_107 = arith.constant 64 : i32
    %add3A_108 = arith.addi %add3A_106, %add3A_107 : i32
    "tpu.region"() ({
      %run_scoped3A = tpu.sem_alloc : memref<!tpu.dma_semaphore, #tpu.memory_space<semaphore_mem>>
      %dma_start3A_165 = arith.constant 0 : i32
      %dma_start3A_166 = tpu.memref_slice %arg6[%add3A_108, %dma_start3A_165] : memref<20480x128xf32, #tpu.memory_space<hbm>> -> memref<64x128xf32, #tpu.memory_space<hbm>>
      %dma_start3A_167 = arith.constant 0 : i32
      %dma_start3A_168 = tpu.memref_slice %arg6[%add3A_108, %dma_start3A_167] : memref<20480x128xf32, #tpu.memory_space<hbm>> -> memref<64x128xf32, #tpu.memory_space<hbm>>
      tpu.enqueue_dma source(%arg9 : memref<64x128xf32, #tpu.memory_space<vmem>>) target(%dma_start3A_168 : memref<64x128xf32, #tpu.memory_space<hbm>>) target_semaphore(%run_scoped3A : memref<!tpu.dma_semaphore, #tpu.memory_space<semaphore_mem>>)
      %dma_wait3A_169 = arith.constant 0 : i32
      %dma_wait3A_170 = tpu.memref_slice %arg6[%add3A_108, %dma_wait3A_169] : memref<20480x128xf32, #tpu.memory_space<hbm>> -> memref<64x128xf32, #tpu.memory_space<hbm>>
      %dma_wait3A_171 = arith.constant 0 : i32
      %dma_wait3A_172 = tpu.memref_slice %arg6[%add3A_108, %dma_wait3A_171] : memref<20480x128xf32, #tpu.memory_space<hbm>> -> memref<64x128xf32, #tpu.memory_space<hbm>>
      tpu.wait_dma2 semaphore(%run_scoped3A : memref<!tpu.dma_semaphore, #tpu.memory_space<semaphore_mem>>) src(%arg9 : memref<64x128xf32, #tpu.memory_space<vmem>>) dst(%dma_wait3A_172 : memref<64x128xf32, #tpu.memory_space<hbm>>)
      tpu.yield
    }) : () -> ()
    %add3A_109 = arith.constant 128 : i32
    %add3A_110 = arith.addi %mul3A_2, %add3A_109 : i32
    "tpu.region"() ({
      %run_scoped3A = tpu.sem_alloc : memref<!tpu.dma_semaphore, #tpu.memory_space<semaphore_mem>>
      %dma_start3A_165 = arith.constant 0 : i32
      %dma_start3A_166 = tpu.memref_slice %arg12[%add3A_110, %dma_start3A_165] : memref<10240x128xf32, #tpu.memory_space<vmem_shared>> -> memref<64x128xf32, #tpu.memory_space<vmem_shared>>
      %dma_start3A_167 = arith.constant 0 : i32
      %dma_start3A_168 = tpu.memref_slice %arg12[%add3A_110, %dma_start3A_167] : memref<10240x128xf32, #tpu.memory_space<vmem_shared>> -> memref<64x128xf32, #tpu.memory_space<vmem_shared>>
      tpu.enqueue_dma source(%dma_start3A_168 : memref<64x128xf32, #tpu.memory_space<vmem_shared>>) target(%arg9 : memref<64x128xf32, #tpu.memory_space<vmem>>) target_semaphore(%run_scoped3A : memref<!tpu.dma_semaphore, #tpu.memory_space<semaphore_mem>>)
      %dma_wait3A_169 = arith.constant 0 : i32
      %dma_wait3A_170 = tpu.memref_slice %arg12[%add3A_110, %dma_wait3A_169] : memref<10240x128xf32, #tpu.memory_space<vmem_shared>> -> memref<64x128xf32, #tpu.memory_space<vmem_shared>>
      %dma_wait3A_171 = arith.constant 0 : i32
      %dma_wait3A_172 = tpu.memref_slice %arg12[%add3A_110, %dma_wait3A_171] : memref<10240x128xf32, #tpu.memory_space<vmem_shared>> -> memref<64x128xf32, #tpu.memory_space<vmem_shared>>
      tpu.wait_dma2 semaphore(%run_scoped3A : memref<!tpu.dma_semaphore, #tpu.memory_space<semaphore_mem>>) src(%dma_wait3A_172 : memref<64x128xf32, #tpu.memory_space<vmem_shared>>) dst(%arg9 : memref<64x128xf32, #tpu.memory_space<vmem>>)
      tpu.yield
    }) : () -> ()
    %mul3A_111 = arith.constant 10240 : i32
    %mul3A_112 = arith.muli %arg0, %mul3A_111 : i32
    %add3A_113 = arith.addi %mul3A_112, %mul3A_2 : i32
    %add3A_114 = arith.constant 128 : i32
    %add3A_115 = arith.addi %add3A_113, %add3A_114 : i32
    "tpu.region"() ({
      %run_scoped3A = tpu.sem_alloc : memref<!tpu.dma_semaphore, #tpu.memory_space<semaphore_mem>>
      %dma_start3A_165 = arith.constant 0 : i32
      %dma_start3A_166 = tpu.memref_slice %arg6[%add3A_115, %dma_start3A_165] : memref<20480x128xf32, #tpu.memory_space<hbm>> -> memref<64x128xf32, #tpu.memory_space<hbm>>
      %dma_start3A_167 = arith.constant 0 : i32
      %dma_start3A_168 = tpu.memref_slice %arg6[%add3A_115, %dma_start3A_167] : memref<20480x128xf32, #tpu.memory_space<hbm>> -> memref<64x128xf32, #tpu.memory_space<hbm>>
      tpu.enqueue_dma source(%arg9 : memref<64x128xf32, #tpu.memory_space<vmem>>) target(%dma_start3A_168 : memref<64x128xf32, #tpu.memory_space<hbm>>) target_semaphore(%run_scoped3A : memref<!tpu.dma_semaphore, #tpu.memory_space<semaphore_mem>>)
      %dma_wait3A_169 = arith.constant 0 : i32
      %dma_wait3A_170 = tpu.memref_slice %arg6[%add3A_115, %dma_wait3A_169] : memref<20480x128xf32, #tpu.memory_space<hbm>> -> memref<64x128xf32, #tpu.memory_space<hbm>>
      %dma_wait3A_171 = arith.constant 0 : i32
      %dma_wait3A_172 = tpu.memref_slice %arg6[%add3A_115, %dma_wait3A_171] : memref<20480x128xf32, #tpu.memory_space<hbm>> -> memref<64x128xf32, #tpu.memory_space<hbm>>
      tpu.wait_dma2 semaphore(%run_scoped3A : memref<!tpu.dma_semaphore, #tpu.memory_space<semaphore_mem>>) src(%arg9 : memref<64x128xf32, #tpu.memory_space<vmem>>) dst(%dma_wait3A_172 : memref<64x128xf32, #tpu.memory_space<hbm>>)
      tpu.yield
    }) : () -> ()
    %add3A_116 = arith.constant 192 : i32
    %add3A_117 = arith.addi %mul3A_2, %add3A_116 : i32
    "tpu.region"() ({
      %run_scoped3A = tpu.sem_alloc : memref<!tpu.dma_semaphore, #tpu.memory_space<semaphore_mem>>
      %dma_start3A_165 = arith.constant 0 : i32
      %dma_start3A_166 = tpu.memref_slice %arg12[%add3A_117, %dma_start3A_165] : memref<10240x128xf32, #tpu.memory_space<vmem_shared>> -> memref<64x128xf32, #tpu.memory_space<vmem_shared>>
      %dma_start3A_167 = arith.constant 0 : i32
      %dma_start3A_168 = tpu.memref_slice %arg12[%add3A_117, %dma_start3A_167] : memref<10240x128xf32, #tpu.memory_space<vmem_shared>> -> memref<64x128xf32, #tpu.memory_space<vmem_shared>>
      tpu.enqueue_dma source(%dma_start3A_168 : memref<64x128xf32, #tpu.memory_space<vmem_shared>>) target(%arg9 : memref<64x128xf32, #tpu.memory_space<vmem>>) target_semaphore(%run_scoped3A : memref<!tpu.dma_semaphore, #tpu.memory_space<semaphore_mem>>)
      %dma_wait3A_169 = arith.constant 0 : i32
      %dma_wait3A_170 = tpu.memref_slice %arg12[%add3A_117, %dma_wait3A_169] : memref<10240x128xf32, #tpu.memory_space<vmem_shared>> -> memref<64x128xf32, #tpu.memory_space<vmem_shared>>
      %dma_wait3A_171 = arith.constant 0 : i32
      %dma_wait3A_172 = tpu.memref_slice %arg12[%add3A_117, %dma_wait3A_171] : memref<10240x128xf32, #tpu.memory_space<vmem_shared>> -> memref<64x128xf32, #tpu.memory_space<vmem_shared>>
      tpu.wait_dma2 semaphore(%run_scoped3A : memref<!tpu.dma_semaphore, #tpu.memory_space<semaphore_mem>>) src(%dma_wait3A_172 : memref<64x128xf32, #tpu.memory_space<vmem_shared>>) dst(%arg9 : memref<64x128xf32, #tpu.memory_space<vmem>>)
      tpu.yield
    }) : () -> ()
    %mul3A_118 = arith.constant 10240 : i32
    %mul3A_119 = arith.muli %arg0, %mul3A_118 : i32
    %add3A_120 = arith.addi %mul3A_119, %mul3A_2 : i32
    %add3A_121 = arith.constant 192 : i32
    %add3A_122 = arith.addi %add3A_120, %add3A_121 : i32
    "tpu.region"() ({
      %run_scoped3A = tpu.sem_alloc : memref<!tpu.dma_semaphore, #tpu.memory_space<semaphore_mem>>
      %dma_start3A_165 = arith.constant 0 : i32
      %dma_start3A_166 = tpu.memref_slice %arg6[%add3A_122, %dma_start3A_165] : memref<20480x128xf32, #tpu.memory_space<hbm>> -> memref<64x128xf32, #tpu.memory_space<hbm>>
      %dma_start3A_167 = arith.constant 0 : i32
      %dma_start3A_168 = tpu.memref_slice %arg6[%add3A_122, %dma_start3A_167] : memref<20480x128xf32, #tpu.memory_space<hbm>> -> memref<64x128xf32, #tpu.memory_space<hbm>>
      tpu.enqueue_dma source(%arg9 : memref<64x128xf32, #tpu.memory_space<vmem>>) target(%dma_start3A_168 : memref<64x128xf32, #tpu.memory_space<hbm>>) target_semaphore(%run_scoped3A : memref<!tpu.dma_semaphore, #tpu.memory_space<semaphore_mem>>)
      %dma_wait3A_169 = arith.constant 0 : i32
      %dma_wait3A_170 = tpu.memref_slice %arg6[%add3A_122, %dma_wait3A_169] : memref<20480x128xf32, #tpu.memory_space<hbm>> -> memref<64x128xf32, #tpu.memory_space<hbm>>
      %dma_wait3A_171 = arith.constant 0 : i32
      %dma_wait3A_172 = tpu.memref_slice %arg6[%add3A_122, %dma_wait3A_171] : memref<20480x128xf32, #tpu.memory_space<hbm>> -> memref<64x128xf32, #tpu.memory_space<hbm>>
      tpu.wait_dma2 semaphore(%run_scoped3A : memref<!tpu.dma_semaphore, #tpu.memory_space<semaphore_mem>>) src(%arg9 : memref<64x128xf32, #tpu.memory_space<vmem>>) dst(%dma_wait3A_172 : memref<64x128xf32, #tpu.memory_space<hbm>>)
      tpu.yield
    }) : () -> ()
    %add3A_123 = arith.constant 256 : i32
    %add3A_124 = arith.addi %mul3A_2, %add3A_123 : i32
    "tpu.region"() ({
      %run_scoped3A = tpu.sem_alloc : memref<!tpu.dma_semaphore, #tpu.memory_space<semaphore_mem>>
      %dma_start3A_165 = arith.constant 0 : i32
      %dma_start3A_166 = tpu.memref_slice %arg12[%add3A_124, %dma_start3A_165] : memref<10240x128xf32, #tpu.memory_space<vmem_shared>> -> memref<64x128xf32, #tpu.memory_space<vmem_shared>>
      %dma_start3A_167 = arith.constant 0 : i32
      %dma_start3A_168 = tpu.memref_slice %arg12[%add3A_124, %dma_start3A_167] : memref<10240x128xf32, #tpu.memory_space<vmem_shared>> -> memref<64x128xf32, #tpu.memory_space<vmem_shared>>
      tpu.enqueue_dma source(%dma_start3A_168 : memref<64x128xf32, #tpu.memory_space<vmem_shared>>) target(%arg9 : memref<64x128xf32, #tpu.memory_space<vmem>>) target_semaphore(%run_scoped3A : memref<!tpu.dma_semaphore, #tpu.memory_space<semaphore_mem>>)
      %dma_wait3A_169 = arith.constant 0 : i32
      %dma_wait3A_170 = tpu.memref_slice %arg12[%add3A_124, %dma_wait3A_169] : memref<10240x128xf32, #tpu.memory_space<vmem_shared>> -> memref<64x128xf32, #tpu.memory_space<vmem_shared>>
      %dma_wait3A_171 = arith.constant 0 : i32
      %dma_wait3A_172 = tpu.memref_slice %arg12[%add3A_124, %dma_wait3A_171] : memref<10240x128xf32, #tpu.memory_space<vmem_shared>> -> memref<64x128xf32, #tpu.memory_space<vmem_shared>>
      tpu.wait_dma2 semaphore(%run_scoped3A : memref<!tpu.dma_semaphore, #tpu.memory_space<semaphore_mem>>) src(%dma_wait3A_172 : memref<64x128xf32, #tpu.memory_space<vmem_shared>>) dst(%arg9 : memref<64x128xf32, #tpu.memory_space<vmem>>)
      tpu.yield
    }) : () -> ()
    %mul3A_125 = arith.constant 10240 : i32
    %mul3A_126 = arith.muli %arg0, %mul3A_125 : i32
    %add3A_127 = arith.addi %mul3A_126, %mul3A_2 : i32
    %add3A_128 = arith.constant 256 : i32
    %add3A_129 = arith.addi %add3A_127, %add3A_128 : i32
    "tpu.region"() ({
      %run_scoped3A = tpu.sem_alloc : memref<!tpu.dma_semaphore, #tpu.memory_space<semaphore_mem>>
      %dma_start3A_165 = arith.constant 0 : i32
      %dma_start3A_166 = tpu.memref_slice %arg6[%add3A_129, %dma_start3A_165] : memref<20480x128xf32, #tpu.memory_space<hbm>> -> memref<64x128xf32, #tpu.memory_space<hbm>>
      %dma_start3A_167 = arith.constant 0 : i32
      %dma_start3A_168 = tpu.memref_slice %arg6[%add3A_129, %dma_start3A_167] : memref<20480x128xf32, #tpu.memory_space<hbm>> -> memref<64x128xf32, #tpu.memory_space<hbm>>
      tpu.enqueue_dma source(%arg9 : memref<64x128xf32, #tpu.memory_space<vmem>>) target(%dma_start3A_168 : memref<64x128xf32, #tpu.memory_space<hbm>>) target_semaphore(%run_scoped3A : memref<!tpu.dma_semaphore, #tpu.memory_space<semaphore_mem>>)
      %dma_wait3A_169 = arith.constant 0 : i32
      %dma_wait3A_170 = tpu.memref_slice %arg6[%add3A_129, %dma_wait3A_169] : memref<20480x128xf32, #tpu.memory_space<hbm>> -> memref<64x128xf32, #tpu.memory_space<hbm>>
      %dma_wait3A_171 = arith.constant 0 : i32
      %dma_wait3A_172 = tpu.memref_slice %arg6[%add3A_129, %dma_wait3A_171] : memref<20480x128xf32, #tpu.memory_space<hbm>> -> memref<64x128xf32, #tpu.memory_space<hbm>>
      tpu.wait_dma2 semaphore(%run_scoped3A : memref<!tpu.dma_semaphore, #tpu.memory_space<semaphore_mem>>) src(%arg9 : memref<64x128xf32, #tpu.memory_space<vmem>>) dst(%dma_wait3A_172 : memref<64x128xf32, #tpu.memory_space<hbm>>)
      tpu.yield
    }) : () -> ()
    %add3A_130 = arith.constant 320 : i32
    %add3A_131 = arith.addi %mul3A_2, %add3A_130 : i32
    "tpu.region"() ({
      %run_scoped3A = tpu.sem_alloc : memref<!tpu.dma_semaphore, #tpu.memory_space<semaphore_mem>>
      %dma_start3A_165 = arith.constant 0 : i32
      %dma_start3A_166 = tpu.memref_slice %arg12[%add3A_131, %dma_start3A_165] : memref<10240x128xf32, #tpu.memory_space<vmem_shared>> -> memref<64x128xf32, #tpu.memory_space<vmem_shared>>
      %dma_start3A_167 = arith.constant 0 : i32
      %dma_start3A_168 = tpu.memref_slice %arg12[%add3A_131, %dma_start3A_167] : memref<10240x128xf32, #tpu.memory_space<vmem_shared>> -> memref<64x128xf32, #tpu.memory_space<vmem_shared>>
      tpu.enqueue_dma source(%dma_start3A_168 : memref<64x128xf32, #tpu.memory_space<vmem_shared>>) target(%arg9 : memref<64x128xf32, #tpu.memory_space<vmem>>) target_semaphore(%run_scoped3A : memref<!tpu.dma_semaphore, #tpu.memory_space<semaphore_mem>>)
      %dma_wait3A_169 = arith.constant 0 : i32
      %dma_wait3A_170 = tpu.memref_slice %arg12[%add3A_131, %dma_wait3A_169] : memref<10240x128xf32, #tpu.memory_space<vmem_shared>> -> memref<64x128xf32, #tpu.memory_space<vmem_shared>>
      %dma_wait3A_171 = arith.constant 0 : i32
      %dma_wait3A_172 = tpu.memref_slice %arg12[%add3A_131, %dma_wait3A_171] : memref<10240x128xf32, #tpu.memory_space<vmem_shared>> -> memref<64x128xf32, #tpu.memory_space<vmem_shared>>
      tpu.wait_dma2 semaphore(%run_scoped3A : memref<!tpu.dma_semaphore, #tpu.memory_space<semaphore_mem>>) src(%dma_wait3A_172 : memref<64x128xf32, #tpu.memory_space<vmem_shared>>) dst(%arg9 : memref<64x128xf32, #tpu.memory_space<vmem>>)
      tpu.yield
    }) : () -> ()
    %mul3A_132 = arith.constant 10240 : i32
    %mul3A_133 = arith.muli %arg0, %mul3A_132 : i32
    %add3A_134 = arith.addi %mul3A_133, %mul3A_2 : i32
    %add3A_135 = arith.constant 320 : i32
    %add3A_136 = arith.addi %add3A_134, %add3A_135 : i32
    "tpu.region"() ({
      %run_scoped3A = tpu.sem_alloc : memref<!tpu.dma_semaphore, #tpu.memory_space<semaphore_mem>>
      %dma_start3A_165 = arith.constant 0 : i32
      %dma_start3A_166 = tpu.memref_slice %arg6[%add3A_136, %dma_start3A_165] : memref<20480x128xf32, #tpu.memory_space<hbm>> -> memref<64x128xf32, #tpu.memory_space<hbm>>
      %dma_start3A_167 = arith.constant 0 : i32
      %dma_start3A_168 = tpu.memref_slice %arg6[%add3A_136, %dma_start3A_167] : memref<20480x128xf32, #tpu.memory_space<hbm>> -> memref<64x128xf32, #tpu.memory_space<hbm>>
      tpu.enqueue_dma source(%arg9 : memref<64x128xf32, #tpu.memory_space<vmem>>) target(%dma_start3A_168 : memref<64x128xf32, #tpu.memory_space<hbm>>) target_semaphore(%run_scoped3A : memref<!tpu.dma_semaphore, #tpu.memory_space<semaphore_mem>>)
      %dma_wait3A_169 = arith.constant 0 : i32
      %dma_wait3A_170 = tpu.memref_slice %arg6[%add3A_136, %dma_wait3A_169] : memref<20480x128xf32, #tpu.memory_space<hbm>> -> memref<64x128xf32, #tpu.memory_space<hbm>>
      %dma_wait3A_171 = arith.constant 0 : i32
      %dma_wait3A_172 = tpu.memref_slice %arg6[%add3A_136, %dma_wait3A_171] : memref<20480x128xf32, #tpu.memory_space<hbm>> -> memref<64x128xf32, #tpu.memory_space<hbm>>
      tpu.wait_dma2 semaphore(%run_scoped3A : memref<!tpu.dma_semaphore, #tpu.memory_space<semaphore_mem>>) src(%arg9 : memref<64x128xf32, #tpu.memory_space<vmem>>) dst(%dma_wait3A_172 : memref<64x128xf32, #tpu.memory_space<hbm>>)
      tpu.yield
    }) : () -> ()
    %add3A_137 = arith.constant 384 : i32
    %add3A_138 = arith.addi %mul3A_2, %add3A_137 : i32
    "tpu.region"() ({
      %run_scoped3A = tpu.sem_alloc : memref<!tpu.dma_semaphore, #tpu.memory_space<semaphore_mem>>
      %dma_start3A_165 = arith.constant 0 : i32
      %dma_start3A_166 = tpu.memref_slice %arg12[%add3A_138, %dma_start3A_165] : memref<10240x128xf32, #tpu.memory_space<vmem_shared>> -> memref<64x128xf32, #tpu.memory_space<vmem_shared>>
      %dma_start3A_167 = arith.constant 0 : i32
      %dma_start3A_168 = tpu.memref_slice %arg12[%add3A_138, %dma_start3A_167] : memref<10240x128xf32, #tpu.memory_space<vmem_shared>> -> memref<64x128xf32, #tpu.memory_space<vmem_shared>>
      tpu.enqueue_dma source(%dma_start3A_168 : memref<64x128xf32, #tpu.memory_space<vmem_shared>>) target(%arg9 : memref<64x128xf32, #tpu.memory_space<vmem>>) target_semaphore(%run_scoped3A : memref<!tpu.dma_semaphore, #tpu.memory_space<semaphore_mem>>)
      %dma_wait3A_169 = arith.constant 0 : i32
      %dma_wait3A_170 = tpu.memref_slice %arg12[%add3A_138, %dma_wait3A_169] : memref<10240x128xf32, #tpu.memory_space<vmem_shared>> -> memref<64x128xf32, #tpu.memory_space<vmem_shared>>
      %dma_wait3A_171 = arith.constant 0 : i32
      %dma_wait3A_172 = tpu.memref_slice %arg12[%add3A_138, %dma_wait3A_171] : memref<10240x128xf32, #tpu.memory_space<vmem_shared>> -> memref<64x128xf32, #tpu.memory_space<vmem_shared>>
      tpu.wait_dma2 semaphore(%run_scoped3A : memref<!tpu.dma_semaphore, #tpu.memory_space<semaphore_mem>>) src(%dma_wait3A_172 : memref<64x128xf32, #tpu.memory_space<vmem_shared>>) dst(%arg9 : memref<64x128xf32, #tpu.memory_space<vmem>>)
      tpu.yield
    }) : () -> ()
    %mul3A_139 = arith.constant 10240 : i32
    %mul3A_140 = arith.muli %arg0, %mul3A_139 : i32
    %add3A_141 = arith.addi %mul3A_140, %mul3A_2 : i32
    %add3A_142 = arith.constant 384 : i32
    %add3A_143 = arith.addi %add3A_141, %add3A_142 : i32
    "tpu.region"() ({
      %run_scoped3A = tpu.sem_alloc : memref<!tpu.dma_semaphore, #tpu.memory_space<semaphore_mem>>
      %dma_start3A_165 = arith.constant 0 : i32
      %dma_start3A_166 = tpu.memref_slice %arg6[%add3A_143, %dma_start3A_165] : memref<20480x128xf32, #tpu.memory_space<hbm>> -> memref<64x128xf32, #tpu.memory_space<hbm>>
      %dma_start3A_167 = arith.constant 0 : i32
      %dma_start3A_168 = tpu.memref_slice %arg6[%add3A_143, %dma_start3A_167] : memref<20480x128xf32, #tpu.memory_space<hbm>> -> memref<64x128xf32, #tpu.memory_space<hbm>>
      tpu.enqueue_dma source(%arg9 : memref<64x128xf32, #tpu.memory_space<vmem>>) target(%dma_start3A_168 : memref<64x128xf32, #tpu.memory_space<hbm>>) target_semaphore(%run_scoped3A : memref<!tpu.dma_semaphore, #tpu.memory_space<semaphore_mem>>)
      %dma_wait3A_169 = arith.constant 0 : i32
      %dma_wait3A_170 = tpu.memref_slice %arg6[%add3A_143, %dma_wait3A_169] : memref<20480x128xf32, #tpu.memory_space<hbm>> -> memref<64x128xf32, #tpu.memory_space<hbm>>
      %dma_wait3A_171 = arith.constant 0 : i32
      %dma_wait3A_172 = tpu.memref_slice %arg6[%add3A_143, %dma_wait3A_171] : memref<20480x128xf32, #tpu.memory_space<hbm>> -> memref<64x128xf32, #tpu.memory_space<hbm>>
      tpu.wait_dma2 semaphore(%run_scoped3A : memref<!tpu.dma_semaphore, #tpu.memory_space<semaphore_mem>>) src(%arg9 : memref<64x128xf32, #tpu.memory_space<vmem>>) dst(%dma_wait3A_172 : memref<64x128xf32, #tpu.memory_space<hbm>>)
      tpu.yield
    }) : () -> ()
    %add3A_144 = arith.constant 448 : i32
    %add3A_145 = arith.addi %mul3A_2, %add3A_144 : i32
    "tpu.region"() ({
      %run_scoped3A = tpu.sem_alloc : memref<!tpu.dma_semaphore, #tpu.memory_space<semaphore_mem>>
      %dma_start3A_165 = arith.constant 0 : i32
      %dma_start3A_166 = tpu.memref_slice %arg12[%add3A_145, %dma_start3A_165] : memref<10240x128xf32, #tpu.memory_space<vmem_shared>> -> memref<64x128xf32, #tpu.memory_space<vmem_shared>>
      %dma_start3A_167 = arith.constant 0 : i32
      %dma_start3A_168 = tpu.memref_slice %arg12[%add3A_145, %dma_start3A_167] : memref<10240x128xf32, #tpu.memory_space<vmem_shared>> -> memref<64x128xf32, #tpu.memory_space<vmem_shared>>
      tpu.enqueue_dma source(%dma_start3A_168 : memref<64x128xf32, #tpu.memory_space<vmem_shared>>) target(%arg9 : memref<64x128xf32, #tpu.memory_space<vmem>>) target_semaphore(%run_scoped3A : memref<!tpu.dma_semaphore, #tpu.memory_space<semaphore_mem>>)
      %dma_wait3A_169 = arith.constant 0 : i32
      %dma_wait3A_170 = tpu.memref_slice %arg12[%add3A_145, %dma_wait3A_169] : memref<10240x128xf32, #tpu.memory_space<vmem_shared>> -> memref<64x128xf32, #tpu.memory_space<vmem_shared>>
      %dma_wait3A_171 = arith.constant 0 : i32
      %dma_wait3A_172 = tpu.memref_slice %arg12[%add3A_145, %dma_wait3A_171] : memref<10240x128xf32, #tpu.memory_space<vmem_shared>> -> memref<64x128xf32, #tpu.memory_space<vmem_shared>>
      tpu.wait_dma2 semaphore(%run_scoped3A : memref<!tpu.dma_semaphore, #tpu.memory_space<semaphore_mem>>) src(%dma_wait3A_172 : memref<64x128xf32, #tpu.memory_space<vmem_shared>>) dst(%arg9 : memref<64x128xf32, #tpu.memory_space<vmem>>)
      tpu.yield
    }) : () -> ()
    %mul3A_146 = arith.constant 10240 : i32
    %mul3A_147 = arith.muli %arg0, %mul3A_146 : i32
    %add3A_148 = arith.addi %mul3A_147, %mul3A_2 : i32
    %add3A_149 = arith.constant 448 : i32
    %add3A_150 = arith.addi %add3A_148, %add3A_149 : i32
    "tpu.region"() ({
      %run_scoped3A = tpu.sem_alloc : memref<!tpu.dma_semaphore, #tpu.memory_space<semaphore_mem>>
      %dma_start3A_165 = arith.constant 0 : i32
      %dma_start3A_166 = tpu.memref_slice %arg6[%add3A_150, %dma_start3A_165] : memref<20480x128xf32, #tpu.memory_space<hbm>> -> memref<64x128xf32, #tpu.memory_space<hbm>>
      %dma_start3A_167 = arith.constant 0 : i32
      %dma_start3A_168 = tpu.memref_slice %arg6[%add3A_150, %dma_start3A_167] : memref<20480x128xf32, #tpu.memory_space<hbm>> -> memref<64x128xf32, #tpu.memory_space<hbm>>
      tpu.enqueue_dma source(%arg9 : memref<64x128xf32, #tpu.memory_space<vmem>>) target(%dma_start3A_168 : memref<64x128xf32, #tpu.memory_space<hbm>>) target_semaphore(%run_scoped3A : memref<!tpu.dma_semaphore, #tpu.memory_space<semaphore_mem>>)
      %dma_wait3A_169 = arith.constant 0 : i32
      %dma_wait3A_170 = tpu.memref_slice %arg6[%add3A_150, %dma_wait3A_169] : memref<20480x128xf32, #tpu.memory_space<hbm>> -> memref<64x128xf32, #tpu.memory_space<hbm>>
      %dma_wait3A_171 = arith.constant 0 : i32
      %dma_wait3A_172 = tpu.memref_slice %arg6[%add3A_150, %dma_wait3A_171] : memref<20480x128xf32, #tpu.memory_space<hbm>> -> memref<64x128xf32, #tpu.memory_space<hbm>>
      tpu.wait_dma2 semaphore(%run_scoped3A : memref<!tpu.dma_semaphore, #tpu.memory_space<semaphore_mem>>) src(%arg9 : memref<64x128xf32, #tpu.memory_space<vmem>>) dst(%dma_wait3A_172 : memref<64x128xf32, #tpu.memory_space<hbm>>)
      tpu.yield
    }) : () -> ()
    %add3A_151 = arith.constant 512 : i32
    %add3A_152 = arith.addi %mul3A_2, %add3A_151 : i32
    "tpu.region"() ({
      %run_scoped3A = tpu.sem_alloc : memref<!tpu.dma_semaphore, #tpu.memory_space<semaphore_mem>>
      %dma_start3A_165 = arith.constant 0 : i32
      %dma_start3A_166 = tpu.memref_slice %arg12[%add3A_152, %dma_start3A_165] : memref<10240x128xf32, #tpu.memory_space<vmem_shared>> -> memref<64x128xf32, #tpu.memory_space<vmem_shared>>
      %dma_start3A_167 = arith.constant 0 : i32
      %dma_start3A_168 = tpu.memref_slice %arg12[%add3A_152, %dma_start3A_167] : memref<10240x128xf32, #tpu.memory_space<vmem_shared>> -> memref<64x128xf32, #tpu.memory_space<vmem_shared>>
      tpu.enqueue_dma source(%dma_start3A_168 : memref<64x128xf32, #tpu.memory_space<vmem_shared>>) target(%arg9 : memref<64x128xf32, #tpu.memory_space<vmem>>) target_semaphore(%run_scoped3A : memref<!tpu.dma_semaphore, #tpu.memory_space<semaphore_mem>>)
      %dma_wait3A_169 = arith.constant 0 : i32
      %dma_wait3A_170 = tpu.memref_slice %arg12[%add3A_152, %dma_wait3A_169] : memref<10240x128xf32, #tpu.memory_space<vmem_shared>> -> memref<64x128xf32, #tpu.memory_space<vmem_shared>>
      %dma_wait3A_171 = arith.constant 0 : i32
      %dma_wait3A_172 = tpu.memref_slice %arg12[%add3A_152, %dma_wait3A_171] : memref<10240x128xf32, #tpu.memory_space<vmem_shared>> -> memref<64x128xf32, #tpu.memory_space<vmem_shared>>
      tpu.wait_dma2 semaphore(%run_scoped3A : memref<!tpu.dma_semaphore, #tpu.memory_space<semaphore_mem>>) src(%dma_wait3A_172 : memref<64x128xf32, #tpu.memory_space<vmem_shared>>) dst(%arg9 : memref<64x128xf32, #tpu.memory_space<vmem>>)
      tpu.yield
    }) : () -> ()
    %mul3A_153 = arith.constant 10240 : i32
    %mul3A_154 = arith.muli %arg0, %mul3A_153 : i32
    %add3A_155 = arith.addi %mul3A_154, %mul3A_2 : i32
    %add3A_156 = arith.constant 512 : i32
    %add3A_157 = arith.addi %add3A_155, %add3A_156 : i32
    "tpu.region"() ({
      %run_scoped3A = tpu.sem_alloc : memref<!tpu.dma_semaphore, #tpu.memory_space<semaphore_mem>>
      %dma_start3A_165 = arith.constant 0 : i32
      %dma_start3A_166 = tpu.memref_slice %arg6[%add3A_157, %dma_start3A_165] : memref<20480x128xf32, #tpu.memory_space<hbm>> -> memref<64x128xf32, #tpu.memory_space<hbm>>
      %dma_start3A_167 = arith.constant 0 : i32
      %dma_start3A_168 = tpu.memref_slice %arg6[%add3A_157, %dma_start3A_167] : memref<20480x128xf32, #tpu.memory_space<hbm>> -> memref<64x128xf32, #tpu.memory_space<hbm>>
      tpu.enqueue_dma source(%arg9 : memref<64x128xf32, #tpu.memory_space<vmem>>) target(%dma_start3A_168 : memref<64x128xf32, #tpu.memory_space<hbm>>) target_semaphore(%run_scoped3A : memref<!tpu.dma_semaphore, #tpu.memory_space<semaphore_mem>>)
      %dma_wait3A_169 = arith.constant 0 : i32
      %dma_wait3A_170 = tpu.memref_slice %arg6[%add3A_157, %dma_wait3A_169] : memref<20480x128xf32, #tpu.memory_space<hbm>> -> memref<64x128xf32, #tpu.memory_space<hbm>>
      %dma_wait3A_171 = arith.constant 0 : i32
      %dma_wait3A_172 = tpu.memref_slice %arg6[%add3A_157, %dma_wait3A_171] : memref<20480x128xf32, #tpu.memory_space<hbm>> -> memref<64x128xf32, #tpu.memory_space<hbm>>
      tpu.wait_dma2 semaphore(%run_scoped3A : memref<!tpu.dma_semaphore, #tpu.memory_space<semaphore_mem>>) src(%arg9 : memref<64x128xf32, #tpu.memory_space<vmem>>) dst(%dma_wait3A_172 : memref<64x128xf32, #tpu.memory_space<hbm>>)
      tpu.yield
    }) : () -> ()
    %add3A_158 = arith.constant 576 : i32
    %add3A_159 = arith.addi %mul3A_2, %add3A_158 : i32
    "tpu.region"() ({
      %run_scoped3A = tpu.sem_alloc : memref<!tpu.dma_semaphore, #tpu.memory_space<semaphore_mem>>
      %dma_start3A_165 = arith.constant 0 : i32
      %dma_start3A_166 = tpu.memref_slice %arg12[%add3A_159, %dma_start3A_165] : memref<10240x128xf32, #tpu.memory_space<vmem_shared>> -> memref<64x128xf32, #tpu.memory_space<vmem_shared>>
      %dma_start3A_167 = arith.constant 0 : i32
      %dma_start3A_168 = tpu.memref_slice %arg12[%add3A_159, %dma_start3A_167] : memref<10240x128xf32, #tpu.memory_space<vmem_shared>> -> memref<64x128xf32, #tpu.memory_space<vmem_shared>>
      tpu.enqueue_dma source(%dma_start3A_168 : memref<64x128xf32, #tpu.memory_space<vmem_shared>>) target(%arg9 : memref<64x128xf32, #tpu.memory_space<vmem>>) target_semaphore(%run_scoped3A : memref<!tpu.dma_semaphore, #tpu.memory_space<semaphore_mem>>)
      %dma_wait3A_169 = arith.constant 0 : i32
      %dma_wait3A_170 = tpu.memref_slice %arg12[%add3A_159, %dma_wait3A_169] : memref<10240x128xf32, #tpu.memory_space<vmem_shared>> -> memref<64x128xf32, #tpu.memory_space<vmem_shared>>
      %dma_wait3A_171 = arith.constant 0 : i32
      %dma_wait3A_172 = tpu.memref_slice %arg12[%add3A_159, %dma_wait3A_171] : memref<10240x128xf32, #tpu.memory_space<vmem_shared>> -> memref<64x128xf32, #tpu.memory_space<vmem_shared>>
      tpu.wait_dma2 semaphore(%run_scoped3A : memref<!tpu.dma_semaphore, #tpu.memory_space<semaphore_mem>>) src(%dma_wait3A_172 : memref<64x128xf32, #tpu.memory_space<vmem_shared>>) dst(%arg9 : memref<64x128xf32, #tpu.memory_space<vmem>>)
      tpu.yield
    }) : () -> ()
    %mul3A_160 = arith.constant 10240 : i32
    %mul3A_161 = arith.muli %arg0, %mul3A_160 : i32
    %add3A_162 = arith.addi %mul3A_161, %mul3A_2 : i32
    %add3A_163 = arith.constant 576 : i32
    %add3A_164 = arith.addi %add3A_162, %add3A_163 : i32
    "tpu.region"() ({
      %run_scoped3A = tpu.sem_alloc : memref<!tpu.dma_semaphore, #tpu.memory_space<semaphore_mem>>
      %dma_start3A_165 = arith.constant 0 : i32
      %dma_start3A_166 = tpu.memref_slice %arg6[%add3A_164, %dma_start3A_165] : memref<20480x128xf32, #tpu.memory_space<hbm>> -> memref<64x128xf32, #tpu.memory_space<hbm>>
      %dma_start3A_167 = arith.constant 0 : i32
      %dma_start3A_168 = tpu.memref_slice %arg6[%add3A_164, %dma_start3A_167] : memref<20480x128xf32, #tpu.memory_space<hbm>> -> memref<64x128xf32, #tpu.memory_space<hbm>>
      tpu.enqueue_dma source(%arg9 : memref<64x128xf32, #tpu.memory_space<vmem>>) target(%dma_start3A_168 : memref<64x128xf32, #tpu.memory_space<hbm>>) target_semaphore(%run_scoped3A : memref<!tpu.dma_semaphore, #tpu.memory_space<semaphore_mem>>)
      %dma_wait3A_169 = arith.constant 0 : i32
      %dma_wait3A_170 = tpu.memref_slice %arg6[%add3A_164, %dma_wait3A_169] : memref<20480x128xf32, #tpu.memory_space<hbm>> -> memref<64x128xf32, #tpu.memory_space<hbm>>
      %dma_wait3A_171 = arith.constant 0 : i32
      %dma_wait3A_172 = tpu.memref_slice %arg6[%add3A_164, %dma_wait3A_171] : memref<20480x128xf32, #tpu.memory_space<hbm>> -> memref<64x128xf32, #tpu.memory_space<hbm>>
      tpu.wait_dma2 semaphore(%run_scoped3A : memref<!tpu.dma_semaphore, #tpu.memory_space<semaphore_mem>>) src(%arg9 : memref<64x128xf32, #tpu.memory_space<vmem>>) dst(%dma_wait3A_172 : memref<64x128xf32, #tpu.memory_space<hbm>>)
      tpu.yield
    }) : () -> ()
    return
  }
}

#map = affine_map<(d0, d1) -> (0, 0)>
module attributes {stable_mosaic.version = 14 : i64} {
  func.func @agg_kernel(%arg0: i32, %arg1: i32, %arg2: memref<2560x64xi32, #tpu.memory_space<hbm>>, %arg3: memref<2560x64xi32, #tpu.memory_space<hbm>>, %arg4: memref<10240x128xf32, #tpu.memory_space<hbm>>, %arg5: memref<64x128xf32, #tpu.memory_space<hbm>>, %arg6: memref<20480x128xf32, #tpu.memory_space<hbm>>, %arg7: memref<80x64xi32, #tpu.memory_space<vmem>>, %arg8: memref<80x64xi32, #tpu.memory_space<vmem>>, %arg9: memref<64x128xf32, #tpu.memory_space<vmem>>, %arg10: memref<64x128xf32, #tpu.memory_space<vmem>>, %arg11: memref<64x128xf32, #tpu.memory_space<vmem>>, %arg12: memref<10240x128xf32, #tpu.memory_space<vmem_shared>>, %arg13: memref<!tpu.dma_semaphore, #tpu.memory_space<semaphore_mem>>, %arg14: memref<!tpu.dma_semaphore, #tpu.memory_space<semaphore_mem>>, %arg15: memref<!tpu.dma_semaphore, #tpu.memory_space<semaphore_mem>>, %arg16: memref<!tpu.dma_semaphore, #tpu.memory_space<semaphore_mem>>, %arg17: memref<!tpu.dma_semaphore, #tpu.memory_space<semaphore_mem>>, %arg18: memref<!tpu.dma_semaphore, #tpu.memory_space<semaphore_mem>>) attributes {dimension_semantics = [#tpu.dimension_semantics<core_parallel>, #tpu.dimension_semantics<subcore_parallel>], iteration_bounds = array<i64: 2, 16>, scalar_prefetch = 0 : i64, scratch_operands = 12 : i64, tpu.core_type = #tpu.core_type<sc_vector_subcore>, window_params = [{transform_indices = #map}, {transform_indices = #map}, {transform_indices = #map}, {transform_indices = #map}, {transform_indices = #map}]} {
    %mul3A = arith.constant 2 : i32
    %mul3A_0 = arith.muli %arg1, %mul3A : i32
    %add3A = arith.addi %mul3A_0, %arg0 : i32
    %mul3A_1 = arith.constant 640 : i32
    %mul3A_2 = arith.muli %arg1, %mul3A_1 : i32
    %mul3A_3 = arith.constant 80 : i32
    %mul3A_4 = arith.muli %add3A, %mul3A_3 : i32
    "tpu.region"() ({
      %run_scoped3A = tpu.sem_alloc : memref<!tpu.dma_semaphore, #tpu.memory_space<semaphore_mem>>
      %dma_start3A_165 = arith.constant 0 : i32
      %dma_start3A_166 = tpu.memref_slice %arg2[%mul3A_4, %dma_start3A_165] : memref<2560x64xi32, #tpu.memory_space<hbm>> -> memref<80x64xi32, #tpu.memory_space<hbm>>
      %dma_start3A_167 = arith.constant 0 : i32
      %dma_start3A_168 = tpu.memref_slice %arg2[%mul3A_4, %dma_start3A_167] : memref<2560x64xi32, #tpu.memory_space<hbm>> -> memref<80x64xi32, #tpu.memory_space<hbm>>
      tpu.enqueue_dma source(%dma_start3A_168 : memref<80x64xi32, #tpu.memory_space<hbm>>) target(%arg7 : memref<80x64xi32, #tpu.memory_space<vmem>>) target_semaphore(%run_scoped3A : memref<!tpu.dma_semaphore, #tpu.memory_space<semaphore_mem>>)
      %dma_wait3A_169 = arith.constant 0 : i32
      %dma_wait3A_170 = tpu.memref_slice %arg2[%mul3A_4, %dma_wait3A_169] : memref<2560x64xi32, #tpu.memory_space<hbm>> -> memref<80x64xi32, #tpu.memory_space<hbm>>
      %dma_wait3A_171 = arith.constant 0 : i32
      %dma_wait3A_172 = tpu.memref_slice %arg2[%mul3A_4, %dma_wait3A_171] : memref<2560x64xi32, #tpu.memory_space<hbm>> -> memref<80x64xi32, #tpu.memory_space<hbm>>
      tpu.wait_dma2 semaphore(%run_scoped3A : memref<!tpu.dma_semaphore, #tpu.memory_space<semaphore_mem>>) src(%dma_wait3A_172 : memref<80x64xi32, #tpu.memory_space<hbm>>) dst(%arg7 : memref<80x64xi32, #tpu.memory_space<vmem>>)
      tpu.yield
    }) : () -> ()
    %mul3A_5 = arith.constant 80 : i32
    %mul3A_6 = arith.muli %add3A, %mul3A_5 : i32
    "tpu.region"() ({
      %run_scoped3A = tpu.sem_alloc : memref<!tpu.dma_semaphore, #tpu.memory_space<semaphore_mem>>
      %dma_start3A_165 = arith.constant 0 : i32
      %dma_start3A_166 = tpu.memref_slice %arg3[%mul3A_6, %dma_start3A_165] : memref<2560x64xi32, #tpu.memory_space<hbm>> -> memref<80x64xi32, #tpu.memory_space<hbm>>
      %dma_start3A_167 = arith.constant 0 : i32
      %dma_start3A_168 = tpu.memref_slice %arg3[%mul3A_6, %dma_start3A_167] : memref<2560x64xi32, #tpu.memory_space<hbm>> -> memref<80x64xi32, #tpu.memory_space<hbm>>
      tpu.enqueue_dma source(%dma_start3A_168 : memref<80x64xi32, #tpu.memory_space<hbm>>) target(%arg8 : memref<80x64xi32, #tpu.memory_space<vmem>>) target_semaphore(%run_scoped3A : memref<!tpu.dma_semaphore, #tpu.memory_space<semaphore_mem>>)
      %dma_wait3A_169 = arith.constant 0 : i32
      %dma_wait3A_170 = tpu.memref_slice %arg3[%mul3A_6, %dma_wait3A_169] : memref<2560x64xi32, #tpu.memory_space<hbm>> -> memref<80x64xi32, #tpu.memory_space<hbm>>
      %dma_wait3A_171 = arith.constant 0 : i32
      %dma_wait3A_172 = tpu.memref_slice %arg3[%mul3A_6, %dma_wait3A_171] : memref<2560x64xi32, #tpu.memory_space<hbm>> -> memref<80x64xi32, #tpu.memory_space<hbm>>
      tpu.wait_dma2 semaphore(%run_scoped3A : memref<!tpu.dma_semaphore, #tpu.memory_space<semaphore_mem>>) src(%dma_wait3A_172 : memref<80x64xi32, #tpu.memory_space<hbm>>) dst(%arg8 : memref<80x64xi32, #tpu.memory_space<vmem>>)
      tpu.yield
    }) : () -> ()
    "tpu.region"() ({
      %run_scoped3A = tpu.sem_alloc : memref<!tpu.dma_semaphore, #tpu.memory_space<semaphore_mem>>
      tpu.enqueue_dma source(%arg5 : memref<64x128xf32, #tpu.memory_space<hbm>>) target(%arg9 : memref<64x128xf32, #tpu.memory_space<vmem>>) target_semaphore(%run_scoped3A : memref<!tpu.dma_semaphore, #tpu.memory_space<semaphore_mem>>)
      tpu.wait_dma2 semaphore(%run_scoped3A : memref<!tpu.dma_semaphore, #tpu.memory_space<semaphore_mem>>) src(%arg5 : memref<64x128xf32, #tpu.memory_space<hbm>>) dst(%arg9 : memref<64x128xf32, #tpu.memory_space<vmem>>)
      tpu.yield
    }) : () -> ()
    %add3A_7 = arith.constant 0 : i32
    %add3A_8 = arith.addi %mul3A_2, %add3A_7 : i32
    "tpu.region"() ({
      %run_scoped3A = tpu.sem_alloc : memref<!tpu.dma_semaphore, #tpu.memory_space<semaphore_mem>>
      %dma_start3A_165 = arith.constant 0 : i32
      %dma_start3A_166 = tpu.memref_slice %arg12[%add3A_8, %dma_start3A_165] : memref<10240x128xf32, #tpu.memory_space<vmem_shared>> -> memref<64x128xf32, #tpu.memory_space<vmem_shared>>
      %dma_start3A_167 = arith.constant 0 : i32
      %dma_start3A_168 = tpu.memref_slice %arg12[%add3A_8, %dma_start3A_167] : memref<10240x128xf32, #tpu.memory_space<vmem_shared>> -> memref<64x128xf32, #tpu.memory_space<vmem_shared>>
      tpu.enqueue_dma source(%arg9 : memref<64x128xf32, #tpu.memory_space<vmem>>) target(%dma_start3A_168 : memref<64x128xf32, #tpu.memory_space<vmem_shared>>) target_semaphore(%run_scoped3A : memref<!tpu.dma_semaphore, #tpu.memory_space<semaphore_mem>>)
      %dma_wait3A_169 = arith.constant 0 : i32
      %dma_wait3A_170 = tpu.memref_slice %arg12[%add3A_8, %dma_wait3A_169] : memref<10240x128xf32, #tpu.memory_space<vmem_shared>> -> memref<64x128xf32, #tpu.memory_space<vmem_shared>>
      %dma_wait3A_171 = arith.constant 0 : i32
      %dma_wait3A_172 = tpu.memref_slice %arg12[%add3A_8, %dma_wait3A_171] : memref<10240x128xf32, #tpu.memory_space<vmem_shared>> -> memref<64x128xf32, #tpu.memory_space<vmem_shared>>
      tpu.wait_dma2 semaphore(%run_scoped3A : memref<!tpu.dma_semaphore, #tpu.memory_space<semaphore_mem>>) src(%arg9 : memref<64x128xf32, #tpu.memory_space<vmem>>) dst(%dma_wait3A_172 : memref<64x128xf32, #tpu.memory_space<vmem_shared>>)
      tpu.yield
    }) : () -> ()
    %add3A_9 = arith.constant 64 : i32
    %add3A_10 = arith.addi %mul3A_2, %add3A_9 : i32
    "tpu.region"() ({
      %run_scoped3A = tpu.sem_alloc : memref<!tpu.dma_semaphore, #tpu.memory_space<semaphore_mem>>
      %dma_start3A_165 = arith.constant 0 : i32
      %dma_start3A_166 = tpu.memref_slice %arg12[%add3A_10, %dma_start3A_165] : memref<10240x128xf32, #tpu.memory_space<vmem_shared>> -> memref<64x128xf32, #tpu.memory_space<vmem_shared>>
      %dma_start3A_167 = arith.constant 0 : i32
      %dma_start3A_168 = tpu.memref_slice %arg12[%add3A_10, %dma_start3A_167] : memref<10240x128xf32, #tpu.memory_space<vmem_shared>> -> memref<64x128xf32, #tpu.memory_space<vmem_shared>>
      tpu.enqueue_dma source(%arg9 : memref<64x128xf32, #tpu.memory_space<vmem>>) target(%dma_start3A_168 : memref<64x128xf32, #tpu.memory_space<vmem_shared>>) target_semaphore(%run_scoped3A : memref<!tpu.dma_semaphore, #tpu.memory_space<semaphore_mem>>)
      %dma_wait3A_169 = arith.constant 0 : i32
      %dma_wait3A_170 = tpu.memref_slice %arg12[%add3A_10, %dma_wait3A_169] : memref<10240x128xf32, #tpu.memory_space<vmem_shared>> -> memref<64x128xf32, #tpu.memory_space<vmem_shared>>
      %dma_wait3A_171 = arith.constant 0 : i32
      %dma_wait3A_172 = tpu.memref_slice %arg12[%add3A_10, %dma_wait3A_171] : memref<10240x128xf32, #tpu.memory_space<vmem_shared>> -> memref<64x128xf32, #tpu.memory_space<vmem_shared>>
      tpu.wait_dma2 semaphore(%run_scoped3A : memref<!tpu.dma_semaphore, #tpu.memory_space<semaphore_mem>>) src(%arg9 : memref<64x128xf32, #tpu.memory_space<vmem>>) dst(%dma_wait3A_172 : memref<64x128xf32, #tpu.memory_space<vmem_shared>>)
      tpu.yield
    }) : () -> ()
    %add3A_11 = arith.constant 128 : i32
    %add3A_12 = arith.addi %mul3A_2, %add3A_11 : i32
    "tpu.region"() ({
      %run_scoped3A = tpu.sem_alloc : memref<!tpu.dma_semaphore, #tpu.memory_space<semaphore_mem>>
      %dma_start3A_165 = arith.constant 0 : i32
      %dma_start3A_166 = tpu.memref_slice %arg12[%add3A_12, %dma_start3A_165] : memref<10240x128xf32, #tpu.memory_space<vmem_shared>> -> memref<64x128xf32, #tpu.memory_space<vmem_shared>>
      %dma_start3A_167 = arith.constant 0 : i32
      %dma_start3A_168 = tpu.memref_slice %arg12[%add3A_12, %dma_start3A_167] : memref<10240x128xf32, #tpu.memory_space<vmem_shared>> -> memref<64x128xf32, #tpu.memory_space<vmem_shared>>
      tpu.enqueue_dma source(%arg9 : memref<64x128xf32, #tpu.memory_space<vmem>>) target(%dma_start3A_168 : memref<64x128xf32, #tpu.memory_space<vmem_shared>>) target_semaphore(%run_scoped3A : memref<!tpu.dma_semaphore, #tpu.memory_space<semaphore_mem>>)
      %dma_wait3A_169 = arith.constant 0 : i32
      %dma_wait3A_170 = tpu.memref_slice %arg12[%add3A_12, %dma_wait3A_169] : memref<10240x128xf32, #tpu.memory_space<vmem_shared>> -> memref<64x128xf32, #tpu.memory_space<vmem_shared>>
      %dma_wait3A_171 = arith.constant 0 : i32
      %dma_wait3A_172 = tpu.memref_slice %arg12[%add3A_12, %dma_wait3A_171] : memref<10240x128xf32, #tpu.memory_space<vmem_shared>> -> memref<64x128xf32, #tpu.memory_space<vmem_shared>>
      tpu.wait_dma2 semaphore(%run_scoped3A : memref<!tpu.dma_semaphore, #tpu.memory_space<semaphore_mem>>) src(%arg9 : memref<64x128xf32, #tpu.memory_space<vmem>>) dst(%dma_wait3A_172 : memref<64x128xf32, #tpu.memory_space<vmem_shared>>)
      tpu.yield
    }) : () -> ()
    %add3A_13 = arith.constant 192 : i32
    %add3A_14 = arith.addi %mul3A_2, %add3A_13 : i32
    "tpu.region"() ({
      %run_scoped3A = tpu.sem_alloc : memref<!tpu.dma_semaphore, #tpu.memory_space<semaphore_mem>>
      %dma_start3A_165 = arith.constant 0 : i32
      %dma_start3A_166 = tpu.memref_slice %arg12[%add3A_14, %dma_start3A_165] : memref<10240x128xf32, #tpu.memory_space<vmem_shared>> -> memref<64x128xf32, #tpu.memory_space<vmem_shared>>
      %dma_start3A_167 = arith.constant 0 : i32
      %dma_start3A_168 = tpu.memref_slice %arg12[%add3A_14, %dma_start3A_167] : memref<10240x128xf32, #tpu.memory_space<vmem_shared>> -> memref<64x128xf32, #tpu.memory_space<vmem_shared>>
      tpu.enqueue_dma source(%arg9 : memref<64x128xf32, #tpu.memory_space<vmem>>) target(%dma_start3A_168 : memref<64x128xf32, #tpu.memory_space<vmem_shared>>) target_semaphore(%run_scoped3A : memref<!tpu.dma_semaphore, #tpu.memory_space<semaphore_mem>>)
      %dma_wait3A_169 = arith.constant 0 : i32
      %dma_wait3A_170 = tpu.memref_slice %arg12[%add3A_14, %dma_wait3A_169] : memref<10240x128xf32, #tpu.memory_space<vmem_shared>> -> memref<64x128xf32, #tpu.memory_space<vmem_shared>>
      %dma_wait3A_171 = arith.constant 0 : i32
      %dma_wait3A_172 = tpu.memref_slice %arg12[%add3A_14, %dma_wait3A_171] : memref<10240x128xf32, #tpu.memory_space<vmem_shared>> -> memref<64x128xf32, #tpu.memory_space<vmem_shared>>
      tpu.wait_dma2 semaphore(%run_scoped3A : memref<!tpu.dma_semaphore, #tpu.memory_space<semaphore_mem>>) src(%arg9 : memref<64x128xf32, #tpu.memory_space<vmem>>) dst(%dma_wait3A_172 : memref<64x128xf32, #tpu.memory_space<vmem_shared>>)
      tpu.yield
    }) : () -> ()
    %add3A_15 = arith.constant 256 : i32
    %add3A_16 = arith.addi %mul3A_2, %add3A_15 : i32
    "tpu.region"() ({
      %run_scoped3A = tpu.sem_alloc : memref<!tpu.dma_semaphore, #tpu.memory_space<semaphore_mem>>
      %dma_start3A_165 = arith.constant 0 : i32
      %dma_start3A_166 = tpu.memref_slice %arg12[%add3A_16, %dma_start3A_165] : memref<10240x128xf32, #tpu.memory_space<vmem_shared>> -> memref<64x128xf32, #tpu.memory_space<vmem_shared>>
      %dma_start3A_167 = arith.constant 0 : i32
      %dma_start3A_168 = tpu.memref_slice %arg12[%add3A_16, %dma_start3A_167] : memref<10240x128xf32, #tpu.memory_space<vmem_shared>> -> memref<64x128xf32, #tpu.memory_space<vmem_shared>>
      tpu.enqueue_dma source(%arg9 : memref<64x128xf32, #tpu.memory_space<vmem>>) target(%dma_start3A_168 : memref<64x128xf32, #tpu.memory_space<vmem_shared>>) target_semaphore(%run_scoped3A : memref<!tpu.dma_semaphore, #tpu.memory_space<semaphore_mem>>)
      %dma_wait3A_169 = arith.constant 0 : i32
      %dma_wait3A_170 = tpu.memref_slice %arg12[%add3A_16, %dma_wait3A_169] : memref<10240x128xf32, #tpu.memory_space<vmem_shared>> -> memref<64x128xf32, #tpu.memory_space<vmem_shared>>
      %dma_wait3A_171 = arith.constant 0 : i32
      %dma_wait3A_172 = tpu.memref_slice %arg12[%add3A_16, %dma_wait3A_171] : memref<10240x128xf32, #tpu.memory_space<vmem_shared>> -> memref<64x128xf32, #tpu.memory_space<vmem_shared>>
      tpu.wait_dma2 semaphore(%run_scoped3A : memref<!tpu.dma_semaphore, #tpu.memory_space<semaphore_mem>>) src(%arg9 : memref<64x128xf32, #tpu.memory_space<vmem>>) dst(%dma_wait3A_172 : memref<64x128xf32, #tpu.memory_space<vmem_shared>>)
      tpu.yield
    }) : () -> ()
    %add3A_17 = arith.constant 320 : i32
    %add3A_18 = arith.addi %mul3A_2, %add3A_17 : i32
    "tpu.region"() ({
      %run_scoped3A = tpu.sem_alloc : memref<!tpu.dma_semaphore, #tpu.memory_space<semaphore_mem>>
      %dma_start3A_165 = arith.constant 0 : i32
      %dma_start3A_166 = tpu.memref_slice %arg12[%add3A_18, %dma_start3A_165] : memref<10240x128xf32, #tpu.memory_space<vmem_shared>> -> memref<64x128xf32, #tpu.memory_space<vmem_shared>>
      %dma_start3A_167 = arith.constant 0 : i32
      %dma_start3A_168 = tpu.memref_slice %arg12[%add3A_18, %dma_start3A_167] : memref<10240x128xf32, #tpu.memory_space<vmem_shared>> -> memref<64x128xf32, #tpu.memory_space<vmem_shared>>
      tpu.enqueue_dma source(%arg9 : memref<64x128xf32, #tpu.memory_space<vmem>>) target(%dma_start3A_168 : memref<64x128xf32, #tpu.memory_space<vmem_shared>>) target_semaphore(%run_scoped3A : memref<!tpu.dma_semaphore, #tpu.memory_space<semaphore_mem>>)
      %dma_wait3A_169 = arith.constant 0 : i32
      %dma_wait3A_170 = tpu.memref_slice %arg12[%add3A_18, %dma_wait3A_169] : memref<10240x128xf32, #tpu.memory_space<vmem_shared>> -> memref<64x128xf32, #tpu.memory_space<vmem_shared>>
      %dma_wait3A_171 = arith.constant 0 : i32
      %dma_wait3A_172 = tpu.memref_slice %arg12[%add3A_18, %dma_wait3A_171] : memref<10240x128xf32, #tpu.memory_space<vmem_shared>> -> memref<64x128xf32, #tpu.memory_space<vmem_shared>>
      tpu.wait_dma2 semaphore(%run_scoped3A : memref<!tpu.dma_semaphore, #tpu.memory_space<semaphore_mem>>) src(%arg9 : memref<64x128xf32, #tpu.memory_space<vmem>>) dst(%dma_wait3A_172 : memref<64x128xf32, #tpu.memory_space<vmem_shared>>)
      tpu.yield
    }) : () -> ()
    %add3A_19 = arith.constant 384 : i32
    %add3A_20 = arith.addi %mul3A_2, %add3A_19 : i32
    "tpu.region"() ({
      %run_scoped3A = tpu.sem_alloc : memref<!tpu.dma_semaphore, #tpu.memory_space<semaphore_mem>>
      %dma_start3A_165 = arith.constant 0 : i32
      %dma_start3A_166 = tpu.memref_slice %arg12[%add3A_20, %dma_start3A_165] : memref<10240x128xf32, #tpu.memory_space<vmem_shared>> -> memref<64x128xf32, #tpu.memory_space<vmem_shared>>
      %dma_start3A_167 = arith.constant 0 : i32
      %dma_start3A_168 = tpu.memref_slice %arg12[%add3A_20, %dma_start3A_167] : memref<10240x128xf32, #tpu.memory_space<vmem_shared>> -> memref<64x128xf32, #tpu.memory_space<vmem_shared>>
      tpu.enqueue_dma source(%arg9 : memref<64x128xf32, #tpu.memory_space<vmem>>) target(%dma_start3A_168 : memref<64x128xf32, #tpu.memory_space<vmem_shared>>) target_semaphore(%run_scoped3A : memref<!tpu.dma_semaphore, #tpu.memory_space<semaphore_mem>>)
      %dma_wait3A_169 = arith.constant 0 : i32
      %dma_wait3A_170 = tpu.memref_slice %arg12[%add3A_20, %dma_wait3A_169] : memref<10240x128xf32, #tpu.memory_space<vmem_shared>> -> memref<64x128xf32, #tpu.memory_space<vmem_shared>>
      %dma_wait3A_171 = arith.constant 0 : i32
      %dma_wait3A_172 = tpu.memref_slice %arg12[%add3A_20, %dma_wait3A_171] : memref<10240x128xf32, #tpu.memory_space<vmem_shared>> -> memref<64x128xf32, #tpu.memory_space<vmem_shared>>
      tpu.wait_dma2 semaphore(%run_scoped3A : memref<!tpu.dma_semaphore, #tpu.memory_space<semaphore_mem>>) src(%arg9 : memref<64x128xf32, #tpu.memory_space<vmem>>) dst(%dma_wait3A_172 : memref<64x128xf32, #tpu.memory_space<vmem_shared>>)
      tpu.yield
    }) : () -> ()
    %add3A_21 = arith.constant 448 : i32
    %add3A_22 = arith.addi %mul3A_2, %add3A_21 : i32
    "tpu.region"() ({
      %run_scoped3A = tpu.sem_alloc : memref<!tpu.dma_semaphore, #tpu.memory_space<semaphore_mem>>
      %dma_start3A_165 = arith.constant 0 : i32
      %dma_start3A_166 = tpu.memref_slice %arg12[%add3A_22, %dma_start3A_165] : memref<10240x128xf32, #tpu.memory_space<vmem_shared>> -> memref<64x128xf32, #tpu.memory_space<vmem_shared>>
      %dma_start3A_167 = arith.constant 0 : i32
      %dma_start3A_168 = tpu.memref_slice %arg12[%add3A_22, %dma_start3A_167] : memref<10240x128xf32, #tpu.memory_space<vmem_shared>> -> memref<64x128xf32, #tpu.memory_space<vmem_shared>>
      tpu.enqueue_dma source(%arg9 : memref<64x128xf32, #tpu.memory_space<vmem>>) target(%dma_start3A_168 : memref<64x128xf32, #tpu.memory_space<vmem_shared>>) target_semaphore(%run_scoped3A : memref<!tpu.dma_semaphore, #tpu.memory_space<semaphore_mem>>)
      %dma_wait3A_169 = arith.constant 0 : i32
      %dma_wait3A_170 = tpu.memref_slice %arg12[%add3A_22, %dma_wait3A_169] : memref<10240x128xf32, #tpu.memory_space<vmem_shared>> -> memref<64x128xf32, #tpu.memory_space<vmem_shared>>
      %dma_wait3A_171 = arith.constant 0 : i32
      %dma_wait3A_172 = tpu.memref_slice %arg12[%add3A_22, %dma_wait3A_171] : memref<10240x128xf32, #tpu.memory_space<vmem_shared>> -> memref<64x128xf32, #tpu.memory_space<vmem_shared>>
      tpu.wait_dma2 semaphore(%run_scoped3A : memref<!tpu.dma_semaphore, #tpu.memory_space<semaphore_mem>>) src(%arg9 : memref<64x128xf32, #tpu.memory_space<vmem>>) dst(%dma_wait3A_172 : memref<64x128xf32, #tpu.memory_space<vmem_shared>>)
      tpu.yield
    }) : () -> ()
    %add3A_23 = arith.constant 512 : i32
    %add3A_24 = arith.addi %mul3A_2, %add3A_23 : i32
    "tpu.region"() ({
      %run_scoped3A = tpu.sem_alloc : memref<!tpu.dma_semaphore, #tpu.memory_space<semaphore_mem>>
      %dma_start3A_165 = arith.constant 0 : i32
      %dma_start3A_166 = tpu.memref_slice %arg12[%add3A_24, %dma_start3A_165] : memref<10240x128xf32, #tpu.memory_space<vmem_shared>> -> memref<64x128xf32, #tpu.memory_space<vmem_shared>>
      %dma_start3A_167 = arith.constant 0 : i32
      %dma_start3A_168 = tpu.memref_slice %arg12[%add3A_24, %dma_start3A_167] : memref<10240x128xf32, #tpu.memory_space<vmem_shared>> -> memref<64x128xf32, #tpu.memory_space<vmem_shared>>
      tpu.enqueue_dma source(%arg9 : memref<64x128xf32, #tpu.memory_space<vmem>>) target(%dma_start3A_168 : memref<64x128xf32, #tpu.memory_space<vmem_shared>>) target_semaphore(%run_scoped3A : memref<!tpu.dma_semaphore, #tpu.memory_space<semaphore_mem>>)
      %dma_wait3A_169 = arith.constant 0 : i32
      %dma_wait3A_170 = tpu.memref_slice %arg12[%add3A_24, %dma_wait3A_169] : memref<10240x128xf32, #tpu.memory_space<vmem_shared>> -> memref<64x128xf32, #tpu.memory_space<vmem_shared>>
      %dma_wait3A_171 = arith.constant 0 : i32
      %dma_wait3A_172 = tpu.memref_slice %arg12[%add3A_24, %dma_wait3A_171] : memref<10240x128xf32, #tpu.memory_space<vmem_shared>> -> memref<64x128xf32, #tpu.memory_space<vmem_shared>>
      tpu.wait_dma2 semaphore(%run_scoped3A : memref<!tpu.dma_semaphore, #tpu.memory_space<semaphore_mem>>) src(%arg9 : memref<64x128xf32, #tpu.memory_space<vmem>>) dst(%dma_wait3A_172 : memref<64x128xf32, #tpu.memory_space<vmem_shared>>)
      tpu.yield
    }) : () -> ()
    %add3A_25 = arith.constant 576 : i32
    %add3A_26 = arith.addi %mul3A_2, %add3A_25 : i32
    "tpu.region"() ({
      %run_scoped3A = tpu.sem_alloc : memref<!tpu.dma_semaphore, #tpu.memory_space<semaphore_mem>>
      %dma_start3A_165 = arith.constant 0 : i32
      %dma_start3A_166 = tpu.memref_slice %arg12[%add3A_26, %dma_start3A_165] : memref<10240x128xf32, #tpu.memory_space<vmem_shared>> -> memref<64x128xf32, #tpu.memory_space<vmem_shared>>
      %dma_start3A_167 = arith.constant 0 : i32
      %dma_start3A_168 = tpu.memref_slice %arg12[%add3A_26, %dma_start3A_167] : memref<10240x128xf32, #tpu.memory_space<vmem_shared>> -> memref<64x128xf32, #tpu.memory_space<vmem_shared>>
      tpu.enqueue_dma source(%arg9 : memref<64x128xf32, #tpu.memory_space<vmem>>) target(%dma_start3A_168 : memref<64x128xf32, #tpu.memory_space<vmem_shared>>) target_semaphore(%run_scoped3A : memref<!tpu.dma_semaphore, #tpu.memory_space<semaphore_mem>>)
      %dma_wait3A_169 = arith.constant 0 : i32
      %dma_wait3A_170 = tpu.memref_slice %arg12[%add3A_26, %dma_wait3A_169] : memref<10240x128xf32, #tpu.memory_space<vmem_shared>> -> memref<64x128xf32, #tpu.memory_space<vmem_shared>>
      %dma_wait3A_171 = arith.constant 0 : i32
      %dma_wait3A_172 = tpu.memref_slice %arg12[%add3A_26, %dma_wait3A_171] : memref<10240x128xf32, #tpu.memory_space<vmem_shared>> -> memref<64x128xf32, #tpu.memory_space<vmem_shared>>
      tpu.wait_dma2 semaphore(%run_scoped3A : memref<!tpu.dma_semaphore, #tpu.memory_space<semaphore_mem>>) src(%arg9 : memref<64x128xf32, #tpu.memory_space<vmem>>) dst(%dma_wait3A_172 : memref<64x128xf32, #tpu.memory_space<vmem_shared>>)
      tpu.yield
    }) : () -> ()
    %barrier3A = arith.constant 0 : index
    tpu.barrier barrier_id(%barrier3A)
    %dma_start3A = arith.constant 0 : i32
    %dma_start3A_27 = arith.constant 0 : i32
    %dma_start3A_28 = tpu.memref_slice %arg7[%dma_start3A, %dma_start3A_27] : memref<80x64xi32, #tpu.memory_space<vmem>> -> memref<1x64xi32, #tpu.memory_space<vmem>>
    %dma_start3A_29 = tpu.memref_squeeze %dma_start3A_28 : memref<1x64xi32, #tpu.memory_space<vmem>> -> memref<64xi32, #tpu.memory_space<vmem>>
    %dma_start3A_30 = arith.constant 0 : i32
    %dma_start3A_31 = arith.constant 0 : i32
    %dma_start3A_32 = tpu.memref_slice %arg4[%dma_start3A_30, %dma_start3A_31] : memref<10240x128xf32, #tpu.memory_space<hbm>> -> memref<10240x128xf32, #tpu.memory_space<hbm>>
    tpu.enqueue_indirect_dma source(%dma_start3A_32 : memref<10240x128xf32, #tpu.memory_space<hbm>>) target(%arg9 : memref<64x128xf32, #tpu.memory_space<vmem>>) offsets(%dma_start3A_29 : memref<64xi32, #tpu.memory_space<vmem>>) semaphore(%arg13 : memref<!tpu.dma_semaphore, #tpu.memory_space<semaphore_mem>>)
    %dma_start3A_33 = arith.constant 1 : i32
    %dma_start3A_34 = arith.constant 0 : i32
    %dma_start3A_35 = tpu.memref_slice %arg7[%dma_start3A_33, %dma_start3A_34] : memref<80x64xi32, #tpu.memory_space<vmem>> -> memref<1x64xi32, #tpu.memory_space<vmem>>
    %dma_start3A_36 = tpu.memref_squeeze %dma_start3A_35 : memref<1x64xi32, #tpu.memory_space<vmem>> -> memref<64xi32, #tpu.memory_space<vmem>>
    %dma_start3A_37 = arith.constant 0 : i32
    %dma_start3A_38 = arith.constant 0 : i32
    %dma_start3A_39 = tpu.memref_slice %arg4[%dma_start3A_37, %dma_start3A_38] : memref<10240x128xf32, #tpu.memory_space<hbm>> -> memref<10240x128xf32, #tpu.memory_space<hbm>>
    tpu.enqueue_indirect_dma source(%dma_start3A_39 : memref<10240x128xf32, #tpu.memory_space<hbm>>) target(%arg10 : memref<64x128xf32, #tpu.memory_space<vmem>>) offsets(%dma_start3A_36 : memref<64xi32, #tpu.memory_space<vmem>>) semaphore(%arg14 : memref<!tpu.dma_semaphore, #tpu.memory_space<semaphore_mem>>)
    %scan3A = arith.constant 0 : i32
    %scan3A_40 = arith.constant 0 : i32
    %scan3A_41 = arith.constant 26 : i32
    %scan3A_42 = arith.addi %scan3A_40, %scan3A_41 : i32
    %scan3A_43 = arith.constant 1 : i32
    %scan3A_44 = scf.for %scan3A_165 = %scan3A_40 to %scan3A_42 step %scan3A_43 iter_args(%scan3A_166 = %scan3A) -> (i32)  : i32 {
      %mul3A_167 = arith.constant 3 : i32
      %mul3A_168 = arith.muli %mul3A_167, %scan3A_165 : i32
      %add3A_169 = arith.constant 0 : i32
      %add3A_170 = arith.addi %mul3A_168, %add3A_169 : i32
      %dma_wait3A_171 = arith.constant 0 : i32
      %dma_wait3A_172 = arith.constant 0 : i32
      %dma_wait3A_173 = tpu.memref_slice %arg7[%dma_wait3A_171, %dma_wait3A_172] : memref<80x64xi32, #tpu.memory_space<vmem>> -> memref<1x64xi32, #tpu.memory_space<vmem>>
      %dma_wait3A_174 = tpu.memref_squeeze %dma_wait3A_173 : memref<1x64xi32, #tpu.memory_space<vmem>> -> memref<64xi32, #tpu.memory_space<vmem>>
      %dma_wait3A_175 = arith.constant 0 : i32
      %dma_wait3A_176 = arith.constant 0 : i32
      %dma_wait3A_177 = tpu.memref_slice %arg4[%dma_wait3A_175, %dma_wait3A_176] : memref<10240x128xf32, #tpu.memory_space<hbm>> -> memref<10240x128xf32, #tpu.memory_space<hbm>>
      tpu.wait_indirect_dma semaphore(%arg13 : memref<!tpu.dma_semaphore, #tpu.memory_space<semaphore_mem>>) src(%dma_wait3A_177 : memref<10240x128xf32, #tpu.memory_space<hbm>>) dst(%arg9 : memref<64x128xf32, #tpu.memory_space<vmem>>)
      %dma_start3A_178 = arith.constant 0 : i32
      %dma_start3A_179 = tpu.memref_slice %arg8[%add3A_170, %dma_start3A_178] : memref<80x64xi32, #tpu.memory_space<vmem>> -> memref<1x64xi32, #tpu.memory_space<vmem>>
      %dma_start3A_180 = tpu.memref_squeeze %dma_start3A_179 : memref<1x64xi32, #tpu.memory_space<vmem>> -> memref<64xi32, #tpu.memory_space<vmem>>
      %dma_start3A_181 = arith.constant 0 : i32
      %dma_start3A_182 = arith.constant 0 : i32
      %dma_start3A_183 = tpu.memref_slice %arg12[%dma_start3A_181, %dma_start3A_182] : memref<10240x128xf32, #tpu.memory_space<vmem_shared>> -> memref<10240x128xf32, #tpu.memory_space<vmem_shared>>
      tpu.enqueue_indirect_dma source(%arg9 : memref<64x128xf32, #tpu.memory_space<vmem>>) target(%dma_start3A_183 : memref<10240x128xf32, #tpu.memory_space<vmem_shared>>) offsets(%dma_start3A_180 : memref<64xi32, #tpu.memory_space<vmem>>) semaphore(%arg16 : memref<!tpu.dma_semaphore, #tpu.memory_space<semaphore_mem>>) {add = true}
      %ge3A = arith.constant 1 : i32
      %ge3A_184 = arith.cmpi sge, %add3A_170, %ge3A : i32
      %convert_element_type3A = arith.extui %ge3A_184 : i1 to i32
      %cond3A = arith.constant 0 : i32
      %cond3A_185 = arith.cmpi ne, %convert_element_type3A, %cond3A : i32
      scf.if %cond3A_185 {
        %dma_wait3A_255 = arith.constant 0 : i32
        %dma_wait3A_256 = arith.constant 0 : i32
        %dma_wait3A_257 = tpu.memref_slice %arg8[%dma_wait3A_255, %dma_wait3A_256] : memref<80x64xi32, #tpu.memory_space<vmem>> -> memref<1x64xi32, #tpu.memory_space<vmem>>
        %dma_wait3A_258 = tpu.memref_squeeze %dma_wait3A_257 : memref<1x64xi32, #tpu.memory_space<vmem>> -> memref<64xi32, #tpu.memory_space<vmem>>
        %dma_wait3A_259 = arith.constant 0 : i32
        %dma_wait3A_260 = arith.constant 0 : i32
        %dma_wait3A_261 = tpu.memref_slice %arg12[%dma_wait3A_259, %dma_wait3A_260] : memref<10240x128xf32, #tpu.memory_space<vmem_shared>> -> memref<10240x128xf32, #tpu.memory_space<vmem_shared>>
        tpu.wait_indirect_dma semaphore(%arg18 : memref<!tpu.dma_semaphore, #tpu.memory_space<semaphore_mem>>) src(%arg11 : memref<64x128xf32, #tpu.memory_space<vmem>>) dst(%dma_wait3A_261 : memref<10240x128xf32, #tpu.memory_space<vmem_shared>>)
      } else {
      }
      %add3A_186 = arith.constant 2 : i32
      %add3A_187 = arith.addi %add3A_170, %add3A_186 : i32
      %dma_start3A_188 = arith.constant 0 : i32
      %dma_start3A_189 = tpu.memref_slice %arg7[%add3A_187, %dma_start3A_188] : memref<80x64xi32, #tpu.memory_space<vmem>> -> memref<1x64xi32, #tpu.memory_space<vmem>>
      %dma_start3A_190 = tpu.memref_squeeze %dma_start3A_189 : memref<1x64xi32, #tpu.memory_space<vmem>> -> memref<64xi32, #tpu.memory_space<vmem>>
      %dma_start3A_191 = arith.constant 0 : i32
      %dma_start3A_192 = arith.constant 0 : i32
      %dma_start3A_193 = tpu.memref_slice %arg4[%dma_start3A_191, %dma_start3A_192] : memref<10240x128xf32, #tpu.memory_space<hbm>> -> memref<10240x128xf32, #tpu.memory_space<hbm>>
      tpu.enqueue_indirect_dma source(%dma_start3A_193 : memref<10240x128xf32, #tpu.memory_space<hbm>>) target(%arg11 : memref<64x128xf32, #tpu.memory_space<vmem>>) offsets(%dma_start3A_190 : memref<64xi32, #tpu.memory_space<vmem>>) semaphore(%arg15 : memref<!tpu.dma_semaphore, #tpu.memory_space<semaphore_mem>>)
      %mul3A_194 = arith.constant 3 : i32
      %mul3A_195 = arith.muli %mul3A_194, %scan3A_165 : i32
      %add3A_196 = arith.constant 1 : i32
      %add3A_197 = arith.addi %mul3A_195, %add3A_196 : i32
      %dma_wait3A_198 = arith.constant 0 : i32
      %dma_wait3A_199 = arith.constant 0 : i32
      %dma_wait3A_200 = tpu.memref_slice %arg7[%dma_wait3A_198, %dma_wait3A_199] : memref<80x64xi32, #tpu.memory_space<vmem>> -> memref<1x64xi32, #tpu.memory_space<vmem>>
      %dma_wait3A_201 = tpu.memref_squeeze %dma_wait3A_200 : memref<1x64xi32, #tpu.memory_space<vmem>> -> memref<64xi32, #tpu.memory_space<vmem>>
      %dma_wait3A_202 = arith.constant 0 : i32
      %dma_wait3A_203 = arith.constant 0 : i32
      %dma_wait3A_204 = tpu.memref_slice %arg4[%dma_wait3A_202, %dma_wait3A_203] : memref<10240x128xf32, #tpu.memory_space<hbm>> -> memref<10240x128xf32, #tpu.memory_space<hbm>>
      tpu.wait_indirect_dma semaphore(%arg14 : memref<!tpu.dma_semaphore, #tpu.memory_space<semaphore_mem>>) src(%dma_wait3A_204 : memref<10240x128xf32, #tpu.memory_space<hbm>>) dst(%arg10 : memref<64x128xf32, #tpu.memory_space<vmem>>)
      %dma_start3A_205 = arith.constant 0 : i32
      %dma_start3A_206 = tpu.memref_slice %arg8[%add3A_197, %dma_start3A_205] : memref<80x64xi32, #tpu.memory_space<vmem>> -> memref<1x64xi32, #tpu.memory_space<vmem>>
      %dma_start3A_207 = tpu.memref_squeeze %dma_start3A_206 : memref<1x64xi32, #tpu.memory_space<vmem>> -> memref<64xi32, #tpu.memory_space<vmem>>
      %dma_start3A_208 = arith.constant 0 : i32
      %dma_start3A_209 = arith.constant 0 : i32
      %dma_start3A_210 = tpu.memref_slice %arg12[%dma_start3A_208, %dma_start3A_209] : memref<10240x128xf32, #tpu.memory_space<vmem_shared>> -> memref<10240x128xf32, #tpu.memory_space<vmem_shared>>
      tpu.enqueue_indirect_dma source(%arg10 : memref<64x128xf32, #tpu.memory_space<vmem>>) target(%dma_start3A_210 : memref<10240x128xf32, #tpu.memory_space<vmem_shared>>) offsets(%dma_start3A_207 : memref<64xi32, #tpu.memory_space<vmem>>) semaphore(%arg17 : memref<!tpu.dma_semaphore, #tpu.memory_space<semaphore_mem>>) {add = true}
      %ge3A_211 = arith.constant 1 : i32
      %ge3A_212 = arith.cmpi sge, %add3A_197, %ge3A_211 : i32
      %convert_element_type3A_213 = arith.extui %ge3A_212 : i1 to i32
      %cond3A_214 = arith.constant 0 : i32
      %cond3A_215 = arith.cmpi ne, %convert_element_type3A_213, %cond3A_214 : i32
      scf.if %cond3A_215 {
        %dma_wait3A_255 = arith.constant 0 : i32
        %dma_wait3A_256 = arith.constant 0 : i32
        %dma_wait3A_257 = tpu.memref_slice %arg8[%dma_wait3A_255, %dma_wait3A_256] : memref<80x64xi32, #tpu.memory_space<vmem>> -> memref<1x64xi32, #tpu.memory_space<vmem>>
        %dma_wait3A_258 = tpu.memref_squeeze %dma_wait3A_257 : memref<1x64xi32, #tpu.memory_space<vmem>> -> memref<64xi32, #tpu.memory_space<vmem>>
        %dma_wait3A_259 = arith.constant 0 : i32
        %dma_wait3A_260 = arith.constant 0 : i32
        %dma_wait3A_261 = tpu.memref_slice %arg12[%dma_wait3A_259, %dma_wait3A_260] : memref<10240x128xf32, #tpu.memory_space<vmem_shared>> -> memref<10240x128xf32, #tpu.memory_space<vmem_shared>>
        tpu.wait_indirect_dma semaphore(%arg16 : memref<!tpu.dma_semaphore, #tpu.memory_space<semaphore_mem>>) src(%arg9 : memref<64x128xf32, #tpu.memory_space<vmem>>) dst(%dma_wait3A_261 : memref<10240x128xf32, #tpu.memory_space<vmem_shared>>)
      } else {
      }
      %add3A_216 = arith.constant 2 : i32
      %add3A_217 = arith.addi %add3A_197, %add3A_216 : i32
      %dma_start3A_218 = arith.constant 0 : i32
      %dma_start3A_219 = tpu.memref_slice %arg7[%add3A_217, %dma_start3A_218] : memref<80x64xi32, #tpu.memory_space<vmem>> -> memref<1x64xi32, #tpu.memory_space<vmem>>
      %dma_start3A_220 = tpu.memref_squeeze %dma_start3A_219 : memref<1x64xi32, #tpu.memory_space<vmem>> -> memref<64xi32, #tpu.memory_space<vmem>>
      %dma_start3A_221 = arith.constant 0 : i32
      %dma_start3A_222 = arith.constant 0 : i32
      %dma_start3A_223 = tpu.memref_slice %arg4[%dma_start3A_221, %dma_start3A_222] : memref<10240x128xf32, #tpu.memory_space<hbm>> -> memref<10240x128xf32, #tpu.memory_space<hbm>>
      tpu.enqueue_indirect_dma source(%dma_start3A_223 : memref<10240x128xf32, #tpu.memory_space<hbm>>) target(%arg9 : memref<64x128xf32, #tpu.memory_space<vmem>>) offsets(%dma_start3A_220 : memref<64xi32, #tpu.memory_space<vmem>>) semaphore(%arg13 : memref<!tpu.dma_semaphore, #tpu.memory_space<semaphore_mem>>)
      %mul3A_224 = arith.constant 3 : i32
      %mul3A_225 = arith.muli %mul3A_224, %scan3A_165 : i32
      %add3A_226 = arith.constant 2 : i32
      %add3A_227 = arith.addi %mul3A_225, %add3A_226 : i32
      %dma_wait3A_228 = arith.constant 0 : i32
      %dma_wait3A_229 = arith.constant 0 : i32
      %dma_wait3A_230 = tpu.memref_slice %arg7[%dma_wait3A_228, %dma_wait3A_229] : memref<80x64xi32, #tpu.memory_space<vmem>> -> memref<1x64xi32, #tpu.memory_space<vmem>>
      %dma_wait3A_231 = tpu.memref_squeeze %dma_wait3A_230 : memref<1x64xi32, #tpu.memory_space<vmem>> -> memref<64xi32, #tpu.memory_space<vmem>>
      %dma_wait3A_232 = arith.constant 0 : i32
      %dma_wait3A_233 = arith.constant 0 : i32
      %dma_wait3A_234 = tpu.memref_slice %arg4[%dma_wait3A_232, %dma_wait3A_233] : memref<10240x128xf32, #tpu.memory_space<hbm>> -> memref<10240x128xf32, #tpu.memory_space<hbm>>
      tpu.wait_indirect_dma semaphore(%arg15 : memref<!tpu.dma_semaphore, #tpu.memory_space<semaphore_mem>>) src(%dma_wait3A_234 : memref<10240x128xf32, #tpu.memory_space<hbm>>) dst(%arg11 : memref<64x128xf32, #tpu.memory_space<vmem>>)
      %dma_start3A_235 = arith.constant 0 : i32
      %dma_start3A_236 = tpu.memref_slice %arg8[%add3A_227, %dma_start3A_235] : memref<80x64xi32, #tpu.memory_space<vmem>> -> memref<1x64xi32, #tpu.memory_space<vmem>>
      %dma_start3A_237 = tpu.memref_squeeze %dma_start3A_236 : memref<1x64xi32, #tpu.memory_space<vmem>> -> memref<64xi32, #tpu.memory_space<vmem>>
      %dma_start3A_238 = arith.constant 0 : i32
      %dma_start3A_239 = arith.constant 0 : i32
      %dma_start3A_240 = tpu.memref_slice %arg12[%dma_start3A_238, %dma_start3A_239] : memref<10240x128xf32, #tpu.memory_space<vmem_shared>> -> memref<10240x128xf32, #tpu.memory_space<vmem_shared>>
      tpu.enqueue_indirect_dma source(%arg11 : memref<64x128xf32, #tpu.memory_space<vmem>>) target(%dma_start3A_240 : memref<10240x128xf32, #tpu.memory_space<vmem_shared>>) offsets(%dma_start3A_237 : memref<64xi32, #tpu.memory_space<vmem>>) semaphore(%arg18 : memref<!tpu.dma_semaphore, #tpu.memory_space<semaphore_mem>>) {add = true}
      %ge3A_241 = arith.constant 1 : i32
      %ge3A_242 = arith.cmpi sge, %add3A_227, %ge3A_241 : i32
      %convert_element_type3A_243 = arith.extui %ge3A_242 : i1 to i32
      %cond3A_244 = arith.constant 0 : i32
      %cond3A_245 = arith.cmpi ne, %convert_element_type3A_243, %cond3A_244 : i32
      scf.if %cond3A_245 {
        %dma_wait3A_255 = arith.constant 0 : i32
        %dma_wait3A_256 = arith.constant 0 : i32
        %dma_wait3A_257 = tpu.memref_slice %arg8[%dma_wait3A_255, %dma_wait3A_256] : memref<80x64xi32, #tpu.memory_space<vmem>> -> memref<1x64xi32, #tpu.memory_space<vmem>>
        %dma_wait3A_258 = tpu.memref_squeeze %dma_wait3A_257 : memref<1x64xi32, #tpu.memory_space<vmem>> -> memref<64xi32, #tpu.memory_space<vmem>>
        %dma_wait3A_259 = arith.constant 0 : i32
        %dma_wait3A_260 = arith.constant 0 : i32
        %dma_wait3A_261 = tpu.memref_slice %arg12[%dma_wait3A_259, %dma_wait3A_260] : memref<10240x128xf32, #tpu.memory_space<vmem_shared>> -> memref<10240x128xf32, #tpu.memory_space<vmem_shared>>
        tpu.wait_indirect_dma semaphore(%arg17 : memref<!tpu.dma_semaphore, #tpu.memory_space<semaphore_mem>>) src(%arg10 : memref<64x128xf32, #tpu.memory_space<vmem>>) dst(%dma_wait3A_261 : memref<10240x128xf32, #tpu.memory_space<vmem_shared>>)
      } else {
      }
      %add3A_246 = arith.constant 2 : i32
      %add3A_247 = arith.addi %add3A_227, %add3A_246 : i32
      %dma_start3A_248 = arith.constant 0 : i32
      %dma_start3A_249 = tpu.memref_slice %arg7[%add3A_247, %dma_start3A_248] : memref<80x64xi32, #tpu.memory_space<vmem>> -> memref<1x64xi32, #tpu.memory_space<vmem>>
      %dma_start3A_250 = tpu.memref_squeeze %dma_start3A_249 : memref<1x64xi32, #tpu.memory_space<vmem>> -> memref<64xi32, #tpu.memory_space<vmem>>
      %dma_start3A_251 = arith.constant 0 : i32
      %dma_start3A_252 = arith.constant 0 : i32
      %dma_start3A_253 = tpu.memref_slice %arg4[%dma_start3A_251, %dma_start3A_252] : memref<10240x128xf32, #tpu.memory_space<hbm>> -> memref<10240x128xf32, #tpu.memory_space<hbm>>
      tpu.enqueue_indirect_dma source(%dma_start3A_253 : memref<10240x128xf32, #tpu.memory_space<hbm>>) target(%arg10 : memref<64x128xf32, #tpu.memory_space<vmem>>) offsets(%dma_start3A_250 : memref<64xi32, #tpu.memory_space<vmem>>) semaphore(%arg14 : memref<!tpu.dma_semaphore, #tpu.memory_space<semaphore_mem>>)
      %scan3A_254 = arith.constant 0 : i32
      scf.yield %scan3A_254 : i32
    }
    %scan3A_45 = arith.constant 26 : i32
    %dma_wait3A = arith.constant 0 : i32
    %dma_wait3A_46 = arith.constant 0 : i32
    %dma_wait3A_47 = tpu.memref_slice %arg7[%dma_wait3A, %dma_wait3A_46] : memref<80x64xi32, #tpu.memory_space<vmem>> -> memref<1x64xi32, #tpu.memory_space<vmem>>
    %dma_wait3A_48 = tpu.memref_squeeze %dma_wait3A_47 : memref<1x64xi32, #tpu.memory_space<vmem>> -> memref<64xi32, #tpu.memory_space<vmem>>
    %dma_wait3A_49 = arith.constant 0 : i32
    %dma_wait3A_50 = arith.constant 0 : i32
    %dma_wait3A_51 = tpu.memref_slice %arg4[%dma_wait3A_49, %dma_wait3A_50] : memref<10240x128xf32, #tpu.memory_space<hbm>> -> memref<10240x128xf32, #tpu.memory_space<hbm>>
    tpu.wait_indirect_dma semaphore(%arg13 : memref<!tpu.dma_semaphore, #tpu.memory_space<semaphore_mem>>) src(%dma_wait3A_51 : memref<10240x128xf32, #tpu.memory_space<hbm>>) dst(%arg9 : memref<64x128xf32, #tpu.memory_space<vmem>>)
    %dma_start3A_52 = arith.constant 78 : i32
    %dma_start3A_53 = arith.constant 0 : i32
    %dma_start3A_54 = tpu.memref_slice %arg8[%dma_start3A_52, %dma_start3A_53] : memref<80x64xi32, #tpu.memory_space<vmem>> -> memref<1x64xi32, #tpu.memory_space<vmem>>
    %dma_start3A_55 = tpu.memref_squeeze %dma_start3A_54 : memref<1x64xi32, #tpu.memory_space<vmem>> -> memref<64xi32, #tpu.memory_space<vmem>>
    %dma_start3A_56 = arith.constant 0 : i32
    %dma_start3A_57 = arith.constant 0 : i32
    %dma_start3A_58 = tpu.memref_slice %arg12[%dma_start3A_56, %dma_start3A_57] : memref<10240x128xf32, #tpu.memory_space<vmem_shared>> -> memref<10240x128xf32, #tpu.memory_space<vmem_shared>>
    tpu.enqueue_indirect_dma source(%arg9 : memref<64x128xf32, #tpu.memory_space<vmem>>) target(%dma_start3A_58 : memref<10240x128xf32, #tpu.memory_space<vmem_shared>>) offsets(%dma_start3A_55 : memref<64xi32, #tpu.memory_space<vmem>>) semaphore(%arg16 : memref<!tpu.dma_semaphore, #tpu.memory_space<semaphore_mem>>) {add = true}
    %dma_wait3A_59 = arith.constant 0 : i32
    %dma_wait3A_60 = arith.constant 0 : i32
    %dma_wait3A_61 = tpu.memref_slice %arg7[%dma_wait3A_59, %dma_wait3A_60] : memref<80x64xi32, #tpu.memory_space<vmem>> -> memref<1x64xi32, #tpu.memory_space<vmem>>
    %dma_wait3A_62 = tpu.memref_squeeze %dma_wait3A_61 : memref<1x64xi32, #tpu.memory_space<vmem>> -> memref<64xi32, #tpu.memory_space<vmem>>
    %dma_wait3A_63 = arith.constant 0 : i32
    %dma_wait3A_64 = arith.constant 0 : i32
    %dma_wait3A_65 = tpu.memref_slice %arg4[%dma_wait3A_63, %dma_wait3A_64] : memref<10240x128xf32, #tpu.memory_space<hbm>> -> memref<10240x128xf32, #tpu.memory_space<hbm>>
    tpu.wait_indirect_dma semaphore(%arg14 : memref<!tpu.dma_semaphore, #tpu.memory_space<semaphore_mem>>) src(%dma_wait3A_65 : memref<10240x128xf32, #tpu.memory_space<hbm>>) dst(%arg10 : memref<64x128xf32, #tpu.memory_space<vmem>>)
    %dma_start3A_66 = arith.constant 79 : i32
    %dma_start3A_67 = arith.constant 0 : i32
    %dma_start3A_68 = tpu.memref_slice %arg8[%dma_start3A_66, %dma_start3A_67] : memref<80x64xi32, #tpu.memory_space<vmem>> -> memref<1x64xi32, #tpu.memory_space<vmem>>
    %dma_start3A_69 = tpu.memref_squeeze %dma_start3A_68 : memref<1x64xi32, #tpu.memory_space<vmem>> -> memref<64xi32, #tpu.memory_space<vmem>>
    %dma_start3A_70 = arith.constant 0 : i32
    %dma_start3A_71 = arith.constant 0 : i32
    %dma_start3A_72 = tpu.memref_slice %arg12[%dma_start3A_70, %dma_start3A_71] : memref<10240x128xf32, #tpu.memory_space<vmem_shared>> -> memref<10240x128xf32, #tpu.memory_space<vmem_shared>>
    tpu.enqueue_indirect_dma source(%arg10 : memref<64x128xf32, #tpu.memory_space<vmem>>) target(%dma_start3A_72 : memref<10240x128xf32, #tpu.memory_space<vmem_shared>>) offsets(%dma_start3A_69 : memref<64xi32, #tpu.memory_space<vmem>>) semaphore(%arg17 : memref<!tpu.dma_semaphore, #tpu.memory_space<semaphore_mem>>) {add = true}
    %dma_wait3A_73 = arith.constant 0 : i32
    %dma_wait3A_74 = arith.constant 0 : i32
    %dma_wait3A_75 = tpu.memref_slice %arg8[%dma_wait3A_73, %dma_wait3A_74] : memref<80x64xi32, #tpu.memory_space<vmem>> -> memref<1x64xi32, #tpu.memory_space<vmem>>
    %dma_wait3A_76 = tpu.memref_squeeze %dma_wait3A_75 : memref<1x64xi32, #tpu.memory_space<vmem>> -> memref<64xi32, #tpu.memory_space<vmem>>
    %dma_wait3A_77 = arith.constant 0 : i32
    %dma_wait3A_78 = arith.constant 0 : i32
    %dma_wait3A_79 = tpu.memref_slice %arg12[%dma_wait3A_77, %dma_wait3A_78] : memref<10240x128xf32, #tpu.memory_space<vmem_shared>> -> memref<10240x128xf32, #tpu.memory_space<vmem_shared>>
    tpu.wait_indirect_dma semaphore(%arg16 : memref<!tpu.dma_semaphore, #tpu.memory_space<semaphore_mem>>) src(%arg9 : memref<64x128xf32, #tpu.memory_space<vmem>>) dst(%dma_wait3A_79 : memref<10240x128xf32, #tpu.memory_space<vmem_shared>>)
    %dma_wait3A_80 = arith.constant 0 : i32
    %dma_wait3A_81 = arith.constant 0 : i32
    %dma_wait3A_82 = tpu.memref_slice %arg8[%dma_wait3A_80, %dma_wait3A_81] : memref<80x64xi32, #tpu.memory_space<vmem>> -> memref<1x64xi32, #tpu.memory_space<vmem>>
    %dma_wait3A_83 = tpu.memref_squeeze %dma_wait3A_82 : memref<1x64xi32, #tpu.memory_space<vmem>> -> memref<64xi32, #tpu.memory_space<vmem>>
    %dma_wait3A_84 = arith.constant 0 : i32
    %dma_wait3A_85 = arith.constant 0 : i32
    %dma_wait3A_86 = tpu.memref_slice %arg12[%dma_wait3A_84, %dma_wait3A_85] : memref<10240x128xf32, #tpu.memory_space<vmem_shared>> -> memref<10240x128xf32, #tpu.memory_space<vmem_shared>>
    tpu.wait_indirect_dma semaphore(%arg17 : memref<!tpu.dma_semaphore, #tpu.memory_space<semaphore_mem>>) src(%arg10 : memref<64x128xf32, #tpu.memory_space<vmem>>) dst(%dma_wait3A_86 : memref<10240x128xf32, #tpu.memory_space<vmem_shared>>)
    %dma_wait3A_87 = arith.constant 0 : i32
    %dma_wait3A_88 = arith.constant 0 : i32
    %dma_wait3A_89 = tpu.memref_slice %arg8[%dma_wait3A_87, %dma_wait3A_88] : memref<80x64xi32, #tpu.memory_space<vmem>> -> memref<1x64xi32, #tpu.memory_space<vmem>>
    %dma_wait3A_90 = tpu.memref_squeeze %dma_wait3A_89 : memref<1x64xi32, #tpu.memory_space<vmem>> -> memref<64xi32, #tpu.memory_space<vmem>>
    %dma_wait3A_91 = arith.constant 0 : i32
    %dma_wait3A_92 = arith.constant 0 : i32
    %dma_wait3A_93 = tpu.memref_slice %arg12[%dma_wait3A_91, %dma_wait3A_92] : memref<10240x128xf32, #tpu.memory_space<vmem_shared>> -> memref<10240x128xf32, #tpu.memory_space<vmem_shared>>
    tpu.wait_indirect_dma semaphore(%arg18 : memref<!tpu.dma_semaphore, #tpu.memory_space<semaphore_mem>>) src(%arg11 : memref<64x128xf32, #tpu.memory_space<vmem>>) dst(%dma_wait3A_93 : memref<10240x128xf32, #tpu.memory_space<vmem_shared>>)
    %barrier3A_94 = arith.constant 0 : index
    tpu.barrier barrier_id(%barrier3A_94)
    %add3A_95 = arith.constant 0 : i32
    %add3A_96 = arith.addi %mul3A_2, %add3A_95 : i32
    "tpu.region"() ({
      %run_scoped3A = tpu.sem_alloc : memref<!tpu.dma_semaphore, #tpu.memory_space<semaphore_mem>>
      %dma_start3A_165 = arith.constant 0 : i32
      %dma_start3A_166 = tpu.memref_slice %arg12[%add3A_96, %dma_start3A_165] : memref<10240x128xf32, #tpu.memory_space<vmem_shared>> -> memref<64x128xf32, #tpu.memory_space<vmem_shared>>
      %dma_start3A_167 = arith.constant 0 : i32
      %dma_start3A_168 = tpu.memref_slice %arg12[%add3A_96, %dma_start3A_167] : memref<10240x128xf32, #tpu.memory_space<vmem_shared>> -> memref<64x128xf32, #tpu.memory_space<vmem_shared>>
      tpu.enqueue_dma source(%dma_start3A_168 : memref<64x128xf32, #tpu.memory_space<vmem_shared>>) target(%arg9 : memref<64x128xf32, #tpu.memory_space<vmem>>) target_semaphore(%run_scoped3A : memref<!tpu.dma_semaphore, #tpu.memory_space<semaphore_mem>>)
      %dma_wait3A_169 = arith.constant 0 : i32
      %dma_wait3A_170 = tpu.memref_slice %arg12[%add3A_96, %dma_wait3A_169] : memref<10240x128xf32, #tpu.memory_space<vmem_shared>> -> memref<64x128xf32, #tpu.memory_space<vmem_shared>>
      %dma_wait3A_171 = arith.constant 0 : i32
      %dma_wait3A_172 = tpu.memref_slice %arg12[%add3A_96, %dma_wait3A_171] : memref<10240x128xf32, #tpu.memory_space<vmem_shared>> -> memref<64x128xf32, #tpu.memory_space<vmem_shared>>
      tpu.wait_dma2 semaphore(%run_scoped3A : memref<!tpu.dma_semaphore, #tpu.memory_space<semaphore_mem>>) src(%dma_wait3A_172 : memref<64x128xf32, #tpu.memory_space<vmem_shared>>) dst(%arg9 : memref<64x128xf32, #tpu.memory_space<vmem>>)
      tpu.yield
    }) : () -> ()
    %mul3A_97 = arith.constant 10240 : i32
    %mul3A_98 = arith.muli %arg0, %mul3A_97 : i32
    %add3A_99 = arith.addi %mul3A_98, %mul3A_2 : i32
    %add3A_100 = arith.constant 0 : i32
    %add3A_101 = arith.addi %add3A_99, %add3A_100 : i32
    "tpu.region"() ({
      %run_scoped3A = tpu.sem_alloc : memref<!tpu.dma_semaphore, #tpu.memory_space<semaphore_mem>>
      %dma_start3A_165 = arith.constant 0 : i32
      %dma_start3A_166 = tpu.memref_slice %arg6[%add3A_101, %dma_start3A_165] : memref<20480x128xf32, #tpu.memory_space<hbm>> -> memref<64x128xf32, #tpu.memory_space<hbm>>
      %dma_start3A_167 = arith.constant 0 : i32
      %dma_start3A_168 = tpu.memref_slice %arg6[%add3A_101, %dma_start3A_167] : memref<20480x128xf32, #tpu.memory_space<hbm>> -> memref<64x128xf32, #tpu.memory_space<hbm>>
      tpu.enqueue_dma source(%arg9 : memref<64x128xf32, #tpu.memory_space<vmem>>) target(%dma_start3A_168 : memref<64x128xf32, #tpu.memory_space<hbm>>) target_semaphore(%run_scoped3A : memref<!tpu.dma_semaphore, #tpu.memory_space<semaphore_mem>>)
      %dma_wait3A_169 = arith.constant 0 : i32
      %dma_wait3A_170 = tpu.memref_slice %arg6[%add3A_101, %dma_wait3A_169] : memref<20480x128xf32, #tpu.memory_space<hbm>> -> memref<64x128xf32, #tpu.memory_space<hbm>>
      %dma_wait3A_171 = arith.constant 0 : i32
      %dma_wait3A_172 = tpu.memref_slice %arg6[%add3A_101, %dma_wait3A_171] : memref<20480x128xf32, #tpu.memory_space<hbm>> -> memref<64x128xf32, #tpu.memory_space<hbm>>
      tpu.wait_dma2 semaphore(%run_scoped3A : memref<!tpu.dma_semaphore, #tpu.memory_space<semaphore_mem>>) src(%arg9 : memref<64x128xf32, #tpu.memory_space<vmem>>) dst(%dma_wait3A_172 : memref<64x128xf32, #tpu.memory_space<hbm>>)
      tpu.yield
    }) : () -> ()
    %add3A_102 = arith.constant 64 : i32
    %add3A_103 = arith.addi %mul3A_2, %add3A_102 : i32
    "tpu.region"() ({
      %run_scoped3A = tpu.sem_alloc : memref<!tpu.dma_semaphore, #tpu.memory_space<semaphore_mem>>
      %dma_start3A_165 = arith.constant 0 : i32
      %dma_start3A_166 = tpu.memref_slice %arg12[%add3A_103, %dma_start3A_165] : memref<10240x128xf32, #tpu.memory_space<vmem_shared>> -> memref<64x128xf32, #tpu.memory_space<vmem_shared>>
      %dma_start3A_167 = arith.constant 0 : i32
      %dma_start3A_168 = tpu.memref_slice %arg12[%add3A_103, %dma_start3A_167] : memref<10240x128xf32, #tpu.memory_space<vmem_shared>> -> memref<64x128xf32, #tpu.memory_space<vmem_shared>>
      tpu.enqueue_dma source(%dma_start3A_168 : memref<64x128xf32, #tpu.memory_space<vmem_shared>>) target(%arg9 : memref<64x128xf32, #tpu.memory_space<vmem>>) target_semaphore(%run_scoped3A : memref<!tpu.dma_semaphore, #tpu.memory_space<semaphore_mem>>)
      %dma_wait3A_169 = arith.constant 0 : i32
      %dma_wait3A_170 = tpu.memref_slice %arg12[%add3A_103, %dma_wait3A_169] : memref<10240x128xf32, #tpu.memory_space<vmem_shared>> -> memref<64x128xf32, #tpu.memory_space<vmem_shared>>
      %dma_wait3A_171 = arith.constant 0 : i32
      %dma_wait3A_172 = tpu.memref_slice %arg12[%add3A_103, %dma_wait3A_171] : memref<10240x128xf32, #tpu.memory_space<vmem_shared>> -> memref<64x128xf32, #tpu.memory_space<vmem_shared>>
      tpu.wait_dma2 semaphore(%run_scoped3A : memref<!tpu.dma_semaphore, #tpu.memory_space<semaphore_mem>>) src(%dma_wait3A_172 : memref<64x128xf32, #tpu.memory_space<vmem_shared>>) dst(%arg9 : memref<64x128xf32, #tpu.memory_space<vmem>>)
      tpu.yield
    }) : () -> ()
    %mul3A_104 = arith.constant 10240 : i32
    %mul3A_105 = arith.muli %arg0, %mul3A_104 : i32
    %add3A_106 = arith.addi %mul3A_105, %mul3A_2 : i32
    %add3A_107 = arith.constant 64 : i32
    %add3A_108 = arith.addi %add3A_106, %add3A_107 : i32
    "tpu.region"() ({
      %run_scoped3A = tpu.sem_alloc : memref<!tpu.dma_semaphore, #tpu.memory_space<semaphore_mem>>
      %dma_start3A_165 = arith.constant 0 : i32
      %dma_start3A_166 = tpu.memref_slice %arg6[%add3A_108, %dma_start3A_165] : memref<20480x128xf32, #tpu.memory_space<hbm>> -> memref<64x128xf32, #tpu.memory_space<hbm>>
      %dma_start3A_167 = arith.constant 0 : i32
      %dma_start3A_168 = tpu.memref_slice %arg6[%add3A_108, %dma_start3A_167] : memref<20480x128xf32, #tpu.memory_space<hbm>> -> memref<64x128xf32, #tpu.memory_space<hbm>>
      tpu.enqueue_dma source(%arg9 : memref<64x128xf32, #tpu.memory_space<vmem>>) target(%dma_start3A_168 : memref<64x128xf32, #tpu.memory_space<hbm>>) target_semaphore(%run_scoped3A : memref<!tpu.dma_semaphore, #tpu.memory_space<semaphore_mem>>)
      %dma_wait3A_169 = arith.constant 0 : i32
      %dma_wait3A_170 = tpu.memref_slice %arg6[%add3A_108, %dma_wait3A_169] : memref<20480x128xf32, #tpu.memory_space<hbm>> -> memref<64x128xf32, #tpu.memory_space<hbm>>
      %dma_wait3A_171 = arith.constant 0 : i32
      %dma_wait3A_172 = tpu.memref_slice %arg6[%add3A_108, %dma_wait3A_171] : memref<20480x128xf32, #tpu.memory_space<hbm>> -> memref<64x128xf32, #tpu.memory_space<hbm>>
      tpu.wait_dma2 semaphore(%run_scoped3A : memref<!tpu.dma_semaphore, #tpu.memory_space<semaphore_mem>>) src(%arg9 : memref<64x128xf32, #tpu.memory_space<vmem>>) dst(%dma_wait3A_172 : memref<64x128xf32, #tpu.memory_space<hbm>>)
      tpu.yield
    }) : () -> ()
    %add3A_109 = arith.constant 128 : i32
    %add3A_110 = arith.addi %mul3A_2, %add3A_109 : i32
    "tpu.region"() ({
      %run_scoped3A = tpu.sem_alloc : memref<!tpu.dma_semaphore, #tpu.memory_space<semaphore_mem>>
      %dma_start3A_165 = arith.constant 0 : i32
      %dma_start3A_166 = tpu.memref_slice %arg12[%add3A_110, %dma_start3A_165] : memref<10240x128xf32, #tpu.memory_space<vmem_shared>> -> memref<64x128xf32, #tpu.memory_space<vmem_shared>>
      %dma_start3A_167 = arith.constant 0 : i32
      %dma_start3A_168 = tpu.memref_slice %arg12[%add3A_110, %dma_start3A_167] : memref<10240x128xf32, #tpu.memory_space<vmem_shared>> -> memref<64x128xf32, #tpu.memory_space<vmem_shared>>
      tpu.enqueue_dma source(%dma_start3A_168 : memref<64x128xf32, #tpu.memory_space<vmem_shared>>) target(%arg9 : memref<64x128xf32, #tpu.memory_space<vmem>>) target_semaphore(%run_scoped3A : memref<!tpu.dma_semaphore, #tpu.memory_space<semaphore_mem>>)
      %dma_wait3A_169 = arith.constant 0 : i32
      %dma_wait3A_170 = tpu.memref_slice %arg12[%add3A_110, %dma_wait3A_169] : memref<10240x128xf32, #tpu.memory_space<vmem_shared>> -> memref<64x128xf32, #tpu.memory_space<vmem_shared>>
      %dma_wait3A_171 = arith.constant 0 : i32
      %dma_wait3A_172 = tpu.memref_slice %arg12[%add3A_110, %dma_wait3A_171] : memref<10240x128xf32, #tpu.memory_space<vmem_shared>> -> memref<64x128xf32, #tpu.memory_space<vmem_shared>>
      tpu.wait_dma2 semaphore(%run_scoped3A : memref<!tpu.dma_semaphore, #tpu.memory_space<semaphore_mem>>) src(%dma_wait3A_172 : memref<64x128xf32, #tpu.memory_space<vmem_shared>>) dst(%arg9 : memref<64x128xf32, #tpu.memory_space<vmem>>)
      tpu.yield
    }) : () -> ()
    %mul3A_111 = arith.constant 10240 : i32
    %mul3A_112 = arith.muli %arg0, %mul3A_111 : i32
    %add3A_113 = arith.addi %mul3A_112, %mul3A_2 : i32
    %add3A_114 = arith.constant 128 : i32
    %add3A_115 = arith.addi %add3A_113, %add3A_114 : i32
    "tpu.region"() ({
      %run_scoped3A = tpu.sem_alloc : memref<!tpu.dma_semaphore, #tpu.memory_space<semaphore_mem>>
      %dma_start3A_165 = arith.constant 0 : i32
      %dma_start3A_166 = tpu.memref_slice %arg6[%add3A_115, %dma_start3A_165] : memref<20480x128xf32, #tpu.memory_space<hbm>> -> memref<64x128xf32, #tpu.memory_space<hbm>>
      %dma_start3A_167 = arith.constant 0 : i32
      %dma_start3A_168 = tpu.memref_slice %arg6[%add3A_115, %dma_start3A_167] : memref<20480x128xf32, #tpu.memory_space<hbm>> -> memref<64x128xf32, #tpu.memory_space<hbm>>
      tpu.enqueue_dma source(%arg9 : memref<64x128xf32, #tpu.memory_space<vmem>>) target(%dma_start3A_168 : memref<64x128xf32, #tpu.memory_space<hbm>>) target_semaphore(%run_scoped3A : memref<!tpu.dma_semaphore, #tpu.memory_space<semaphore_mem>>)
      %dma_wait3A_169 = arith.constant 0 : i32
      %dma_wait3A_170 = tpu.memref_slice %arg6[%add3A_115, %dma_wait3A_169] : memref<20480x128xf32, #tpu.memory_space<hbm>> -> memref<64x128xf32, #tpu.memory_space<hbm>>
      %dma_wait3A_171 = arith.constant 0 : i32
      %dma_wait3A_172 = tpu.memref_slice %arg6[%add3A_115, %dma_wait3A_171] : memref<20480x128xf32, #tpu.memory_space<hbm>> -> memref<64x128xf32, #tpu.memory_space<hbm>>
      tpu.wait_dma2 semaphore(%run_scoped3A : memref<!tpu.dma_semaphore, #tpu.memory_space<semaphore_mem>>) src(%arg9 : memref<64x128xf32, #tpu.memory_space<vmem>>) dst(%dma_wait3A_172 : memref<64x128xf32, #tpu.memory_space<hbm>>)
      tpu.yield
    }) : () -> ()
    %add3A_116 = arith.constant 192 : i32
    %add3A_117 = arith.addi %mul3A_2, %add3A_116 : i32
    "tpu.region"() ({
      %run_scoped3A = tpu.sem_alloc : memref<!tpu.dma_semaphore, #tpu.memory_space<semaphore_mem>>
      %dma_start3A_165 = arith.constant 0 : i32
      %dma_start3A_166 = tpu.memref_slice %arg12[%add3A_117, %dma_start3A_165] : memref<10240x128xf32, #tpu.memory_space<vmem_shared>> -> memref<64x128xf32, #tpu.memory_space<vmem_shared>>
      %dma_start3A_167 = arith.constant 0 : i32
      %dma_start3A_168 = tpu.memref_slice %arg12[%add3A_117, %dma_start3A_167] : memref<10240x128xf32, #tpu.memory_space<vmem_shared>> -> memref<64x128xf32, #tpu.memory_space<vmem_shared>>
      tpu.enqueue_dma source(%dma_start3A_168 : memref<64x128xf32, #tpu.memory_space<vmem_shared>>) target(%arg9 : memref<64x128xf32, #tpu.memory_space<vmem>>) target_semaphore(%run_scoped3A : memref<!tpu.dma_semaphore, #tpu.memory_space<semaphore_mem>>)
      %dma_wait3A_169 = arith.constant 0 : i32
      %dma_wait3A_170 = tpu.memref_slice %arg12[%add3A_117, %dma_wait3A_169] : memref<10240x128xf32, #tpu.memory_space<vmem_shared>> -> memref<64x128xf32, #tpu.memory_space<vmem_shared>>
      %dma_wait3A_171 = arith.constant 0 : i32
      %dma_wait3A_172 = tpu.memref_slice %arg12[%add3A_117, %dma_wait3A_171] : memref<10240x128xf32, #tpu.memory_space<vmem_shared>> -> memref<64x128xf32, #tpu.memory_space<vmem_shared>>
      tpu.wait_dma2 semaphore(%run_scoped3A : memref<!tpu.dma_semaphore, #tpu.memory_space<semaphore_mem>>) src(%dma_wait3A_172 : memref<64x128xf32, #tpu.memory_space<vmem_shared>>) dst(%arg9 : memref<64x128xf32, #tpu.memory_space<vmem>>)
      tpu.yield
    }) : () -> ()
    %mul3A_118 = arith.constant 10240 : i32
    %mul3A_119 = arith.muli %arg0, %mul3A_118 : i32
    %add3A_120 = arith.addi %mul3A_119, %mul3A_2 : i32
    %add3A_121 = arith.constant 192 : i32
    %add3A_122 = arith.addi %add3A_120, %add3A_121 : i32
    "tpu.region"() ({
      %run_scoped3A = tpu.sem_alloc : memref<!tpu.dma_semaphore, #tpu.memory_space<semaphore_mem>>
      %dma_start3A_165 = arith.constant 0 : i32
      %dma_start3A_166 = tpu.memref_slice %arg6[%add3A_122, %dma_start3A_165] : memref<20480x128xf32, #tpu.memory_space<hbm>> -> memref<64x128xf32, #tpu.memory_space<hbm>>
      %dma_start3A_167 = arith.constant 0 : i32
      %dma_start3A_168 = tpu.memref_slice %arg6[%add3A_122, %dma_start3A_167] : memref<20480x128xf32, #tpu.memory_space<hbm>> -> memref<64x128xf32, #tpu.memory_space<hbm>>
      tpu.enqueue_dma source(%arg9 : memref<64x128xf32, #tpu.memory_space<vmem>>) target(%dma_start3A_168 : memref<64x128xf32, #tpu.memory_space<hbm>>) target_semaphore(%run_scoped3A : memref<!tpu.dma_semaphore, #tpu.memory_space<semaphore_mem>>)
      %dma_wait3A_169 = arith.constant 0 : i32
      %dma_wait3A_170 = tpu.memref_slice %arg6[%add3A_122, %dma_wait3A_169] : memref<20480x128xf32, #tpu.memory_space<hbm>> -> memref<64x128xf32, #tpu.memory_space<hbm>>
      %dma_wait3A_171 = arith.constant 0 : i32
      %dma_wait3A_172 = tpu.memref_slice %arg6[%add3A_122, %dma_wait3A_171] : memref<20480x128xf32, #tpu.memory_space<hbm>> -> memref<64x128xf32, #tpu.memory_space<hbm>>
      tpu.wait_dma2 semaphore(%run_scoped3A : memref<!tpu.dma_semaphore, #tpu.memory_space<semaphore_mem>>) src(%arg9 : memref<64x128xf32, #tpu.memory_space<vmem>>) dst(%dma_wait3A_172 : memref<64x128xf32, #tpu.memory_space<hbm>>)
      tpu.yield
    }) : () -> ()
    %add3A_123 = arith.constant 256 : i32
    %add3A_124 = arith.addi %mul3A_2, %add3A_123 : i32
    "tpu.region"() ({
      %run_scoped3A = tpu.sem_alloc : memref<!tpu.dma_semaphore, #tpu.memory_space<semaphore_mem>>
      %dma_start3A_165 = arith.constant 0 : i32
      %dma_start3A_166 = tpu.memref_slice %arg12[%add3A_124, %dma_start3A_165] : memref<10240x128xf32, #tpu.memory_space<vmem_shared>> -> memref<64x128xf32, #tpu.memory_space<vmem_shared>>
      %dma_start3A_167 = arith.constant 0 : i32
      %dma_start3A_168 = tpu.memref_slice %arg12[%add3A_124, %dma_start3A_167] : memref<10240x128xf32, #tpu.memory_space<vmem_shared>> -> memref<64x128xf32, #tpu.memory_space<vmem_shared>>
      tpu.enqueue_dma source(%dma_start3A_168 : memref<64x128xf32, #tpu.memory_space<vmem_shared>>) target(%arg9 : memref<64x128xf32, #tpu.memory_space<vmem>>) target_semaphore(%run_scoped3A : memref<!tpu.dma_semaphore, #tpu.memory_space<semaphore_mem>>)
      %dma_wait3A_169 = arith.constant 0 : i32
      %dma_wait3A_170 = tpu.memref_slice %arg12[%add3A_124, %dma_wait3A_169] : memref<10240x128xf32, #tpu.memory_space<vmem_shared>> -> memref<64x128xf32, #tpu.memory_space<vmem_shared>>
      %dma_wait3A_171 = arith.constant 0 : i32
      %dma_wait3A_172 = tpu.memref_slice %arg12[%add3A_124, %dma_wait3A_171] : memref<10240x128xf32, #tpu.memory_space<vmem_shared>> -> memref<64x128xf32, #tpu.memory_space<vmem_shared>>
      tpu.wait_dma2 semaphore(%run_scoped3A : memref<!tpu.dma_semaphore, #tpu.memory_space<semaphore_mem>>) src(%dma_wait3A_172 : memref<64x128xf32, #tpu.memory_space<vmem_shared>>) dst(%arg9 : memref<64x128xf32, #tpu.memory_space<vmem>>)
      tpu.yield
    }) : () -> ()
    %mul3A_125 = arith.constant 10240 : i32
    %mul3A_126 = arith.muli %arg0, %mul3A_125 : i32
    %add3A_127 = arith.addi %mul3A_126, %mul3A_2 : i32
    %add3A_128 = arith.constant 256 : i32
    %add3A_129 = arith.addi %add3A_127, %add3A_128 : i32
    "tpu.region"() ({
      %run_scoped3A = tpu.sem_alloc : memref<!tpu.dma_semaphore, #tpu.memory_space<semaphore_mem>>
      %dma_start3A_165 = arith.constant 0 : i32
      %dma_start3A_166 = tpu.memref_slice %arg6[%add3A_129, %dma_start3A_165] : memref<20480x128xf32, #tpu.memory_space<hbm>> -> memref<64x128xf32, #tpu.memory_space<hbm>>
      %dma_start3A_167 = arith.constant 0 : i32
      %dma_start3A_168 = tpu.memref_slice %arg6[%add3A_129, %dma_start3A_167] : memref<20480x128xf32, #tpu.memory_space<hbm>> -> memref<64x128xf32, #tpu.memory_space<hbm>>
      tpu.enqueue_dma source(%arg9 : memref<64x128xf32, #tpu.memory_space<vmem>>) target(%dma_start3A_168 : memref<64x128xf32, #tpu.memory_space<hbm>>) target_semaphore(%run_scoped3A : memref<!tpu.dma_semaphore, #tpu.memory_space<semaphore_mem>>)
      %dma_wait3A_169 = arith.constant 0 : i32
      %dma_wait3A_170 = tpu.memref_slice %arg6[%add3A_129, %dma_wait3A_169] : memref<20480x128xf32, #tpu.memory_space<hbm>> -> memref<64x128xf32, #tpu.memory_space<hbm>>
      %dma_wait3A_171 = arith.constant 0 : i32
      %dma_wait3A_172 = tpu.memref_slice %arg6[%add3A_129, %dma_wait3A_171] : memref<20480x128xf32, #tpu.memory_space<hbm>> -> memref<64x128xf32, #tpu.memory_space<hbm>>
      tpu.wait_dma2 semaphore(%run_scoped3A : memref<!tpu.dma_semaphore, #tpu.memory_space<semaphore_mem>>) src(%arg9 : memref<64x128xf32, #tpu.memory_space<vmem>>) dst(%dma_wait3A_172 : memref<64x128xf32, #tpu.memory_space<hbm>>)
      tpu.yield
    }) : () -> ()
    %add3A_130 = arith.constant 320 : i32
    %add3A_131 = arith.addi %mul3A_2, %add3A_130 : i32
    "tpu.region"() ({
      %run_scoped3A = tpu.sem_alloc : memref<!tpu.dma_semaphore, #tpu.memory_space<semaphore_mem>>
      %dma_start3A_165 = arith.constant 0 : i32
      %dma_start3A_166 = tpu.memref_slice %arg12[%add3A_131, %dma_start3A_165] : memref<10240x128xf32, #tpu.memory_space<vmem_shared>> -> memref<64x128xf32, #tpu.memory_space<vmem_shared>>
      %dma_start3A_167 = arith.constant 0 : i32
      %dma_start3A_168 = tpu.memref_slice %arg12[%add3A_131, %dma_start3A_167] : memref<10240x128xf32, #tpu.memory_space<vmem_shared>> -> memref<64x128xf32, #tpu.memory_space<vmem_shared>>
      tpu.enqueue_dma source(%dma_start3A_168 : memref<64x128xf32, #tpu.memory_space<vmem_shared>>) target(%arg9 : memref<64x128xf32, #tpu.memory_space<vmem>>) target_semaphore(%run_scoped3A : memref<!tpu.dma_semaphore, #tpu.memory_space<semaphore_mem>>)
      %dma_wait3A_169 = arith.constant 0 : i32
      %dma_wait3A_170 = tpu.memref_slice %arg12[%add3A_131, %dma_wait3A_169] : memref<10240x128xf32, #tpu.memory_space<vmem_shared>> -> memref<64x128xf32, #tpu.memory_space<vmem_shared>>
      %dma_wait3A_171 = arith.constant 0 : i32
      %dma_wait3A_172 = tpu.memref_slice %arg12[%add3A_131, %dma_wait3A_171] : memref<10240x128xf32, #tpu.memory_space<vmem_shared>> -> memref<64x128xf32, #tpu.memory_space<vmem_shared>>
      tpu.wait_dma2 semaphore(%run_scoped3A : memref<!tpu.dma_semaphore, #tpu.memory_space<semaphore_mem>>) src(%dma_wait3A_172 : memref<64x128xf32, #tpu.memory_space<vmem_shared>>) dst(%arg9 : memref<64x128xf32, #tpu.memory_space<vmem>>)
      tpu.yield
    }) : () -> ()
    %mul3A_132 = arith.constant 10240 : i32
    %mul3A_133 = arith.muli %arg0, %mul3A_132 : i32
    %add3A_134 = arith.addi %mul3A_133, %mul3A_2 : i32
    %add3A_135 = arith.constant 320 : i32
    %add3A_136 = arith.addi %add3A_134, %add3A_135 : i32
    "tpu.region"() ({
      %run_scoped3A = tpu.sem_alloc : memref<!tpu.dma_semaphore, #tpu.memory_space<semaphore_mem>>
      %dma_start3A_165 = arith.constant 0 : i32
      %dma_start3A_166 = tpu.memref_slice %arg6[%add3A_136, %dma_start3A_165] : memref<20480x128xf32, #tpu.memory_space<hbm>> -> memref<64x128xf32, #tpu.memory_space<hbm>>
      %dma_start3A_167 = arith.constant 0 : i32
      %dma_start3A_168 = tpu.memref_slice %arg6[%add3A_136, %dma_start3A_167] : memref<20480x128xf32, #tpu.memory_space<hbm>> -> memref<64x128xf32, #tpu.memory_space<hbm>>
      tpu.enqueue_dma source(%arg9 : memref<64x128xf32, #tpu.memory_space<vmem>>) target(%dma_start3A_168 : memref<64x128xf32, #tpu.memory_space<hbm>>) target_semaphore(%run_scoped3A : memref<!tpu.dma_semaphore, #tpu.memory_space<semaphore_mem>>)
      %dma_wait3A_169 = arith.constant 0 : i32
      %dma_wait3A_170 = tpu.memref_slice %arg6[%add3A_136, %dma_wait3A_169] : memref<20480x128xf32, #tpu.memory_space<hbm>> -> memref<64x128xf32, #tpu.memory_space<hbm>>
      %dma_wait3A_171 = arith.constant 0 : i32
      %dma_wait3A_172 = tpu.memref_slice %arg6[%add3A_136, %dma_wait3A_171] : memref<20480x128xf32, #tpu.memory_space<hbm>> -> memref<64x128xf32, #tpu.memory_space<hbm>>
      tpu.wait_dma2 semaphore(%run_scoped3A : memref<!tpu.dma_semaphore, #tpu.memory_space<semaphore_mem>>) src(%arg9 : memref<64x128xf32, #tpu.memory_space<vmem>>) dst(%dma_wait3A_172 : memref<64x128xf32, #tpu.memory_space<hbm>>)
      tpu.yield
    }) : () -> ()
    %add3A_137 = arith.constant 384 : i32
    %add3A_138 = arith.addi %mul3A_2, %add3A_137 : i32
    "tpu.region"() ({
      %run_scoped3A = tpu.sem_alloc : memref<!tpu.dma_semaphore, #tpu.memory_space<semaphore_mem>>
      %dma_start3A_165 = arith.constant 0 : i32
      %dma_start3A_166 = tpu.memref_slice %arg12[%add3A_138, %dma_start3A_165] : memref<10240x128xf32, #tpu.memory_space<vmem_shared>> -> memref<64x128xf32, #tpu.memory_space<vmem_shared>>
      %dma_start3A_167 = arith.constant 0 : i32
      %dma_start3A_168 = tpu.memref_slice %arg12[%add3A_138, %dma_start3A_167] : memref<10240x128xf32, #tpu.memory_space<vmem_shared>> -> memref<64x128xf32, #tpu.memory_space<vmem_shared>>
      tpu.enqueue_dma source(%dma_start3A_168 : memref<64x128xf32, #tpu.memory_space<vmem_shared>>) target(%arg9 : memref<64x128xf32, #tpu.memory_space<vmem>>) target_semaphore(%run_scoped3A : memref<!tpu.dma_semaphore, #tpu.memory_space<semaphore_mem>>)
      %dma_wait3A_169 = arith.constant 0 : i32
      %dma_wait3A_170 = tpu.memref_slice %arg12[%add3A_138, %dma_wait3A_169] : memref<10240x128xf32, #tpu.memory_space<vmem_shared>> -> memref<64x128xf32, #tpu.memory_space<vmem_shared>>
      %dma_wait3A_171 = arith.constant 0 : i32
      %dma_wait3A_172 = tpu.memref_slice %arg12[%add3A_138, %dma_wait3A_171] : memref<10240x128xf32, #tpu.memory_space<vmem_shared>> -> memref<64x128xf32, #tpu.memory_space<vmem_shared>>
      tpu.wait_dma2 semaphore(%run_scoped3A : memref<!tpu.dma_semaphore, #tpu.memory_space<semaphore_mem>>) src(%dma_wait3A_172 : memref<64x128xf32, #tpu.memory_space<vmem_shared>>) dst(%arg9 : memref<64x128xf32, #tpu.memory_space<vmem>>)
      tpu.yield
    }) : () -> ()
    %mul3A_139 = arith.constant 10240 : i32
    %mul3A_140 = arith.muli %arg0, %mul3A_139 : i32
    %add3A_141 = arith.addi %mul3A_140, %mul3A_2 : i32
    %add3A_142 = arith.constant 384 : i32
    %add3A_143 = arith.addi %add3A_141, %add3A_142 : i32
    "tpu.region"() ({
      %run_scoped3A = tpu.sem_alloc : memref<!tpu.dma_semaphore, #tpu.memory_space<semaphore_mem>>
      %dma_start3A_165 = arith.constant 0 : i32
      %dma_start3A_166 = tpu.memref_slice %arg6[%add3A_143, %dma_start3A_165] : memref<20480x128xf32, #tpu.memory_space<hbm>> -> memref<64x128xf32, #tpu.memory_space<hbm>>
      %dma_start3A_167 = arith.constant 0 : i32
      %dma_start3A_168 = tpu.memref_slice %arg6[%add3A_143, %dma_start3A_167] : memref<20480x128xf32, #tpu.memory_space<hbm>> -> memref<64x128xf32, #tpu.memory_space<hbm>>
      tpu.enqueue_dma source(%arg9 : memref<64x128xf32, #tpu.memory_space<vmem>>) target(%dma_start3A_168 : memref<64x128xf32, #tpu.memory_space<hbm>>) target_semaphore(%run_scoped3A : memref<!tpu.dma_semaphore, #tpu.memory_space<semaphore_mem>>)
      %dma_wait3A_169 = arith.constant 0 : i32
      %dma_wait3A_170 = tpu.memref_slice %arg6[%add3A_143, %dma_wait3A_169] : memref<20480x128xf32, #tpu.memory_space<hbm>> -> memref<64x128xf32, #tpu.memory_space<hbm>>
      %dma_wait3A_171 = arith.constant 0 : i32
      %dma_wait3A_172 = tpu.memref_slice %arg6[%add3A_143, %dma_wait3A_171] : memref<20480x128xf32, #tpu.memory_space<hbm>> -> memref<64x128xf32, #tpu.memory_space<hbm>>
      tpu.wait_dma2 semaphore(%run_scoped3A : memref<!tpu.dma_semaphore, #tpu.memory_space<semaphore_mem>>) src(%arg9 : memref<64x128xf32, #tpu.memory_space<vmem>>) dst(%dma_wait3A_172 : memref<64x128xf32, #tpu.memory_space<hbm>>)
      tpu.yield
    }) : () -> ()
    %add3A_144 = arith.constant 448 : i32
    %add3A_145 = arith.addi %mul3A_2, %add3A_144 : i32
    "tpu.region"() ({
      %run_scoped3A = tpu.sem_alloc : memref<!tpu.dma_semaphore, #tpu.memory_space<semaphore_mem>>
      %dma_start3A_165 = arith.constant 0 : i32
      %dma_start3A_166 = tpu.memref_slice %arg12[%add3A_145, %dma_start3A_165] : memref<10240x128xf32, #tpu.memory_space<vmem_shared>> -> memref<64x128xf32, #tpu.memory_space<vmem_shared>>
      %dma_start3A_167 = arith.constant 0 : i32
      %dma_start3A_168 = tpu.memref_slice %arg12[%add3A_145, %dma_start3A_167] : memref<10240x128xf32, #tpu.memory_space<vmem_shared>> -> memref<64x128xf32, #tpu.memory_space<vmem_shared>>
      tpu.enqueue_dma source(%dma_start3A_168 : memref<64x128xf32, #tpu.memory_space<vmem_shared>>) target(%arg9 : memref<64x128xf32, #tpu.memory_space<vmem>>) target_semaphore(%run_scoped3A : memref<!tpu.dma_semaphore, #tpu.memory_space<semaphore_mem>>)
      %dma_wait3A_169 = arith.constant 0 : i32
      %dma_wait3A_170 = tpu.memref_slice %arg12[%add3A_145, %dma_wait3A_169] : memref<10240x128xf32, #tpu.memory_space<vmem_shared>> -> memref<64x128xf32, #tpu.memory_space<vmem_shared>>
      %dma_wait3A_171 = arith.constant 0 : i32
      %dma_wait3A_172 = tpu.memref_slice %arg12[%add3A_145, %dma_wait3A_171] : memref<10240x128xf32, #tpu.memory_space<vmem_shared>> -> memref<64x128xf32, #tpu.memory_space<vmem_shared>>
      tpu.wait_dma2 semaphore(%run_scoped3A : memref<!tpu.dma_semaphore, #tpu.memory_space<semaphore_mem>>) src(%dma_wait3A_172 : memref<64x128xf32, #tpu.memory_space<vmem_shared>>) dst(%arg9 : memref<64x128xf32, #tpu.memory_space<vmem>>)
      tpu.yield
    }) : () -> ()
    %mul3A_146 = arith.constant 10240 : i32
    %mul3A_147 = arith.muli %arg0, %mul3A_146 : i32
    %add3A_148 = arith.addi %mul3A_147, %mul3A_2 : i32
    %add3A_149 = arith.constant 448 : i32
    %add3A_150 = arith.addi %add3A_148, %add3A_149 : i32
    "tpu.region"() ({
      %run_scoped3A = tpu.sem_alloc : memref<!tpu.dma_semaphore, #tpu.memory_space<semaphore_mem>>
      %dma_start3A_165 = arith.constant 0 : i32
      %dma_start3A_166 = tpu.memref_slice %arg6[%add3A_150, %dma_start3A_165] : memref<20480x128xf32, #tpu.memory_space<hbm>> -> memref<64x128xf32, #tpu.memory_space<hbm>>
      %dma_start3A_167 = arith.constant 0 : i32
      %dma_start3A_168 = tpu.memref_slice %arg6[%add3A_150, %dma_start3A_167] : memref<20480x128xf32, #tpu.memory_space<hbm>> -> memref<64x128xf32, #tpu.memory_space<hbm>>
      tpu.enqueue_dma source(%arg9 : memref<64x128xf32, #tpu.memory_space<vmem>>) target(%dma_start3A_168 : memref<64x128xf32, #tpu.memory_space<hbm>>) target_semaphore(%run_scoped3A : memref<!tpu.dma_semaphore, #tpu.memory_space<semaphore_mem>>)
      %dma_wait3A_169 = arith.constant 0 : i32
      %dma_wait3A_170 = tpu.memref_slice %arg6[%add3A_150, %dma_wait3A_169] : memref<20480x128xf32, #tpu.memory_space<hbm>> -> memref<64x128xf32, #tpu.memory_space<hbm>>
      %dma_wait3A_171 = arith.constant 0 : i32
      %dma_wait3A_172 = tpu.memref_slice %arg6[%add3A_150, %dma_wait3A_171] : memref<20480x128xf32, #tpu.memory_space<hbm>> -> memref<64x128xf32, #tpu.memory_space<hbm>>
      tpu.wait_dma2 semaphore(%run_scoped3A : memref<!tpu.dma_semaphore, #tpu.memory_space<semaphore_mem>>) src(%arg9 : memref<64x128xf32, #tpu.memory_space<vmem>>) dst(%dma_wait3A_172 : memref<64x128xf32, #tpu.memory_space<hbm>>)
      tpu.yield
    }) : () -> ()
    %add3A_151 = arith.constant 512 : i32
    %add3A_152 = arith.addi %mul3A_2, %add3A_151 : i32
    "tpu.region"() ({
      %run_scoped3A = tpu.sem_alloc : memref<!tpu.dma_semaphore, #tpu.memory_space<semaphore_mem>>
      %dma_start3A_165 = arith.constant 0 : i32
      %dma_start3A_166 = tpu.memref_slice %arg12[%add3A_152, %dma_start3A_165] : memref<10240x128xf32, #tpu.memory_space<vmem_shared>> -> memref<64x128xf32, #tpu.memory_space<vmem_shared>>
      %dma_start3A_167 = arith.constant 0 : i32
      %dma_start3A_168 = tpu.memref_slice %arg12[%add3A_152, %dma_start3A_167] : memref<10240x128xf32, #tpu.memory_space<vmem_shared>> -> memref<64x128xf32, #tpu.memory_space<vmem_shared>>
      tpu.enqueue_dma source(%dma_start3A_168 : memref<64x128xf32, #tpu.memory_space<vmem_shared>>) target(%arg9 : memref<64x128xf32, #tpu.memory_space<vmem>>) target_semaphore(%run_scoped3A : memref<!tpu.dma_semaphore, #tpu.memory_space<semaphore_mem>>)
      %dma_wait3A_169 = arith.constant 0 : i32
      %dma_wait3A_170 = tpu.memref_slice %arg12[%add3A_152, %dma_wait3A_169] : memref<10240x128xf32, #tpu.memory_space<vmem_shared>> -> memref<64x128xf32, #tpu.memory_space<vmem_shared>>
      %dma_wait3A_171 = arith.constant 0 : i32
      %dma_wait3A_172 = tpu.memref_slice %arg12[%add3A_152, %dma_wait3A_171] : memref<10240x128xf32, #tpu.memory_space<vmem_shared>> -> memref<64x128xf32, #tpu.memory_space<vmem_shared>>
      tpu.wait_dma2 semaphore(%run_scoped3A : memref<!tpu.dma_semaphore, #tpu.memory_space<semaphore_mem>>) src(%dma_wait3A_172 : memref<64x128xf32, #tpu.memory_space<vmem_shared>>) dst(%arg9 : memref<64x128xf32, #tpu.memory_space<vmem>>)
      tpu.yield
    }) : () -> ()
    %mul3A_153 = arith.constant 10240 : i32
    %mul3A_154 = arith.muli %arg0, %mul3A_153 : i32
    %add3A_155 = arith.addi %mul3A_154, %mul3A_2 : i32
    %add3A_156 = arith.constant 512 : i32
    %add3A_157 = arith.addi %add3A_155, %add3A_156 : i32
    "tpu.region"() ({
      %run_scoped3A = tpu.sem_alloc : memref<!tpu.dma_semaphore, #tpu.memory_space<semaphore_mem>>
      %dma_start3A_165 = arith.constant 0 : i32
      %dma_start3A_166 = tpu.memref_slice %arg6[%add3A_157, %dma_start3A_165] : memref<20480x128xf32, #tpu.memory_space<hbm>> -> memref<64x128xf32, #tpu.memory_space<hbm>>
      %dma_start3A_167 = arith.constant 0 : i32
      %dma_start3A_168 = tpu.memref_slice %arg6[%add3A_157, %dma_start3A_167] : memref<20480x128xf32, #tpu.memory_space<hbm>> -> memref<64x128xf32, #tpu.memory_space<hbm>>
      tpu.enqueue_dma source(%arg9 : memref<64x128xf32, #tpu.memory_space<vmem>>) target(%dma_start3A_168 : memref<64x128xf32, #tpu.memory_space<hbm>>) target_semaphore(%run_scoped3A : memref<!tpu.dma_semaphore, #tpu.memory_space<semaphore_mem>>)
      %dma_wait3A_169 = arith.constant 0 : i32
      %dma_wait3A_170 = tpu.memref_slice %arg6[%add3A_157, %dma_wait3A_169] : memref<20480x128xf32, #tpu.memory_space<hbm>> -> memref<64x128xf32, #tpu.memory_space<hbm>>
      %dma_wait3A_171 = arith.constant 0 : i32
      %dma_wait3A_172 = tpu.memref_slice %arg6[%add3A_157, %dma_wait3A_171] : memref<20480x128xf32, #tpu.memory_space<hbm>> -> memref<64x128xf32, #tpu.memory_space<hbm>>
      tpu.wait_dma2 semaphore(%run_scoped3A : memref<!tpu.dma_semaphore, #tpu.memory_space<semaphore_mem>>) src(%arg9 : memref<64x128xf32, #tpu.memory_space<vmem>>) dst(%dma_wait3A_172 : memref<64x128xf32, #tpu.memory_space<hbm>>)
      tpu.yield
    }) : () -> ()
    %add3A_158 = arith.constant 576 : i32
    %add3A_159 = arith.addi %mul3A_2, %add3A_158 : i32
    "tpu.region"() ({
      %run_scoped3A = tpu.sem_alloc : memref<!tpu.dma_semaphore, #tpu.memory_space<semaphore_mem>>
      %dma_start3A_165 = arith.constant 0 : i32
      %dma_start3A_166 = tpu.memref_slice %arg12[%add3A_159, %dma_start3A_165] : memref<10240x128xf32, #tpu.memory_space<vmem_shared>> -> memref<64x128xf32, #tpu.memory_space<vmem_shared>>
      %dma_start3A_167 = arith.constant 0 : i32
      %dma_start3A_168 = tpu.memref_slice %arg12[%add3A_159, %dma_start3A_167] : memref<10240x128xf32, #tpu.memory_space<vmem_shared>> -> memref<64x128xf32, #tpu.memory_space<vmem_shared>>
      tpu.enqueue_dma source(%dma_start3A_168 : memref<64x128xf32, #tpu.memory_space<vmem_shared>>) target(%arg9 : memref<64x128xf32, #tpu.memory_space<vmem>>) target_semaphore(%run_scoped3A : memref<!tpu.dma_semaphore, #tpu.memory_space<semaphore_mem>>)
      %dma_wait3A_169 = arith.constant 0 : i32
      %dma_wait3A_170 = tpu.memref_slice %arg12[%add3A_159, %dma_wait3A_169] : memref<10240x128xf32, #tpu.memory_space<vmem_shared>> -> memref<64x128xf32, #tpu.memory_space<vmem_shared>>
      %dma_wait3A_171 = arith.constant 0 : i32
      %dma_wait3A_172 = tpu.memref_slice %arg12[%add3A_159, %dma_wait3A_171] : memref<10240x128xf32, #tpu.memory_space<vmem_shared>> -> memref<64x128xf32, #tpu.memory_space<vmem_shared>>
      tpu.wait_dma2 semaphore(%run_scoped3A : memref<!tpu.dma_semaphore, #tpu.memory_space<semaphore_mem>>) src(%dma_wait3A_172 : memref<64x128xf32, #tpu.memory_space<vmem_shared>>) dst(%arg9 : memref<64x128xf32, #tpu.memory_space<vmem>>)
      tpu.yield
    }) : () -> ()
    %mul3A_160 = arith.constant 10240 : i32
    %mul3A_161 = arith.muli %arg0, %mul3A_160 : i32
    %add3A_162 = arith.addi %mul3A_161, %mul3A_2 : i32
    %add3A_163 = arith.constant 576 : i32
    %add3A_164 = arith.addi %add3A_162, %add3A_163 : i32
    "tpu.region"() ({
      %run_scoped3A = tpu.sem_alloc : memref<!tpu.dma_semaphore, #tpu.memory_space<semaphore_mem>>
      %dma_start3A_165 = arith.constant 0 : i32
      %dma_start3A_166 = tpu.memref_slice %arg6[%add3A_164, %dma_start3A_165] : memref<20480x128xf32, #tpu.memory_space<hbm>> -> memref<64x128xf32, #tpu.memory_space<hbm>>
      %dma_start3A_167 = arith.constant 0 : i32
      %dma_start3A_168 = tpu.memref_slice %arg6[%add3A_164, %dma_start3A_167] : memref<20480x128xf32, #tpu.memory_space<hbm>> -> memref<64x128xf32, #tpu.memory_space<hbm>>
      tpu.enqueue_dma source(%arg9 : memref<64x128xf32, #tpu.memory_space<vmem>>) target(%dma_start3A_168 : memref<64x128xf32, #tpu.memory_space<hbm>>) target_semaphore(%run_scoped3A : memref<!tpu.dma_semaphore, #tpu.memory_space<semaphore_mem>>)
      %dma_wait3A_169 = arith.constant 0 : i32
      %dma_wait3A_170 = tpu.memref_slice %arg6[%add3A_164, %dma_wait3A_169] : memref<20480x128xf32, #tpu.memory_space<hbm>> -> memref<64x128xf32, #tpu.memory_space<hbm>>
      %dma_wait3A_171 = arith.constant 0 : i32
      %dma_wait3A_172 = tpu.memref_slice %arg6[%add3A_164, %dma_wait3A_171] : memref<20480x128xf32, #tpu.memory_space<hbm>> -> memref<64x128xf32, #tpu.memory_space<hbm>>
      tpu.wait_dma2 semaphore(%run_scoped3A : memref<!tpu.dma_semaphore, #tpu.memory_space<semaphore_mem>>) src(%arg9 : memref<64x128xf32, #tpu.memory_space<vmem>>) dst(%dma_wait3A_172 : memref<64x128xf32, #tpu.memory_space<hbm>>)
      tpu.yield
    }) : () -> ()
    return
  }
}

module attributes {stable_mosaic.version = 14 : i64} {
  func.func @_y1_body(%arg0: i32, %arg1: memref<512x128xf32, #tpu.memory_space<vmem>>, %arg2: memref<128x128xf32, #tpu.memory_space<vmem>>, %arg3: memref<2x512x16xf32, #tpu.memory_space<vmem>>, %arg4: memref<512x128xf32, #tpu.memory_space<vmem>>) attributes {dimension_semantics = [#tpu.dimension_semantics<arbitrary>], iteration_bounds = array<i64: 20>, scalar_prefetch = 0 : i64, scratch_operands = 0 : i64, tpu.core_type = #tpu.core_type<tc>, window_params = [{transform_indices = @transform_0, window_bounds = array<i64: 512, 128>}, {pipeline_mode = #tpu.pipeline_mode<synchronous>, transform_indices = @transform_1, window_bounds = array<i64: 128, 128>}, {transform_indices = @transform_2, window_bounds = array<i64: 2, 512, 16>}, {transform_indices = @transform_3, window_bounds = array<i64: 512, 128>}]} {
    %get3A = arith.constant 0 : index
    %get3A_0 = arith.constant 0 : index
    %get3A_1 = arith.constant 0 : index
    %get3A_2 = vector.load %arg3[%get3A, %get3A_0, %get3A_1] : memref<2x512x16xf32, #tpu.memory_space<vmem>>, vector<1x512x1xf32>
    %get3A_3 = vector.shape_cast %get3A_2 : vector<1x512x1xf32> to vector<512x1xf32>
    %get3A_4 = arith.constant 1 : index
    %get3A_5 = arith.constant 0 : index
    %get3A_6 = arith.constant 0 : index
    %get3A_7 = vector.load %arg3[%get3A_4, %get3A_5, %get3A_6] : memref<2x512x16xf32, #tpu.memory_space<vmem>>, vector<1x512x1xf32>
    %get3A_8 = vector.shape_cast %get3A_7 : vector<1x512x1xf32> to vector<512x1xf32>
    %add3A = arith.addf %get3A_3, %get3A_8 : vector<512x1xf32>
    %add3A_9 = arith.constant 1.000000e+00 : f32
    %add3A_10 = vector.broadcast %add3A_9 : f32 to vector<512x1xf32>
    %add3A_11 = arith.addf %add3A, %add3A_10 : vector<512x1xf32>
    %rsqrt3A = math.rsqrt %add3A_11 : vector<512x1xf32>
    %get3A_12 = arith.constant 0 : index
    %get3A_13 = arith.constant 0 : index
    %get3A_14 = vector.load %arg1[%get3A_12, %get3A_13] : memref<512x128xf32, #tpu.memory_space<vmem>>, vector<512x128xf32>
    %get3A_15 = arith.constant 0 : index
    %get3A_16 = arith.constant 0 : index
    %get3A_17 = vector.load %arg2[%get3A_15, %get3A_16] : memref<128x128xf32, #tpu.memory_space<vmem>>, vector<128x128xf32>
    %dot_general3A = arith.constant dense<0.000000e+00> : vector<512x128xf32>
    %dot_general3A_18 = tpu.matmul %get3A_14, %get3A_17, %dot_general3A {dimension_numbers = #tpu.dot_dimension_numbers<[1], [0], [0], [1], [0, 0, 1, 1], [], []>, transpose_lhs_hint = false} : vector<512x128xf32>, vector<128x128xf32>, vector<512x128xf32> -> vector<512x128xf32>
    %mul3A = vector.broadcast %rsqrt3A : vector<512x1xf32> to vector<512x128xf32>
    %mul3A_19 = arith.mulf %mul3A, %dot_general3A_18 : vector<512x128xf32>
    %swap3A = arith.constant 0 : index
    %swap3A_20 = arith.constant 0 : index
    %swap3A_21 = vector.load %arg4[%swap3A, %swap3A_20] : memref<512x128xf32, #tpu.memory_space<vmem>>, vector<512x128xf32>
    tpu.vector_store %arg4[%swap3A, %swap3A_20], %mul3A_19 {strides = array<i32>} : memref<512x128xf32, #tpu.memory_space<vmem>>, vector<512x128xf32>,
    return
  }
  func.func @transform_0(%arg0: i32) -> (i32, i32) {
    %c0_i32 = arith.constant 0 : i32
    %c0_i32_0 = arith.constant 0 : i32
    return %arg0, %c0_i32 : i32, i32
  }
  func.func @transform_1(%arg0: i32) -> (i32, i32) {
    %c0_i32 = arith.constant 0 : i32
    %c0_i32_0 = arith.constant 0 : i32
    %c0_i32_1 = arith.constant 0 : i32
    return %c0_i32, %c0_i32_0 : i32, i32
  }
  func.func @transform_2(%arg0: i32) -> (i32, i32, i32) {
    %c0_i32 = arith.constant 0 : i32
    %c0_i32_0 = arith.constant 0 : i32
    %c0_i32_1 = arith.constant 0 : i32
    return %c0_i32, %arg0, %c0_i32_0 : i32, i32, i32
  }
  func.func @transform_3(%arg0: i32) -> (i32, i32) {
    %c0_i32 = arith.constant 0 : i32
    %c0_i32_0 = arith.constant 0 : i32
    return %arg0, %c0_i32 : i32, i32
  }
}

module attributes {stable_mosaic.version = 14 : i64} {
  func.func @_z_body(%arg0: i32, %arg1: memref<2x512x128xf32, #tpu.memory_space<vmem>>, %arg2: memref<512x128xf32, #tpu.memory_space<vmem>>, %arg3: memref<2x512x16xf32, #tpu.memory_space<vmem>>, %arg4: memref<1x128xf32, #tpu.memory_space<vmem>>, %arg5: memref<512x128xf32, #tpu.memory_space<vmem>>) attributes {dimension_semantics = [#tpu.dimension_semantics<arbitrary>], iteration_bounds = array<i64: 20>, scalar_prefetch = 0 : i64, scratch_operands = 0 : i64, tpu.core_type = #tpu.core_type<tc>, window_params = [{transform_indices = @transform_0, window_bounds = array<i64: 2, 512, 128>}, {transform_indices = @transform_1, window_bounds = array<i64: 512, 128>}, {transform_indices = @transform_2, window_bounds = array<i64: 2, 512, 16>}, {pipeline_mode = #tpu.pipeline_mode<synchronous>, transform_indices = @transform_3, window_bounds = array<i64: 1, 128>}, {transform_indices = @transform_4, window_bounds = array<i64: 512, 128>}]} {
    %get3A = arith.constant 0 : index
    %get3A_0 = arith.constant 0 : index
    %get3A_1 = arith.constant 0 : index
    %get3A_2 = vector.load %arg3[%get3A, %get3A_0, %get3A_1] : memref<2x512x16xf32, #tpu.memory_space<vmem>>, vector<1x512x1xf32>
    %get3A_3 = vector.shape_cast %get3A_2 : vector<1x512x1xf32> to vector<512x1xf32>
    %get3A_4 = arith.constant 1 : index
    %get3A_5 = arith.constant 0 : index
    %get3A_6 = arith.constant 0 : index
    %get3A_7 = vector.load %arg3[%get3A_4, %get3A_5, %get3A_6] : memref<2x512x16xf32, #tpu.memory_space<vmem>>, vector<1x512x1xf32>
    %get3A_8 = vector.shape_cast %get3A_7 : vector<1x512x1xf32> to vector<512x1xf32>
    %add3A = arith.addf %get3A_3, %get3A_8 : vector<512x1xf32>
    %add3A_9 = arith.constant 1.000000e+00 : f32
    %add3A_10 = vector.broadcast %add3A_9 : f32 to vector<512x1xf32>
    %add3A_11 = arith.addf %add3A, %add3A_10 : vector<512x1xf32>
    %rsqrt3A = math.rsqrt %add3A_11 : vector<512x1xf32>
    %get3A_12 = arith.constant 0 : index
    %get3A_13 = arith.constant 0 : index
    %get3A_14 = arith.constant 0 : index
    %get3A_15 = vector.load %arg1[%get3A_12, %get3A_13, %get3A_14] : memref<2x512x128xf32, #tpu.memory_space<vmem>>, vector<1x512x128xf32>
    %get3A_16 = vector.shape_cast %get3A_15 : vector<1x512x128xf32> to vector<512x128xf32>
    %get3A_17 = arith.constant 1 : index
    %get3A_18 = arith.constant 0 : index
    %get3A_19 = arith.constant 0 : index
    %get3A_20 = vector.load %arg1[%get3A_17, %get3A_18, %get3A_19] : memref<2x512x128xf32, #tpu.memory_space<vmem>>, vector<1x512x128xf32>
    %get3A_21 = vector.shape_cast %get3A_20 : vector<1x512x128xf32> to vector<512x128xf32>
    %add3A_22 = arith.addf %get3A_16, %get3A_21 : vector<512x128xf32>
    %get3A_23 = arith.constant 0 : index
    %get3A_24 = arith.constant 0 : index
    %get3A_25 = vector.load %arg2[%get3A_23, %get3A_24] : memref<512x128xf32, #tpu.memory_space<vmem>>, vector<512x128xf32>
    %add3A_26 = arith.addf %add3A_22, %get3A_25 : vector<512x128xf32>
    %mul3A = vector.broadcast %rsqrt3A : vector<512x1xf32> to vector<512x128xf32>
    %mul3A_27 = arith.mulf %mul3A, %add3A_26 : vector<512x128xf32>
    %get3A_28 = arith.constant 0 : index
    %get3A_29 = arith.constant 0 : index
    %get3A_30 = vector.load %arg4[%get3A_28, %get3A_29] : memref<1x128xf32, #tpu.memory_space<vmem>>, vector<1x128xf32>
    %add3A_31 = vector.broadcast %get3A_30 : vector<1x128xf32> to vector<512x128xf32>
    %add3A_32 = arith.addf %mul3A_27, %add3A_31 : vector<512x128xf32>
    %swap3A = arith.constant 0 : index
    %swap3A_33 = arith.constant 0 : index
    %swap3A_34 = vector.load %arg5[%swap3A, %swap3A_33] : memref<512x128xf32, #tpu.memory_space<vmem>>, vector<512x128xf32>
    tpu.vector_store %arg5[%swap3A, %swap3A_33], %add3A_32 {strides = array<i32>} : memref<512x128xf32, #tpu.memory_space<vmem>>, vector<512x128xf32>,
    return
  }
  func.func @transform_0(%arg0: i32) -> (i32, i32, i32) {
    %c0_i32 = arith.constant 0 : i32
    %c0_i32_0 = arith.constant 0 : i32
    %c0_i32_1 = arith.constant 0 : i32
    return %c0_i32, %arg0, %c0_i32_0 : i32, i32, i32
  }
  func.func @transform_1(%arg0: i32) -> (i32, i32) {
    %c0_i32 = arith.constant 0 : i32
    %c0_i32_0 = arith.constant 0 : i32
    return %arg0, %c0_i32 : i32, i32
  }
  func.func @transform_2(%arg0: i32) -> (i32, i32, i32) {
    %c0_i32 = arith.constant 0 : i32
    %c0_i32_0 = arith.constant 0 : i32
    %c0_i32_1 = arith.constant 0 : i32
    return %c0_i32, %arg0, %c0_i32_0 : i32, i32, i32
  }
  func.func @transform_3(%arg0: i32) -> (i32, i32) {
    %c0_i32 = arith.constant 0 : i32
    %c0_i32_0 = arith.constant 0 : i32
    %c0_i32_1 = arith.constant 0 : i32
    return %c0_i32, %c0_i32_0 : i32, i32
  }
  func.func @transform_4(%arg0: i32) -> (i32, i32) {
    %c0_i32 = arith.constant 0 : i32
    %c0_i32_0 = arith.constant 0 : i32
    return %arg0, %c0_i32 : i32, i32
  }
}

module attributes {stable_mosaic.version = 14 : i64} {
  func.func @_y2_body(%arg0: i32, %arg1: memref<2x512x128xf32, #tpu.memory_space<vmem>>, %arg2: memref<512x128xf32, #tpu.memory_space<vmem>>, %arg3: memref<2x512x16xf32, #tpu.memory_space<vmem>>, %arg4: memref<128x128xf32, #tpu.memory_space<vmem>>, %arg5: memref<1x128xf32, #tpu.memory_space<vmem>>, %arg6: memref<512x128xf32, #tpu.memory_space<vmem>>) attributes {dimension_semantics = [#tpu.dimension_semantics<arbitrary>], iteration_bounds = array<i64: 20>, scalar_prefetch = 0 : i64, scratch_operands = 0 : i64, tpu.core_type = #tpu.core_type<tc>, window_params = [{transform_indices = @transform_0, window_bounds = array<i64: 2, 512, 128>}, {transform_indices = @transform_1, window_bounds = array<i64: 512, 128>}, {transform_indices = @transform_2, window_bounds = array<i64: 2, 512, 16>}, {pipeline_mode = #tpu.pipeline_mode<synchronous>, transform_indices = @transform_3, window_bounds = array<i64: 128, 128>}, {pipeline_mode = #tpu.pipeline_mode<synchronous>, transform_indices = @transform_4, window_bounds = array<i64: 1, 128>}, {transform_indices = @transform_5, window_bounds = array<i64: 512, 128>}]} {
    %get3A = arith.constant 0 : index
    %get3A_0 = arith.constant 0 : index
    %get3A_1 = arith.constant 0 : index
    %get3A_2 = vector.load %arg3[%get3A, %get3A_0, %get3A_1] : memref<2x512x16xf32, #tpu.memory_space<vmem>>, vector<1x512x1xf32>
    %get3A_3 = vector.shape_cast %get3A_2 : vector<1x512x1xf32> to vector<512x1xf32>
    %get3A_4 = arith.constant 1 : index
    %get3A_5 = arith.constant 0 : index
    %get3A_6 = arith.constant 0 : index
    %get3A_7 = vector.load %arg3[%get3A_4, %get3A_5, %get3A_6] : memref<2x512x16xf32, #tpu.memory_space<vmem>>, vector<1x512x1xf32>
    %get3A_8 = vector.shape_cast %get3A_7 : vector<1x512x1xf32> to vector<512x1xf32>
    %add3A = arith.addf %get3A_3, %get3A_8 : vector<512x1xf32>
    %add3A_9 = arith.constant 1.000000e+00 : f32
    %add3A_10 = vector.broadcast %add3A_9 : f32 to vector<512x1xf32>
    %add3A_11 = arith.addf %add3A, %add3A_10 : vector<512x1xf32>
    %rsqrt3A = math.rsqrt %add3A_11 : vector<512x1xf32>
    %get3A_12 = arith.constant 0 : index
    %get3A_13 = arith.constant 0 : index
    %get3A_14 = arith.constant 0 : index
    %get3A_15 = vector.load %arg1[%get3A_12, %get3A_13, %get3A_14] : memref<2x512x128xf32, #tpu.memory_space<vmem>>, vector<1x512x128xf32>
    %get3A_16 = vector.shape_cast %get3A_15 : vector<1x512x128xf32> to vector<512x128xf32>
    %get3A_17 = arith.constant 1 : index
    %get3A_18 = arith.constant 0 : index
    %get3A_19 = arith.constant 0 : index
    %get3A_20 = vector.load %arg1[%get3A_17, %get3A_18, %get3A_19] : memref<2x512x128xf32, #tpu.memory_space<vmem>>, vector<1x512x128xf32>
    %get3A_21 = vector.shape_cast %get3A_20 : vector<1x512x128xf32> to vector<512x128xf32>
    %add3A_22 = arith.addf %get3A_16, %get3A_21 : vector<512x128xf32>
    %get3A_23 = arith.constant 0 : index
    %get3A_24 = arith.constant 0 : index
    %get3A_25 = vector.load %arg2[%get3A_23, %get3A_24] : memref<512x128xf32, #tpu.memory_space<vmem>>, vector<512x128xf32>
    %add3A_26 = arith.addf %add3A_22, %get3A_25 : vector<512x128xf32>
    %mul3A = vector.broadcast %rsqrt3A : vector<512x1xf32> to vector<512x128xf32>
    %mul3A_27 = arith.mulf %mul3A, %add3A_26 : vector<512x128xf32>
    %get3A_28 = arith.constant 0 : index
    %get3A_29 = arith.constant 0 : index
    %get3A_30 = vector.load %arg5[%get3A_28, %get3A_29] : memref<1x128xf32, #tpu.memory_space<vmem>>, vector<1x128xf32>
    %add3A_31 = vector.broadcast %get3A_30 : vector<1x128xf32> to vector<512x128xf32>
    %add3A_32 = arith.addf %mul3A_27, %add3A_31 : vector<512x128xf32>
    %max3A = arith.constant 0.000000e+00 : f32
    %max3A_33 = vector.broadcast %max3A : f32 to vector<512x128xf32>
    %max3A_34 = arith.maximumf %add3A_32, %max3A_33 : vector<512x128xf32>
    %get3A_35 = arith.constant 0 : index
    %get3A_36 = arith.constant 0 : index
    %get3A_37 = vector.load %arg4[%get3A_35, %get3A_36] : memref<128x128xf32, #tpu.memory_space<vmem>>, vector<128x128xf32>
    %dot_general3A = arith.constant dense<0.000000e+00> : vector<512x128xf32>
    %dot_general3A_38 = tpu.matmul %max3A_34, %get3A_37, %dot_general3A {dimension_numbers = #tpu.dot_dimension_numbers<[1], [0], [0], [1], [0, 0, 1, 1], [], []>, transpose_lhs_hint = false} : vector<512x128xf32>, vector<128x128xf32>, vector<512x128xf32> -> vector<512x128xf32>
    %mul3A_39 = vector.broadcast %rsqrt3A : vector<512x1xf32> to vector<512x128xf32>
    %mul3A_40 = arith.mulf %mul3A_39, %dot_general3A_38 : vector<512x128xf32>
    %swap3A = arith.constant 0 : index
    %swap3A_41 = arith.constant 0 : index
    %swap3A_42 = vector.load %arg6[%swap3A, %swap3A_41] : memref<512x128xf32, #tpu.memory_space<vmem>>, vector<512x128xf32>
    tpu.vector_store %arg6[%swap3A, %swap3A_41], %mul3A_40 {strides = array<i32>} : memref<512x128xf32, #tpu.memory_space<vmem>>, vector<512x128xf32>,
    return
  }
  func.func @transform_0(%arg0: i32) -> (i32, i32, i32) {
    %c0_i32 = arith.constant 0 : i32
    %c0_i32_0 = arith.constant 0 : i32
    %c0_i32_1 = arith.constant 0 : i32
    return %c0_i32, %arg0, %c0_i32_0 : i32, i32, i32
  }
  func.func @transform_1(%arg0: i32) -> (i32, i32) {
    %c0_i32 = arith.constant 0 : i32
    %c0_i32_0 = arith.constant 0 : i32
    return %arg0, %c0_i32 : i32, i32
  }
  func.func @transform_2(%arg0: i32) -> (i32, i32, i32) {
    %c0_i32 = arith.constant 0 : i32
    %c0_i32_0 = arith.constant 0 : i32
    %c0_i32_1 = arith.constant 0 : i32
    return %c0_i32, %arg0, %c0_i32_0 : i32, i32, i32
  }
  func.func @transform_3(%arg0: i32) -> (i32, i32) {
    %c0_i32 = arith.constant 0 : i32
    %c0_i32_0 = arith.constant 0 : i32
    %c0_i32_1 = arith.constant 0 : i32
    return %c0_i32, %c0_i32_0 : i32, i32
  }
  func.func @transform_4(%arg0: i32) -> (i32, i32) {
    %c0_i32 = arith.constant 0 : i32
    %c0_i32_0 = arith.constant 0 : i32
    %c0_i32_1 = arith.constant 0 : i32
    return %c0_i32, %c0_i32_0 : i32, i32
  }
  func.func @transform_5(%arg0: i32) -> (i32, i32) {
    %c0_i32 = arith.constant 0 : i32
    %c0_i32_0 = arith.constant 0 : i32
    return %arg0, %c0_i32 : i32, i32
  }
}

module attributes {stable_mosaic.version = 14 : i64} {
  func.func @_zzt_body(%arg0: i32, %arg1: i32, %arg2: memref<512x128xf32, #tpu.memory_space<vmem>>, %arg3: memref<512x128xf32, #tpu.memory_space<vmem>>, %arg4: memref<512x512xf32, #tpu.memory_space<vmem>>) attributes {dimension_semantics = [#tpu.dimension_semantics<arbitrary>, #tpu.dimension_semantics<arbitrary>], iteration_bounds = array<i64: 20, 20>, scalar_prefetch = 0 : i64, scratch_operands = 0 : i64, tpu.core_type = #tpu.core_type<tc>, window_params = [{transform_indices = @transform_0, window_bounds = array<i64: 512, 128>}, {transform_indices = @transform_1, window_bounds = array<i64: 512, 128>}, {transform_indices = @transform_2, window_bounds = array<i64: 512, 512>}]} {
    %get3A = arith.constant 0 : index
    %get3A_0 = arith.constant 0 : index
    %get3A_1 = vector.load %arg2[%get3A, %get3A_0] : memref<512x128xf32, #tpu.memory_space<vmem>>, vector<512x128xf32>
    %get3A_2 = arith.constant 0 : index
    %get3A_3 = arith.constant 0 : index
    %get3A_4 = vector.load %arg3[%get3A_2, %get3A_3] : memref<512x128xf32, #tpu.memory_space<vmem>>, vector<512x128xf32>
    %dot_general3A = arith.constant dense<0.000000e+00> : vector<512x512xf32>
    %dot_general3A_5 = tpu.matmul %get3A_1, %get3A_4, %dot_general3A {dimension_numbers = #tpu.dot_dimension_numbers<[1], [1], [0], [0], [0, 0, 1, 0], [], []>, transpose_lhs_hint = false} : vector<512x128xf32>, vector<512x128xf32>, vector<512x512xf32> -> vector<512x512xf32>
    %swap3A = arith.constant 0 : index
    %swap3A_6 = arith.constant 0 : index
    %swap3A_7 = vector.load %arg4[%swap3A, %swap3A_6] : memref<512x512xf32, #tpu.memory_space<vmem>>, vector<512x512xf32>
    tpu.vector_store %arg4[%swap3A, %swap3A_6], %dot_general3A_5 {strides = array<i32>} : memref<512x512xf32, #tpu.memory_space<vmem>>, vector<512x512xf32>,
    return
  }
  func.func @transform_0(%arg0: i32, %arg1: i32) -> (i32, i32) {
    %c0_i32 = arith.constant 0 : i32
    %c0_i32_0 = arith.constant 0 : i32
    return %arg0, %c0_i32 : i32, i32
  }
  func.func @transform_1(%arg0: i32, %arg1: i32) -> (i32, i32) {
    %c0_i32 = arith.constant 0 : i32
    %c0_i32_0 = arith.constant 0 : i32
    return %arg1, %c0_i32 : i32, i32
  }
  func.func @transform_2(%arg0: i32, %arg1: i32) -> (i32, i32) {
    %c0_i32 = arith.constant 0 : i32
    return %arg0, %arg1 : i32, i32
  }
}

</mosaic_0001>

<sc_bundles>
// kernel: kernel.12.cloned.1.call-start
scs
__scs_entry_jumppad:
0x0: {  	(pc) =	sbr.rel $0x88, $3  }
0x1: {  	(tag) =	ssettag $0x0;
	lr =	simm.s32 $0x1  }
0x2: {  	[smem:$0x3F9B] =	sst lr;
	_ =	strace $0xD0000000  }
0x3: {  	_ = 	snop  }
0x4: {  	_ = 	snop  }
0x5: {  	_ = 	snop  }
0x6: {  	_ = 	snop  }
0x7: {  	_ = 	snop  }
__scs_overlays_trampoline_lowered:
0x8: {  	[smem:$0x3FAA] =	sst s0  }
0x9: {  	[smem:$0x3FAB] =	sst s1  }
0xa: {  	[smem:$0x3FAC] =	sst s2  }
0xb: {  	[smem:$0x3FAD] =	sst s3  }
0xc: {  	[smem:$0x3FAE] =	sst s4  }
0xd: {  	[smem:$0x3FAF] =	sst s5  }
0xe: {  	[smem:$0x3FB0] =	sst s6  }
0xf: {  	[smem:$0x3FB1] =	sst s7  }
0x10: {  	[smem:$0x3FB2] =	sst s8  }
0x11: {  	[smem:$0x3FB3] =	sst s9;
	s0 =	simm.s32 @!p0 $0x0  }
0x12: {  	s1 =	sld [smem:$0x3F99];
	s0 =	simm.s32 @p0 $0x1  }
0x13: {  	[smem:$0x3FB4] =	sst s0;
	s0 =	simm.s32 @!p1 $0x0  }
0x14: {  	s2 =	sld [smem:$0x3F98];
	s0 =	simm.s32 @p1 $0x1  }
0x15: {  	[smem:$0x3FB5] =	sst s0;
	s0 =	simm.s32 @!p2 $0x0  }
0x16: {  	s3 =	sld [smem:$0x3FDB];
	s0 =	simm.s32 @p2 $0x1  }
0x17: {  	s4 =	simm.s32 $0x1BF5;
	[smem:$0x3FB7] =	sst s0  }
0x18: {  	s0 =	sld [smem:$0x3F9A];
	_ =	swait.ge [sflag:s4], $0x0  }
0x19: {  	s7 =	sld [smem:$0x3F9B]  }
0x1a: {  	s8 =	sadd.s32 $0xFFFFE003, lr  }
0x1b: {  	s9 =	sadd.s32 $0xFFFFFEF7, lr;
	s5 =	simm.s32 $0xFFFFFFFF;
	p2 =	slt.u32 s8, $0xFFFFF086  }
0x1c: {  	p1 =	slt.u32 s9, $0xF7A;
	s5 =	simm.s32 @!p2 $0x0  }
0x1d: {  	s5 =	simm.s32 @p1 $0x1;
	p0 =	seq.s32 s7, s2  }
0x1e: {  	s7 =	smul.u32 @!p0 $0xF7A, s2;
	p2 =	seq.s32 @!p0 s5, $0x0  }
0x1f: {  	s9 =	smul.u32 $0xF7A, s1;
	s8 =	simm.s32 @!p0 $0x1BF5;
	p2 =	por !p2, p0  }
0x20: {  	[sflag:s8] =	ssyncset.s32 @!p0 $0xFFFFF086;
	s6 =	sadd.s32 @!p0 s3, s7;
	s7 =	simm.s32 @!p0 $0x108  }
0x21: {  	s3 =	sadd.s32 s3, s9;
	s6 =	sadd.s32 @!p0 $0x88, s6;
	s7 =	simm.s32 @p2 $0x1082  }
0x22: {  	[simem:s7], [sflag:s8] =	dma.local @!p0 [hbm:s6], $0xF7A  }
0x23: {  	s9 =	sor.u32 $0xD0000000, s2;
	s6 =	simm.s32 $0x108;
	_ =	swait.ge @!p0 [sflag:s8], $0x0  }
0x24: {  	s3 =	sadd.s32 $0x88, s3;
	s6 =	simm.s32 @!p1 $0x1082;
	[sflag:s4] =	ssyncset.s32 $0xFFFFF086  }
0x25: {  	[simem:s6], [sflag:s4] =	dma.local [hbm:s3], $0xF7A  }
0x26: {  	[smem:$0x3F9B] =	sst s1;
	(tag) =	ssettag s2;
	_ =	strace s9  }
0x27: {  	s1 =	sld [smem:$0x3FAB]  }
0x28: {  	s2 =	sld [smem:$0x3FAC]  }
0x29: {  	s4 =	sld [smem:$0x3FAE]  }
0x2a: {  	p0 =	seq.s32 s5, $0x0;
	s5 =	sld [smem:$0x3FAF]  }
0x2b: {  	s6 =	sld [smem:$0x3FB0]  }
0x2c: {  	s7 =	sld [smem:$0x3FB1]  }
0x2d: {  	s3 =	simm.s32 $0x108;
	s8 =	sld [smem:$0x3FB2]  }
0x2e: {  	s3 =	simm.s32 @!p0 $0x1082;
	s9 =	sld [smem:$0x3FB3]  }
0x2f: {  	lr =	sadd.s32 s0, s3;
	s0 =	sld [smem:$0x3FAA]  }
0x30: {  	s3 =	sld [smem:$0x3FAD]  }
0x31: {  	[smem:$0x3FB6] =	sst s10  }
0x32: {  	s10 =	sld [smem:$0x3FB4];
	_ =	sdelay $0x3  }
0x33: {  	p0 =	seq.s32 s10, $0x1;
	s10 =	sld [smem:$0x3FB6];
	_ =	sdelay $0x3  }
0x34: {  	[smem:$0x3FB6] =	sst s10  }
0x35: {  	s10 =	sld [smem:$0x3FB5];
	_ =	sdelay $0x3  }
0x36: {  	p1 =	seq.s32 s10, $0x1;
	s10 =	sld [smem:$0x3FB6];
	_ =	sdelay $0x3  }
0x37: {  	[smem:$0x3FB6] =	sst s10  }
0x38: {  	s10 =	sld [smem:$0x3FB7]  }
0x39: {  	_ = 	snop;
	(pc) =	sbr.ind lr, $3  }
0x3a: {  	_ = 	snop  }
0x3b: {  	_ = 	snop  }
0x3c: {  	p2 =	seq.s32 s10, $0x1;
	s10 =	sld [smem:$0x3FB6]  }
0x3d: {  	_ =	shalt  }
0x3e: {  	_ =	shalt  }
0x3f: {  	_ =	shalt  }
0x40: {  	_ =	shalt  }
0x41: {  	_ =	shalt  }
0x42: {  	_ =	shalt  }
0x43: {  	_ =	shalt  }
0x44: {  	_ =	shalt  }
0x45: {  	_ =	shalt  }
0x46: {  	_ =	shalt  }
0x47: {  	_ =	shalt  }
0x48: {  	_ =	shalt  }
0x49: {  	_ =	shalt  }
0x4a: {  	_ =	shalt  }
0x4b: {  	_ =	shalt  }
0x4c: {  	_ =	shalt  }
0x4d: {  	_ =	shalt  }
0x4e: {  	_ =	shalt  }
0x4f: {  	_ =	shalt  }
0x50: {  	_ =	shalt  }
0x51: {  	_ =	shalt  }
0x52: {  	_ =	shalt  }
0x53: {  	_ =	shalt  }
0x54: {  	_ =	shalt  }
0x55: {  	_ =	shalt  }
0x56: {  	_ =	shalt  }
0x57: {  	_ =	shalt  }
0x58: {  	_ =	shalt  }
0x59: {  	_ =	shalt  }
0x5a: {  	_ =	shalt  }
0x5b: {  	_ =	shalt  }
0x5c: {  	_ =	shalt  }
0x5d: {  	_ =	shalt  }
0x5e: {  	_ =	shalt  }
0x5f: {  	_ =	shalt  }
0x60: {  	_ =	shalt  }
0x61: {  	_ =	shalt  }
0x62: {  	_ =	shalt  }
0x63: {  	_ =	shalt  }
0x64: {  	_ =	shalt  }
0x65: {  	_ =	shalt  }
0x66: {  	_ =	shalt  }
0x67: {  	_ =	shalt  }
0x68: {  	_ =	shalt  }
0x69: {  	_ =	shalt  }
0x6a: {  	_ =	shalt  }
0x6b: {  	_ =	shalt  }
0x6c: {  	_ =	shalt  }
0x6d: {  	_ =	shalt  }
0x6e: {  	_ =	shalt  }
0x6f: {  	_ =	shalt  }
0x70: {  	_ =	shalt  }
0x71: {  	_ =	shalt  }
0x72: {  	_ =	shalt  }
0x73: {  	_ =	shalt  }
0x74: {  	_ =	shalt  }
0x75: {  	_ =	shalt  }
0x76: {  	_ =	shalt  }
0x77: {  	_ =	shalt  }
0x78: {  	_ =	shalt  }
0x79: {  	_ =	shalt  }
0x7a: {  	_ =	shalt  }
0x7b: {  	_ =	shalt  }
0x7c: {  	_ =	shalt  }
0x7d: {  	_ =	shalt  }
0x7e: {  	_ =	shalt  }
0x7f: {  	_ =	shalt  }
0x80: {  	_ =	shalt  }
0x81: {  	_ =	shalt  }
0x82: {  	_ =	shalt  }
0x83: {  	_ =	shalt  }
0x84: {  	_ =	shalt  }
0x85: {  	_ =	shalt  }
0x86: {  	_ =	shalt  }
0x87: {  	_ =	shalt  }
.Lfunc_end0:
.L_simem_size_0:
called_computation.1_lowered:
.L_overlay_start_0:
0x88: {  	s2 =	sld [smem:$0x3FD9]  }
0x89: {  	s3 =	sld [smem:$0x3FFE];
	_ =	sdelay $0x1  }
0x8a: {  	s1 =	srdreg.scid  }
0x8b: {  	s0 =	sand.u32 $0x1, s1  }
0x8c: {  	s17 =	sshll.u32 s0, $0xA;
	s2 =	sadd.s32 s3, s2  }
0x8d: {  	s2 =	sadd.s32 s2, s17  }
0x8e: {  	[smem:$0x3FC2] =	sst s2  }
0x8f: {  	_ = 	snop  }
0x90: {  	s2 =	sld [smem:$0x3FD0];
	(tm) =	ssettm $0x1  }
0x91: {  	s18 =	sld [smem:$0x3FFB];
	_ =	sdelay $0x3  }
0x92: {  	_ =	strace s18  }
0x93: {  	s3 =	sld [smem:$0x3FFC];
	_ =	sdelay $0x3  }
0x94: {  	_ =	strace s3  }
0x95: {  	s3 =	sld [smem:$0x3FFD];
	_ =	sdelay $0x3  }
0x96: {  	_ =	strace s3  }
0x97: {  	_ =	strace $0x8FFFFFFF  }
0x98: {  	s19 =	sld [smem:$0x3FDB];
	_ =	sdelay $0x1  }
0x99: {  	s4 =	simm.s32 $_scs_section_size  }
0x9a: {  	s5 =	simm.s32 $_size__tile_overlayer_lowered;
	s6 =	simm.s32 $_tile_overlayer_lowered  }
0x9b: {  	s22 =	simm.s32 $0x1BFF;
	s21 =	sshll.u32 s6, $0x1;
	s3 =	sadd.s32 s4, s19  }
0x9c: {  	s7 =	simm.s32 $0x0;
	s20 =	sshll.u32 s5, $0x1;
	s5 =	sadd.s32 s21, s3  }
0x9d: {  	[timem:s7], [sflag:s22] =	dma.local [hbm:s5], s20  }
0x9e: {  	_ =	swait.ge [sflag:s22], s20  }
0x9f: {  	s4 =	ssub.s32 $0x0, s20;
	[sflag:s22] =	ssyncset.done $0x0  }
0xa0: {  	[sflag:s22] =	ssyncadd.s32 s4;
	_ =	sdelay $0x1  }
0xa1: {  	s23 =	simm.s32 $0x1B8B  }
0xa2: {  	_ =	swait.ge [sflag:s23], $0x1  }
0xa3: {  	[sflag:s23] =	ssyncset.done $0x0  }
0xa4: {  	s25 =	simm.s32 $0x1B8E;
	s24 =	sld [smem:$0x3FFE];
	[sflag:s23] =	ssyncadd.s32 $0xFFFFFFFF  }
0xa5: {  	s26 =	simm.s32 $execute0_lowered;
	[smem:$0x3FD2] =	sst s25  }
0xa6: {  	s5 =	sshll.u32 s26, $0x1;
	_ =	strace $0x80000049;
	[dreg:$0x1] =	wrdreg $0xFFFFFFFF  }
0xa7: {  	s28 =	simm.s32 $_size_execute0_lowered;
	s3 =	sadd.s32 s3, s5;
	[dreg:$0x0] =	wrdreg $0x0  }
0xa8: {  	s5 =	sshll.u32 s28, $0x1;
	[dreg:$0x2] =	wrdreg s3  }
0xa9: {  	[dreg:$0x3] =	wrdreg s5  }
0xaa: {  	[dreg:$0x4] =	wrdreg $0xC0  }
0xab: {  	_ =	task [dreg:s7], $0x5FFFF  }
0xac: {  	[dreg:$0x1] =	wrdreg $0xFFFFFFFF  }
0xad: {  	[dreg:$0x0] =	wrdreg $0x60  }
0xae: {  	[dreg:$0x2] =	wrdreg s24  }
0xaf: {  	[dreg:$0x3] =	wrdreg s2  }
0xb0: {  	[dreg:$0x4] =	wrdreg $0xB0000  }
0xb1: {  	[dreg:$0x5] =	wrdreg $0x9  }
0xb2: {  	_ =	task.clear_ibuf [dreg:s7], $0x6FFFF;
	_ =	strace $0x90000049  }
0xb3: {  	s29 =	simm.s32 $0x9;
	_ =	strace $0x8000004B  }
0xb4: {  	_ =	swait.ge [sflag:s29], $0x1  }
0xb5: {  	[sflag:s29] =	ssyncadd.s32 $0xFFFFFFFF  }
0xb6: {  	_ =	strace $0x9000004B  }
0xb7: {  	_ =	sfence  }
0xb8: {  	s30 =	sld [smem:$0x0];
	_ =	sdelay $0x2  }
0xb9: {  	s31 =	sshll.u32 s1, $0xD;
	s1 =	sshrl.u32 s1, $0x2  }
0xba: {  	s3 =	sand.u32 $0x4000, s31;
	s1 =	sadd.s32 s1, s30  }
0xbb: {  	s0 =	sor.u32 s3, s0;
	s1 =	sshll.u32 s1, $0x11  }
0xbc: {  	s0 =	sor.u32 s1, s0  }
0xbd: {  	s0 =	sadd.s32 $0x8F2B, s0  }
0xbe: {  	[sflag:s0] =	ssyncadd.remote.s32 $0x1  }
0xbf: {  	_ =	sfence.sel $0xFFFF  }
0xc0: {  	[dreg:$0x0] =	wrdreg $0xFFFFFFFF;
	(pc) =	sbr.abs _section_cstart, $3  }
0xc1: {  	[dreg:$0x1] =	wrdreg $0xFFFFFFFF  }
0xc2: {  	_ =	task.clear_ibuf [dreg:s7], $0x2FFFF;
	_ =	strace $0x9FFFFFFF  }
0xc3: {  	(tm) =	ssettm $0x7FFFFFFF  }
tec
execute0_lowered:
.L_overlay_start_1:
0x0: {  	(tag) =	ssettag $0x1  }
0x1: {  	s0 =	rddreg [dreg:$0x0];
	s1 =	srdreg.scid  }
0x2: {  	s9 =	stileid.u32;
	s5 =	rddreg [dreg:$0x1]  }
0x3: {  	s2 =	rddreg [dreg:$0x2];
	s30 =	simm.s32 $0x7;
	s6 =	smul.u32 $0x50000, s9  }
0x4: {  	s1 =	sand.u32 $0x1, s1;
	s3 =	sshll.u32 s9, $0x1;
	s12 =	smul.u32 $0x280, s9  }
0x5: {  	s4 =	sor.u32 s1, s3;
	s20 =	ssub.s32 $0x2, s1;
	s1 =	smul.u32 $0x2800, s1  }
0x6: {  	s19 =	simm.s32 $0x2;
	s3 =	simm.s32 $0x0;
	s4 =	smul.u32 $0x500, s4  }
0x7: {  	[smem:$0x7FF] =	sst s3;
	s8 =	sshrl.u32 s20, $0x1;
	s6 =	sshrl.u32 s6, $0x2  }
0x8: {  	_ =	strace $0x8000004A;
	s6 =	sadd.s32 s6, s2;
	s1 =	sadd.s32 s12, s1  }
0x9: {  	s7 =	sadd.s32 s4, s0;
	s4 =	sadd.s32 $0x66600, s0;
	s0 =	sadd.s32 $0x16200, s0  }
0xa: {  	s9 =	sadd.s32 $0x2000, s6;
	s10 =	sadd.s32 $0x4000, s6;
	s11 =	sadd.s32 $0x6000, s6  }
0xb: {  	s12 =	sadd.s32 $0x8000, s6;
	s13 =	sadd.s32 $0xA000, s6;
	s1 =	sshll.u32 s1, $0x4  }
0xc: {  	s14 =	sadd.s32 $0xC000, s6;
	s15 =	sadd.s32 $0xE000, s6;
	s17 =	sadd.s32 $0x10000, s6  }
0xd: {  	s18 =	sadd.s32 $0x12000, s6;
	[dreg:$0x4] =	wrdreg s0;
	s21 =	sadd.s32 $0x2200, s7  }
0xe: {  	s7 =	sadd.s32 $0xC200, s7;
	s16 =	sadd.s32 s5, s1;
	[dreg:$0x5] =	wrdreg s21  }
0xf: {  	s0 =	ssub.s32 s20, s8;
	[dreg:$0x6] =	wrdreg s7;
	s1 =	sadd.s32 $0x400, s16  }
0x10: {  	s5 =	simm.s32 $0x7000;
	s22 =	sadd.s32 $0x800, s16;
	[dreg:$0x7] =	wrdreg s1  }
0x11: {  	s8 =	simm.s32 $0x9000;
	s23 =	sadd.s32 $0xC00, s16;
	[dreg:$0x8] =	wrdreg s22  }
0x12: {  	s20 =	simm.s32 $0x4;
	s24 =	sadd.s32 $0x1000, s16;
	[dreg:$0x9] =	wrdreg s23  }
0x13: {  	s25 =	sadd.s32 $0x1400, s16;
	s26 =	sadd.s32 $0x1800, s16;
	[dreg:$0xa] =	wrdreg s24  }
0x14: {  	s0 =	smax.u32 s0, $0x1;
	s31 =	sadd.s32 $0x1C00, s16;
	[dreg:$0xb] =	wrdreg s25  }
0x15: {  	s28 =	sadd.s32 $0x2000, s16;
	s29 =	sadd.s32 $0x2400, s16;
	[dreg:$0xc] =	wrdreg s26  }
0x16: {  	s7 =	simm.s32 $0x1;
	s21 =	simm.s32 $0x3;
	[dreg:$0xd] =	wrdreg s0  }
0x17: {  	[dreg:$0xe] =	wrdreg s31;
	s1 =	simm.s32 $0x5000;
	s0 =	simm.s32 $0x40  }
0x18: {  	s22 =	simm.s32 $0x5;
	s23 =	simm.s32 $0x6;
	s24 =	simm.s32 $0x0  }
.LBB2_1:
0x19: {  	s25 =	rddreg [dreg:$0x5]  }
0x1a: {  	[tilespmem:s3], [sflag:$0x7] =	stream.linear.gather [hbm4b:s25+s3], $0x2800, $0x38;
	[tilespmem:$0x1F000] =	vst v63  }
0x1b: {  	_ =	swait.ge [sflag:s30], $0x2800  }
0x1c: {  	[sflag:s30] =	ssyncset.done $0x0  }
0x1d: {  	s26 =	simm.s32 $0x2800;
	s25 =	rddreg [dreg:$0x6];
	[sflag:s30] =	ssyncadd.s32 $0xFFFFD800  }
0x1e: {  	[tilespmem:s26], [sflag:$0x7] =	stream.linear.gather [hbm4b:s25+s3], $0x2800, $0x38;
	[tilespmem:$0x1F000] =	vst v63  }
0x1f: {  	_ =	swait.ge [sflag:s30], $0x2800  }
0x20: {  	[sflag:s30] =	ssyncset.done $0x0  }
0x21: {  	s25 =	rddreg [dreg:$0x4];
	[sflag:s30] =	ssyncadd.s32 $0xFFFFD800  }
0x22: {  	[tilespmem:s1], [sflag:$0x7] =	stream.linear.gather [hbm4b:s25+s3], $0x2000, $0x38;
	[tilespmem:$0x1F000] =	vst v63  }
0x23: {  	_ =	swait.ge [sflag:s30], $0x2000  }
0x24: {  	[sflag:s30] =	ssyncset.done $0x0  }
0x25: {  	[sflag:s30] =	ssyncadd.s32 $0xFFFFE000  }
0x26: {  	[spmem:s6] =	stream.linear.scatter [tilespmem:s1], [sflag:$0x7], $0x2000, $0x38;
	[tilespmem:$0x1F000] =	vst v63  }
0x27: {  	_ =	swait.ge [sflag:s30], $0x2000  }
0x28: {  	[sflag:s30] =	ssyncset.done $0x0  }
0x29: {  	[sflag:s30] =	ssyncadd.s32 $0xFFFFE000  }
0x2a: {  	[spmem:s9] =	stream.linear.scatter [tilespmem:s1], [sflag:$0x7], $0x2000, $0x38;
	[tilespmem:$0x1F000] =	vst v63  }
0x2b: {  	_ =	swait.ge [sflag:s30], $0x2000  }
0x2c: {  	[sflag:s30] =	ssyncset.done $0x0  }
0x2d: {  	[sflag:s30] =	ssyncadd.s32 $0xFFFFE000  }
0x2e: {  	[spmem:s10] =	stream.linear.scatter [tilespmem:s1], [sflag:$0x7], $0x2000, $0x38;
	[tilespmem:$0x1F000] =	vst v63  }
0x2f: {  	_ =	swait.ge [sflag:s30], $0x2000  }
0x30: {  	[sflag:s30] =	ssyncset.done $0x0  }
0x31: {  	[sflag:s30] =	ssyncadd.s32 $0xFFFFE000  }
0x32: {  	[spmem:s11] =	stream.linear.scatter [tilespmem:s1], [sflag:$0x7], $0x2000, $0x38;
	[tilespmem:$0x1F000] =	vst v63  }
0x33: {  	_ =	swait.ge [sflag:s30], $0x2000  }
0x34: {  	[sflag:s30] =	ssyncset.done $0x0  }
0x35: {  	[sflag:s30] =	ssyncadd.s32 $0xFFFFE000  }
0x36: {  	[spmem:s12] =	stream.linear.scatter [tilespmem:s1], [sflag:$0x7], $0x2000, $0x38;
	[tilespmem:$0x1F000] =	vst v63  }
0x37: {  	_ =	swait.ge [sflag:s30], $0x2000  }
0x38: {  	[sflag:s30] =	ssyncset.done $0x0  }
0x39: {  	[sflag:s30] =	ssyncadd.s32 $0xFFFFE000  }
0x3a: {  	[spmem:s13] =	stream.linear.scatter [tilespmem:s1], [sflag:$0x7], $0x2000, $0x38;
	[tilespmem:$0x1F000] =	vst v63  }
0x3b: {  	_ =	swait.ge [sflag:s30], $0x2000  }
0x3c: {  	[sflag:s30] =	ssyncset.done $0x0  }
0x3d: {  	[sflag:s30] =	ssyncadd.s32 $0xFFFFE000  }
0x3e: {  	[spmem:s14] =	stream.linear.scatter [tilespmem:s1], [sflag:$0x7], $0x2000, $0x38;
	[tilespmem:$0x1F000] =	vst v63  }
0x3f: {  	_ =	swait.ge [sflag:s30], $0x2000  }
0x40: {  	[sflag:s30] =	ssyncset.done $0x0  }
0x41: {  	[sflag:s30] =	ssyncadd.s32 $0xFFFFE000  }
0x42: {  	[spmem:s15] =	stream.linear.scatter [tilespmem:s1], [sflag:$0x7], $0x2000, $0x38;
	[tilespmem:$0x1F000] =	vst v63  }
0x43: {  	_ =	swait.ge [sflag:s30], $0x2000  }
0x44: {  	[sflag:s30] =	ssyncset.done $0x0  }
0x45: {  	[sflag:s30] =	ssyncadd.s32 $0xFFFFE000  }
0x46: {  	[spmem:s17] =	stream.linear.scatter [tilespmem:s1], [sflag:$0x7], $0x2000, $0x38;
	[tilespmem:$0x1F000] =	vst v63  }
0x47: {  	_ =	swait.ge [sflag:s30], $0x2000  }
0x48: {  	[sflag:s30] =	ssyncset.done $0x0  }
0x49: {  	[sflag:s30] =	ssyncadd.s32 $0xFFFFE000  }
0x4a: {  	[spmem:s18] =	stream.linear.scatter [tilespmem:s1], [sflag:$0x7], $0x2000, $0x38;
	[tilespmem:$0x1F000] =	vst v63  }
0x4b: {  	_ =	swait.ge [sflag:s30], $0x2000  }
0x4c: {  	[sflag:s30] =	ssyncset.done $0x0  }
0x4d: {  	[sflag:s30] =	ssyncadd.s32 $0xFFFFE000  }
0x4e: {  	[bflag:$0x0] =	sbarrier.arrive $0xFFFF  }
0x4f: {  	[tilespmem:s1], [sflag:$0x1] =	stream.indirect.gather [hbm4b:s4+s0], $0x80, s3, s0, $0xb8;
	[tilespmem:$0x1F000] =	vst v63  }
0x50: {  	s25 =	simm.s32 $0x80  }
0x51: {  	[tilespmem:s5], [sflag:$0x2] =	stream.indirect.gather [hbm4b:s4+s0], $0x80, s25, s0, $0xb8;
	[tilespmem:$0x1F000] =	vst v63  }
0x52: {  	_ =	swait.ge [sflag:s7], $0x2000  }
0x53: {  	[sflag:s7] =	ssyncset.done $0x0  }
0x54: {  	[sflag:s7] =	ssyncadd.s32 $0xFFFFE000  }
0x55: {  	[spmem:s2] =	stream.indirect.scatter.add.f32 [tilespmem:s1], [sflag:$0x4], $0x80, s26, s0, $0xb8;
	[tilespmem:$0x1F000] =	vst v63  }
0x56: {  	s26 =	simm.s32 $0x100  }
0x57: {  	[tilespmem:s8], [sflag:$0x3] =	stream.indirect.gather [hbm4b:s4+s0], $0x80, s26, s0, $0xb8;
	[tilespmem:$0x1F000] =	vst v63  }
0x58: {  	_ =	swait.ge [sflag:s19], $0x2000  }
0x59: {  	[sflag:s19] =	ssyncset.done $0x0  }
0x5a: {  	s26 =	simm.s32 $0x2880;
	[sflag:s19] =	ssyncadd.s32 $0xFFFFE000  }
0x5b: {  	[spmem:s2] =	stream.indirect.scatter.add.f32 [tilespmem:s5], [sflag:$0x5], $0x80, s26, s0, $0xb8;
	[tilespmem:$0x1F000] =	vst v63  }
0x5c: {  	_ =	swait.ge [sflag:s20], $0x2000  }
0x5d: {  	[sflag:s20] =	ssyncset.done $0x0  }
0x5e: {  	s26 =	simm.s32 $0x180;
	[sflag:s20] =	ssyncadd.s32 $0xFFFFE000  }
0x5f: {  	[tilespmem:s1], [sflag:$0x1] =	stream.indirect.gather [hbm4b:s4+s0], $0x80, s26, s0, $0xb8;
	[tilespmem:$0x1F000] =	vst v63  }
0x60: {  	_ =	swait.ge [sflag:s21], $0x2000  }
0x61: {  	[sflag:s21] =	ssyncset.done $0x0  }
0x62: {  	s26 =	simm.s32 $0x2900;
	[sflag:s21] =	ssyncadd.s32 $0xFFFFE000  }
0x63: {  	[spmem:s2] =	stream.indirect.scatter.add.f32 [tilespmem:s8], [sflag:$0x6], $0x80, s26, s0, $0xb8;
	[tilespmem:$0x1F000] =	vst v63  }
0x64: {  	_ =	swait.ge [sflag:s22], $0x2000  }
0x65: {  	[sflag:s22] =	ssyncset.done $0x0  }
0x66: {  	s26 =	simm.s32 $0x200;
	[sflag:s22] =	ssyncadd.s32 $0xFFFFE000  }
0x67: {  	[tilespmem:s5], [sflag:$0x2] =	stream.indirect.gather [hbm4b:s4+s0], $0x80, s26, s0, $0xb8;
	[tilespmem:$0x1F000] =	vst v63  }
0x68: {  	_ =	swait.ge [sflag:s7], $0x2000  }
0x69: {  	[sflag:s7] =	ssyncset.done $0x0  }
0x6a: {  	s26 =	simm.s32 $0x2980;
	[sflag:s7] =	ssyncadd.s32 $0xFFFFE000  }
0x6b: {  	[spmem:s2] =	stream.indirect.scatter.add.f32 [tilespmem:s1], [sflag:$0x4], $0x80, s26, s0, $0xb8;
	[tilespmem:$0x1F000] =	vst v63  }
0x6c: {  	_ =	swait.ge [sflag:s23], $0x2000  }
0x6d: {  	[sflag:s23] =	ssyncset.done $0x0  }
0x6e: {  	s26 =	simm.s32 $0x280;
	[sflag:s23] =	ssyncadd.s32 $0xFFFFE000  }
0x6f: {  	[tilespmem:s8], [sflag:$0x3] =	stream.indirect.gather [hbm4b:s4+s0], $0x80, s26, s0, $0xb8;
	[tilespmem:$0x1F000] =	vst v63  }
0x70: {  	_ =	swait.ge [sflag:s19], $0x2000  }
0x71: {  	[sflag:s19] =	ssyncset.done $0x0  }
0x72: {  	s26 =	simm.s32 $0x2A00;
	[sflag:s19] =	ssyncadd.s32 $0xFFFFE000  }
0x73: {  	[spmem:s2] =	stream.indirect.scatter.add.f32 [tilespmem:s5], [sflag:$0x5], $0x80, s26, s0, $0xb8;
	[tilespmem:$0x1F000] =	vst v63  }
0x74: {  	_ =	swait.ge [sflag:s20], $0x2000  }
0x75: {  	[sflag:s20] =	ssyncset.done $0x0  }
0x76: {  	s26 =	simm.s32 $0x300;
	[sflag:s20] =	ssyncadd.s32 $0xFFFFE000  }
0x77: {  	[tilespmem:s1], [sflag:$0x1] =	stream.indirect.gather [hbm4b:s4+s0], $0x80, s26, s0, $0xb8;
	[tilespmem:$0x1F000] =	vst v63  }
0x78: {  	_ =	swait.ge [sflag:s21], $0x2000  }
0x79: {  	[sflag:s21] =	ssyncset.done $0x0  }
0x7a: {  	s26 =	simm.s32 $0x2A80;
	[sflag:s21] =	ssyncadd.s32 $0xFFFFE000  }
0x7b: {  	[spmem:s2] =	stream.indirect.scatter.add.f32 [tilespmem:s8], [sflag:$0x6], $0x80, s26, s0, $0xb8;
	[tilespmem:$0x1F000] =	vst v63  }
0x7c: {  	_ =	swait.ge [sflag:s22], $0x2000  }
0x7d: {  	[sflag:s22] =	ssyncset.done $0x0  }
0x7e: {  	s31 =	simm.s32 $0x380;
	s25 =	simm.s32 $0x600;
	[sflag:s22] =	ssyncadd.s32 $0xFFFFE000  }
.LBB2_2:
0x7f: {  	[tilespmem:s5], [sflag:$0x2] =	stream.indirect.gather [hbm4b:s4+s0], $0x80, s31, s0, $0xb8;
	[tilespmem:$0x1F000] =	vst v63  }
0x80: {  	s31 =	smov.u32 s25  }
0x81: {  	p0 =	sne.s32 s25, $0x9000;
	s25 =	sadd.s32 $0x600, s25;
	_ =	swait.ge [sflag:s7], $0x2000  }
0x82: {  	s31 =	sshra.s32 s31, $0x2;
	[sflag:s7] =	ssyncset.done $0x0  }
0x83: {  	s26 =	sadd.s32 $0x2980, s31;
	[sflag:s7] =	ssyncadd.s32 $0xFFFFE000  }
0x84: {  	[spmem:s2] =	stream.indirect.scatter.add.f32 [tilespmem:s1], [sflag:$0x4], $0x80, s26, s0, $0xb8;
	[tilespmem:$0x1F000] =	vst v63  }
0x85: {  	_ =	swait.ge [sflag:s23], $0x2000  }
0x86: {  	[sflag:s23] =	ssyncset.done $0x0  }
0x87: {  	s26 =	sadd.s32 $0x280, s31;
	[sflag:s23] =	ssyncadd.s32 $0xFFFFE000  }
0x88: {  	[tilespmem:s8], [sflag:$0x3] =	stream.indirect.gather [hbm4b:s4+s0], $0x80, s26, s0, $0xb8;
	[tilespmem:$0x1F000] =	vst v63  }
0x89: {  	_ =	swait.ge [sflag:s19], $0x2000  }
0x8a: {  	[sflag:s19] =	ssyncset.done $0x0  }
0x8b: {  	s26 =	sadd.s32 $0x2A00, s31;
	[sflag:s19] =	ssyncadd.s32 $0xFFFFE000  }
0x8c: {  	[spmem:s2] =	stream.indirect.scatter.add.f32 [tilespmem:s5], [sflag:$0x5], $0x80, s26, s0, $0xb8;
	[tilespmem:$0x1F000] =	vst v63  }
0x8d: {  	_ =	swait.ge [sflag:s20], $0x2000  }
0x8e: {  	[sflag:s20] =	ssyncset.done $0x0  }
0x8f: {  	s26 =	sadd.s32 $0x300, s31;
	[sflag:s20] =	ssyncadd.s32 $0xFFFFE000  }
0x90: {  	[tilespmem:s1], [sflag:$0x1] =	stream.indirect.gather [hbm4b:s4+s0], $0x80, s26, s0, $0xb8;
	[tilespmem:$0x1F000] =	vst v63  }
0x91: {  	_ =	swait.ge [sflag:s21], $0x2000  }
0x92: {  	[sflag:s21] =	ssyncset.done $0x0  }
.Ltmp0:
0x93: {  	s26 =	sadd.s32 $0x2A80, s31;
	[sflag:s21] =	ssyncadd.s32 $0xFFFFE000;
	(pc) =	sbr.rel @p0 .LBB2_2-.Ltmp0, $4  }
0x94: {  	[spmem:s2] =	stream.indirect.scatter.add.f32 [tilespmem:s8], [sflag:$0x6], $0x80, s26, s0, $0xb8;
	[tilespmem:$0x1F000] =	vst v63  }
0x95: {  	_ =	swait.ge [sflag:s22], $0x2000  }
0x96: {  	[sflag:s22] =	ssyncset.done $0x0  }
0x97: {  	s31 =	sadd.s32 $0x380, s31;
	[sflag:s22] =	ssyncadd.s32 $0xFFFFE000  }
0x98: {  	[tilespmem:s5], [sflag:$0x2] =	stream.indirect.gather [hbm4b:s4+s0], $0x80, s31, s0, $0xb8;
	[tilespmem:$0x1F000] =	vst v63  }
0x99: {  	_ =	swait.ge [sflag:s7], $0x2000  }
0x9a: {  	[sflag:s7] =	ssyncset.done $0x0  }
0x9b: {  	s25 =	simm.s32 $0x4F00;
	[sflag:s7] =	ssyncadd.s32 $0xFFFFE000  }
0x9c: {  	[spmem:s2] =	stream.indirect.scatter.add.f32 [tilespmem:s1], [sflag:$0x4], $0x80, s25, s0, $0xb8;
	[tilespmem:$0x1F000] =	vst v63  }
0x9d: {  	_ =	swait.ge [sflag:s19], $0x2000  }
0x9e: {  	[sflag:s19] =	ssyncset.done $0x0  }
0x9f: {  	s31 =	simm.s32 $0x4F80;
	[sflag:s19] =	ssyncadd.s32 $0xFFFFE000  }
0xa0: {  	[spmem:s2] =	stream.indirect.scatter.add.f32 [tilespmem:s5], [sflag:$0x5], $0x80, s31, s0, $0xb8;
	[tilespmem:$0x1F000] =	vst v63  }
0xa1: {  	_ =	swait.ge [sflag:s20], $0x2000  }
0xa2: {  	[sflag:s20] =	ssyncset.done $0x0  }
0xa3: {  	[sflag:s20] =	ssyncadd.s32 $0xFFFFE000  }
0xa4: {  	_ =	swait.ge [sflag:s22], $0x2000  }
0xa5: {  	[sflag:s22] =	ssyncset.done $0x0  }
0xa6: {  	[sflag:s22] =	ssyncadd.s32 $0xFFFFE000  }
0xa7: {  	_ =	swait.ge [sflag:s23], $0x2000  }
0xa8: {  	[sflag:s23] =	ssyncset.done $0x0  }
0xa9: {  	[sflag:s23] =	ssyncadd.s32 $0xFFFFE000  }
0xaa: {  	[bflag:$0x0] =	sbarrier.arrive $0xFFFF  }
0xab: {  	[tilespmem:s1], [sflag:$0x7] =	stream.linear.gather [spmem:s6], $0x2000, $0x38;
	[tilespmem:$0x1F000] =	vst v63  }
0xac: {  	_ =	swait.ge [sflag:s30], $0x2000  }
0xad: {  	[sflag:s30] =	ssyncset.done $0x0  }
0xae: {  	[sflag:s30] =	ssyncadd.s32 $0xFFFFE000  }
0xaf: {  	[hbm4b:s16+s3] =	stream.linear.scatter [tilespmem:s1], [sflag:$0x7], $0x2000, $0x38;
	[tilespmem:$0x1F000] =	vst v63  }
0xb0: {  	_ =	swait.ge [sflag:s30], $0x2000  }
0xb1: {  	[sflag:s30] =	ssyncset.done $0x0  }
0xb2: {  	[sflag:s30] =	ssyncadd.s32 $0xFFFFE000  }
0xb3: {  	[tilespmem:s1], [sflag:$0x7] =	stream.linear.gather [spmem:s9], $0x2000, $0x38;
	[tilespmem:$0x1F000] =	vst v63  }
0xb4: {  	_ =	swait.ge [sflag:s30], $0x2000  }
0xb5: {  	[sflag:s30] =	ssyncset.done $0x0  }
0xb6: {  	s26 =	rddreg [dreg:$0x7];
	[sflag:s30] =	ssyncadd.s32 $0xFFFFE000  }
0xb7: {  	[hbm4b:s26+s3] =	stream.linear.scatter [tilespmem:s1], [sflag:$0x7], $0x2000, $0x38;
	[tilespmem:$0x1F000] =	vst v63  }
0xb8: {  	_ =	swait.ge [sflag:s30], $0x2000  }
0xb9: {  	[sflag:s30] =	ssyncset.done $0x0  }
0xba: {  	[sflag:s30] =	ssyncadd.s32 $0xFFFFE000  }
0xbb: {  	[tilespmem:s1], [sflag:$0x7] =	stream.linear.gather [spmem:s10], $0x2000, $0x38;
	[tilespmem:$0x1F000] =	vst v63  }
0xbc: {  	_ =	swait.ge [sflag:s30], $0x2000  }
0xbd: {  	[sflag:s30] =	ssyncset.done $0x0  }
0xbe: {  	s31 =	rddreg [dreg:$0x8];
	[sflag:s30] =	ssyncadd.s32 $0xFFFFE000  }
0xbf: {  	[hbm4b:s31+s3] =	stream.linear.scatter [tilespmem:s1], [sflag:$0x7], $0x2000, $0x38;
	[tilespmem:$0x1F000] =	vst v63  }
0xc0: {  	_ =	swait.ge [sflag:s30], $0x2000  }
0xc1: {  	[sflag:s30] =	ssyncset.done $0x0  }
0xc2: {  	[sflag:s30] =	ssyncadd.s32 $0xFFFFE000  }
0xc3: {  	[tilespmem:s1], [sflag:$0x7] =	stream.linear.gather [spmem:s11], $0x2000, $0x38;
	[tilespmem:$0x1F000] =	vst v63  }
0xc4: {  	_ =	swait.ge [sflag:s30], $0x2000  }
0xc5: {  	[sflag:s30] =	ssyncset.done $0x0  }
0xc6: {  	s26 =	rddreg [dreg:$0x9];
	[sflag:s30] =	ssyncadd.s32 $0xFFFFE000  }
0xc7: {  	[hbm4b:s26+s3] =	stream.linear.scatter [tilespmem:s1], [sflag:$0x7], $0x2000, $0x38;
	[tilespmem:$0x1F000] =	vst v63  }
0xc8: {  	_ =	swait.ge [sflag:s30], $0x2000  }
0xc9: {  	[sflag:s30] =	ssyncset.done $0x0  }
0xca: {  	[sflag:s30] =	ssyncadd.s32 $0xFFFFE000  }
0xcb: {  	[tilespmem:s1], [sflag:$0x7] =	stream.linear.gather [spmem:s12], $0x2000, $0x38;
	[tilespmem:$0x1F000] =	vst v63  }
0xcc: {  	_ =	swait.ge [sflag:s30], $0x2000  }
0xcd: {  	[sflag:s30] =	ssyncset.done $0x0  }
0xce: {  	s31 =	rddreg [dreg:$0xa];
	[sflag:s30] =	ssyncadd.s32 $0xFFFFE000  }
0xcf: {  	[hbm4b:s31+s3] =	stream.linear.scatter [tilespmem:s1], [sflag:$0x7], $0x2000, $0x38;
	[tilespmem:$0x1F000] =	vst v63  }
0xd0: {  	_ =	swait.ge [sflag:s30], $0x2000  }
0xd1: {  	[sflag:s30] =	ssyncset.done $0x0  }
0xd2: {  	[sflag:s30] =	ssyncadd.s32 $0xFFFFE000  }
0xd3: {  	[tilespmem:s1], [sflag:$0x7] =	stream.linear.gather [spmem:s13], $0x2000, $0x38;
	[tilespmem:$0x1F000] =	vst v63  }
0xd4: {  	_ =	swait.ge [sflag:s30], $0x2000  }
0xd5: {  	[sflag:s30] =	ssyncset.done $0x0  }
0xd6: {  	s26 =	rddreg [dreg:$0xb];
	[sflag:s30] =	ssyncadd.s32 $0xFFFFE000  }
0xd7: {  	[hbm4b:s26+s3] =	stream.linear.scatter [tilespmem:s1], [sflag:$0x7], $0x2000, $0x38;
	[tilespmem:$0x1F000] =	vst v63  }
0xd8: {  	_ =	swait.ge [sflag:s30], $0x2000  }
0xd9: {  	[sflag:s30] =	ssyncset.done $0x0  }
0xda: {  	[sflag:s30] =	ssyncadd.s32 $0xFFFFE000  }
0xdb: {  	[tilespmem:s1], [sflag:$0x7] =	stream.linear.gather [spmem:s14], $0x2000, $0x38;
	[tilespmem:$0x1F000] =	vst v63  }
0xdc: {  	_ =	swait.ge [sflag:s30], $0x2000  }
0xdd: {  	[sflag:s30] =	ssyncset.done $0x0  }
0xde: {  	s31 =	rddreg [dreg:$0xc];
	[sflag:s30] =	ssyncadd.s32 $0xFFFFE000  }
0xdf: {  	[hbm4b:s31+s3] =	stream.linear.scatter [tilespmem:s1], [sflag:$0x7], $0x2000, $0x38;
	[tilespmem:$0x1F000] =	vst v63  }
0xe0: {  	_ =	swait.ge [sflag:s30], $0x2000  }
0xe1: {  	[sflag:s30] =	ssyncset.done $0x0  }
0xe2: {  	[sflag:s30] =	ssyncadd.s32 $0xFFFFE000  }
0xe3: {  	[tilespmem:s1], [sflag:$0x7] =	stream.linear.gather [spmem:s15], $0x2000, $0x38;
	[tilespmem:$0x1F000] =	vst v63  }
0xe4: {  	_ =	swait.ge [sflag:s30], $0x2000  }
0xe5: {  	[sflag:s30] =	ssyncset.done $0x0  }
0xe6: {  	s26 =	rddreg [dreg:$0xe];
	[sflag:s30] =	ssyncadd.s32 $0xFFFFE000  }
0xe7: {  	[hbm4b:s26+s3] =	stream.linear.scatter [tilespmem:s1], [sflag:$0x7], $0x2000, $0x38;
	[tilespmem:$0x1F000] =	vst v63  }
0xe8: {  	_ =	swait.ge [sflag:s30], $0x2000  }
0xe9: {  	[sflag:s30] =	ssyncset.done $0x0  }
0xea: {  	[sflag:s30] =	ssyncadd.s32 $0xFFFFE000  }
0xeb: {  	[tilespmem:s1], [sflag:$0x7] =	stream.linear.gather [spmem:s17], $0x2000, $0x38;
	[tilespmem:$0x1F000] =	vst v63  }
0xec: {  	_ =	swait.ge [sflag:s30], $0x2000  }
0xed: {  	[sflag:s30] =	ssyncset.done $0x0  }
0xee: {  	[sflag:s30] =	ssyncadd.s32 $0xFFFFE000  }
0xef: {  	[hbm4b:s28+s3] =	stream.linear.scatter [tilespmem:s1], [sflag:$0x7], $0x2000, $0x38;
	[tilespmem:$0x1F000] =	vst v63  }
0xf0: {  	_ =	swait.ge [sflag:s30], $0x2000  }
0xf1: {  	[sflag:s30] =	ssyncset.done $0x0  }
0xf2: {  	[sflag:s30] =	ssyncadd.s32 $0xFFFFE000  }
0xf3: {  	[tilespmem:s1], [sflag:$0x7] =	stream.linear.gather [spmem:s18], $0x2000, $0x38;
	[tilespmem:$0x1F000] =	vst v63  }
0xf4: {  	_ =	swait.ge [sflag:s30], $0x2000  }
0xf5: {  	[sflag:s30] =	ssyncset.done $0x0  }
0xf6: {  	[sflag:s30] =	ssyncadd.s32 $0xFFFFE000  }
0xf7: {  	[hbm4b:s29+s3] =	stream.linear.scatter [tilespmem:s1], [sflag:$0x7], $0x2000, $0x38;
	[tilespmem:$0x1F000] =	vst v63  }
0xf8: {  	_ =	swait.ge [sflag:s30], $0x2000  }
0xf9: {  	s24 =	sadd.s32 $0x1, s24;
	s31 =	rddreg [dreg:$0xd]  }
0xfa: {  	p0 =	sne.s32 s24, s31  }
.Ltmp1:
0xfb: {  	_ = 	snop;
	(pc) =	sbr.rel @p0 .LBB2_1-.Ltmp1, $3  }
0xfc: {  	_ =	sdelay $0x1  }
0xfd: {  	[sflag:s30] =	ssyncset.done $0x0  }
0xfe: {  	[sflag:s30] =	ssyncadd.s32 $0xFFFFE000  }
0xff: {  	_ =	sfence.sel $0x180000  }
0x100: {  	[bflag:$0x0] =	sbarrier.arrive $0xFFFF  }
0x101: {  	_ =	strace $0x9000004A  }
0x102: {  	s0 =	stileid.u32;
	[bflag:$0x2] =	sbarrier.arrive $0xFFFF  }
0x103: {  	p0 =	sne.s32 s0, $0x0;
	s0 =	rddreg [dreg:$0x3]  }
0x104: {  	s0 =	sadd.s32 @!p0 $0x100000, s0  }
0x105: {  	[sflag:s0] =	ssyncadd.tile.s32 @!p0 $0x1;
	_ =	shalt  }
.Lfunc_end2:
_tile_overlayer_lowered:
.L_overlay_start_2:
0x106: {  	(tag) =	ssettag $0x2  }
0x107: {  	s0 =	rddreg [dreg:$0x0];
	s2 =	stileid.u32  }
0x108: {  	s1 =	rddreg [dreg:$0x1];
	p0 =	sne.s32 s2, $0x0  }
0x109: {  	s3 =	rddreg [dreg:$0x2];
	[bflag:$0x3] =	sbarrier.arrive $0xFFFF;
	s2 =	simm.s32 @!p0 $0x1C07  }
0x10a: {  	[timem:s3], [sflag:s2] =	dma.local @!p0 [hbm:s0], s1  }
0x10b: {  	s0 =	simm.s32 @!p0 $0x7  }
0x10c: {  	_ =	swait.ge @!p0 [sflag:s0], s1  }
0x10d: {  	s1 =	ssub.s32 @!p0 $0x0, s1;
	[sflag:s0] =	ssyncset.done @!p0 $0x0  }
0x10e: {  	[sflag:s0] =	ssyncadd.s32 @!p0 s1  }
0x10f: {  	[bflag:$0x3] =	sbarrier.arrive $0xFFFF  }
0x110: {  	_ =	shalt  }

// kernel: kernel.15.cloned.1.call-start
scs
__scs_entry_jumppad:
0x0: {  	(pc) =	sbr.rel $0x88, $3  }
0x1: {  	(tag) =	ssettag $0x0;
	lr =	simm.s32 $0x1  }
0x2: {  	[smem:$0x3F9B] =	sst lr;
	_ =	strace $0xD0000000  }
0x3: {  	_ = 	snop  }
0x4: {  	_ = 	snop  }
0x5: {  	_ = 	snop  }
0x6: {  	_ = 	snop  }
0x7: {  	_ = 	snop  }
__scs_overlays_trampoline_lowered:
0x8: {  	[smem:$0x3FAA] =	sst s0  }
0x9: {  	[smem:$0x3FAB] =	sst s1  }
0xa: {  	[smem:$0x3FAC] =	sst s2  }
0xb: {  	[smem:$0x3FAD] =	sst s3  }
0xc: {  	[smem:$0x3FAE] =	sst s4  }
0xd: {  	[smem:$0x3FAF] =	sst s5  }
0xe: {  	[smem:$0x3FB0] =	sst s6  }
0xf: {  	[smem:$0x3FB1] =	sst s7  }
0x10: {  	[smem:$0x3FB2] =	sst s8  }
0x11: {  	[smem:$0x3FB3] =	sst s9;
	s0 =	simm.s32 @!p0 $0x0  }
0x12: {  	s1 =	sld [smem:$0x3F99];
	s0 =	simm.s32 @p0 $0x1  }
0x13: {  	[smem:$0x3FB4] =	sst s0;
	s0 =	simm.s32 @!p1 $0x0  }
0x14: {  	s2 =	sld [smem:$0x3F98];
	s0 =	simm.s32 @p1 $0x1  }
0x15: {  	[smem:$0x3FB5] =	sst s0;
	s0 =	simm.s32 @!p2 $0x0  }
0x16: {  	s3 =	sld [smem:$0x3FDB];
	s0 =	simm.s32 @p2 $0x1  }
0x17: {  	s4 =	simm.s32 $0x1BF5;
	[smem:$0x3FB7] =	sst s0  }
0x18: {  	s0 =	sld [smem:$0x3F9A];
	_ =	swait.ge [sflag:s4], $0x0  }
0x19: {  	s7 =	sld [smem:$0x3F9B]  }
0x1a: {  	s8 =	sadd.s32 $0xFFFFE003, lr  }
0x1b: {  	s9 =	sadd.s32 $0xFFFFFEF7, lr;
	s5 =	simm.s32 $0xFFFFFFFF;
	p2 =	slt.u32 s8, $0xFFFFF086  }
0x1c: {  	p1 =	slt.u32 s9, $0xF7A;
	s5 =	simm.s32 @!p2 $0x0  }
0x1d: {  	s5 =	simm.s32 @p1 $0x1;
	p0 =	seq.s32 s7, s2  }
0x1e: {  	s7 =	smul.u32 @!p0 $0xF7A, s2;
	p2 =	seq.s32 @!p0 s5, $0x0  }
0x1f: {  	s9 =	smul.u32 $0xF7A, s1;
	s8 =	simm.s32 @!p0 $0x1BF5;
	p2 =	por !p2, p0  }
0x20: {  	[sflag:s8] =	ssyncset.s32 @!p0 $0xFFFFF086;
	s6 =	sadd.s32 @!p0 s3, s7;
	s7 =	simm.s32 @!p0 $0x108  }
0x21: {  	s3 =	sadd.s32 s3, s9;
	s6 =	sadd.s32 @!p0 $0x88, s6;
	s7 =	simm.s32 @p2 $0x1082  }
0x22: {  	[simem:s7], [sflag:s8] =	dma.local @!p0 [hbm:s6], $0xF7A  }
0x23: {  	s9 =	sor.u32 $0xD0000000, s2;
	s6 =	simm.s32 $0x108;
	_ =	swait.ge @!p0 [sflag:s8], $0x0  }
0x24: {  	s3 =	sadd.s32 $0x88, s3;
	s6 =	simm.s32 @!p1 $0x1082;
	[sflag:s4] =	ssyncset.s32 $0xFFFFF086  }
0x25: {  	[simem:s6], [sflag:s4] =	dma.local [hbm:s3], $0xF7A  }
0x26: {  	[smem:$0x3F9B] =	sst s1;
	(tag) =	ssettag s2;
	_ =	strace s9  }
0x27: {  	s1 =	sld [smem:$0x3FAB]  }
0x28: {  	s2 =	sld [smem:$0x3FAC]  }
0x29: {  	s4 =	sld [smem:$0x3FAE]  }
0x2a: {  	p0 =	seq.s32 s5, $0x0;
	s5 =	sld [smem:$0x3FAF]  }
0x2b: {  	s6 =	sld [smem:$0x3FB0]  }
0x2c: {  	s7 =	sld [smem:$0x3FB1]  }
0x2d: {  	s3 =	simm.s32 $0x108;
	s8 =	sld [smem:$0x3FB2]  }
0x2e: {  	s3 =	simm.s32 @!p0 $0x1082;
	s9 =	sld [smem:$0x3FB3]  }
0x2f: {  	lr =	sadd.s32 s0, s3;
	s0 =	sld [smem:$0x3FAA]  }
0x30: {  	s3 =	sld [smem:$0x3FAD]  }
0x31: {  	[smem:$0x3FB6] =	sst s10  }
0x32: {  	s10 =	sld [smem:$0x3FB4];
	_ =	sdelay $0x3  }
0x33: {  	p0 =	seq.s32 s10, $0x1;
	s10 =	sld [smem:$0x3FB6];
	_ =	sdelay $0x3  }
0x34: {  	[smem:$0x3FB6] =	sst s10  }
0x35: {  	s10 =	sld [smem:$0x3FB5];
	_ =	sdelay $0x3  }
0x36: {  	p1 =	seq.s32 s10, $0x1;
	s10 =	sld [smem:$0x3FB6];
	_ =	sdelay $0x3  }
0x37: {  	[smem:$0x3FB6] =	sst s10  }
0x38: {  	s10 =	sld [smem:$0x3FB7]  }
0x39: {  	_ = 	snop;
	(pc) =	sbr.ind lr, $3  }
0x3a: {  	_ = 	snop  }
0x3b: {  	_ = 	snop  }
0x3c: {  	p2 =	seq.s32 s10, $0x1;
	s10 =	sld [smem:$0x3FB6]  }
0x3d: {  	_ =	shalt  }
0x3e: {  	_ =	shalt  }
0x3f: {  	_ =	shalt  }
0x40: {  	_ =	shalt  }
0x41: {  	_ =	shalt  }
0x42: {  	_ =	shalt  }
0x43: {  	_ =	shalt  }
0x44: {  	_ =	shalt  }
0x45: {  	_ =	shalt  }
0x46: {  	_ =	shalt  }
0x47: {  	_ =	shalt  }
0x48: {  	_ =	shalt  }
0x49: {  	_ =	shalt  }
0x4a: {  	_ =	shalt  }
0x4b: {  	_ =	shalt  }
0x4c: {  	_ =	shalt  }
0x4d: {  	_ =	shalt  }
0x4e: {  	_ =	shalt  }
0x4f: {  	_ =	shalt  }
0x50: {  	_ =	shalt  }
0x51: {  	_ =	shalt  }
0x52: {  	_ =	shalt  }
0x53: {  	_ =	shalt  }
0x54: {  	_ =	shalt  }
0x55: {  	_ =	shalt  }
0x56: {  	_ =	shalt  }
0x57: {  	_ =	shalt  }
0x58: {  	_ =	shalt  }
0x59: {  	_ =	shalt  }
0x5a: {  	_ =	shalt  }
0x5b: {  	_ =	shalt  }
0x5c: {  	_ =	shalt  }
0x5d: {  	_ =	shalt  }
0x5e: {  	_ =	shalt  }
0x5f: {  	_ =	shalt  }
0x60: {  	_ =	shalt  }
0x61: {  	_ =	shalt  }
0x62: {  	_ =	shalt  }
0x63: {  	_ =	shalt  }
0x64: {  	_ =	shalt  }
0x65: {  	_ =	shalt  }
0x66: {  	_ =	shalt  }
0x67: {  	_ =	shalt  }
0x68: {  	_ =	shalt  }
0x69: {  	_ =	shalt  }
0x6a: {  	_ =	shalt  }
0x6b: {  	_ =	shalt  }
0x6c: {  	_ =	shalt  }
0x6d: {  	_ =	shalt  }
0x6e: {  	_ =	shalt  }
0x6f: {  	_ =	shalt  }
0x70: {  	_ =	shalt  }
0x71: {  	_ =	shalt  }
0x72: {  	_ =	shalt  }
0x73: {  	_ =	shalt  }
0x74: {  	_ =	shalt  }
0x75: {  	_ =	shalt  }
0x76: {  	_ =	shalt  }
0x77: {  	_ =	shalt  }
0x78: {  	_ =	shalt  }
0x79: {  	_ =	shalt  }
0x7a: {  	_ =	shalt  }
0x7b: {  	_ =	shalt  }
0x7c: {  	_ =	shalt  }
0x7d: {  	_ =	shalt  }
0x7e: {  	_ =	shalt  }
0x7f: {  	_ =	shalt  }
0x80: {  	_ =	shalt  }
0x81: {  	_ =	shalt  }
0x82: {  	_ =	shalt  }
0x83: {  	_ =	shalt  }
0x84: {  	_ =	shalt  }
0x85: {  	_ =	shalt  }
0x86: {  	_ =	shalt  }
0x87: {  	_ =	shalt  }
.Lfunc_end0:
.L_simem_size_0:
called_computation.2_lowered:
.L_overlay_start_0:
0x88: {  	s2 =	sld [smem:$0x3FD9]  }
0x89: {  	s3 =	sld [smem:$0x3FFE];
	_ =	sdelay $0x1  }
0x8a: {  	s1 =	srdreg.scid  }
0x8b: {  	s0 =	sand.u32 $0x1, s1  }
0x8c: {  	s17 =	sshll.u32 s0, $0xA;
	s2 =	sadd.s32 s3, s2  }
0x8d: {  	s2 =	sadd.s32 s2, s17  }
0x8e: {  	[smem:$0x3FC2] =	sst s2  }
0x8f: {  	_ = 	snop  }
0x90: {  	s2 =	sld [smem:$0x3FD0];
	(tm) =	ssettm $0x1  }
0x91: {  	s18 =	sld [smem:$0x3FFB];
	_ =	sdelay $0x3  }
0x92: {  	_ =	strace s18  }
0x93: {  	s3 =	sld [smem:$0x3FFC];
	_ =	sdelay $0x3  }
0x94: {  	_ =	strace s3  }
0x95: {  	s3 =	sld [smem:$0x3FFD];
	_ =	sdelay $0x3  }
0x96: {  	_ =	strace s3  }
0x97: {  	_ =	strace $0x8FFFFFFF  }
0x98: {  	s19 =	sld [smem:$0x3FDB];
	_ =	sdelay $0x1  }
0x99: {  	s4 =	simm.s32 $_scs_section_size  }
0x9a: {  	s5 =	simm.s32 $_size__tile_overlayer_lowered;
	s6 =	simm.s32 $_tile_overlayer_lowered  }
0x9b: {  	s22 =	simm.s32 $0x1BFF;
	s21 =	sshll.u32 s6, $0x1;
	s3 =	sadd.s32 s4, s19  }
0x9c: {  	s7 =	simm.s32 $0x0;
	s20 =	sshll.u32 s5, $0x1;
	s5 =	sadd.s32 s21, s3  }
0x9d: {  	[timem:s7], [sflag:s22] =	dma.local [hbm:s5], s20  }
0x9e: {  	_ =	swait.ge [sflag:s22], s20  }
0x9f: {  	s4 =	ssub.s32 $0x0, s20;
	[sflag:s22] =	ssyncset.done $0x0  }
0xa0: {  	[sflag:s22] =	ssyncadd.s32 s4;
	_ =	sdelay $0x1  }
0xa1: {  	s23 =	simm.s32 $0x1B8B  }
0xa2: {  	_ =	swait.ge [sflag:s23], $0x1  }
0xa3: {  	[sflag:s23] =	ssyncset.done $0x0  }
0xa4: {  	s25 =	simm.s32 $0x1B8E;
	s24 =	sld [smem:$0x3FFE];
	[sflag:s23] =	ssyncadd.s32 $0xFFFFFFFF  }
0xa5: {  	s26 =	simm.s32 $execute0_lowered;
	[smem:$0x3FD2] =	sst s25  }
0xa6: {  	s5 =	sshll.u32 s26, $0x1;
	_ =	strace $0x8000004C;
	[dreg:$0x1] =	wrdreg $0xFFFFFFFF  }
0xa7: {  	s28 =	simm.s32 $_size_execute0_lowered;
	s3 =	sadd.s32 s3, s5;
	[dreg:$0x0] =	wrdreg $0x0  }
0xa8: {  	s5 =	sshll.u32 s28, $0x1;
	[dreg:$0x2] =	wrdreg s3  }
0xa9: {  	[dreg:$0x3] =	wrdreg s5  }
0xaa: {  	[dreg:$0x4] =	wrdreg $0xC0  }
0xab: {  	_ =	task [dreg:s7], $0x5FFFF  }
0xac: {  	[dreg:$0x1] =	wrdreg $0xFFFFFFFF  }
0xad: {  	[dreg:$0x0] =	wrdreg $0x60  }
0xae: {  	[dreg:$0x2] =	wrdreg s24  }
0xaf: {  	[dreg:$0x3] =	wrdreg s2  }
0xb0: {  	[dreg:$0x4] =	wrdreg $0xB0000  }
0xb1: {  	[dreg:$0x5] =	wrdreg $0x9  }
0xb2: {  	_ =	task.clear_ibuf [dreg:s7], $0x6FFFF;
	_ =	strace $0x9000004C  }
0xb3: {  	s29 =	simm.s32 $0x9;
	_ =	strace $0x8000004E  }
0xb4: {  	_ =	swait.ge [sflag:s29], $0x1  }
0xb5: {  	[sflag:s29] =	ssyncadd.s32 $0xFFFFFFFF  }
0xb6: {  	_ =	strace $0x9000004E  }
0xb7: {  	_ =	sfence  }
0xb8: {  	s30 =	sld [smem:$0x0];
	_ =	sdelay $0x2  }
0xb9: {  	s31 =	sshll.u32 s1, $0xD;
	s1 =	sshrl.u32 s1, $0x2  }
0xba: {  	s3 =	sand.u32 $0x4000, s31;
	s1 =	sadd.s32 s1, s30  }
0xbb: {  	s0 =	sor.u32 s3, s0;
	s1 =	sshll.u32 s1, $0x11  }
0xbc: {  	s0 =	sor.u32 s1, s0  }
0xbd: {  	s0 =	sadd.s32 $0x8F2B, s0  }
0xbe: {  	[sflag:s0] =	ssyncadd.remote.s32 $0x1  }
0xbf: {  	_ =	sfence.sel $0xFFFF  }
0xc0: {  	[dreg:$0x0] =	wrdreg $0xFFFFFFFF;
	(pc) =	sbr.abs _section_cstart, $3  }
0xc1: {  	[dreg:$0x1] =	wrdreg $0xFFFFFFFF  }
0xc2: {  	_ =	task.clear_ibuf [dreg:s7], $0x2FFFF;
	_ =	strace $0x9FFFFFFF  }
0xc3: {  	(tm) =	ssettm $0x7FFFFFFF  }
tec
execute0_lowered:
.L_overlay_start_1:
0x0: {  	(tag) =	ssettag $0x1  }
0x1: {  	s0 =	rddreg [dreg:$0x0];
	s1 =	srdreg.scid  }
0x2: {  	s9 =	stileid.u32;
	s5 =	rddreg [dreg:$0x1]  }
0x3: {  	s2 =	rddreg [dreg:$0x2];
	s30 =	simm.s32 $0x7;
	s6 =	smul.u32 $0x50000, s9  }
0x4: {  	s1 =	sand.u32 $0x1, s1;
	s3 =	sshll.u32 s9, $0x1;
	s12 =	smul.u32 $0x280, s9  }
0x5: {  	s4 =	sor.u32 s1, s3;
	s20 =	ssub.s32 $0x2, s1;
	s1 =	smul.u32 $0x2800, s1  }
0x6: {  	s19 =	simm.s32 $0x2;
	s3 =	simm.s32 $0x0;
	s4 =	smul.u32 $0x500, s4  }
0x7: {  	[smem:$0x7FF] =	sst s3;
	s8 =	sshrl.u32 s20, $0x1;
	s6 =	sshrl.u32 s6, $0x2  }
0x8: {  	_ =	strace $0x8000004D;
	s6 =	sadd.s32 s6, s2;
	s1 =	sadd.s32 s12, s1  }
0x9: {  	s7 =	sadd.s32 s4, s0;
	s4 =	sadd.s32 $0x66600, s0;
	s0 =	sadd.s32 $0x16200, s0  }
0xa: {  	s9 =	sadd.s32 $0x2000, s6;
	s10 =	sadd.s32 $0x4000, s6;
	s11 =	sadd.s32 $0x6000, s6  }
0xb: {  	s12 =	sadd.s32 $0x8000, s6;
	s13 =	sadd.s32 $0xA000, s6;
	s1 =	sshll.u32 s1, $0x4  }
0xc: {  	s14 =	sadd.s32 $0xC000, s6;
	s15 =	sadd.s32 $0xE000, s6;
	s17 =	sadd.s32 $0x10000, s6  }
0xd: {  	s18 =	sadd.s32 $0x12000, s6;
	[dreg:$0x4] =	wrdreg s0;
	s21 =	sadd.s32 $0x2200, s7  }
0xe: {  	s7 =	sadd.s32 $0xC200, s7;
	s16 =	sadd.s32 s5, s1;
	[dreg:$0x5] =	wrdreg s21  }
0xf: {  	s0 =	ssub.s32 s20, s8;
	[dreg:$0x6] =	wrdreg s7;
	s1 =	sadd.s32 $0x400, s16  }
0x10: {  	s5 =	simm.s32 $0x7000;
	s22 =	sadd.s32 $0x800, s16;
	[dreg:$0x7] =	wrdreg s1  }
0x11: {  	s8 =	simm.s32 $0x9000;
	s23 =	sadd.s32 $0xC00, s16;
	[dreg:$0x8] =	wrdreg s22  }
0x12: {  	s20 =	simm.s32 $0x4;
	s24 =	sadd.s32 $0x1000, s16;
	[dreg:$0x9] =	wrdreg s23  }
0x13: {  	s25 =	sadd.s32 $0x1400, s16;
	s26 =	sadd.s32 $0x1800, s16;
	[dreg:$0xa] =	wrdreg s24  }
0x14: {  	s0 =	smax.u32 s0, $0x1;
	s31 =	sadd.s32 $0x1C00, s16;
	[dreg:$0xb] =	wrdreg s25  }
0x15: {  	s28 =	sadd.s32 $0x2000, s16;
	s29 =	sadd.s32 $0x2400, s16;
	[dreg:$0xc] =	wrdreg s26  }
0x16: {  	s7 =	simm.s32 $0x1;
	s21 =	simm.s32 $0x3;
	[dreg:$0xd] =	wrdreg s0  }
0x17: {  	[dreg:$0xe] =	wrdreg s31;
	s1 =	simm.s32 $0x5000;
	s0 =	simm.s32 $0x40  }
0x18: {  	s22 =	simm.s32 $0x5;
	s23 =	simm.s32 $0x6;
	s24 =	simm.s32 $0x0  }
.LBB2_1:
0x19: {  	s25 =	rddreg [dreg:$0x5]  }
0x1a: {  	[tilespmem:s3], [sflag:$0x7] =	stream.linear.gather [hbm4b:s25+s3], $0x2800, $0x38;
	[tilespmem:$0x1F000] =	vst v63  }
0x1b: {  	_ =	swait.ge [sflag:s30], $0x2800  }
0x1c: {  	[sflag:s30] =	ssyncset.done $0x0  }
0x1d: {  	s26 =	simm.s32 $0x2800;
	s25 =	rddreg [dreg:$0x6];
	[sflag:s30] =	ssyncadd.s32 $0xFFFFD800  }
0x1e: {  	[tilespmem:s26], [sflag:$0x7] =	stream.linear.gather [hbm4b:s25+s3], $0x2800, $0x38;
	[tilespmem:$0x1F000] =	vst v63  }
0x1f: {  	_ =	swait.ge [sflag:s30], $0x2800  }
0x20: {  	[sflag:s30] =	ssyncset.done $0x0  }
0x21: {  	s25 =	rddreg [dreg:$0x4];
	[sflag:s30] =	ssyncadd.s32 $0xFFFFD800  }
0x22: {  	[tilespmem:s1], [sflag:$0x7] =	stream.linear.gather [hbm4b:s25+s3], $0x2000, $0x38;
	[tilespmem:$0x1F000] =	vst v63  }
0x23: {  	_ =	swait.ge [sflag:s30], $0x2000  }
0x24: {  	[sflag:s30] =	ssyncset.done $0x0  }
0x25: {  	[sflag:s30] =	ssyncadd.s32 $0xFFFFE000  }
0x26: {  	[spmem:s6] =	stream.linear.scatter [tilespmem:s1], [sflag:$0x7], $0x2000, $0x38;
	[tilespmem:$0x1F000] =	vst v63  }
0x27: {  	_ =	swait.ge [sflag:s30], $0x2000  }
0x28: {  	[sflag:s30] =	ssyncset.done $0x0  }
0x29: {  	[sflag:s30] =	ssyncadd.s32 $0xFFFFE000  }
0x2a: {  	[spmem:s9] =	stream.linear.scatter [tilespmem:s1], [sflag:$0x7], $0x2000, $0x38;
	[tilespmem:$0x1F000] =	vst v63  }
0x2b: {  	_ =	swait.ge [sflag:s30], $0x2000  }
0x2c: {  	[sflag:s30] =	ssyncset.done $0x0  }
0x2d: {  	[sflag:s30] =	ssyncadd.s32 $0xFFFFE000  }
0x2e: {  	[spmem:s10] =	stream.linear.scatter [tilespmem:s1], [sflag:$0x7], $0x2000, $0x38;
	[tilespmem:$0x1F000] =	vst v63  }
0x2f: {  	_ =	swait.ge [sflag:s30], $0x2000  }
0x30: {  	[sflag:s30] =	ssyncset.done $0x0  }
0x31: {  	[sflag:s30] =	ssyncadd.s32 $0xFFFFE000  }
0x32: {  	[spmem:s11] =	stream.linear.scatter [tilespmem:s1], [sflag:$0x7], $0x2000, $0x38;
	[tilespmem:$0x1F000] =	vst v63  }
0x33: {  	_ =	swait.ge [sflag:s30], $0x2000  }
0x34: {  	[sflag:s30] =	ssyncset.done $0x0  }
0x35: {  	[sflag:s30] =	ssyncadd.s32 $0xFFFFE000  }
0x36: {  	[spmem:s12] =	stream.linear.scatter [tilespmem:s1], [sflag:$0x7], $0x2000, $0x38;
	[tilespmem:$0x1F000] =	vst v63  }
0x37: {  	_ =	swait.ge [sflag:s30], $0x2000  }
0x38: {  	[sflag:s30] =	ssyncset.done $0x0  }
0x39: {  	[sflag:s30] =	ssyncadd.s32 $0xFFFFE000  }
0x3a: {  	[spmem:s13] =	stream.linear.scatter [tilespmem:s1], [sflag:$0x7], $0x2000, $0x38;
	[tilespmem:$0x1F000] =	vst v63  }
0x3b: {  	_ =	swait.ge [sflag:s30], $0x2000  }
0x3c: {  	[sflag:s30] =	ssyncset.done $0x0  }
0x3d: {  	[sflag:s30] =	ssyncadd.s32 $0xFFFFE000  }
0x3e: {  	[spmem:s14] =	stream.linear.scatter [tilespmem:s1], [sflag:$0x7], $0x2000, $0x38;
	[tilespmem:$0x1F000] =	vst v63  }
0x3f: {  	_ =	swait.ge [sflag:s30], $0x2000  }
0x40: {  	[sflag:s30] =	ssyncset.done $0x0  }
0x41: {  	[sflag:s30] =	ssyncadd.s32 $0xFFFFE000  }
0x42: {  	[spmem:s15] =	stream.linear.scatter [tilespmem:s1], [sflag:$0x7], $0x2000, $0x38;
	[tilespmem:$0x1F000] =	vst v63  }
0x43: {  	_ =	swait.ge [sflag:s30], $0x2000  }
0x44: {  	[sflag:s30] =	ssyncset.done $0x0  }
0x45: {  	[sflag:s30] =	ssyncadd.s32 $0xFFFFE000  }
0x46: {  	[spmem:s17] =	stream.linear.scatter [tilespmem:s1], [sflag:$0x7], $0x2000, $0x38;
	[tilespmem:$0x1F000] =	vst v63  }
0x47: {  	_ =	swait.ge [sflag:s30], $0x2000  }
0x48: {  	[sflag:s30] =	ssyncset.done $0x0  }
0x49: {  	[sflag:s30] =	ssyncadd.s32 $0xFFFFE000  }
0x4a: {  	[spmem:s18] =	stream.linear.scatter [tilespmem:s1], [sflag:$0x7], $0x2000, $0x38;
	[tilespmem:$0x1F000] =	vst v63  }
0x4b: {  	_ =	swait.ge [sflag:s30], $0x2000  }
0x4c: {  	[sflag:s30] =	ssyncset.done $0x0  }
0x4d: {  	[sflag:s30] =	ssyncadd.s32 $0xFFFFE000  }
0x4e: {  	[bflag:$0x0] =	sbarrier.arrive $0xFFFF  }
0x4f: {  	[tilespmem:s1], [sflag:$0x1] =	stream.indirect.gather [hbm4b:s4+s0], $0x80, s3, s0, $0xb8;
	[tilespmem:$0x1F000] =	vst v63  }
0x50: {  	s25 =	simm.s32 $0x80  }
0x51: {  	[tilespmem:s5], [sflag:$0x2] =	stream.indirect.gather [hbm4b:s4+s0], $0x80, s25, s0, $0xb8;
	[tilespmem:$0x1F000] =	vst v63  }
0x52: {  	_ =	swait.ge [sflag:s7], $0x2000  }
0x53: {  	[sflag:s7] =	ssyncset.done $0x0  }
0x54: {  	[sflag:s7] =	ssyncadd.s32 $0xFFFFE000  }
0x55: {  	[spmem:s2] =	stream.indirect.scatter.add.f32 [tilespmem:s1], [sflag:$0x4], $0x80, s26, s0, $0xb8;
	[tilespmem:$0x1F000] =	vst v63  }
0x56: {  	s26 =	simm.s32 $0x100  }
0x57: {  	[tilespmem:s8], [sflag:$0x3] =	stream.indirect.gather [hbm4b:s4+s0], $0x80, s26, s0, $0xb8;
	[tilespmem:$0x1F000] =	vst v63  }
0x58: {  	_ =	swait.ge [sflag:s19], $0x2000  }
0x59: {  	[sflag:s19] =	ssyncset.done $0x0  }
0x5a: {  	s26 =	simm.s32 $0x2880;
	[sflag:s19] =	ssyncadd.s32 $0xFFFFE000  }
0x5b: {  	[spmem:s2] =	stream.indirect.scatter.add.f32 [tilespmem:s5], [sflag:$0x5], $0x80, s26, s0, $0xb8;
	[tilespmem:$0x1F000] =	vst v63  }
0x5c: {  	_ =	swait.ge [sflag:s20], $0x2000  }
0x5d: {  	[sflag:s20] =	ssyncset.done $0x0  }
0x5e: {  	s26 =	simm.s32 $0x180;
	[sflag:s20] =	ssyncadd.s32 $0xFFFFE000  }
0x5f: {  	[tilespmem:s1], [sflag:$0x1] =	stream.indirect.gather [hbm4b:s4+s0], $0x80, s26, s0, $0xb8;
	[tilespmem:$0x1F000] =	vst v63  }
0x60: {  	_ =	swait.ge [sflag:s21], $0x2000  }
0x61: {  	[sflag:s21] =	ssyncset.done $0x0  }
0x62: {  	s26 =	simm.s32 $0x2900;
	[sflag:s21] =	ssyncadd.s32 $0xFFFFE000  }
0x63: {  	[spmem:s2] =	stream.indirect.scatter.add.f32 [tilespmem:s8], [sflag:$0x6], $0x80, s26, s0, $0xb8;
	[tilespmem:$0x1F000] =	vst v63  }
0x64: {  	_ =	swait.ge [sflag:s22], $0x2000  }
0x65: {  	[sflag:s22] =	ssyncset.done $0x0  }
0x66: {  	s26 =	simm.s32 $0x200;
	[sflag:s22] =	ssyncadd.s32 $0xFFFFE000  }
0x67: {  	[tilespmem:s5], [sflag:$0x2] =	stream.indirect.gather [hbm4b:s4+s0], $0x80, s26, s0, $0xb8;
	[tilespmem:$0x1F000] =	vst v63  }
0x68: {  	_ =	swait.ge [sflag:s7], $0x2000  }
0x69: {  	[sflag:s7] =	ssyncset.done $0x0  }
0x6a: {  	s26 =	simm.s32 $0x2980;
	[sflag:s7] =	ssyncadd.s32 $0xFFFFE000  }
0x6b: {  	[spmem:s2] =	stream.indirect.scatter.add.f32 [tilespmem:s1], [sflag:$0x4], $0x80, s26, s0, $0xb8;
	[tilespmem:$0x1F000] =	vst v63  }
0x6c: {  	_ =	swait.ge [sflag:s23], $0x2000  }
0x6d: {  	[sflag:s23] =	ssyncset.done $0x0  }
0x6e: {  	s26 =	simm.s32 $0x280;
	[sflag:s23] =	ssyncadd.s32 $0xFFFFE000  }
0x6f: {  	[tilespmem:s8], [sflag:$0x3] =	stream.indirect.gather [hbm4b:s4+s0], $0x80, s26, s0, $0xb8;
	[tilespmem:$0x1F000] =	vst v63  }
0x70: {  	_ =	swait.ge [sflag:s19], $0x2000  }
0x71: {  	[sflag:s19] =	ssyncset.done $0x0  }
0x72: {  	s26 =	simm.s32 $0x2A00;
	[sflag:s19] =	ssyncadd.s32 $0xFFFFE000  }
0x73: {  	[spmem:s2] =	stream.indirect.scatter.add.f32 [tilespmem:s5], [sflag:$0x5], $0x80, s26, s0, $0xb8;
	[tilespmem:$0x1F000] =	vst v63  }
0x74: {  	_ =	swait.ge [sflag:s20], $0x2000  }
0x75: {  	[sflag:s20] =	ssyncset.done $0x0  }
0x76: {  	s26 =	simm.s32 $0x300;
	[sflag:s20] =	ssyncadd.s32 $0xFFFFE000  }
0x77: {  	[tilespmem:s1], [sflag:$0x1] =	stream.indirect.gather [hbm4b:s4+s0], $0x80, s26, s0, $0xb8;
	[tilespmem:$0x1F000] =	vst v63  }
0x78: {  	_ =	swait.ge [sflag:s21], $0x2000  }
0x79: {  	[sflag:s21] =	ssyncset.done $0x0  }
0x7a: {  	s26 =	simm.s32 $0x2A80;
	[sflag:s21] =	ssyncadd.s32 $0xFFFFE000  }
0x7b: {  	[spmem:s2] =	stream.indirect.scatter.add.f32 [tilespmem:s8], [sflag:$0x6], $0x80, s26, s0, $0xb8;
	[tilespmem:$0x1F000] =	vst v63  }
0x7c: {  	_ =	swait.ge [sflag:s22], $0x2000  }
0x7d: {  	[sflag:s22] =	ssyncset.done $0x0  }
0x7e: {  	s31 =	simm.s32 $0x380;
	s25 =	simm.s32 $0x600;
	[sflag:s22] =	ssyncadd.s32 $0xFFFFE000  }
.LBB2_2:
0x7f: {  	[tilespmem:s5], [sflag:$0x2] =	stream.indirect.gather [hbm4b:s4+s0], $0x80, s31, s0, $0xb8;
	[tilespmem:$0x1F000] =	vst v63  }
0x80: {  	s31 =	smov.u32 s25  }
0x81: {  	p0 =	sne.s32 s25, $0x9000;
	s25 =	sadd.s32 $0x600, s25;
	_ =	swait.ge [sflag:s7], $0x2000  }
0x82: {  	s31 =	sshra.s32 s31, $0x2;
	[sflag:s7] =	ssyncset.done $0x0  }
0x83: {  	s26 =	sadd.s32 $0x2980, s31;
	[sflag:s7] =	ssyncadd.s32 $0xFFFFE000  }
0x84: {  	[spmem:s2] =	stream.indirect.scatter.add.f32 [tilespmem:s1], [sflag:$0x4], $0x80, s26, s0, $0xb8;
	[tilespmem:$0x1F000] =	vst v63  }
0x85: {  	_ =	swait.ge [sflag:s23], $0x2000  }
0x86: {  	[sflag:s23] =	ssyncset.done $0x0  }
0x87: {  	s26 =	sadd.s32 $0x280, s31;
	[sflag:s23] =	ssyncadd.s32 $0xFFFFE000  }
0x88: {  	[tilespmem:s8], [sflag:$0x3] =	stream.indirect.gather [hbm4b:s4+s0], $0x80, s26, s0, $0xb8;
	[tilespmem:$0x1F000] =	vst v63  }
0x89: {  	_ =	swait.ge [sflag:s19], $0x2000  }
0x8a: {  	[sflag:s19] =	ssyncset.done $0x0  }
0x8b: {  	s26 =	sadd.s32 $0x2A00, s31;
	[sflag:s19] =	ssyncadd.s32 $0xFFFFE000  }
0x8c: {  	[spmem:s2] =	stream.indirect.scatter.add.f32 [tilespmem:s5], [sflag:$0x5], $0x80, s26, s0, $0xb8;
	[tilespmem:$0x1F000] =	vst v63  }
0x8d: {  	_ =	swait.ge [sflag:s20], $0x2000  }
0x8e: {  	[sflag:s20] =	ssyncset.done $0x0  }
0x8f: {  	s26 =	sadd.s32 $0x300, s31;
	[sflag:s20] =	ssyncadd.s32 $0xFFFFE000  }
0x90: {  	[tilespmem:s1], [sflag:$0x1] =	stream.indirect.gather [hbm4b:s4+s0], $0x80, s26, s0, $0xb8;
	[tilespmem:$0x1F000] =	vst v63  }
0x91: {  	_ =	swait.ge [sflag:s21], $0x2000  }
0x92: {  	[sflag:s21] =	ssyncset.done $0x0  }
.Ltmp0:
0x93: {  	s26 =	sadd.s32 $0x2A80, s31;
	[sflag:s21] =	ssyncadd.s32 $0xFFFFE000;
	(pc) =	sbr.rel @p0 .LBB2_2-.Ltmp0, $4  }
0x94: {  	[spmem:s2] =	stream.indirect.scatter.add.f32 [tilespmem:s8], [sflag:$0x6], $0x80, s26, s0, $0xb8;
	[tilespmem:$0x1F000] =	vst v63  }
0x95: {  	_ =	swait.ge [sflag:s22], $0x2000  }
0x96: {  	[sflag:s22] =	ssyncset.done $0x0  }
0x97: {  	s31 =	sadd.s32 $0x380, s31;
	[sflag:s22] =	ssyncadd.s32 $0xFFFFE000  }
0x98: {  	[tilespmem:s5], [sflag:$0x2] =	stream.indirect.gather [hbm4b:s4+s0], $0x80, s31, s0, $0xb8;
	[tilespmem:$0x1F000] =	vst v63  }
0x99: {  	_ =	swait.ge [sflag:s7], $0x2000  }
0x9a: {  	[sflag:s7] =	ssyncset.done $0x0  }
0x9b: {  	s25 =	simm.s32 $0x4F00;
	[sflag:s7] =	ssyncadd.s32 $0xFFFFE000  }
0x9c: {  	[spmem:s2] =	stream.indirect.scatter.add.f32 [tilespmem:s1], [sflag:$0x4], $0x80, s25, s0, $0xb8;
	[tilespmem:$0x1F000] =	vst v63  }
0x9d: {  	_ =	swait.ge [sflag:s19], $0x2000  }
0x9e: {  	[sflag:s19] =	ssyncset.done $0x0  }
0x9f: {  	s31 =	simm.s32 $0x4F80;
	[sflag:s19] =	ssyncadd.s32 $0xFFFFE000  }
0xa0: {  	[spmem:s2] =	stream.indirect.scatter.add.f32 [tilespmem:s5], [sflag:$0x5], $0x80, s31, s0, $0xb8;
	[tilespmem:$0x1F000] =	vst v63  }
0xa1: {  	_ =	swait.ge [sflag:s20], $0x2000  }
0xa2: {  	[sflag:s20] =	ssyncset.done $0x0  }
0xa3: {  	[sflag:s20] =	ssyncadd.s32 $0xFFFFE000  }
0xa4: {  	_ =	swait.ge [sflag:s22], $0x2000  }
0xa5: {  	[sflag:s22] =	ssyncset.done $0x0  }
0xa6: {  	[sflag:s22] =	ssyncadd.s32 $0xFFFFE000  }
0xa7: {  	_ =	swait.ge [sflag:s23], $0x2000  }
0xa8: {  	[sflag:s23] =	ssyncset.done $0x0  }
0xa9: {  	[sflag:s23] =	ssyncadd.s32 $0xFFFFE000  }
0xaa: {  	[bflag:$0x0] =	sbarrier.arrive $0xFFFF  }
0xab: {  	[tilespmem:s1], [sflag:$0x7] =	stream.linear.gather [spmem:s6], $0x2000, $0x38;
	[tilespmem:$0x1F000] =	vst v63  }
0xac: {  	_ =	swait.ge [sflag:s30], $0x2000  }
0xad: {  	[sflag:s30] =	ssyncset.done $0x0  }
0xae: {  	[sflag:s30] =	ssyncadd.s32 $0xFFFFE000  }
0xaf: {  	[hbm4b:s16+s3] =	stream.linear.scatter [tilespmem:s1], [sflag:$0x7], $0x2000, $0x38;
	[tilespmem:$0x1F000] =	vst v63  }
0xb0: {  	_ =	swait.ge [sflag:s30], $0x2000  }
0xb1: {  	[sflag:s30] =	ssyncset.done $0x0  }
0xb2: {  	[sflag:s30] =	ssyncadd.s32 $0xFFFFE000  }
0xb3: {  	[tilespmem:s1], [sflag:$0x7] =	stream.linear.gather [spmem:s9], $0x2000, $0x38;
	[tilespmem:$0x1F000] =	vst v63  }
0xb4: {  	_ =	swait.ge [sflag:s30], $0x2000  }
0xb5: {  	[sflag:s30] =	ssyncset.done $0x0  }
0xb6: {  	s26 =	rddreg [dreg:$0x7];
	[sflag:s30] =	ssyncadd.s32 $0xFFFFE000  }
0xb7: {  	[hbm4b:s26+s3] =	stream.linear.scatter [tilespmem:s1], [sflag:$0x7], $0x2000, $0x38;
	[tilespmem:$0x1F000] =	vst v63  }
0xb8: {  	_ =	swait.ge [sflag:s30], $0x2000  }
0xb9: {  	[sflag:s30] =	ssyncset.done $0x0  }
0xba: {  	[sflag:s30] =	ssyncadd.s32 $0xFFFFE000  }
0xbb: {  	[tilespmem:s1], [sflag:$0x7] =	stream.linear.gather [spmem:s10], $0x2000, $0x38;
	[tilespmem:$0x1F000] =	vst v63  }
0xbc: {  	_ =	swait.ge [sflag:s30], $0x2000  }
0xbd: {  	[sflag:s30] =	ssyncset.done $0x0  }
0xbe: {  	s31 =	rddreg [dreg:$0x8];
	[sflag:s30] =	ssyncadd.s32 $0xFFFFE000  }
0xbf: {  	[hbm4b:s31+s3] =	stream.linear.scatter [tilespmem:s1], [sflag:$0x7], $0x2000, $0x38;
	[tilespmem:$0x1F000] =	vst v63  }
0xc0: {  	_ =	swait.ge [sflag:s30], $0x2000  }
0xc1: {  	[sflag:s30] =	ssyncset.done $0x0  }
0xc2: {  	[sflag:s30] =	ssyncadd.s32 $0xFFFFE000  }
0xc3: {  	[tilespmem:s1], [sflag:$0x7] =	stream.linear.gather [spmem:s11], $0x2000, $0x38;
	[tilespmem:$0x1F000] =	vst v63  }
0xc4: {  	_ =	swait.ge [sflag:s30], $0x2000  }
0xc5: {  	[sflag:s30] =	ssyncset.done $0x0  }
0xc6: {  	s26 =	rddreg [dreg:$0x9];
	[sflag:s30] =	ssyncadd.s32 $0xFFFFE000  }
0xc7: {  	[hbm4b:s26+s3] =	stream.linear.scatter [tilespmem:s1], [sflag:$0x7], $0x2000, $0x38;
	[tilespmem:$0x1F000] =	vst v63  }
0xc8: {  	_ =	swait.ge [sflag:s30], $0x2000  }
0xc9: {  	[sflag:s30] =	ssyncset.done $0x0  }
0xca: {  	[sflag:s30] =	ssyncadd.s32 $0xFFFFE000  }
0xcb: {  	[tilespmem:s1], [sflag:$0x7] =	stream.linear.gather [spmem:s12], $0x2000, $0x38;
	[tilespmem:$0x1F000] =	vst v63  }
0xcc: {  	_ =	swait.ge [sflag:s30], $0x2000  }
0xcd: {  	[sflag:s30] =	ssyncset.done $0x0  }
0xce: {  	s31 =	rddreg [dreg:$0xa];
	[sflag:s30] =	ssyncadd.s32 $0xFFFFE000  }
0xcf: {  	[hbm4b:s31+s3] =	stream.linear.scatter [tilespmem:s1], [sflag:$0x7], $0x2000, $0x38;
	[tilespmem:$0x1F000] =	vst v63  }
0xd0: {  	_ =	swait.ge [sflag:s30], $0x2000  }
0xd1: {  	[sflag:s30] =	ssyncset.done $0x0  }
0xd2: {  	[sflag:s30] =	ssyncadd.s32 $0xFFFFE000  }
0xd3: {  	[tilespmem:s1], [sflag:$0x7] =	stream.linear.gather [spmem:s13], $0x2000, $0x38;
	[tilespmem:$0x1F000] =	vst v63  }
0xd4: {  	_ =	swait.ge [sflag:s30], $0x2000  }
0xd5: {  	[sflag:s30] =	ssyncset.done $0x0  }
0xd6: {  	s26 =	rddreg [dreg:$0xb];
	[sflag:s30] =	ssyncadd.s32 $0xFFFFE000  }
0xd7: {  	[hbm4b:s26+s3] =	stream.linear.scatter [tilespmem:s1], [sflag:$0x7], $0x2000, $0x38;
	[tilespmem:$0x1F000] =	vst v63  }
0xd8: {  	_ =	swait.ge [sflag:s30], $0x2000  }
0xd9: {  	[sflag:s30] =	ssyncset.done $0x0  }
0xda: {  	[sflag:s30] =	ssyncadd.s32 $0xFFFFE000  }
0xdb: {  	[tilespmem:s1], [sflag:$0x7] =	stream.linear.gather [spmem:s14], $0x2000, $0x38;
	[tilespmem:$0x1F000] =	vst v63  }
0xdc: {  	_ =	swait.ge [sflag:s30], $0x2000  }
0xdd: {  	[sflag:s30] =	ssyncset.done $0x0  }
0xde: {  	s31 =	rddreg [dreg:$0xc];
	[sflag:s30] =	ssyncadd.s32 $0xFFFFE000  }
0xdf: {  	[hbm4b:s31+s3] =	stream.linear.scatter [tilespmem:s1], [sflag:$0x7], $0x2000, $0x38;
	[tilespmem:$0x1F000] =	vst v63  }
0xe0: {  	_ =	swait.ge [sflag:s30], $0x2000  }
0xe1: {  	[sflag:s30] =	ssyncset.done $0x0  }
0xe2: {  	[sflag:s30] =	ssyncadd.s32 $0xFFFFE000  }
0xe3: {  	[tilespmem:s1], [sflag:$0x7] =	stream.linear.gather [spmem:s15], $0x2000, $0x38;
	[tilespmem:$0x1F000] =	vst v63  }
0xe4: {  	_ =	swait.ge [sflag:s30], $0x2000  }
0xe5: {  	[sflag:s30] =	ssyncset.done $0x0  }
0xe6: {  	s26 =	rddreg [dreg:$0xe];
	[sflag:s30] =	ssyncadd.s32 $0xFFFFE000  }
0xe7: {  	[hbm4b:s26+s3] =	stream.linear.scatter [tilespmem:s1], [sflag:$0x7], $0x2000, $0x38;
	[tilespmem:$0x1F000] =	vst v63  }
0xe8: {  	_ =	swait.ge [sflag:s30], $0x2000  }
0xe9: {  	[sflag:s30] =	ssyncset.done $0x0  }
0xea: {  	[sflag:s30] =	ssyncadd.s32 $0xFFFFE000  }
0xeb: {  	[tilespmem:s1], [sflag:$0x7] =	stream.linear.gather [spmem:s17], $0x2000, $0x38;
	[tilespmem:$0x1F000] =	vst v63  }
0xec: {  	_ =	swait.ge [sflag:s30], $0x2000  }
0xed: {  	[sflag:s30] =	ssyncset.done $0x0  }
0xee: {  	[sflag:s30] =	ssyncadd.s32 $0xFFFFE000  }
0xef: {  	[hbm4b:s28+s3] =	stream.linear.scatter [tilespmem:s1], [sflag:$0x7], $0x2000, $0x38;
	[tilespmem:$0x1F000] =	vst v63  }
0xf0: {  	_ =	swait.ge [sflag:s30], $0x2000  }
0xf1: {  	[sflag:s30] =	ssyncset.done $0x0  }
0xf2: {  	[sflag:s30] =	ssyncadd.s32 $0xFFFFE000  }
0xf3: {  	[tilespmem:s1], [sflag:$0x7] =	stream.linear.gather [spmem:s18], $0x2000, $0x38;
	[tilespmem:$0x1F000] =	vst v63  }
0xf4: {  	_ =	swait.ge [sflag:s30], $0x2000  }
0xf5: {  	[sflag:s30] =	ssyncset.done $0x0  }
0xf6: {  	[sflag:s30] =	ssyncadd.s32 $0xFFFFE000  }
0xf7: {  	[hbm4b:s29+s3] =	stream.linear.scatter [tilespmem:s1], [sflag:$0x7], $0x2000, $0x38;
	[tilespmem:$0x1F000] =	vst v63  }
0xf8: {  	_ =	swait.ge [sflag:s30], $0x2000  }
0xf9: {  	s24 =	sadd.s32 $0x1, s24;
	s31 =	rddreg [dreg:$0xd]  }
0xfa: {  	p0 =	sne.s32 s24, s31  }
.Ltmp1:
0xfb: {  	_ = 	snop;
	(pc) =	sbr.rel @p0 .LBB2_1-.Ltmp1, $3  }
0xfc: {  	_ =	sdelay $0x1  }
0xfd: {  	[sflag:s30] =	ssyncset.done $0x0  }
0xfe: {  	[sflag:s30] =	ssyncadd.s32 $0xFFFFE000  }
0xff: {  	_ =	sfence.sel $0x180000  }
0x100: {  	[bflag:$0x0] =	sbarrier.arrive $0xFFFF  }
0x101: {  	_ =	strace $0x9000004D  }
0x102: {  	s0 =	stileid.u32;
	[bflag:$0x2] =	sbarrier.arrive $0xFFFF  }
0x103: {  	p0 =	sne.s32 s0, $0x0;
	s0 =	rddreg [dreg:$0x3]  }
0x104: {  	s0 =	sadd.s32 @!p0 $0x100000, s0  }
0x105: {  	[sflag:s0] =	ssyncadd.tile.s32 @!p0 $0x1;
	_ =	shalt  }
.Lfunc_end2:
_tile_overlayer_lowered:
.L_overlay_start_2:
0x106: {  	(tag) =	ssettag $0x2  }
0x107: {  	s0 =	rddreg [dreg:$0x0];
	s2 =	stileid.u32  }
0x108: {  	s1 =	rddreg [dreg:$0x1];
	p0 =	sne.s32 s2, $0x0  }
0x109: {  	s3 =	rddreg [dreg:$0x2];
	[bflag:$0x3] =	sbarrier.arrive $0xFFFF;
	s2 =	simm.s32 @!p0 $0x1C07  }
0x10a: {  	[timem:s3], [sflag:s2] =	dma.local @!p0 [hbm:s0], s1  }
0x10b: {  	s0 =	simm.s32 @!p0 $0x7  }
0x10c: {  	_ =	swait.ge @!p0 [sflag:s0], s1  }
0x10d: {  	s1 =	ssub.s32 @!p0 $0x0, s1;
	[sflag:s0] =	ssyncset.done @!p0 $0x0  }
0x10e: {  	[sflag:s0] =	ssyncadd.s32 @!p0 s1  }
0x10f: {  	[bflag:$0x3] =	sbarrier.arrive $0xFFFF  }
0x110: {  	_ =	shalt  }

// kernel: kernel.9.cloned.1.call-start
scs
__scs_entry_jumppad:
0x0: {  	(pc) =	sbr.rel $0x88, $3  }
0x1: {  	(tag) =	ssettag $0x0;
	lr =	simm.s32 $0x1  }
0x2: {  	[smem:$0x3F9B] =	sst lr;
	_ =	strace $0xD0000000  }
0x3: {  	_ = 	snop  }
0x4: {  	_ = 	snop  }
0x5: {  	_ = 	snop  }
0x6: {  	_ = 	snop  }
0x7: {  	_ = 	snop  }
__scs_overlays_trampoline_lowered:
0x8: {  	[smem:$0x3FAA] =	sst s0  }
0x9: {  	[smem:$0x3FAB] =	sst s1  }
0xa: {  	[smem:$0x3FAC] =	sst s2  }
0xb: {  	[smem:$0x3FAD] =	sst s3  }
0xc: {  	[smem:$0x3FAE] =	sst s4  }
0xd: {  	[smem:$0x3FAF] =	sst s5  }
0xe: {  	[smem:$0x3FB0] =	sst s6  }
0xf: {  	[smem:$0x3FB1] =	sst s7  }
0x10: {  	[smem:$0x3FB2] =	sst s8  }
0x11: {  	[smem:$0x3FB3] =	sst s9;
	s0 =	simm.s32 @!p0 $0x0  }
0x12: {  	s1 =	sld [smem:$0x3F99];
	s0 =	simm.s32 @p0 $0x1  }
0x13: {  	[smem:$0x3FB4] =	sst s0;
	s0 =	simm.s32 @!p1 $0x0  }
0x14: {  	s2 =	sld [smem:$0x3F98];
	s0 =	simm.s32 @p1 $0x1  }
0x15: {  	[smem:$0x3FB5] =	sst s0;
	s0 =	simm.s32 @!p2 $0x0  }
0x16: {  	s3 =	sld [smem:$0x3FDB];
	s0 =	simm.s32 @p2 $0x1  }
0x17: {  	s4 =	simm.s32 $0x1BF5;
	[smem:$0x3FB7] =	sst s0  }
0x18: {  	s0 =	sld [smem:$0x3F9A];
	_ =	swait.ge [sflag:s4], $0x0  }
0x19: {  	s7 =	sld [smem:$0x3F9B]  }
0x1a: {  	s8 =	sadd.s32 $0xFFFFE003, lr  }
0x1b: {  	s9 =	sadd.s32 $0xFFFFFEF7, lr;
	s5 =	simm.s32 $0xFFFFFFFF;
	p2 =	slt.u32 s8, $0xFFFFF086  }
0x1c: {  	p1 =	slt.u32 s9, $0xF7A;
	s5 =	simm.s32 @!p2 $0x0  }
0x1d: {  	s5 =	simm.s32 @p1 $0x1;
	p0 =	seq.s32 s7, s2  }
0x1e: {  	s7 =	smul.u32 @!p0 $0xF7A, s2;
	p2 =	seq.s32 @!p0 s5, $0x0  }
0x1f: {  	s9 =	smul.u32 $0xF7A, s1;
	s8 =	simm.s32 @!p0 $0x1BF5;
	p2 =	por !p2, p0  }
0x20: {  	[sflag:s8] =	ssyncset.s32 @!p0 $0xFFFFF086;
	s6 =	sadd.s32 @!p0 s3, s7;
	s7 =	simm.s32 @!p0 $0x108  }
0x21: {  	s3 =	sadd.s32 s3, s9;
	s6 =	sadd.s32 @!p0 $0x88, s6;
	s7 =	simm.s32 @p2 $0x1082  }
0x22: {  	[simem:s7], [sflag:s8] =	dma.local @!p0 [hbm:s6], $0xF7A  }
0x23: {  	s9 =	sor.u32 $0xD0000000, s2;
	s6 =	simm.s32 $0x108;
	_ =	swait.ge @!p0 [sflag:s8], $0x0  }
0x24: {  	s3 =	sadd.s32 $0x88, s3;
	s6 =	simm.s32 @!p1 $0x1082;
	[sflag:s4] =	ssyncset.s32 $0xFFFFF086  }
0x25: {  	[simem:s6], [sflag:s4] =	dma.local [hbm:s3], $0xF7A  }
0x26: {  	[smem:$0x3F9B] =	sst s1;
	(tag) =	ssettag s2;
	_ =	strace s9  }
0x27: {  	s1 =	sld [smem:$0x3FAB]  }
0x28: {  	s2 =	sld [smem:$0x3FAC]  }
0x29: {  	s4 =	sld [smem:$0x3FAE]  }
0x2a: {  	p0 =	seq.s32 s5, $0x0;
	s5 =	sld [smem:$0x3FAF]  }
0x2b: {  	s6 =	sld [smem:$0x3FB0]  }
0x2c: {  	s7 =	sld [smem:$0x3FB1]  }
0x2d: {  	s3 =	simm.s32 $0x108;
	s8 =	sld [smem:$0x3FB2]  }
0x2e: {  	s3 =	simm.s32 @!p0 $0x1082;
	s9 =	sld [smem:$0x3FB3]  }
0x2f: {  	lr =	sadd.s32 s0, s3;
	s0 =	sld [smem:$0x3FAA]  }
0x30: {  	s3 =	sld [smem:$0x3FAD]  }
0x31: {  	[smem:$0x3FB6] =	sst s10  }
0x32: {  	s10 =	sld [smem:$0x3FB4];
	_ =	sdelay $0x3  }
0x33: {  	p0 =	seq.s32 s10, $0x1;
	s10 =	sld [smem:$0x3FB6];
	_ =	sdelay $0x3  }
0x34: {  	[smem:$0x3FB6] =	sst s10  }
0x35: {  	s10 =	sld [smem:$0x3FB5];
	_ =	sdelay $0x3  }
0x36: {  	p1 =	seq.s32 s10, $0x1;
	s10 =	sld [smem:$0x3FB6];
	_ =	sdelay $0x3  }
0x37: {  	[smem:$0x3FB6] =	sst s10  }
0x38: {  	s10 =	sld [smem:$0x3FB7]  }
0x39: {  	_ = 	snop;
	(pc) =	sbr.ind lr, $3  }
0x3a: {  	_ = 	snop  }
0x3b: {  	_ = 	snop  }
0x3c: {  	p2 =	seq.s32 s10, $0x1;
	s10 =	sld [smem:$0x3FB6]  }
0x3d: {  	_ =	shalt  }
0x3e: {  	_ =	shalt  }
0x3f: {  	_ =	shalt  }
0x40: {  	_ =	shalt  }
0x41: {  	_ =	shalt  }
0x42: {  	_ =	shalt  }
0x43: {  	_ =	shalt  }
0x44: {  	_ =	shalt  }
0x45: {  	_ =	shalt  }
0x46: {  	_ =	shalt  }
0x47: {  	_ =	shalt  }
0x48: {  	_ =	shalt  }
0x49: {  	_ =	shalt  }
0x4a: {  	_ =	shalt  }
0x4b: {  	_ =	shalt  }
0x4c: {  	_ =	shalt  }
0x4d: {  	_ =	shalt  }
0x4e: {  	_ =	shalt  }
0x4f: {  	_ =	shalt  }
0x50: {  	_ =	shalt  }
0x51: {  	_ =	shalt  }
0x52: {  	_ =	shalt  }
0x53: {  	_ =	shalt  }
0x54: {  	_ =	shalt  }
0x55: {  	_ =	shalt  }
0x56: {  	_ =	shalt  }
0x57: {  	_ =	shalt  }
0x58: {  	_ =	shalt  }
0x59: {  	_ =	shalt  }
0x5a: {  	_ =	shalt  }
0x5b: {  	_ =	shalt  }
0x5c: {  	_ =	shalt  }
0x5d: {  	_ =	shalt  }
0x5e: {  	_ =	shalt  }
0x5f: {  	_ =	shalt  }
0x60: {  	_ =	shalt  }
0x61: {  	_ =	shalt  }
0x62: {  	_ =	shalt  }
0x63: {  	_ =	shalt  }
0x64: {  	_ =	shalt  }
0x65: {  	_ =	shalt  }
0x66: {  	_ =	shalt  }
0x67: {  	_ =	shalt  }
0x68: {  	_ =	shalt  }
0x69: {  	_ =	shalt  }
0x6a: {  	_ =	shalt  }
0x6b: {  	_ =	shalt  }
0x6c: {  	_ =	shalt  }
0x6d: {  	_ =	shalt  }
0x6e: {  	_ =	shalt  }
0x6f: {  	_ =	shalt  }
0x70: {  	_ =	shalt  }
0x71: {  	_ =	shalt  }
0x72: {  	_ =	shalt  }
0x73: {  	_ =	shalt  }
0x74: {  	_ =	shalt  }
0x75: {  	_ =	shalt  }
0x76: {  	_ =	shalt  }
0x77: {  	_ =	shalt  }
0x78: {  	_ =	shalt  }
0x79: {  	_ =	shalt  }
0x7a: {  	_ =	shalt  }
0x7b: {  	_ =	shalt  }
0x7c: {  	_ =	shalt  }
0x7d: {  	_ =	shalt  }
0x7e: {  	_ =	shalt  }
0x7f: {  	_ =	shalt  }
0x80: {  	_ =	shalt  }
0x81: {  	_ =	shalt  }
0x82: {  	_ =	shalt  }
0x83: {  	_ =	shalt  }
0x84: {  	_ =	shalt  }
0x85: {  	_ =	shalt  }
0x86: {  	_ =	shalt  }
0x87: {  	_ =	shalt  }
.Lfunc_end0:
.L_simem_size_0:
called_computation_lowered:
.L_overlay_start_0:
0x88: {  	s2 =	sld [smem:$0x3FD9]  }
0x89: {  	s3 =	sld [smem:$0x3FFE];
	_ =	sdelay $0x1  }
0x8a: {  	s1 =	srdreg.scid  }
0x8b: {  	s0 =	sand.u32 $0x1, s1  }
0x8c: {  	s17 =	sshll.u32 s0, $0xA;
	s2 =	sadd.s32 s3, s2  }
0x8d: {  	s2 =	sadd.s32 s2, s17  }
0x8e: {  	[smem:$0x3FC2] =	sst s2  }
0x8f: {  	_ = 	snop  }
0x90: {  	s2 =	sld [smem:$0x3FD0];
	(tm) =	ssettm $0x1  }
0x91: {  	s18 =	sld [smem:$0x3FFB];
	_ =	sdelay $0x3  }
0x92: {  	_ =	strace s18  }
0x93: {  	s3 =	sld [smem:$0x3FFC];
	_ =	sdelay $0x3  }
0x94: {  	_ =	strace s3  }
0x95: {  	s3 =	sld [smem:$0x3FFD];
	_ =	sdelay $0x3  }
0x96: {  	_ =	strace s3  }
0x97: {  	_ =	strace $0x8FFFFFFF  }
0x98: {  	s19 =	sld [smem:$0x3FDB];
	_ =	sdelay $0x1  }
0x99: {  	s4 =	simm.s32 $_scs_section_size  }
0x9a: {  	s5 =	simm.s32 $_size__tile_overlayer_lowered;
	s6 =	simm.s32 $_tile_overlayer_lowered  }
0x9b: {  	s22 =	simm.s32 $0x1BFF;
	s21 =	sshll.u32 s6, $0x1;
	s3 =	sadd.s32 s4, s19  }
0x9c: {  	s7 =	simm.s32 $0x0;
	s20 =	sshll.u32 s5, $0x1;
	s5 =	sadd.s32 s21, s3  }
0x9d: {  	[timem:s7], [sflag:s22] =	dma.local [hbm:s5], s20  }
0x9e: {  	_ =	swait.ge [sflag:s22], s20  }
0x9f: {  	s4 =	ssub.s32 $0x0, s20;
	[sflag:s22] =	ssyncset.done $0x0  }
0xa0: {  	[sflag:s22] =	ssyncadd.s32 s4;
	_ =	sdelay $0x1  }
0xa1: {  	s23 =	simm.s32 $0x1B8B  }
0xa2: {  	_ =	swait.ge [sflag:s23], $0x1  }
0xa3: {  	[sflag:s23] =	ssyncset.done $0x0  }
0xa4: {  	s25 =	simm.s32 $0x1B8E;
	s24 =	sld [smem:$0x3FFE];
	[sflag:s23] =	ssyncadd.s32 $0xFFFFFFFF  }
0xa5: {  	s26 =	simm.s32 $execute0_lowered;
	[smem:$0x3FD2] =	sst s25  }
0xa6: {  	s5 =	sshll.u32 s26, $0x1;
	_ =	strace $0x80000046;
	[dreg:$0x1] =	wrdreg $0xFFFFFFFF  }
0xa7: {  	s28 =	simm.s32 $_size_execute0_lowered;
	s3 =	sadd.s32 s3, s5;
	[dreg:$0x0] =	wrdreg $0x0  }
0xa8: {  	s5 =	sshll.u32 s28, $0x1;
	[dreg:$0x2] =	wrdreg s3  }
0xa9: {  	[dreg:$0x3] =	wrdreg s5  }
0xaa: {  	[dreg:$0x4] =	wrdreg $0xC0  }
0xab: {  	_ =	task [dreg:s7], $0x5FFFF  }
0xac: {  	[dreg:$0x1] =	wrdreg $0xFFFFFFFF  }
0xad: {  	[dreg:$0x0] =	wrdreg $0x60  }
0xae: {  	[dreg:$0x2] =	wrdreg s24  }
0xaf: {  	[dreg:$0x3] =	wrdreg s2  }
0xb0: {  	[dreg:$0x4] =	wrdreg $0xB0000  }
0xb1: {  	[dreg:$0x5] =	wrdreg $0x9  }
0xb2: {  	_ =	task.clear_ibuf [dreg:s7], $0x6FFFF;
	_ =	strace $0x90000046  }
0xb3: {  	s29 =	simm.s32 $0x9;
	_ =	strace $0x80000048  }
0xb4: {  	_ =	swait.ge [sflag:s29], $0x1  }
0xb5: {  	[sflag:s29] =	ssyncadd.s32 $0xFFFFFFFF  }
0xb6: {  	_ =	strace $0x90000048  }
0xb7: {  	_ =	sfence  }
0xb8: {  	s30 =	sld [smem:$0x0];
	_ =	sdelay $0x2  }
0xb9: {  	s31 =	sshll.u32 s1, $0xD;
	s1 =	sshrl.u32 s1, $0x2  }
0xba: {  	s3 =	sand.u32 $0x4000, s31;
	s1 =	sadd.s32 s1, s30  }
0xbb: {  	s0 =	sor.u32 s3, s0;
	s1 =	sshll.u32 s1, $0x11  }
0xbc: {  	s0 =	sor.u32 s1, s0  }
0xbd: {  	s0 =	sadd.s32 $0x8F2B, s0  }
0xbe: {  	[sflag:s0] =	ssyncadd.remote.s32 $0x1  }
0xbf: {  	_ =	sfence.sel $0xFFFF  }
0xc0: {  	[dreg:$0x0] =	wrdreg $0xFFFFFFFF;
	(pc) =	sbr.abs _section_cstart, $3  }
0xc1: {  	[dreg:$0x1] =	wrdreg $0xFFFFFFFF  }
0xc2: {  	_ =	task.clear_ibuf [dreg:s7], $0x2FFFF;
	_ =	strace $0x9FFFFFFF  }
0xc3: {  	(tm) =	ssettm $0x7FFFFFFF  }
tec
execute0_lowered:
.L_overlay_start_1:
0x0: {  	(tag) =	ssettag $0x1  }
0x1: {  	s0 =	srdreg.scid  }
0x2: {  	s8 =	stileid.u32;
	s1 =	rddreg [dreg:$0x0]  }
0x3: {  	s2 =	rddreg [dreg:$0x1];
	s30 =	simm.s32 $0x7;
	s31 =	simm.s32 $0x2800  }
0x4: {  	s0 =	sand.u32 $0x1, s0;
	s3 =	sshll.u32 s8, $0x1;
	s6 =	smul.u32 $0x280, s8  }
0x5: {  	s14 =	smul.u32 $0x50000, s8;
	s15 =	sadd.s32 $0x16200, s1;
	s8 =	simm.s32 $0x9000  }
0x6: {  	s4 =	sor.u32 s0, s3;
	s3 =	rddreg [dreg:$0x2];
	s7 =	smul.u32 $0x2800, s0  }
0x7: {  	s0 =	ssub.s32 $0x2, s0;
	s5 =	smul.u32 $0x500, s4;
	s4 =	simm.s32 $0x0  }
0x8: {  	s16 =	sshrl.u32 s0, $0x1;
	[smem:$0x7FF] =	sst s4;
	s6 =	sadd.s32 s6, s7  }
0x9: {  	s7 =	sshrl.u32 s14, $0x2;
	s0 =	ssub.s32 s0, s16;
	s16 =	simm.s32 $0x4  }
0xa: {  	_ =	strace $0x80000047;
	s5 =	sadd.s32 s5, s1;
	[dreg:$0x4] =	wrdreg s15  }
0xb: {  	s6 =	sshll.u32 s6, $0x4;
	s7 =	sadd.s32 s7, s3;
	s15 =	simm.s32 $0x2  }
0xc: {  	s1 =	sadd.s32 s6, s1;
	s17 =	sadd.s32 $0x2200, s5;
	s5 =	sadd.s32 $0xC200, s5  }
0xd: {  	s9 =	sadd.s32 $0x2000, s7;
	s10 =	sadd.s32 $0x4000, s7;
	[dreg:$0x5] =	wrdreg s17  }
0xe: {  	s11 =	sadd.s32 $0x6000, s7;
	[dreg:$0x6] =	wrdreg s5;
	s18 =	sadd.s32 $0x16600, s1  }
0xf: {  	s12 =	sadd.s32 $0x8000, s7;
	s19 =	sadd.s32 $0x16A00, s1;
	[dreg:$0x7] =	wrdreg s18  }
0x10: {  	s13 =	sadd.s32 $0xA000, s7;
	s20 =	sadd.s32 $0x16E00, s1;
	[dreg:$0x8] =	wrdreg s19  }
0x11: {  	s14 =	sadd.s32 $0xC000, s7;
	s21 =	sadd.s32 $0x17200, s1;
	[dreg:$0x9] =	wrdreg s20  }
0x12: {  	s28 =	sadd.s32 $0x10000, s7;
	s22 =	sadd.s32 $0x17600, s1;
	[dreg:$0xa] =	wrdreg s21  }
0x13: {  	s29 =	sadd.s32 $0x12000, s7;
	s23 =	sadd.s32 $0x17A00, s1;
	[dreg:$0xb] =	wrdreg s22  }
0x14: {  	s6 =	simm.s32 $0x1;
	s24 =	sadd.s32 $0x17E00, s1;
	[dreg:$0xc] =	wrdreg s23  }
0x15: {  	s25 =	sadd.s32 $0x18200, s1;
	s26 =	sadd.s32 $0x18600, s1;
	[dreg:$0xd] =	wrdreg s24  }
0x16: {  	s5 =	simm.s32 $0x7000;
	s17 =	simm.s32 $0x3;
	[dreg:$0xe] =	wrdreg s25  }
0x17: {  	[dreg:$0xf] =	wrdreg s26;
	s24 =	sadd.s32 $0x18A00, s1;
	s25 =	smax.u32 s0, $0x1  }
0x18: {  	s26 =	sadd.s32 $0xE000, s7;
	s1 =	simm.s32 $0x5000;
	s0 =	simm.s32 $0x40  }
0x19: {  	s18 =	simm.s32 $0x5;
	s19 =	simm.s32 $0x6;
	s20 =	simm.s32 $0x0  }
.LBB2_1:
0x1a: {  	s21 =	rddreg [dreg:$0x5]  }
0x1b: {  	[tilespmem:s4], [sflag:$0x7] =	stream.linear.gather [hbm4b:s21+s4], $0x2800, $0x38;
	[tilespmem:$0x1F000] =	vst v63  }
0x1c: {  	_ =	swait.ge [sflag:s30], $0x2800  }
0x1d: {  	[sflag:s30] =	ssyncset.done $0x0  }
0x1e: {  	s23 =	rddreg [dreg:$0x6];
	[sflag:s30] =	ssyncadd.s32 $0xFFFFD800  }
0x1f: {  	[tilespmem:s31], [sflag:$0x7] =	stream.linear.gather [hbm4b:s23+s4], $0x2800, $0x38;
	[tilespmem:$0x1F000] =	vst v63  }
0x20: {  	_ =	swait.ge [sflag:s30], $0x2800  }
0x21: {  	[sflag:s30] =	ssyncset.done $0x0  }
0x22: {  	s22 =	rddreg [dreg:$0x4];
	[sflag:s30] =	ssyncadd.s32 $0xFFFFD800  }
0x23: {  	[tilespmem:s1], [sflag:$0x7] =	stream.linear.gather [hbm4b:s22+s4], $0x2000, $0x38;
	[tilespmem:$0x1F000] =	vst v63  }
0x24: {  	_ =	swait.ge [sflag:s30], $0x2000  }
0x25: {  	[sflag:s30] =	ssyncset.done $0x0  }
0x26: {  	[sflag:s30] =	ssyncadd.s32 $0xFFFFE000  }
0x27: {  	[spmem:s7] =	stream.linear.scatter [tilespmem:s1], [sflag:$0x7], $0x2000, $0x38;
	[tilespmem:$0x1F000] =	vst v63  }
0x28: {  	_ =	swait.ge [sflag:s30], $0x2000  }
0x29: {  	[sflag:s30] =	ssyncset.done $0x0  }
0x2a: {  	[sflag:s30] =	ssyncadd.s32 $0xFFFFE000  }
0x2b: {  	[spmem:s9] =	stream.linear.scatter [tilespmem:s1], [sflag:$0x7], $0x2000, $0x38;
	[tilespmem:$0x1F000] =	vst v63  }
0x2c: {  	_ =	swait.ge [sflag:s30], $0x2000  }
0x2d: {  	[sflag:s30] =	ssyncset.done $0x0  }
0x2e: {  	[sflag:s30] =	ssyncadd.s32 $0xFFFFE000  }
0x2f: {  	[spmem:s10] =	stream.linear.scatter [tilespmem:s1], [sflag:$0x7], $0x2000, $0x38;
	[tilespmem:$0x1F000] =	vst v63  }
0x30: {  	_ =	swait.ge [sflag:s30], $0x2000  }
0x31: {  	[sflag:s30] =	ssyncset.done $0x0  }
0x32: {  	[sflag:s30] =	ssyncadd.s32 $0xFFFFE000  }
0x33: {  	[spmem:s11] =	stream.linear.scatter [tilespmem:s1], [sflag:$0x7], $0x2000, $0x38;
	[tilespmem:$0x1F000] =	vst v63  }
0x34: {  	_ =	swait.ge [sflag:s30], $0x2000  }
0x35: {  	[sflag:s30] =	ssyncset.done $0x0  }
0x36: {  	[sflag:s30] =	ssyncadd.s32 $0xFFFFE000  }
0x37: {  	[spmem:s12] =	stream.linear.scatter [tilespmem:s1], [sflag:$0x7], $0x2000, $0x38;
	[tilespmem:$0x1F000] =	vst v63  }
0x38: {  	_ =	swait.ge [sflag:s30], $0x2000  }
0x39: {  	[sflag:s30] =	ssyncset.done $0x0  }
0x3a: {  	[sflag:s30] =	ssyncadd.s32 $0xFFFFE000  }
0x3b: {  	[spmem:s13] =	stream.linear.scatter [tilespmem:s1], [sflag:$0x7], $0x2000, $0x38;
	[tilespmem:$0x1F000] =	vst v63  }
0x3c: {  	_ =	swait.ge [sflag:s30], $0x2000  }
0x3d: {  	[sflag:s30] =	ssyncset.done $0x0  }
0x3e: {  	[sflag:s30] =	ssyncadd.s32 $0xFFFFE000  }
0x3f: {  	[spmem:s14] =	stream.linear.scatter [tilespmem:s1], [sflag:$0x7], $0x2000, $0x38;
	[tilespmem:$0x1F000] =	vst v63  }
0x40: {  	_ =	swait.ge [sflag:s30], $0x2000  }
0x41: {  	[sflag:s30] =	ssyncset.done $0x0  }
0x42: {  	[sflag:s30] =	ssyncadd.s32 $0xFFFFE000  }
0x43: {  	[spmem:s26] =	stream.linear.scatter [tilespmem:s1], [sflag:$0x7], $0x2000, $0x38;
	[tilespmem:$0x1F000] =	vst v63  }
0x44: {  	_ =	swait.ge [sflag:s30], $0x2000  }
0x45: {  	[sflag:s30] =	ssyncset.done $0x0  }
0x46: {  	[sflag:s30] =	ssyncadd.s32 $0xFFFFE000  }
0x47: {  	[spmem:s28] =	stream.linear.scatter [tilespmem:s1], [sflag:$0x7], $0x2000, $0x38;
	[tilespmem:$0x1F000] =	vst v63  }
0x48: {  	_ =	swait.ge [sflag:s30], $0x2000  }
0x49: {  	[sflag:s30] =	ssyncset.done $0x0  }
0x4a: {  	[sflag:s30] =	ssyncadd.s32 $0xFFFFE000  }
0x4b: {  	[spmem:s29] =	stream.linear.scatter [tilespmem:s1], [sflag:$0x7], $0x2000, $0x38;
	[tilespmem:$0x1F000] =	vst v63  }
0x4c: {  	_ =	swait.ge [sflag:s30], $0x2000  }
0x4d: {  	[sflag:s30] =	ssyncset.done $0x0  }
0x4e: {  	[sflag:s30] =	ssyncadd.s32 $0xFFFFE000  }
0x4f: {  	[bflag:$0x0] =	sbarrier.arrive $0xFFFF  }
0x50: {  	[tilespmem:s1], [sflag:$0x1] =	stream.indirect.gather [hbm4b:s2+s0], $0x80, s4, s0, $0xb8;
	[tilespmem:$0x1F000] =	vst v63  }
0x51: {  	s23 =	simm.s32 $0x80  }
0x52: {  	[tilespmem:s5], [sflag:$0x2] =	stream.indirect.gather [hbm4b:s2+s0], $0x80, s23, s0, $0xb8;
	[tilespmem:$0x1F000] =	vst v63  }
0x53: {  	_ =	swait.ge [sflag:s6], $0x2000  }
0x54: {  	[sflag:s6] =	ssyncset.done $0x0  }
0x55: {  	[sflag:s6] =	ssyncadd.s32 $0xFFFFE000  }
0x56: {  	[spmem:s3] =	stream.indirect.scatter.add.f32 [tilespmem:s1], [sflag:$0x4], $0x80, s31, s0, $0xb8;
	[tilespmem:$0x1F000] =	vst v63  }
0x57: {  	s22 =	simm.s32 $0x100  }
0x58: {  	[tilespmem:s8], [sflag:$0x3] =	stream.indirect.gather [hbm4b:s2+s0], $0x80, s22, s0, $0xb8;
	[tilespmem:$0x1F000] =	vst v63  }
0x59: {  	_ =	swait.ge [sflag:s15], $0x2000  }
0x5a: {  	[sflag:s15] =	ssyncset.done $0x0  }
0x5b: {  	s23 =	simm.s32 $0x2880;
	[sflag:s15] =	ssyncadd.s32 $0xFFFFE000  }
0x5c: {  	[spmem:s3] =	stream.indirect.scatter.add.f32 [tilespmem:s5], [sflag:$0x5], $0x80, s23, s0, $0xb8;
	[tilespmem:$0x1F000] =	vst v63  }
0x5d: {  	_ =	swait.ge [sflag:s16], $0x2000  }
0x5e: {  	[sflag:s16] =	ssyncset.done $0x0  }
0x5f: {  	s22 =	simm.s32 $0x180;
	[sflag:s16] =	ssyncadd.s32 $0xFFFFE000  }
0x60: {  	[tilespmem:s1], [sflag:$0x1] =	stream.indirect.gather [hbm4b:s2+s0], $0x80, s22, s0, $0xb8;
	[tilespmem:$0x1F000] =	vst v63  }
0x61: {  	_ =	swait.ge [sflag:s17], $0x2000  }
0x62: {  	[sflag:s17] =	ssyncset.done $0x0  }
0x63: {  	s23 =	simm.s32 $0x2900;
	[sflag:s17] =	ssyncadd.s32 $0xFFFFE000  }
0x64: {  	[spmem:s3] =	stream.indirect.scatter.add.f32 [tilespmem:s8], [sflag:$0x6], $0x80, s23, s0, $0xb8;
	[tilespmem:$0x1F000] =	vst v63  }
0x65: {  	_ =	swait.ge [sflag:s18], $0x2000  }
0x66: {  	[sflag:s18] =	ssyncset.done $0x0  }
0x67: {  	s22 =	simm.s32 $0x200;
	[sflag:s18] =	ssyncadd.s32 $0xFFFFE000  }
0x68: {  	[tilespmem:s5], [sflag:$0x2] =	stream.indirect.gather [hbm4b:s2+s0], $0x80, s22, s0, $0xb8;
	[tilespmem:$0x1F000] =	vst v63  }
0x69: {  	_ =	swait.ge [sflag:s6], $0x2000  }
0x6a: {  	[sflag:s6] =	ssyncset.done $0x0  }
0x6b: {  	s23 =	simm.s32 $0x2980;
	[sflag:s6] =	ssyncadd.s32 $0xFFFFE000  }
0x6c: {  	[spmem:s3] =	stream.indirect.scatter.add.f32 [tilespmem:s1], [sflag:$0x4], $0x80, s23, s0, $0xb8;
	[tilespmem:$0x1F000] =	vst v63  }
0x6d: {  	_ =	swait.ge [sflag:s19], $0x2000  }
0x6e: {  	[sflag:s19] =	ssyncset.done $0x0  }
0x6f: {  	s22 =	simm.s32 $0x280;
	[sflag:s19] =	ssyncadd.s32 $0xFFFFE000  }
0x70: {  	[tilespmem:s8], [sflag:$0x3] =	stream.indirect.gather [hbm4b:s2+s0], $0x80, s22, s0, $0xb8;
	[tilespmem:$0x1F000] =	vst v63  }
0x71: {  	_ =	swait.ge [sflag:s15], $0x2000  }
0x72: {  	[sflag:s15] =	ssyncset.done $0x0  }
0x73: {  	s23 =	simm.s32 $0x2A00;
	[sflag:s15] =	ssyncadd.s32 $0xFFFFE000  }
0x74: {  	[spmem:s3] =	stream.indirect.scatter.add.f32 [tilespmem:s5], [sflag:$0x5], $0x80, s23, s0, $0xb8;
	[tilespmem:$0x1F000] =	vst v63  }
0x75: {  	_ =	swait.ge [sflag:s16], $0x2000  }
0x76: {  	[sflag:s16] =	ssyncset.done $0x0  }
0x77: {  	s22 =	simm.s32 $0x300;
	[sflag:s16] =	ssyncadd.s32 $0xFFFFE000  }
0x78: {  	[tilespmem:s1], [sflag:$0x1] =	stream.indirect.gather [hbm4b:s2+s0], $0x80, s22, s0, $0xb8;
	[tilespmem:$0x1F000] =	vst v63  }
0x79: {  	_ =	swait.ge [sflag:s17], $0x2000  }
0x7a: {  	[sflag:s17] =	ssyncset.done $0x0  }
0x7b: {  	s23 =	simm.s32 $0x2A80;
	[sflag:s17] =	ssyncadd.s32 $0xFFFFE000  }
0x7c: {  	[spmem:s3] =	stream.indirect.scatter.add.f32 [tilespmem:s8], [sflag:$0x6], $0x80, s23, s0, $0xb8;
	[tilespmem:$0x1F000] =	vst v63  }
0x7d: {  	_ =	swait.ge [sflag:s18], $0x2000  }
0x7e: {  	[sflag:s18] =	ssyncset.done $0x0  }
0x7f: {  	s21 =	simm.s32 $0x600;
	s22 =	simm.s32 $0x380;
	[sflag:s18] =	ssyncadd.s32 $0xFFFFE000  }
.LBB2_2:
0x80: {  	[tilespmem:s5], [sflag:$0x2] =	stream.indirect.gather [hbm4b:s2+s0], $0x80, s22, s0, $0xb8;
	[tilespmem:$0x1F000] =	vst v63  }
0x81: {  	s22 =	smov.u32 s21  }
0x82: {  	p0 =	sne.s32 s21, $0x9000;
	s21 =	sadd.s32 $0x600, s21;
	_ =	swait.ge [sflag:s6], $0x2000  }
0x83: {  	s22 =	sshra.s32 s22, $0x2;
	[sflag:s6] =	ssyncset.done $0x0  }
0x84: {  	s23 =	sadd.s32 $0x2980, s22;
	[sflag:s6] =	ssyncadd.s32 $0xFFFFE000  }
0x85: {  	[spmem:s3] =	stream.indirect.scatter.add.f32 [tilespmem:s1], [sflag:$0x4], $0x80, s23, s0, $0xb8;
	[tilespmem:$0x1F000] =	vst v63  }
0x86: {  	_ =	swait.ge [sflag:s19], $0x2000  }
0x87: {  	[sflag:s19] =	ssyncset.done $0x0  }
0x88: {  	s23 =	sadd.s32 $0x280, s22;
	[sflag:s19] =	ssyncadd.s32 $0xFFFFE000  }
0x89: {  	[tilespmem:s8], [sflag:$0x3] =	stream.indirect.gather [hbm4b:s2+s0], $0x80, s23, s0, $0xb8;
	[tilespmem:$0x1F000] =	vst v63  }
0x8a: {  	_ =	swait.ge [sflag:s15], $0x2000  }
0x8b: {  	[sflag:s15] =	ssyncset.done $0x0  }
0x8c: {  	s23 =	sadd.s32 $0x2A00, s22;
	[sflag:s15] =	ssyncadd.s32 $0xFFFFE000  }
0x8d: {  	[spmem:s3] =	stream.indirect.scatter.add.f32 [tilespmem:s5], [sflag:$0x5], $0x80, s23, s0, $0xb8;
	[tilespmem:$0x1F000] =	vst v63  }
0x8e: {  	_ =	swait.ge [sflag:s16], $0x2000  }
0x8f: {  	[sflag:s16] =	ssyncset.done $0x0  }
0x90: {  	s23 =	sadd.s32 $0x300, s22;
	[sflag:s16] =	ssyncadd.s32 $0xFFFFE000  }
0x91: {  	[tilespmem:s1], [sflag:$0x1] =	stream.indirect.gather [hbm4b:s2+s0], $0x80, s23, s0, $0xb8;
	[tilespmem:$0x1F000] =	vst v63  }
0x92: {  	_ =	swait.ge [sflag:s17], $0x2000  }
0x93: {  	[sflag:s17] =	ssyncset.done $0x0  }
.Ltmp0:
0x94: {  	s23 =	sadd.s32 $0x2A80, s22;
	[sflag:s17] =	ssyncadd.s32 $0xFFFFE000;
	(pc) =	sbr.rel @p0 .LBB2_2-.Ltmp0, $4  }
0x95: {  	[spmem:s3] =	stream.indirect.scatter.add.f32 [tilespmem:s8], [sflag:$0x6], $0x80, s23, s0, $0xb8;
	[tilespmem:$0x1F000] =	vst v63  }
0x96: {  	_ =	swait.ge [sflag:s18], $0x2000  }
0x97: {  	[sflag:s18] =	ssyncset.done $0x0  }
0x98: {  	s22 =	sadd.s32 $0x380, s22;
	[sflag:s18] =	ssyncadd.s32 $0xFFFFE000  }
0x99: {  	[tilespmem:s5], [sflag:$0x2] =	stream.indirect.gather [hbm4b:s2+s0], $0x80, s22, s0, $0xb8;
	[tilespmem:$0x1F000] =	vst v63  }
0x9a: {  	_ =	swait.ge [sflag:s6], $0x2000  }
0x9b: {  	[sflag:s6] =	ssyncset.done $0x0  }
0x9c: {  	s21 =	simm.s32 $0x4F00;
	[sflag:s6] =	ssyncadd.s32 $0xFFFFE000  }
0x9d: {  	[spmem:s3] =	stream.indirect.scatter.add.f32 [tilespmem:s1], [sflag:$0x4], $0x80, s21, s0, $0xb8;
	[tilespmem:$0x1F000] =	vst v63  }
0x9e: {  	_ =	swait.ge [sflag:s15], $0x2000  }
0x9f: {  	[sflag:s15] =	ssyncset.done $0x0  }
0xa0: {  	s22 =	simm.s32 $0x4F80;
	[sflag:s15] =	ssyncadd.s32 $0xFFFFE000  }
0xa1: {  	[spmem:s3] =	stream.indirect.scatter.add.f32 [tilespmem:s5], [sflag:$0x5], $0x80, s22, s0, $0xb8;
	[tilespmem:$0x1F000] =	vst v63  }
0xa2: {  	_ =	swait.ge [sflag:s16], $0x2000  }
0xa3: {  	[sflag:s16] =	ssyncset.done $0x0  }
0xa4: {  	[sflag:s16] =	ssyncadd.s32 $0xFFFFE000  }
0xa5: {  	_ =	swait.ge [sflag:s18], $0x2000  }
0xa6: {  	[sflag:s18] =	ssyncset.done $0x0  }
0xa7: {  	[sflag:s18] =	ssyncadd.s32 $0xFFFFE000  }
0xa8: {  	_ =	swait.ge [sflag:s19], $0x2000  }
0xa9: {  	[sflag:s19] =	ssyncset.done $0x0  }
0xaa: {  	[sflag:s19] =	ssyncadd.s32 $0xFFFFE000  }
0xab: {  	[bflag:$0x0] =	sbarrier.arrive $0xFFFF  }
0xac: {  	[tilespmem:s1], [sflag:$0x7] =	stream.linear.gather [spmem:s7], $0x2000, $0x38;
	[tilespmem:$0x1F000] =	vst v63  }
0xad: {  	_ =	swait.ge [sflag:s30], $0x2000  }
0xae: {  	[sflag:s30] =	ssyncset.done $0x0  }
0xaf: {  	s23 =	rddreg [dreg:$0x7];
	[sflag:s30] =	ssyncadd.s32 $0xFFFFE000  }
0xb0: {  	[hbm4b:s23+s4] =	stream.linear.scatter [tilespmem:s1], [sflag:$0x7], $0x2000, $0x38;
	[tilespmem:$0x1F000] =	vst v63  }
0xb1: {  	_ =	swait.ge [sflag:s30], $0x2000  }
0xb2: {  	[sflag:s30] =	ssyncset.done $0x0  }
0xb3: {  	[sflag:s30] =	ssyncadd.s32 $0xFFFFE000  }
0xb4: {  	[tilespmem:s1], [sflag:$0x7] =	stream.linear.gather [spmem:s9], $0x2000, $0x38;
	[tilespmem:$0x1F000] =	vst v63  }
0xb5: {  	_ =	swait.ge [sflag:s30], $0x2000  }
0xb6: {  	[sflag:s30] =	ssyncset.done $0x0  }
0xb7: {  	s22 =	rddreg [dreg:$0x8];
	[sflag:s30] =	ssyncadd.s32 $0xFFFFE000  }
0xb8: {  	[hbm4b:s22+s4] =	stream.linear.scatter [tilespmem:s1], [sflag:$0x7], $0x2000, $0x38;
	[tilespmem:$0x1F000] =	vst v63  }
0xb9: {  	_ =	swait.ge [sflag:s30], $0x2000  }
0xba: {  	[sflag:s30] =	ssyncset.done $0x0  }
0xbb: {  	[sflag:s30] =	ssyncadd.s32 $0xFFFFE000  }
0xbc: {  	[tilespmem:s1], [sflag:$0x7] =	stream.linear.gather [spmem:s10], $0x2000, $0x38;
	[tilespmem:$0x1F000] =	vst v63  }
0xbd: {  	_ =	swait.ge [sflag:s30], $0x2000  }
0xbe: {  	[sflag:s30] =	ssyncset.done $0x0  }
0xbf: {  	s23 =	rddreg [dreg:$0x9];
	[sflag:s30] =	ssyncadd.s32 $0xFFFFE000  }
0xc0: {  	[hbm4b:s23+s4] =	stream.linear.scatter [tilespmem:s1], [sflag:$0x7], $0x2000, $0x38;
	[tilespmem:$0x1F000] =	vst v63  }
0xc1: {  	_ =	swait.ge [sflag:s30], $0x2000  }
0xc2: {  	[sflag:s30] =	ssyncset.done $0x0  }
0xc3: {  	[sflag:s30] =	ssyncadd.s32 $0xFFFFE000  }
0xc4: {  	[tilespmem:s1], [sflag:$0x7] =	stream.linear.gather [spmem:s11], $0x2000, $0x38;
	[tilespmem:$0x1F000] =	vst v63  }
0xc5: {  	_ =	swait.ge [sflag:s30], $0x2000  }
0xc6: {  	[sflag:s30] =	ssyncset.done $0x0  }
0xc7: {  	s22 =	rddreg [dreg:$0xa];
	[sflag:s30] =	ssyncadd.s32 $0xFFFFE000  }
0xc8: {  	[hbm4b:s22+s4] =	stream.linear.scatter [tilespmem:s1], [sflag:$0x7], $0x2000, $0x38;
	[tilespmem:$0x1F000] =	vst v63  }
0xc9: {  	_ =	swait.ge [sflag:s30], $0x2000  }
0xca: {  	[sflag:s30] =	ssyncset.done $0x0  }
0xcb: {  	[sflag:s30] =	ssyncadd.s32 $0xFFFFE000  }
0xcc: {  	[tilespmem:s1], [sflag:$0x7] =	stream.linear.gather [spmem:s12], $0x2000, $0x38;
	[tilespmem:$0x1F000] =	vst v63  }
0xcd: {  	_ =	swait.ge [sflag:s30], $0x2000  }
0xce: {  	[sflag:s30] =	ssyncset.done $0x0  }
0xcf: {  	s23 =	rddreg [dreg:$0xb];
	[sflag:s30] =	ssyncadd.s32 $0xFFFFE000  }
0xd0: {  	[hbm4b:s23+s4] =	stream.linear.scatter [tilespmem:s1], [sflag:$0x7], $0x2000, $0x38;
	[tilespmem:$0x1F000] =	vst v63  }
0xd1: {  	_ =	swait.ge [sflag:s30], $0x2000  }
0xd2: {  	[sflag:s30] =	ssyncset.done $0x0  }
0xd3: {  	[sflag:s30] =	ssyncadd.s32 $0xFFFFE000  }
0xd4: {  	[tilespmem:s1], [sflag:$0x7] =	stream.linear.gather [spmem:s13], $0x2000, $0x38;
	[tilespmem:$0x1F000] =	vst v63  }
0xd5: {  	_ =	swait.ge [sflag:s30], $0x2000  }
0xd6: {  	[sflag:s30] =	ssyncset.done $0x0  }
0xd7: {  	s22 =	rddreg [dreg:$0xc];
	[sflag:s30] =	ssyncadd.s32 $0xFFFFE000  }
0xd8: {  	[hbm4b:s22+s4] =	stream.linear.scatter [tilespmem:s1], [sflag:$0x7], $0x2000, $0x38;
	[tilespmem:$0x1F000] =	vst v63  }
0xd9: {  	_ =	swait.ge [sflag:s30], $0x2000  }
0xda: {  	[sflag:s30] =	ssyncset.done $0x0  }
0xdb: {  	[sflag:s30] =	ssyncadd.s32 $0xFFFFE000  }
0xdc: {  	[tilespmem:s1], [sflag:$0x7] =	stream.linear.gather [spmem:s14], $0x2000, $0x38;
	[tilespmem:$0x1F000] =	vst v63  }
0xdd: {  	_ =	swait.ge [sflag:s30], $0x2000  }
0xde: {  	[sflag:s30] =	ssyncset.done $0x0  }
0xdf: {  	s23 =	rddreg [dreg:$0xd];
	[sflag:s30] =	ssyncadd.s32 $0xFFFFE000  }
0xe0: {  	[hbm4b:s23+s4] =	stream.linear.scatter [tilespmem:s1], [sflag:$0x7], $0x2000, $0x38;
	[tilespmem:$0x1F000] =	vst v63  }
0xe1: {  	_ =	swait.ge [sflag:s30], $0x2000  }
0xe2: {  	[sflag:s30] =	ssyncset.done $0x0  }
0xe3: {  	[sflag:s30] =	ssyncadd.s32 $0xFFFFE000  }
0xe4: {  	[tilespmem:s1], [sflag:$0x7] =	stream.linear.gather [spmem:s26], $0x2000, $0x38;
	[tilespmem:$0x1F000] =	vst v63  }
0xe5: {  	_ =	swait.ge [sflag:s30], $0x2000  }
0xe6: {  	[sflag:s30] =	ssyncset.done $0x0  }
0xe7: {  	s22 =	rddreg [dreg:$0xe];
	[sflag:s30] =	ssyncadd.s32 $0xFFFFE000  }
0xe8: {  	[hbm4b:s22+s4] =	stream.linear.scatter [tilespmem:s1], [sflag:$0x7], $0x2000, $0x38;
	[tilespmem:$0x1F000] =	vst v63  }
0xe9: {  	_ =	swait.ge [sflag:s30], $0x2000  }
0xea: {  	[sflag:s30] =	ssyncset.done $0x0  }
0xeb: {  	[sflag:s30] =	ssyncadd.s32 $0xFFFFE000  }
0xec: {  	[tilespmem:s1], [sflag:$0x7] =	stream.linear.gather [spmem:s28], $0x2000, $0x38;
	[tilespmem:$0x1F000] =	vst v63  }
0xed: {  	_ =	swait.ge [sflag:s30], $0x2000  }
0xee: {  	[sflag:s30] =	ssyncset.done $0x0  }
0xef: {  	s23 =	rddreg [dreg:$0xf];
	[sflag:s30] =	ssyncadd.s32 $0xFFFFE000  }
0xf0: {  	[hbm4b:s23+s4] =	stream.linear.scatter [tilespmem:s1], [sflag:$0x7], $0x2000, $0x38;
	[tilespmem:$0x1F000] =	vst v63  }
0xf1: {  	_ =	swait.ge [sflag:s30], $0x2000  }
0xf2: {  	[sflag:s30] =	ssyncset.done $0x0  }
0xf3: {  	[sflag:s30] =	ssyncadd.s32 $0xFFFFE000  }
0xf4: {  	[tilespmem:s1], [sflag:$0x7] =	stream.linear.gather [spmem:s29], $0x2000, $0x38;
	[tilespmem:$0x1F000] =	vst v63  }
0xf5: {  	s20 =	sadd.s32 $0x1, s20;
	_ =	swait.ge [sflag:s30], $0x2000  }
0xf6: {  	p0 =	sne.s32 s20, s25;
	[sflag:s30] =	ssyncset.done $0x0  }
.Ltmp1:
0xf7: {  	[sflag:s30] =	ssyncadd.s32 $0xFFFFE000;
	(pc) =	sbr.rel @p0 .LBB2_1-.Ltmp1, $4  }
0xf8: {  	[hbm4b:s24+s4] =	stream.linear.scatter [tilespmem:s1], [sflag:$0x7], $0x2000, $0x38;
	[tilespmem:$0x1F000] =	vst v63  }
0xf9: {  	_ =	swait.ge [sflag:s30], $0x2000  }
0xfa: {  	[sflag:s30] =	ssyncset.done $0x0  }
0xfb: {  	[sflag:s30] =	ssyncadd.s32 $0xFFFFE000  }
0xfc: {  	_ =	sfence.sel $0x180000  }
0xfd: {  	[bflag:$0x0] =	sbarrier.arrive $0xFFFF  }
0xfe: {  	_ =	strace $0x90000047  }
0xff: {  	s0 =	stileid.u32;
	[bflag:$0x2] =	sbarrier.arrive $0xFFFF  }
0x100: {  	p0 =	sne.s32 s0, $0x0;
	s0 =	rddreg [dreg:$0x3]  }
0x101: {  	s0 =	sadd.s32 @!p0 $0x100000, s0  }
0x102: {  	[sflag:s0] =	ssyncadd.tile.s32 @!p0 $0x1;
	_ =	shalt  }
.Lfunc_end2:
_tile_overlayer_lowered:
.L_overlay_start_2:
0x103: {  	(tag) =	ssettag $0x2  }
0x104: {  	s0 =	rddreg [dreg:$0x0];
	s2 =	stileid.u32  }
0x105: {  	s1 =	rddreg [dreg:$0x1];
	p0 =	sne.s32 s2, $0x0  }
0x106: {  	s3 =	rddreg [dreg:$0x2];
	[bflag:$0x3] =	sbarrier.arrive $0xFFFF;
	s2 =	simm.s32 @!p0 $0x1C07  }
0x107: {  	[timem:s3], [sflag:s2] =	dma.local @!p0 [hbm:s0], s1  }
0x108: {  	s0 =	simm.s32 @!p0 $0x7  }
0x109: {  	_ =	swait.ge @!p0 [sflag:s0], s1  }
0x10a: {  	s1 =	ssub.s32 @!p0 $0x0, s1;
	[sflag:s0] =	ssyncset.done @!p0 $0x0  }
0x10b: {  	[sflag:s0] =	ssyncadd.s32 @!p0 s1  }
0x10c: {  	[bflag:$0x3] =	sbarrier.arrive $0xFFFF  }
0x10d: {  	_ =	shalt  }

</sc_bundles>
